<compile_context>
chip_gen: v7x
topology: tpu7x:2x2x1
jax: 0.10.2.dev20260603
libtpu: 0.0.44.dev20260713+nightly
codegen_flags: <defaults>
</compile_context>

<pallas_src>
import dataclasses
import functools

import jax
import jax.numpy as jnp
from jax import lax
from jax.experimental import pallas as pl
from jax.experimental.pallas import tpu as pltpu
from jax.experimental.pallas import tpu_sc as plsc

_N, _E, _D = 10000, 320000, 128
_BLK = 1000

_NC, _NS = 2, 16
_NW = _NC * _NS
_EW = _E // _NW
_SUB = 125
_JN = 16
_K = _JN * _SUB
_NCH = _EW // _K
_IRW = _EW // _SUB
_RPS = 624
_RPS_LAST = _N - (_NS - 1) * _RPS


def _acc_slice(s):
    return s * _RPS


def _copy_out(src_sp, dst_hbm, c, s):
    out_off = c * _N + s * _RPS

    @pl.when(s < _NS - 1)
    def _():
        pltpu.sync_copy(src_sp.at[pl.ds(s * _RPS, _RPS)],
                        dst_hbm.at[pl.ds(out_off, _RPS)])

    @pl.when(s == _NS - 1)
    def _():
        pltpu.sync_copy(src_sp.at[pl.ds(s * _RPS, _RPS_LAST)],
                        dst_hbm.at[pl.ds(out_off, _RPS_LAST)])


_DJN = 8
_DROWS = _E // _D
_DCHUNKS = _DROWS // _DJN
_DTAIL = _DROWS - _DCHUNKS * _DJN


def _hist_rows(didx128_v, hist_v, nrows):
    ones16 = jnp.ones((16,), jnp.float32)
    for r in range(nrows):
        for q in range(_D // 16):
            idx16 = didx128_v[r, pl.ds(q * 16, 16)]
            plsc.addupdate_scatter(hist_v, [idx16], ones16)


def _sc_agg_body(with_deg, *refs):
    if with_deg:
        (x_hbm, src_hbm, dst_hbm, dst128_hbm, z_hbm, agg_out, deg_out,
         sidx_v, didx_v, rows_v, didx128_v, hist_v, acc_sp,
         gs0, gs1, ss0, ss1) = refs
    else:
        (x_hbm, src_hbm, dst_hbm, z_hbm, agg_out,
         sidx_v, didx_v, rows_v, acc_sp, gs0, gs1, ss0, ss1) = refs
    gs = (gs0, gs1)
    ss = (ss0, ss1)
    c = lax.axis_index("c")
    s = lax.axis_index("s")
    wid = c * _NS + s

    @pl.when(s < _NS - 1)
    def _():
        pltpu.sync_copy(z_hbm.at[pl.ds(0, _RPS)],
                        acc_sp.at[pl.ds(s * _RPS, _RPS)])

    @pl.when(s == _NS - 1)
    def _():
        pltpu.sync_copy(z_hbm, acc_sp.at[pl.ds(s * _RPS, _RPS_LAST)])

    if with_deg:
        @pl.loop(0, _N // 16)
        def _(i):
            hist_v[pl.ds(i * 16, 16)] = jnp.zeros((16,), jnp.float32)
    plsc.subcore_barrier()

    row_base = wid * _IRW

    def _scatter_drain(b, j):
        pltpu.make_async_copy(
            rows_v.at[b], acc_sp.at[didx_v.at[j]], ss[b]).wait()

    @pl.loop(0, _NCH)
    def _(t):
        @pl.when(t > 0)
        def _():
            _scatter_drain(0, _JN - 2)
            _scatter_drain(1, _JN - 1)

        r0 = row_base + t * _JN
        pltpu.sync_copy(src_hbm.at[pl.ds(r0, _JN)], sidx_v)
        pltpu.sync_copy(dst_hbm.at[pl.ds(r0, _JN)], didx_v)
        cps = [None] * _JN
        for j in range(_JN):
            b = j % 2
            if j >= 2:
                _scatter_drain(b, j - 2)
            cps[j] = pltpu.async_copy(x_hbm.at[sidx_v.at[j]], rows_v.at[b],
                                      gs[b])
            if with_deg and j in (1, 8):
                chunk = wid + (2 * t + (j == 8)) * _NW

                @pl.when(chunk < _DCHUNKS)
                def _():
                    pltpu.sync_copy(
                        dst128_hbm.at[pl.ds(chunk * _DJN, _DJN)], didx128_v)
                    _hist_rows(didx128_v, hist_v, _DJN)
            if j >= 1:
                cps[j - 1].wait()
                pltpu.async_copy(rows_v.at[(j - 1) % 2],
                                 acc_sp.at[didx_v.at[j - 1]], ss[(j - 1) % 2],
                                 add=True)
        cps[_JN - 1].wait()
        pltpu.async_copy(rows_v.at[(_JN - 1) % 2],
                         acc_sp.at[didx_v.at[_JN - 1]], ss[(_JN - 1) % 2],
                         add=True)

    _scatter_drain(0, _JN - 2)
    _scatter_drain(1, _JN - 1)
    if with_deg:
        @pl.when(wid == _NW - 1)
        def _():
            pltpu.sync_copy(dst128_hbm.at[pl.ds(_DCHUNKS * _DJN, _DTAIL)],
                            didx128_v.at[pl.ds(0, _DTAIL)])
            _hist_rows(didx128_v, hist_v, _DTAIL)
        for b in range(_N // _BLK):
            pltpu.sync_copy(hist_v.at[pl.ds(b * _BLK, _BLK)],
                            deg_out.at[pl.ds((b * _NW + wid) * _BLK, _BLK)])
    plsc.subcore_barrier()
    _copy_out(acc_sp, agg_out, c, s)


_sc_mesh = plsc.VectorSubcoreMesh(core_axis_name="c", subcore_axis_name="s")


def _make_sc_agg(with_deg):
    out_type = [jax.ShapeDtypeStruct((2 * _N, _D), jnp.float32)]
    scratch = [
        pltpu.VMEM((_JN, _SUB), jnp.int32),
        pltpu.VMEM((_JN, _SUB), jnp.int32),
        pltpu.VMEM((2, _SUB, _D), jnp.float32),
    ]
    if with_deg:
        out_type.append(jax.ShapeDtypeStruct((_NW * _N,), jnp.float32))
        scratch.append(pltpu.VMEM((_DJN, _D), jnp.int32))
        scratch.append(pltpu.VMEM((_N,), jnp.float32))
    scratch.append(pltpu.VMEM_SHARED((_N, _D), jnp.float32))
    scratch.extend([pltpu.SemaphoreType.DMA] * 4)
    cp = pltpu.CompilerParams()
    if with_deg:
        cp = dataclasses.replace(cp, needs_layout_passes=False)
    return pl.kernel(
        functools.partial(_sc_agg_body, with_deg),
        out_type=out_type,
        mesh=_sc_mesh,
        scratch_types=scratch,
        compiler_params=cp,
    )


_sc_agg_deg = _make_sc_agg(True)
_sc_agg = _make_sc_agg(False)


def _dense_body(relu, aggp_ref, degp_ref, x_ref, Wl_ref, b_ref, Wr_ref, out_ref):
    agg = aggp_ref[0] + aggp_ref[1]
    deg = jnp.sum(degp_ref[0], axis=0)[:, None]
    recip = 1.0 / jnp.maximum(deg, 1.0)
    mean = agg * recip
    y = (jnp.dot(mean, Wl_ref[...], preferred_element_type=jnp.float32)
         + b_ref[...]
         + jnp.dot(x_ref[...], Wr_ref[...], preferred_element_type=jnp.float32))
    out_ref[...] = jnp.maximum(y, 0.0) if relu else y


def _dense_layer(aggp, degp, x, Wl, b, Wr, relu):
    grid = (_N // _BLK,)
    return pl.pallas_call(
        functools.partial(_dense_body, relu),
        grid=grid,
        in_specs=[
            pl.BlockSpec((2, _BLK, _D), lambda i: (0, i, 0)),
            pl.BlockSpec((1, _NW, _BLK), lambda i: (i, 0, 0)),
            pl.BlockSpec((_BLK, _D), lambda i: (i, 0)),
            pl.BlockSpec((_D, _D), lambda i: (0, 0)),
            pl.BlockSpec((1, _D), lambda i: (0, 0)),
            pl.BlockSpec((_D, _D), lambda i: (0, 0)),
        ],
        out_specs=pl.BlockSpec((_BLK, _D), lambda i: (i, 0)),
        out_shape=jax.ShapeDtypeStruct((_N, _D), jnp.float32),
    )(aggp, degp, x, Wl, b.reshape(1, _D), Wr)


def kernel(x, edge_index, W1l, b1, W1r, W2l, b2, W2r):
    src2d = edge_index[0].reshape(_E // _SUB, _SUB)
    dst2d = edge_index[1].reshape(_E // _SUB, _SUB)
    dst128 = edge_index[1].reshape(_DROWS, _D)
    zrows = jnp.zeros((_RPS_LAST, _D), jnp.float32)

    agg1, degp = _sc_agg_deg(x, src2d, dst2d, dst128, zrows)
    agg1 = agg1.reshape(2, _N, _D)
    degp = degp.reshape(_N // _BLK, _NW, _BLK)
    h = _dense_layer(agg1, degp, x, W1l, b1, W1r, relu=True)
    agg2 = _sc_agg(h, src2d, dst2d, zrows)[0].reshape(2, _N, _D)
    out = _dense_layer(agg2, degp, h, W2l, b2, W2r, relu=False)
    return out

# --- scband reference (transcript-rebuilt; emitter-appended) ---
"""Pipeline reference for scband-gnn-45105746543056 (READ-ONLY COPY).

The authoritative reference and input builder live on the scoring server;
editing this copy changes nothing except your own understanding.
"""

import jax, jax.numpy as jnp
import numpy as np

N = 10000
E = 320000
D = 128


def setup_inputs(seed: int = 0) -> dict:
    key = jax.random.key(seed)
    ks = jax.random.split(key, 8)
    x = jax.random.normal(ks[0], (N, D), dtype=jnp.float32)
    edge_index = jax.random.randint(ks[1], (2, E), 0, N, dtype=jnp.int32)
    s = 1.0 / np.sqrt(D)
    W1l = jax.random.normal(ks[2], (D, D), dtype=jnp.float32) * s
    b1 = jnp.zeros((D,), dtype=jnp.float32)
    W1r = jax.random.normal(ks[3], (D, D), dtype=jnp.float32) * s
    W2l = jax.random.normal(ks[4], (D, D), dtype=jnp.float32) * s
    b2 = jnp.zeros((D,), dtype=jnp.float32)
    W2r = jax.random.normal(ks[5], (D, D), dtype=jnp.float32) * s
    return {"x": x, "edge_index": edge_index, "W1l": W1l, "b1": b1, "W1r": W1r, "W2l": W2l, "b2": b2, "W2r": W2r}


def _sage_conv(x, edge_index, Wl, bl, Wr):
    # PyG SAGEConv with mean aggregation:
    # out = lin_l(mean_{j in N(i)} x_j) + lin_r(x_i)
    src = edge_index[0]
    dst = edge_index[1]
    msg = jnp.take(x, src, axis=0)                      # gather
    agg = jax.ops.segment_sum(msg, dst, num_segments=N)  # scatter-add
    deg = jax.ops.segment_sum(jnp.ones((msg.shape[0],), x.dtype), dst, num_segments=N)
    mean = agg / jnp.clip(deg, 1.0)[:, None]
    return mean @ Wl + bl + x @ Wr


def reference(x, edge_index, W1l, b1, W1r, W2l, b2, W2r):
    # forward of GNN(hidden_channels=128, GNN_model='GraphSAGE') in eval mode
    h = jax.nn.relu(_sage_conv(x, edge_index, W1l, b1, W1r))
    # F.dropout(training=False) is identity in eval mode
    out = _sage_conv(h, edge_index, W2l, b2, W2r)
    return out

if __name__ == "__main__":
    import jax
    _d = setup_inputs()
    print(jax.jit(kernel)(*tuple(_d.values())))

</pallas_src>

<mosaic_0001>
#map = affine_map<(d0, d1) -> (0, 0)>
#map1 = affine_map<(d0, d1) -> (0)>
module attributes {stable_mosaic.version = 14 : i64} {
  func.func @_sc_agg_body(%arg0: i32, %arg1: i32, %arg2: memref<10000x128xf32, #tpu.memory_space<hbm>>, %arg3: memref<2560x125xi32, #tpu.memory_space<hbm>>, %arg4: memref<2560x125xi32, #tpu.memory_space<hbm>>, %arg5: memref<2500x128xi32, #tpu.memory_space<hbm>>, %arg6: memref<640x128xf32, #tpu.memory_space<hbm>>, %arg7: memref<20000x128xf32, #tpu.memory_space<hbm>>, %arg8: memref<320000xf32, #tpu.memory_space<hbm>>, %arg9: memref<16x125xi32, #tpu.memory_space<vmem>>, %arg10: memref<16x125xi32, #tpu.memory_space<vmem>>, %arg11: memref<2x125x128xf32, #tpu.memory_space<vmem>>, %arg12: memref<8x128xi32, #tpu.memory_space<vmem>>, %arg13: memref<10000xf32, #tpu.memory_space<vmem>>, %arg14: memref<10000x128xf32, #tpu.memory_space<vmem_shared>>, %arg15: memref<!tpu.dma_semaphore, #tpu.memory_space<semaphore_mem>>, %arg16: memref<!tpu.dma_semaphore, #tpu.memory_space<semaphore_mem>>, %arg17: memref<!tpu.dma_semaphore, #tpu.memory_space<semaphore_mem>>, %arg18: memref<!tpu.dma_semaphore, #tpu.memory_space<semaphore_mem>>) attributes {dimension_semantics = [#tpu.dimension_semantics<core_parallel>, #tpu.dimension_semantics<subcore_parallel>], iteration_bounds = array<i64: 2, 16>, scalar_prefetch = 0 : i64, scratch_operands = 10 : i64, tpu.core_type = #tpu.core_type<sc_vector_subcore>, window_params = [{transform_indices = #map}, {transform_indices = #map}, {transform_indices = #map}, {transform_indices = #map}, {transform_indices = #map}, {transform_indices = #map}, {transform_indices = #map1}]} {
    %mul3A = arith.constant 16 : i32
    %mul3A_0 = arith.muli %arg0, %mul3A : i32
    %add3A = arith.addi %mul3A_0, %arg1 : i32
    %lt3A = arith.constant 15 : i32
    %lt3A_1 = arith.cmpi slt, %arg1, %lt3A : i32
    %convert_element_type3A = arith.extui %lt3A_1 : i1 to i32
    %cond3A = arith.constant 0 : i32
    %cond3A_2 = arith.cmpi ne, %convert_element_type3A, %cond3A : i32
    scf.if %cond3A_2 {
      %mul3A_102 = arith.constant 624 : i32
      %mul3A_103 = arith.muli %arg1, %mul3A_102 : i32
      "tpu.region"() ({
        %run_scoped3A = tpu.sem_alloc : memref<!tpu.dma_semaphore, #tpu.memory_space<semaphore_mem>>
        %dma_start3A = arith.constant 0 : i32
        %dma_start3A_104 = tpu.memref_slice %arg14[%mul3A_103, %dma_start3A] : memref<10000x128xf32, #tpu.memory_space<vmem_shared>> -> memref<624x128xf32, #tpu.memory_space<vmem_shared>>
        %dma_start3A_105 = arith.constant 0 : i32
        %dma_start3A_106 = arith.constant 0 : i32
        %dma_start3A_107 = tpu.memref_slice %arg6[%dma_start3A_105, %dma_start3A_106] : memref<640x128xf32, #tpu.memory_space<hbm>> -> memref<624x128xf32, #tpu.memory_space<hbm>>
        tpu.enqueue_dma source(%dma_start3A_107 : memref<624x128xf32, #tpu.memory_space<hbm>>) target(%dma_start3A_104 : memref<624x128xf32, #tpu.memory_space<vmem_shared>>) target_semaphore(%run_scoped3A : memref<!tpu.dma_semaphore, #tpu.memory_space<semaphore_mem>>)
        %dma_wait3A_108 = arith.constant 0 : i32
        %dma_wait3A_109 = tpu.memref_slice %arg14[%mul3A_103, %dma_wait3A_108] : memref<10000x128xf32, #tpu.memory_space<vmem_shared>> -> memref<624x128xf32, #tpu.memory_space<vmem_shared>>
        %dma_wait3A_110 = arith.constant 0 : i32
        %dma_wait3A_111 = arith.constant 0 : i32
        %dma_wait3A_112 = tpu.memref_slice %arg6[%dma_wait3A_110, %dma_wait3A_111] : memref<640x128xf32, #tpu.memory_space<hbm>> -> memref<624x128xf32, #tpu.memory_space<hbm>>
        tpu.wait_dma2 semaphore(%run_scoped3A : memref<!tpu.dma_semaphore, #tpu.memory_space<semaphore_mem>>) src(%dma_wait3A_112 : memref<624x128xf32, #tpu.memory_space<hbm>>) dst(%dma_wait3A_109 : memref<624x128xf32, #tpu.memory_space<vmem_shared>>)
        tpu.yield
      }) : () -> ()
    } else {
    }
    %eq3A = arith.constant 15 : i32
    %eq3A_3 = arith.cmpi eq, %arg1, %eq3A : i32
    %convert_element_type3A_4 = arith.extui %eq3A_3 : i1 to i32
    %cond3A_5 = arith.constant 0 : i32
    %cond3A_6 = arith.cmpi ne, %convert_element_type3A_4, %cond3A_5 : i32
    scf.if %cond3A_6 {
      %mul3A_102 = arith.constant 624 : i32
      %mul3A_103 = arith.muli %arg1, %mul3A_102 : i32
      "tpu.region"() ({
        %run_scoped3A = tpu.sem_alloc : memref<!tpu.dma_semaphore, #tpu.memory_space<semaphore_mem>>
        %dma_start3A = arith.constant 0 : i32
        %dma_start3A_104 = tpu.memref_slice %arg14[%mul3A_103, %dma_start3A] : memref<10000x128xf32, #tpu.memory_space<vmem_shared>> -> memref<640x128xf32, #tpu.memory_space<vmem_shared>>
        tpu.enqueue_dma source(%arg6 : memref<640x128xf32, #tpu.memory_space<hbm>>) target(%dma_start3A_104 : memref<640x128xf32, #tpu.memory_space<vmem_shared>>) target_semaphore(%run_scoped3A : memref<!tpu.dma_semaphore, #tpu.memory_space<semaphore_mem>>)
        %dma_wait3A_105 = arith.constant 0 : i32
        %dma_wait3A_106 = tpu.memref_slice %arg14[%mul3A_103, %dma_wait3A_105] : memref<10000x128xf32, #tpu.memory_space<vmem_shared>> -> memref<640x128xf32, #tpu.memory_space<vmem_shared>>
        tpu.wait_dma2 semaphore(%run_scoped3A : memref<!tpu.dma_semaphore, #tpu.memory_space<semaphore_mem>>) src(%arg6 : memref<640x128xf32, #tpu.memory_space<hbm>>) dst(%dma_wait3A_106 : memref<640x128xf32, #tpu.memory_space<vmem_shared>>)
        tpu.yield
      }) : () -> ()
    } else {
    }
    %scan3A = arith.constant 0 : i32
    %scan3A_7 = arith.constant 625 : i32
    %scan3A_8 = arith.addi %scan3A, %scan3A_7 : i32
    %scan3A_9 = arith.constant 1 : i32
    scf.for %scan3A_102 = %scan3A to %scan3A_8 step %scan3A_9  : i32 {
      %mul3A_103 = arith.constant 1 : i32
      %mul3A_104 = arith.muli %scan3A_102, %mul3A_103 : i32
      %add3A_105 = arith.constant 0 : i32
      %add3A_106 = arith.addi %add3A_105, %mul3A_104 : i32
      %broadcast_in_dim3A = arith.constant 0.000000e+00 : f32
      %broadcast_in_dim3A_107 = vector.broadcast %broadcast_in_dim3A : f32 to vector<16xf32>
      %mul3A_108 = arith.constant 16 : i32
      %mul3A_109 = arith.muli %add3A_106, %mul3A_108 : i32
      %swap3A = arith.index_cast %mul3A_109 : i32 to index
      %swap3A_110 = tpu.vector_load %arg13[%swap3A] {strides = array<i32>} : memref<10000xf32, #tpu.memory_space<vmem>>, vector<16xf32>,
      tpu.vector_store %arg13[%swap3A], %broadcast_in_dim3A_107 {strides = array<i32>} : memref<10000xf32, #tpu.memory_space<vmem>>, vector<16xf32>,
    }
    %scan3A_10 = arith.constant 625 : i32
    %barrier3A = arith.constant 0 : index
    tpu.barrier barrier_id(%barrier3A)
    %mul3A_11 = arith.constant 80 : i32
    %mul3A_12 = arith.muli %add3A, %mul3A_11 : i32
    %scan3A_13 = arith.constant 0 : i32
    %scan3A_14 = arith.constant 5 : i32
    %scan3A_15 = arith.addi %scan3A_13, %scan3A_14 : i32
    %scan3A_16 = arith.constant 1 : i32
    scf.for %scan3A_102 = %scan3A_13 to %scan3A_15 step %scan3A_16  : i32 {
      %mul3A_103 = arith.constant 1 : i32
      %mul3A_104 = arith.muli %scan3A_102, %mul3A_103 : i32
      %add3A_105 = arith.constant 0 : i32
      %add3A_106 = arith.addi %add3A_105, %mul3A_104 : i32
      %gt3A = arith.constant 0 : i32
      %gt3A_107 = arith.cmpi sgt, %add3A_106, %gt3A : i32
      %convert_element_type3A_108 = arith.extui %gt3A_107 : i1 to i32
      %cond3A_109 = arith.constant 0 : i32
      %cond3A_110 = arith.cmpi ne, %convert_element_type3A_108, %cond3A_109 : i32
      scf.if %cond3A_110 {
        %dma_wait3A_881 = arith.constant 0 : i32
        %dma_wait3A_882 = arith.constant 14 : i32
        %dma_wait3A_883 = arith.constant 0 : i32
        %dma_wait3A_884 = arith.constant 0 : i32
        %dma_wait3A_885 = tpu.memref_slice %arg11[%dma_wait3A_881, %dma_wait3A_883, %dma_wait3A_884] : memref<2x125x128xf32, #tpu.memory_space<vmem>> -> memref<1x125x128xf32, #tpu.memory_space<vmem>>
        %dma_wait3A_886 = tpu.memref_squeeze %dma_wait3A_885 : memref<1x125x128xf32, #tpu.memory_space<vmem>> -> memref<125x128xf32, #tpu.memory_space<vmem>>
        %dma_wait3A_887 = arith.constant 0 : i32
        %dma_wait3A_888 = tpu.memref_slice %arg10[%dma_wait3A_882, %dma_wait3A_887] : memref<16x125xi32, #tpu.memory_space<vmem>> -> memref<1x125xi32, #tpu.memory_space<vmem>>
        %dma_wait3A_889 = tpu.memref_squeeze %dma_wait3A_888 : memref<1x125xi32, #tpu.memory_space<vmem>> -> memref<125xi32, #tpu.memory_space<vmem>>
        %dma_wait3A_890 = arith.constant 0 : i32
        %dma_wait3A_891 = arith.constant 0 : i32
        %dma_wait3A_892 = tpu.memref_slice %arg14[%dma_wait3A_890, %dma_wait3A_891] : memref<10000x128xf32, #tpu.memory_space<vmem_shared>> -> memref<10000x128xf32, #tpu.memory_space<vmem_shared>>
        tpu.wait_indirect_dma semaphore(%arg17 : memref<!tpu.dma_semaphore, #tpu.memory_space<semaphore_mem>>) src(%dma_wait3A_886 : memref<125x128xf32, #tpu.memory_space<vmem>>) dst(%dma_wait3A_892 : memref<10000x128xf32, #tpu.memory_space<vmem_shared>>)
        %dma_wait3A_893 = arith.constant 1 : i32
        %dma_wait3A_894 = arith.constant 15 : i32
        %dma_wait3A_895 = arith.constant 0 : i32
        %dma_wait3A_896 = arith.constant 0 : i32
        %dma_wait3A_897 = tpu.memref_slice %arg11[%dma_wait3A_893, %dma_wait3A_895, %dma_wait3A_896] : memref<2x125x128xf32, #tpu.memory_space<vmem>> -> memref<1x125x128xf32, #tpu.memory_space<vmem>>
        %dma_wait3A_898 = tpu.memref_squeeze %dma_wait3A_897 : memref<1x125x128xf32, #tpu.memory_space<vmem>> -> memref<125x128xf32, #tpu.memory_space<vmem>>
        %dma_wait3A_899 = arith.constant 0 : i32
        %dma_wait3A_900 = tpu.memref_slice %arg10[%dma_wait3A_894, %dma_wait3A_899] : memref<16x125xi32, #tpu.memory_space<vmem>> -> memref<1x125xi32, #tpu.memory_space<vmem>>
        %dma_wait3A_901 = tpu.memref_squeeze %dma_wait3A_900 : memref<1x125xi32, #tpu.memory_space<vmem>> -> memref<125xi32, #tpu.memory_space<vmem>>
        %dma_wait3A_902 = arith.constant 0 : i32
        %dma_wait3A_903 = arith.constant 0 : i32
        %dma_wait3A_904 = tpu.memref_slice %arg14[%dma_wait3A_902, %dma_wait3A_903] : memref<10000x128xf32, #tpu.memory_space<vmem_shared>> -> memref<10000x128xf32, #tpu.memory_space<vmem_shared>>
        tpu.wait_indirect_dma semaphore(%arg18 : memref<!tpu.dma_semaphore, #tpu.memory_space<semaphore_mem>>) src(%dma_wait3A_898 : memref<125x128xf32, #tpu.memory_space<vmem>>) dst(%dma_wait3A_904 : memref<10000x128xf32, #tpu.memory_space<vmem_shared>>)
      } else {
      }
      %mul3A_111 = arith.constant 16 : i32
      %mul3A_112 = arith.muli %add3A_106, %mul3A_111 : i32
      %add3A_113 = arith.addi %mul3A_12, %mul3A_112 : i32
      "tpu.region"() ({
        %run_scoped3A = tpu.sem_alloc : memref<!tpu.dma_semaphore, #tpu.memory_space<semaphore_mem>>
        %dma_start3A_881 = arith.constant 0 : i32
        %dma_start3A_882 = tpu.memref_slice %arg3[%add3A_113, %dma_start3A_881] : memref<2560x125xi32, #tpu.memory_space<hbm>> -> memref<16x125xi32, #tpu.memory_space<hbm>>
        %dma_start3A_883 = arith.constant 0 : i32
        %dma_start3A_884 = tpu.memref_slice %arg3[%add3A_113, %dma_start3A_883] : memref<2560x125xi32, #tpu.memory_space<hbm>> -> memref<16x125xi32, #tpu.memory_space<hbm>>
        tpu.enqueue_dma source(%dma_start3A_884 : memref<16x125xi32, #tpu.memory_space<hbm>>) target(%arg9 : memref<16x125xi32, #tpu.memory_space<vmem>>) target_semaphore(%run_scoped3A : memref<!tpu.dma_semaphore, #tpu.memory_space<semaphore_mem>>)
        %dma_wait3A_885 = arith.constant 0 : i32
        %dma_wait3A_886 = tpu.memref_slice %arg3[%add3A_113, %dma_wait3A_885] : memref<2560x125xi32, #tpu.memory_space<hbm>> -> memref<16x125xi32, #tpu.memory_space<hbm>>
        %dma_wait3A_887 = arith.constant 0 : i32
        %dma_wait3A_888 = tpu.memref_slice %arg3[%add3A_113, %dma_wait3A_887] : memref<2560x125xi32, #tpu.memory_space<hbm>> -> memref<16x125xi32, #tpu.memory_space<hbm>>
        tpu.wait_dma2 semaphore(%run_scoped3A : memref<!tpu.dma_semaphore, #tpu.memory_space<semaphore_mem>>) src(%dma_wait3A_888 : memref<16x125xi32, #tpu.memory_space<hbm>>) dst(%arg9 : memref<16x125xi32, #tpu.memory_space<vmem>>)
        tpu.yield
      }) : () -> ()
      "tpu.region"() ({
        %run_scoped3A = tpu.sem_alloc : memref<!tpu.dma_semaphore, #tpu.memory_space<semaphore_mem>>
        %dma_start3A_881 = arith.constant 0 : i32
        %dma_start3A_882 = tpu.memref_slice %arg4[%add3A_113, %dma_start3A_881] : memref<2560x125xi32, #tpu.memory_space<hbm>> -> memref<16x125xi32, #tpu.memory_space<hbm>>
        %dma_start3A_883 = arith.constant 0 : i32
        %dma_start3A_884 = tpu.memref_slice %arg4[%add3A_113, %dma_start3A_883] : memref<2560x125xi32, #tpu.memory_space<hbm>> -> memref<16x125xi32, #tpu.memory_space<hbm>>
        tpu.enqueue_dma source(%dma_start3A_884 : memref<16x125xi32, #tpu.memory_space<hbm>>) target(%arg10 : memref<16x125xi32, #tpu.memory_space<vmem>>) target_semaphore(%run_scoped3A : memref<!tpu.dma_semaphore, #tpu.memory_space<semaphore_mem>>)
        %dma_wait3A_885 = arith.constant 0 : i32
        %dma_wait3A_886 = tpu.memref_slice %arg4[%add3A_113, %dma_wait3A_885] : memref<2560x125xi32, #tpu.memory_space<hbm>> -> memref<16x125xi32, #tpu.memory_space<hbm>>
        %dma_wait3A_887 = arith.constant 0 : i32
        %dma_wait3A_888 = tpu.memref_slice %arg4[%add3A_113, %dma_wait3A_887] : memref<2560x125xi32, #tpu.memory_space<hbm>> -> memref<16x125xi32, #tpu.memory_space<hbm>>
        tpu.wait_dma2 semaphore(%run_scoped3A : memref<!tpu.dma_semaphore, #tpu.memory_space<semaphore_mem>>) src(%dma_wait3A_888 : memref<16x125xi32, #tpu.memory_space<hbm>>) dst(%arg10 : memref<16x125xi32, #tpu.memory_space<vmem>>)
        tpu.yield
      }) : () -> ()
      %dma_start3A = arith.constant 0 : i32
      %dma_start3A_114 = arith.constant 0 : i32
      %dma_start3A_115 = arith.constant 0 : i32
      %dma_start3A_116 = arith.constant 0 : i32
      %dma_start3A_117 = tpu.memref_slice %arg11[%dma_start3A_114, %dma_start3A_115, %dma_start3A_116] : memref<2x125x128xf32, #tpu.memory_space<vmem>> -> memref<1x125x128xf32, #tpu.memory_space<vmem>>
      %dma_start3A_118 = tpu.memref_squeeze %dma_start3A_117 : memref<1x125x128xf32, #tpu.memory_space<vmem>> -> memref<125x128xf32, #tpu.memory_space<vmem>>
      %dma_start3A_119 = arith.constant 0 : i32
      %dma_start3A_120 = tpu.memref_slice %arg9[%dma_start3A, %dma_start3A_119] : memref<16x125xi32, #tpu.memory_space<vmem>> -> memref<1x125xi32, #tpu.memory_space<vmem>>
      %dma_start3A_121 = tpu.memref_squeeze %dma_start3A_120 : memref<1x125xi32, #tpu.memory_space<vmem>> -> memref<125xi32, #tpu.memory_space<vmem>>
      %dma_start3A_122 = arith.constant 0 : i32
      %dma_start3A_123 = arith.constant 0 : i32
      %dma_start3A_124 = tpu.memref_slice %arg2[%dma_start3A_122, %dma_start3A_123] : memref<10000x128xf32, #tpu.memory_space<hbm>> -> memref<10000x128xf32, #tpu.memory_space<hbm>>
      tpu.enqueue_indirect_dma source(%dma_start3A_124 : memref<10000x128xf32, #tpu.memory_space<hbm>>) target(%dma_start3A_118 : memref<125x128xf32, #tpu.memory_space<vmem>>) offsets(%dma_start3A_121 : memref<125xi32, #tpu.memory_space<vmem>>) semaphore(%arg15 : memref<!tpu.dma_semaphore, #tpu.memory_space<semaphore_mem>>)
      %dma_start3A_125 = arith.constant 1 : i32
      %dma_start3A_126 = arith.constant 1 : i32
      %dma_start3A_127 = arith.constant 0 : i32
      %dma_start3A_128 = arith.constant 0 : i32
      %dma_start3A_129 = tpu.memref_slice %arg11[%dma_start3A_126, %dma_start3A_127, %dma_start3A_128] : memref<2x125x128xf32, #tpu.memory_space<vmem>> -> memref<1x125x128xf32, #tpu.memory_space<vmem>>
      %dma_start3A_130 = tpu.memref_squeeze %dma_start3A_129 : memref<1x125x128xf32, #tpu.memory_space<vmem>> -> memref<125x128xf32, #tpu.memory_space<vmem>>
      %dma_start3A_131 = arith.constant 0 : i32
      %dma_start3A_132 = tpu.memref_slice %arg9[%dma_start3A_125, %dma_start3A_131] : memref<16x125xi32, #tpu.memory_space<vmem>> -> memref<1x125xi32, #tpu.memory_space<vmem>>
      %dma_start3A_133 = tpu.memref_squeeze %dma_start3A_132 : memref<1x125xi32, #tpu.memory_space<vmem>> -> memref<125xi32, #tpu.memory_space<vmem>>
      %dma_start3A_134 = arith.constant 0 : i32
      %dma_start3A_135 = arith.constant 0 : i32
      %dma_start3A_136 = tpu.memref_slice %arg2[%dma_start3A_134, %dma_start3A_135] : memref<10000x128xf32, #tpu.memory_space<hbm>> -> memref<10000x128xf32, #tpu.memory_space<hbm>>
      tpu.enqueue_indirect_dma source(%dma_start3A_136 : memref<10000x128xf32, #tpu.memory_space<hbm>>) target(%dma_start3A_130 : memref<125x128xf32, #tpu.memory_space<vmem>>) offsets(%dma_start3A_133 : memref<125xi32, #tpu.memory_space<vmem>>) semaphore(%arg16 : memref<!tpu.dma_semaphore, #tpu.memory_space<semaphore_mem>>)
      %mul3A_137 = arith.constant 2 : i32
      %mul3A_138 = arith.muli %mul3A_137, %add3A_106 : i32
      %add3A_139 = arith.constant 0 : i32
      %add3A_140 = arith.addi %mul3A_138, %add3A_139 : i32
      %mul3A_141 = arith.constant 32 : i32
      %mul3A_142 = arith.muli %add3A_140, %mul3A_141 : i32
      %add3A_143 = arith.addi %add3A, %mul3A_142 : i32
      %lt3A_144 = arith.constant 312 : i32
      %lt3A_145 = arith.cmpi slt, %add3A_143, %lt3A_144 : i32
      %convert_element_type3A_146 = arith.extui %lt3A_145 : i1 to i32
      %cond3A_147 = arith.constant 0 : i32
      %cond3A_148 = arith.cmpi ne, %convert_element_type3A_146, %cond3A_147 : i32
      scf.if %cond3A_148 {
        %mul3A_881 = arith.constant 8 : i32
        %mul3A_882 = arith.muli %add3A_143, %mul3A_881 : i32
        "tpu.region"() ({
          %run_scoped3A = tpu.sem_alloc : memref<!tpu.dma_semaphore, #tpu.memory_space<semaphore_mem>>
          %dma_start3A_1139 = arith.constant 0 : i32
          %dma_start3A_1140 = tpu.memref_slice %arg5[%mul3A_882, %dma_start3A_1139] : memref<2500x128xi32, #tpu.memory_space<hbm>> -> memref<8x128xi32, #tpu.memory_space<hbm>>
          %dma_start3A_1141 = arith.constant 0 : i32
          %dma_start3A_1142 = tpu.memref_slice %arg5[%mul3A_882, %dma_start3A_1141] : memref<2500x128xi32, #tpu.memory_space<hbm>> -> memref<8x128xi32, #tpu.memory_space<hbm>>
          tpu.enqueue_dma source(%dma_start3A_1142 : memref<8x128xi32, #tpu.memory_space<hbm>>) target(%arg12 : memref<8x128xi32, #tpu.memory_space<vmem>>) target_semaphore(%run_scoped3A : memref<!tpu.dma_semaphore, #tpu.memory_space<semaphore_mem>>)
          %dma_wait3A_1143 = arith.constant 0 : i32
          %dma_wait3A_1144 = tpu.memref_slice %arg5[%mul3A_882, %dma_wait3A_1143] : memref<2500x128xi32, #tpu.memory_space<hbm>> -> memref<8x128xi32, #tpu.memory_space<hbm>>
          %dma_wait3A_1145 = arith.constant 0 : i32
          %dma_wait3A_1146 = tpu.memref_slice %arg5[%mul3A_882, %dma_wait3A_1145] : memref<2500x128xi32, #tpu.memory_space<hbm>> -> memref<8x128xi32, #tpu.memory_space<hbm>>
          tpu.wait_dma2 semaphore(%run_scoped3A : memref<!tpu.dma_semaphore, #tpu.memory_space<semaphore_mem>>) src(%dma_wait3A_1146 : memref<8x128xi32, #tpu.memory_space<hbm>>) dst(%arg12 : memref<8x128xi32, #tpu.memory_space<vmem>>)
          tpu.yield
        }) : () -> ()
        %broadcast_in_dim3A = arith.constant 1.000000e+00 : f32
        %broadcast_in_dim3A_883 = vector.broadcast %broadcast_in_dim3A : f32 to vector<16xf32>
        %get3A = arith.constant 0 : i32
        %get3A_884 = arith.index_cast %get3A : i32 to index
        %get3A_885 = arith.constant 0 : index
        %get3A_886 = tpu.vector_load %arg12[%get3A_884, %get3A_885] {strides = array<i32>} : memref<8x128xi32, #tpu.memory_space<vmem>>, vector<16xi32>,
        tpu.vector_store_idx %arg13[%get3A_886], %broadcast_in_dim3A_883 {add = true} : memref<10000xf32, #tpu.memory_space<vmem>>[vector<16xi32>], vector<16xf32>,
        %get3A_887 = arith.constant 0 : i32
        %get3A_888 = arith.index_cast %get3A_887 : i32 to index
        %get3A_889 = arith.constant 16 : index
        %get3A_890 = tpu.vector_load %arg12[%get3A_888, %get3A_889] {strides = array<i32>} : memref<8x128xi32, #tpu.memory_space<vmem>>, vector<16xi32>,
        tpu.vector_store_idx %arg13[%get3A_890], %broadcast_in_dim3A_883 {add = true} : memref<10000xf32, #tpu.memory_space<vmem>>[vector<16xi32>], vector<16xf32>,
        %get3A_891 = arith.constant 0 : i32
        %get3A_892 = arith.index_cast %get3A_891 : i32 to index
        %get3A_893 = arith.constant 32 : index
        %get3A_894 = tpu.vector_load %arg12[%get3A_892, %get3A_893] {strides = array<i32>} : memref<8x128xi32, #tpu.memory_space<vmem>>, vector<16xi32>,
        tpu.vector_store_idx %arg13[%get3A_894], %broadcast_in_dim3A_883 {add = true} : memref<10000xf32, #tpu.memory_space<vmem>>[vector<16xi32>], vector<16xf32>,
        %get3A_895 = arith.constant 0 : i32
        %get3A_896 = arith.index_cast %get3A_895 : i32 to index
        %get3A_897 = arith.constant 48 : index
        %get3A_898 = tpu.vector_load %arg12[%get3A_896, %get3A_897] {strides = array<i32>} : memref<8x128xi32, #tpu.memory_space<vmem>>, vector<16xi32>,
        tpu.vector_store_idx %arg13[%get3A_898], %broadcast_in_dim3A_883 {add = true} : memref<10000xf32, #tpu.memory_space<vmem>>[vector<16xi32>], vector<16xf32>,
        %get3A_899 = arith.constant 0 : i32
        %get3A_900 = arith.index_cast %get3A_899 : i32 to index
        %get3A_901 = arith.constant 64 : index
        %get3A_902 = tpu.vector_load %arg12[%get3A_900, %get3A_901] {strides = array<i32>} : memref<8x128xi32, #tpu.memory_space<vmem>>, vector<16xi32>,
        tpu.vector_store_idx %arg13[%get3A_902], %broadcast_in_dim3A_883 {add = true} : memref<10000xf32, #tpu.memory_space<vmem>>[vector<16xi32>], vector<16xf32>,
        %get3A_903 = arith.constant 0 : i32
        %get3A_904 = arith.index_cast %get3A_903 : i32 to index
        %get3A_905 = arith.constant 80 : index
        %get3A_906 = tpu.vector_load %arg12[%get3A_904, %get3A_905] {strides = array<i32>} : memref<8x128xi32, #tpu.memory_space<vmem>>, vector<16xi32>,
        tpu.vector_store_idx %arg13[%get3A_906], %broadcast_in_dim3A_883 {add = true} : memref<10000xf32, #tpu.memory_space<vmem>>[vector<16xi32>], vector<16xf32>,
        %get3A_907 = arith.constant 0 : i32
        %get3A_908 = arith.index_cast %get3A_907 : i32 to index
        %get3A_909 = arith.constant 96 : index
        %get3A_910 = tpu.vector_load %arg12[%get3A_908, %get3A_909] {strides = array<i32>} : memref<8x128xi32, #tpu.memory_space<vmem>>, vector<16xi32>,
        tpu.vector_store_idx %arg13[%get3A_910], %broadcast_in_dim3A_883 {add = true} : memref<10000xf32, #tpu.memory_space<vmem>>[vector<16xi32>], vector<16xf32>,
        %get3A_911 = arith.constant 0 : i32
        %get3A_912 = arith.index_cast %get3A_911 : i32 to index
        %get3A_913 = arith.constant 112 : index
        %get3A_914 = tpu.vector_load %arg12[%get3A_912, %get3A_913] {strides = array<i32>} : memref<8x128xi32, #tpu.memory_space<vmem>>, vector<16xi32>,
        tpu.vector_store_idx %arg13[%get3A_914], %broadcast_in_dim3A_883 {add = true} : memref<10000xf32, #tpu.memory_space<vmem>>[vector<16xi32>], vector<16xf32>,
        %get3A_915 = arith.constant 1 : i32
        %get3A_916 = arith.index_cast %get3A_915 : i32 to index
        %get3A_917 = arith.constant 0 : index
        %get3A_918 = tpu.vector_load %arg12[%get3A_916, %get3A_917] {strides = array<i32>} : memref<8x128xi32, #tpu.memory_space<vmem>>, vector<16xi32>,
        tpu.vector_store_idx %arg13[%get3A_918], %broadcast_in_dim3A_883 {add = true} : memref<10000xf32, #tpu.memory_space<vmem>>[vector<16xi32>], vector<16xf32>,
        %get3A_919 = arith.constant 1 : i32
        %get3A_920 = arith.index_cast %get3A_919 : i32 to index
        %get3A_921 = arith.constant 16 : index
        %get3A_922 = tpu.vector_load %arg12[%get3A_920, %get3A_921] {strides = array<i32>} : memref<8x128xi32, #tpu.memory_space<vmem>>, vector<16xi32>,
        tpu.vector_store_idx %arg13[%get3A_922], %broadcast_in_dim3A_883 {add = true} : memref<10000xf32, #tpu.memory_space<vmem>>[vector<16xi32>], vector<16xf32>,
        %get3A_923 = arith.constant 1 : i32
        %get3A_924 = arith.index_cast %get3A_923 : i32 to index
        %get3A_925 = arith.constant 32 : index
        %get3A_926 = tpu.vector_load %arg12[%get3A_924, %get3A_925] {strides = array<i32>} : memref<8x128xi32, #tpu.memory_space<vmem>>, vector<16xi32>,
        tpu.vector_store_idx %arg13[%get3A_926], %broadcast_in_dim3A_883 {add = true} : memref<10000xf32, #tpu.memory_space<vmem>>[vector<16xi32>], vector<16xf32>,
        %get3A_927 = arith.constant 1 : i32
        %get3A_928 = arith.index_cast %get3A_927 : i32 to index
        %get3A_929 = arith.constant 48 : index
        %get3A_930 = tpu.vector_load %arg12[%get3A_928, %get3A_929] {strides = array<i32>} : memref<8x128xi32, #tpu.memory_space<vmem>>, vector<16xi32>,
        tpu.vector_store_idx %arg13[%get3A_930], %broadcast_in_dim3A_883 {add = true} : memref<10000xf32, #tpu.memory_space<vmem>>[vector<16xi32>], vector<16xf32>,
        %get3A_931 = arith.constant 1 : i32
        %get3A_932 = arith.index_cast %get3A_931 : i32 to index
        %get3A_933 = arith.constant 64 : index
        %get3A_934 = tpu.vector_load %arg12[%get3A_932, %get3A_933] {strides = array<i32>} : memref<8x128xi32, #tpu.memory_space<vmem>>, vector<16xi32>,
        tpu.vector_store_idx %arg13[%get3A_934], %broadcast_in_dim3A_883 {add = true} : memref<10000xf32, #tpu.memory_space<vmem>>[vector<16xi32>], vector<16xf32>,
        %get3A_935 = arith.constant 1 : i32
        %get3A_936 = arith.index_cast %get3A_935 : i32 to index
        %get3A_937 = arith.constant 80 : index
        %get3A_938 = tpu.vector_load %arg12[%get3A_936, %get3A_937] {strides = array<i32>} : memref<8x128xi32, #tpu.memory_space<vmem>>, vector<16xi32>,
        tpu.vector_store_idx %arg13[%get3A_938], %broadcast_in_dim3A_883 {add = true} : memref<10000xf32, #tpu.memory_space<vmem>>[vector<16xi32>], vector<16xf32>,
        %get3A_939 = arith.constant 1 : i32
        %get3A_940 = arith.index_cast %get3A_939 : i32 to index
        %get3A_941 = arith.constant 96 : index
        %get3A_942 = tpu.vector_load %arg12[%get3A_940, %get3A_941] {strides = array<i32>} : memref<8x128xi32, #tpu.memory_space<vmem>>, vector<16xi32>,
        tpu.vector_store_idx %arg13[%get3A_942], %broadcast_in_dim3A_883 {add = true} : memref<10000xf32, #tpu.memory_space<vmem>>[vector<16xi32>], vector<16xf32>,
        %get3A_943 = arith.constant 1 : i32
        %get3A_944 = arith.index_cast %get3A_943 : i32 to index
        %get3A_945 = arith.constant 112 : index
        %get3A_946 = tpu.vector_load %arg12[%get3A_944, %get3A_945] {strides = array<i32>} : memref<8x128xi32, #tpu.memory_space<vmem>>, vector<16xi32>,
        tpu.vector_store_idx %arg13[%get3A_946], %broadcast_in_dim3A_883 {add = true} : memref<10000xf32, #tpu.memory_space<vmem>>[vector<16xi32>], vector<16xf32>,
        %get3A_947 = arith.constant 2 : i32
        %get3A_948 = arith.index_cast %get3A_947 : i32 to index
        %get3A_949 = arith.constant 0 : index
        %get3A_950 = tpu.vector_load %arg12[%get3A_948, %get3A_949] {strides = array<i32>} : memref<8x128xi32, #tpu.memory_space<vmem>>, vector<16xi32>,
        tpu.vector_store_idx %arg13[%get3A_950], %broadcast_in_dim3A_883 {add = true} : memref<10000xf32, #tpu.memory_space<vmem>>[vector<16xi32>], vector<16xf32>,
        %get3A_951 = arith.constant 2 : i32
        %get3A_952 = arith.index_cast %get3A_951 : i32 to index
        %get3A_953 = arith.constant 16 : index
        %get3A_954 = tpu.vector_load %arg12[%get3A_952, %get3A_953] {strides = array<i32>} : memref<8x128xi32, #tpu.memory_space<vmem>>, vector<16xi32>,
        tpu.vector_store_idx %arg13[%get3A_954], %broadcast_in_dim3A_883 {add = true} : memref<10000xf32, #tpu.memory_space<vmem>>[vector<16xi32>], vector<16xf32>,
        %get3A_955 = arith.constant 2 : i32
        %get3A_956 = arith.index_cast %get3A_955 : i32 to index
        %get3A_957 = arith.constant 32 : index
        %get3A_958 = tpu.vector_load %arg12[%get3A_956, %get3A_957] {strides = array<i32>} : memref<8x128xi32, #tpu.memory_space<vmem>>, vector<16xi32>,
        tpu.vector_store_idx %arg13[%get3A_958], %broadcast_in_dim3A_883 {add = true} : memref<10000xf32, #tpu.memory_space<vmem>>[vector<16xi32>], vector<16xf32>,
        %get3A_959 = arith.constant 2 : i32
        %get3A_960 = arith.index_cast %get3A_959 : i32 to index
        %get3A_961 = arith.constant 48 : index
        %get3A_962 = tpu.vector_load %arg12[%get3A_960, %get3A_961] {strides = array<i32>} : memref<8x128xi32, #tpu.memory_space<vmem>>, vector<16xi32>,
        tpu.vector_store_idx %arg13[%get3A_962], %broadcast_in_dim3A_883 {add = true} : memref<10000xf32, #tpu.memory_space<vmem>>[vector<16xi32>], vector<16xf32>,
        %get3A_963 = arith.constant 2 : i32
        %get3A_964 = arith.index_cast %get3A_963 : i32 to index
        %get3A_965 = arith.constant 64 : index
        %get3A_966 = tpu.vector_load %arg12[%get3A_964, %get3A_965] {strides = array<i32>} : memref<8x128xi32, #tpu.memory_space<vmem>>, vector<16xi32>,
        tpu.vector_store_idx %arg13[%get3A_966], %broadcast_in_dim3A_883 {add = true} : memref<10000xf32, #tpu.memory_space<vmem>>[vector<16xi32>], vector<16xf32>,
        %get3A_967 = arith.constant 2 : i32
        %get3A_968 = arith.index_cast %get3A_967 : i32 to index
        %get3A_969 = arith.constant 80 : index
        %get3A_970 = tpu.vector_load %arg12[%get3A_968, %get3A_969] {strides = array<i32>} : memref<8x128xi32, #tpu.memory_space<vmem>>, vector<16xi32>,
        tpu.vector_store_idx %arg13[%get3A_970], %broadcast_in_dim3A_883 {add = true} : memref<10000xf32, #tpu.memory_space<vmem>>[vector<16xi32>], vector<16xf32>,
        %get3A_971 = arith.constant 2 : i32
        %get3A_972 = arith.index_cast %get3A_971 : i32 to index
        %get3A_973 = arith.constant 96 : index
        %get3A_974 = tpu.vector_load %arg12[%get3A_972, %get3A_973] {strides = array<i32>} : memref<8x128xi32, #tpu.memory_space<vmem>>, vector<16xi32>,
        tpu.vector_store_idx %arg13[%get3A_974], %broadcast_in_dim3A_883 {add = true} : memref<10000xf32, #tpu.memory_space<vmem>>[vector<16xi32>], vector<16xf32>,
        %get3A_975 = arith.constant 2 : i32
        %get3A_976 = arith.index_cast %get3A_975 : i32 to index
        %get3A_977 = arith.constant 112 : index
        %get3A_978 = tpu.vector_load %arg12[%get3A_976, %get3A_977] {strides = array<i32>} : memref<8x128xi32, #tpu.memory_space<vmem>>, vector<16xi32>,
        tpu.vector_store_idx %arg13[%get3A_978], %broadcast_in_dim3A_883 {add = true} : memref<10000xf32, #tpu.memory_space<vmem>>[vector<16xi32>], vector<16xf32>,
        %get3A_979 = arith.constant 3 : i32
        %get3A_980 = arith.index_cast %get3A_979 : i32 to index
        %get3A_981 = arith.constant 0 : index
        %get3A_982 = tpu.vector_load %arg12[%get3A_980, %get3A_981] {strides = array<i32>} : memref<8x128xi32, #tpu.memory_space<vmem>>, vector<16xi32>,
        tpu.vector_store_idx %arg13[%get3A_982], %broadcast_in_dim3A_883 {add = true} : memref<10000xf32, #tpu.memory_space<vmem>>[vector<16xi32>], vector<16xf32>,
        %get3A_983 = arith.constant 3 : i32
        %get3A_984 = arith.index_cast %get3A_983 : i32 to index
        %get3A_985 = arith.constant 16 : index
        %get3A_986 = tpu.vector_load %arg12[%get3A_984, %get3A_985] {strides = array<i32>} : memref<8x128xi32, #tpu.memory_space<vmem>>, vector<16xi32>,
        tpu.vector_store_idx %arg13[%get3A_986], %broadcast_in_dim3A_883 {add = true} : memref<10000xf32, #tpu.memory_space<vmem>>[vector<16xi32>], vector<16xf32>,
        %get3A_987 = arith.constant 3 : i32
        %get3A_988 = arith.index_cast %get3A_987 : i32 to index
        %get3A_989 = arith.constant 32 : index
        %get3A_990 = tpu.vector_load %arg12[%get3A_988, %get3A_989] {strides = array<i32>} : memref<8x128xi32, #tpu.memory_space<vmem>>, vector<16xi32>,
        tpu.vector_store_idx %arg13[%get3A_990], %broadcast_in_dim3A_883 {add = true} : memref<10000xf32, #tpu.memory_space<vmem>>[vector<16xi32>], vector<16xf32>,
        %get3A_991 = arith.constant 3 : i32
        %get3A_992 = arith.index_cast %get3A_991 : i32 to index
        %get3A_993 = arith.constant 48 : index
        %get3A_994 = tpu.vector_load %arg12[%get3A_992, %get3A_993] {strides = array<i32>} : memref<8x128xi32, #tpu.memory_space<vmem>>, vector<16xi32>,
        tpu.vector_store_idx %arg13[%get3A_994], %broadcast_in_dim3A_883 {add = true} : memref<10000xf32, #tpu.memory_space<vmem>>[vector<16xi32>], vector<16xf32>,
        %get3A_995 = arith.constant 3 : i32
        %get3A_996 = arith.index_cast %get3A_995 : i32 to index
        %get3A_997 = arith.constant 64 : index
        %get3A_998 = tpu.vector_load %arg12[%get3A_996, %get3A_997] {strides = array<i32>} : memref<8x128xi32, #tpu.memory_space<vmem>>, vector<16xi32>,
        tpu.vector_store_idx %arg13[%get3A_998], %broadcast_in_dim3A_883 {add = true} : memref<10000xf32, #tpu.memory_space<vmem>>[vector<16xi32>], vector<16xf32>,
        %get3A_999 = arith.constant 3 : i32
        %get3A_1000 = arith.index_cast %get3A_999 : i32 to index
        %get3A_1001 = arith.constant 80 : index
        %get3A_1002 = tpu.vector_load %arg12[%get3A_1000, %get3A_1001] {strides = array<i32>} : memref<8x128xi32, #tpu.memory_space<vmem>>, vector<16xi32>,
        tpu.vector_store_idx %arg13[%get3A_1002], %broadcast_in_dim3A_883 {add = true} : memref<10000xf32, #tpu.memory_space<vmem>>[vector<16xi32>], vector<16xf32>,
        %get3A_1003 = arith.constant 3 : i32
        %get3A_1004 = arith.index_cast %get3A_1003 : i32 to index
        %get3A_1005 = arith.constant 96 : index
        %get3A_1006 = tpu.vector_load %arg12[%get3A_1004, %get3A_1005] {strides = array<i32>} : memref<8x128xi32, #tpu.memory_space<vmem>>, vector<16xi32>,
        tpu.vector_store_idx %arg13[%get3A_1006], %broadcast_in_dim3A_883 {add = true} : memref<10000xf32, #tpu.memory_space<vmem>>[vector<16xi32>], vector<16xf32>,
        %get3A_1007 = arith.constant 3 : i32
        %get3A_1008 = arith.index_cast %get3A_1007 : i32 to index
        %get3A_1009 = arith.constant 112 : index
        %get3A_1010 = tpu.vector_load %arg12[%get3A_1008, %get3A_1009] {strides = array<i32>} : memref<8x128xi32, #tpu.memory_space<vmem>>, vector<16xi32>,
        tpu.vector_store_idx %arg13[%get3A_1010], %broadcast_in_dim3A_883 {add = true} : memref<10000xf32, #tpu.memory_space<vmem>>[vector<16xi32>], vector<16xf32>,
        %get3A_1011 = arith.constant 4 : i32
        %get3A_1012 = arith.index_cast %get3A_1011 : i32 to index
        %get3A_1013 = arith.constant 0 : index
        %get3A_1014 = tpu.vector_load %arg12[%get3A_1012, %get3A_1013] {strides = array<i32>} : memref<8x128xi32, #tpu.memory_space<vmem>>, vector<16xi32>,
        tpu.vector_store_idx %arg13[%get3A_1014], %broadcast_in_dim3A_883 {add = true} : memref<10000xf32, #tpu.memory_space<vmem>>[vector<16xi32>], vector<16xf32>,
        %get3A_1015 = arith.constant 4 : i32
        %get3A_1016 = arith.index_cast %get3A_1015 : i32 to index
        %get3A_1017 = arith.constant 16 : index
        %get3A_1018 = tpu.vector_load %arg12[%get3A_1016, %get3A_1017] {strides = array<i32>} : memref<8x128xi32, #tpu.memory_space<vmem>>, vector<16xi32>,
        tpu.vector_store_idx %arg13[%get3A_1018], %broadcast_in_dim3A_883 {add = true} : memref<10000xf32, #tpu.memory_space<vmem>>[vector<16xi32>], vector<16xf32>,
        %get3A_1019 = arith.constant 4 : i32
        %get3A_1020 = arith.index_cast %get3A_1019 : i32 to index
        %get3A_1021 = arith.constant 32 : index
        %get3A_1022 = tpu.vector_load %arg12[%get3A_1020, %get3A_1021] {strides = array<i32>} : memref<8x128xi32, #tpu.memory_space<vmem>>, vector<16xi32>,
        tpu.vector_store_idx %arg13[%get3A_1022], %broadcast_in_dim3A_883 {add = true} : memref<10000xf32, #tpu.memory_space<vmem>>[vector<16xi32>], vector<16xf32>,
        %get3A_1023 = arith.constant 4 : i32
        %get3A_1024 = arith.index_cast %get3A_1023 : i32 to index
        %get3A_1025 = arith.constant 48 : index
        %get3A_1026 = tpu.vector_load %arg12[%get3A_1024, %get3A_1025] {strides = array<i32>} : memref<8x128xi32, #tpu.memory_space<vmem>>, vector<16xi32>,
        tpu.vector_store_idx %arg13[%get3A_1026], %broadcast_in_dim3A_883 {add = true} : memref<10000xf32, #tpu.memory_space<vmem>>[vector<16xi32>], vector<16xf32>,
        %get3A_1027 = arith.constant 4 : i32
        %get3A_1028 = arith.index_cast %get3A_1027 : i32 to index
        %get3A_1029 = arith.constant 64 : index
        %get3A_1030 = tpu.vector_load %arg12[%get3A_1028, %get3A_1029] {strides = array<i32>} : memref<8x128xi32, #tpu.memory_space<vmem>>, vector<16xi32>,
        tpu.vector_store_idx %arg13[%get3A_1030], %broadcast_in_dim3A_883 {add = true} : memref<10000xf32, #tpu.memory_space<vmem>>[vector<16xi32>], vector<16xf32>,
        %get3A_1031 = arith.constant 4 : i32
        %get3A_1032 = arith.index_cast %get3A_1031 : i32 to index
        %get3A_1033 = arith.constant 80 : index
        %get3A_1034 = tpu.vector_load %arg12[%get3A_1032, %get3A_1033] {strides = array<i32>} : memref<8x128xi32, #tpu.memory_space<vmem>>, vector<16xi32>,
        tpu.vector_store_idx %arg13[%get3A_1034], %broadcast_in_dim3A_883 {add = true} : memref<10000xf32, #tpu.memory_space<vmem>>[vector<16xi32>], vector<16xf32>,
        %get3A_1035 = arith.constant 4 : i32
        %get3A_1036 = arith.index_cast %get3A_1035 : i32 to index
        %get3A_1037 = arith.constant 96 : index
        %get3A_1038 = tpu.vector_load %arg12[%get3A_1036, %get3A_1037] {strides = array<i32>} : memref<8x128xi32, #tpu.memory_space<vmem>>, vector<16xi32>,
        tpu.vector_store_idx %arg13[%get3A_1038], %broadcast_in_dim3A_883 {add = true} : memref<10000xf32, #tpu.memory_space<vmem>>[vector<16xi32>], vector<16xf32>,
        %get3A_1039 = arith.constant 4 : i32
        %get3A_1040 = arith.index_cast %get3A_1039 : i32 to index
        %get3A_1041 = arith.constant 112 : index
        %get3A_1042 = tpu.vector_load %arg12[%get3A_1040, %get3A_1041] {strides = array<i32>} : memref<8x128xi32, #tpu.memory_space<vmem>>, vector<16xi32>,
        tpu.vector_store_idx %arg13[%get3A_1042], %broadcast_in_dim3A_883 {add = true} : memref<10000xf32, #tpu.memory_space<vmem>>[vector<16xi32>], vector<16xf32>,
        %get3A_1043 = arith.constant 5 : i32
        %get3A_1044 = arith.index_cast %get3A_1043 : i32 to index
        %get3A_1045 = arith.constant 0 : index
        %get3A_1046 = tpu.vector_load %arg12[%get3A_1044, %get3A_1045] {strides = array<i32>} : memref<8x128xi32, #tpu.memory_space<vmem>>, vector<16xi32>,
        tpu.vector_store_idx %arg13[%get3A_1046], %broadcast_in_dim3A_883 {add = true} : memref<10000xf32, #tpu.memory_space<vmem>>[vector<16xi32>], vector<16xf32>,
        %get3A_1047 = arith.constant 5 : i32
        %get3A_1048 = arith.index_cast %get3A_1047 : i32 to index
        %get3A_1049 = arith.constant 16 : index
        %get3A_1050 = tpu.vector_load %arg12[%get3A_1048, %get3A_1049] {strides = array<i32>} : memref<8x128xi32, #tpu.memory_space<vmem>>, vector<16xi32>,
        tpu.vector_store_idx %arg13[%get3A_1050], %broadcast_in_dim3A_883 {add = true} : memref<10000xf32, #tpu.memory_space<vmem>>[vector<16xi32>], vector<16xf32>,
        %get3A_1051 = arith.constant 5 : i32
        %get3A_1052 = arith.index_cast %get3A_1051 : i32 to index
        %get3A_1053 = arith.constant 32 : index
        %get3A_1054 = tpu.vector_load %arg12[%get3A_1052, %get3A_1053] {strides = array<i32>} : memref<8x128xi32, #tpu.memory_space<vmem>>, vector<16xi32>,
        tpu.vector_store_idx %arg13[%get3A_1054], %broadcast_in_dim3A_883 {add = true} : memref<10000xf32, #tpu.memory_space<vmem>>[vector<16xi32>], vector<16xf32>,
        %get3A_1055 = arith.constant 5 : i32
        %get3A_1056 = arith.index_cast %get3A_1055 : i32 to index
        %get3A_1057 = arith.constant 48 : index
        %get3A_1058 = tpu.vector_load %arg12[%get3A_1056, %get3A_1057] {strides = array<i32>} : memref<8x128xi32, #tpu.memory_space<vmem>>, vector<16xi32>,
        tpu.vector_store_idx %arg13[%get3A_1058], %broadcast_in_dim3A_883 {add = true} : memref<10000xf32, #tpu.memory_space<vmem>>[vector<16xi32>], vector<16xf32>,
        %get3A_1059 = arith.constant 5 : i32
        %get3A_1060 = arith.index_cast %get3A_1059 : i32 to index
        %get3A_1061 = arith.constant 64 : index
        %get3A_1062 = tpu.vector_load %arg12[%get3A_1060, %get3A_1061] {strides = array<i32>} : memref<8x128xi32, #tpu.memory_space<vmem>>, vector<16xi32>,
        tpu.vector_store_idx %arg13[%get3A_1062], %broadcast_in_dim3A_883 {add = true} : memref<10000xf32, #tpu.memory_space<vmem>>[vector<16xi32>], vector<16xf32>,
        %get3A_1063 = arith.constant 5 : i32
        %get3A_1064 = arith.index_cast %get3A_1063 : i32 to index
        %get3A_1065 = arith.constant 80 : index
        %get3A_1066 = tpu.vector_load %arg12[%get3A_1064, %get3A_1065] {strides = array<i32>} : memref<8x128xi32, #tpu.memory_space<vmem>>, vector<16xi32>,
        tpu.vector_store_idx %arg13[%get3A_1066], %broadcast_in_dim3A_883 {add = true} : memref<10000xf32, #tpu.memory_space<vmem>>[vector<16xi32>], vector<16xf32>,
        %get3A_1067 = arith.constant 5 : i32
        %get3A_1068 = arith.index_cast %get3A_1067 : i32 to index
        %get3A_1069 = arith.constant 96 : index
        %get3A_1070 = tpu.vector_load %arg12[%get3A_1068, %get3A_1069] {strides = array<i32>} : memref<8x128xi32, #tpu.memory_space<vmem>>, vector<16xi32>,
        tpu.vector_store_idx %arg13[%get3A_1070], %broadcast_in_dim3A_883 {add = true} : memref<10000xf32, #tpu.memory_space<vmem>>[vector<16xi32>], vector<16xf32>,
        %get3A_1071 = arith.constant 5 : i32
        %get3A_1072 = arith.index_cast %get3A_1071 : i32 to index
        %get3A_1073 = arith.constant 112 : index
        %get3A_1074 = tpu.vector_load %arg12[%get3A_1072, %get3A_1073] {strides = array<i32>} : memref<8x128xi32, #tpu.memory_space<vmem>>, vector<16xi32>,
        tpu.vector_store_idx %arg13[%get3A_1074], %broadcast_in_dim3A_883 {add = true} : memref<10000xf32, #tpu.memory_space<vmem>>[vector<16xi32>], vector<16xf32>,
        %get3A_1075 = arith.constant 6 : i32
        %get3A_1076 = arith.index_cast %get3A_1075 : i32 to index
        %get3A_1077 = arith.constant 0 : index
        %get3A_1078 = tpu.vector_load %arg12[%get3A_1076, %get3A_1077] {strides = array<i32>} : memref<8x128xi32, #tpu.memory_space<vmem>>, vector<16xi32>,
        tpu.vector_store_idx %arg13[%get3A_1078], %broadcast_in_dim3A_883 {add = true} : memref<10000xf32, #tpu.memory_space<vmem>>[vector<16xi32>], vector<16xf32>,
        %get3A_1079 = arith.constant 6 : i32
        %get3A_1080 = arith.index_cast %get3A_1079 : i32 to index
        %get3A_1081 = arith.constant 16 : index
        %get3A_1082 = tpu.vector_load %arg12[%get3A_1080, %get3A_1081] {strides = array<i32>} : memref<8x128xi32, #tpu.memory_space<vmem>>, vector<16xi32>,
        tpu.vector_store_idx %arg13[%get3A_1082], %broadcast_in_dim3A_883 {add = true} : memref<10000xf32, #tpu.memory_space<vmem>>[vector<16xi32>], vector<16xf32>,
        %get3A_1083 = arith.constant 6 : i32
        %get3A_1084 = arith.index_cast %get3A_1083 : i32 to index
        %get3A_1085 = arith.constant 32 : index
        %get3A_1086 = tpu.vector_load %arg12[%get3A_1084, %get3A_1085] {strides = array<i32>} : memref<8x128xi32, #tpu.memory_space<vmem>>, vector<16xi32>,
        tpu.vector_store_idx %arg13[%get3A_1086], %broadcast_in_dim3A_883 {add = true} : memref<10000xf32, #tpu.memory_space<vmem>>[vector<16xi32>], vector<16xf32>,
        %get3A_1087 = arith.constant 6 : i32
        %get3A_1088 = arith.index_cast %get3A_1087 : i32 to index
        %get3A_1089 = arith.constant 48 : index
        %get3A_1090 = tpu.vector_load %arg12[%get3A_1088, %get3A_1089] {strides = array<i32>} : memref<8x128xi32, #tpu.memory_space<vmem>>, vector<16xi32>,
        tpu.vector_store_idx %arg13[%get3A_1090], %broadcast_in_dim3A_883 {add = true} : memref<10000xf32, #tpu.memory_space<vmem>>[vector<16xi32>], vector<16xf32>,
        %get3A_1091 = arith.constant 6 : i32
        %get3A_1092 = arith.index_cast %get3A_1091 : i32 to index
        %get3A_1093 = arith.constant 64 : index
        %get3A_1094 = tpu.vector_load %arg12[%get3A_1092, %get3A_1093] {strides = array<i32>} : memref<8x128xi32, #tpu.memory_space<vmem>>, vector<16xi32>,
        tpu.vector_store_idx %arg13[%get3A_1094], %broadcast_in_dim3A_883 {add = true} : memref<10000xf32, #tpu.memory_space<vmem>>[vector<16xi32>], vector<16xf32>,
        %get3A_1095 = arith.constant 6 : i32
        %get3A_1096 = arith.index_cast %get3A_1095 : i32 to index
        %get3A_1097 = arith.constant 80 : index
        %get3A_1098 = tpu.vector_load %arg12[%get3A_1096, %get3A_1097] {strides = array<i32>} : memref<8x128xi32, #tpu.memory_space<vmem>>, vector<16xi32>,
        tpu.vector_store_idx %arg13[%get3A_1098], %broadcast_in_dim3A_883 {add = true} : memref<10000xf32, #tpu.memory_space<vmem>>[vector<16xi32>], vector<16xf32>,
        %get3A_1099 = arith.constant 6 : i32
        %get3A_1100 = arith.index_cast %get3A_1099 : i32 to index
        %get3A_1101 = arith.constant 96 : index
        %get3A_1102 = tpu.vector_load %arg12[%get3A_1100, %get3A_1101] {strides = array<i32>} : memref<8x128xi32, #tpu.memory_space<vmem>>, vector<16xi32>,
        tpu.vector_store_idx %arg13[%get3A_1102], %broadcast_in_dim3A_883 {add = true} : memref<10000xf32, #tpu.memory_space<vmem>>[vector<16xi32>], vector<16xf32>,
        %get3A_1103 = arith.constant 6 : i32
        %get3A_1104 = arith.index_cast %get3A_1103 : i32 to index
        %get3A_1105 = arith.constant 112 : index
        %get3A_1106 = tpu.vector_load %arg12[%get3A_1104, %get3A_1105] {strides = array<i32>} : memref<8x128xi32, #tpu.memory_space<vmem>>, vector<16xi32>,
        tpu.vector_store_idx %arg13[%get3A_1106], %broadcast_in_dim3A_883 {add = true} : memref<10000xf32, #tpu.memory_space<vmem>>[vector<16xi32>], vector<16xf32>,
        %get3A_1107 = arith.constant 7 : i32
        %get3A_1108 = arith.index_cast %get3A_1107 : i32 to index
        %get3A_1109 = arith.constant 0 : index
        %get3A_1110 = tpu.vector_load %arg12[%get3A_1108, %get3A_1109] {strides = array<i32>} : memref<8x128xi32, #tpu.memory_space<vmem>>, vector<16xi32>,
        tpu.vector_store_idx %arg13[%get3A_1110], %broadcast_in_dim3A_883 {add = true} : memref<10000xf32, #tpu.memory_space<vmem>>[vector<16xi32>], vector<16xf32>,
        %get3A_1111 = arith.constant 7 : i32
        %get3A_1112 = arith.index_cast %get3A_1111 : i32 to index
        %get3A_1113 = arith.constant 16 : index
        %get3A_1114 = tpu.vector_load %arg12[%get3A_1112, %get3A_1113] {strides = array<i32>} : memref<8x128xi32, #tpu.memory_space<vmem>>, vector<16xi32>,
        tpu.vector_store_idx %arg13[%get3A_1114], %broadcast_in_dim3A_883 {add = true} : memref<10000xf32, #tpu.memory_space<vmem>>[vector<16xi32>], vector<16xf32>,
        %get3A_1115 = arith.constant 7 : i32
        %get3A_1116 = arith.index_cast %get3A_1115 : i32 to index
        %get3A_1117 = arith.constant 32 : index
        %get3A_1118 = tpu.vector_load %arg12[%get3A_1116, %get3A_1117] {strides = array<i32>} : memref<8x128xi32, #tpu.memory_space<vmem>>, vector<16xi32>,
        tpu.vector_store_idx %arg13[%get3A_1118], %broadcast_in_dim3A_883 {add = true} : memref<10000xf32, #tpu.memory_space<vmem>>[vector<16xi32>], vector<16xf32>,
        %get3A_1119 = arith.constant 7 : i32
        %get3A_1120 = arith.index_cast %get3A_1119 : i32 to index
        %get3A_1121 = arith.constant 48 : index
        %get3A_1122 = tpu.vector_load %arg12[%get3A_1120, %get3A_1121] {strides = array<i32>} : memref<8x128xi32, #tpu.memory_space<vmem>>, vector<16xi32>,
        tpu.vector_store_idx %arg13[%get3A_1122], %broadcast_in_dim3A_883 {add = true} : memref<10000xf32, #tpu.memory_space<vmem>>[vector<16xi32>], vector<16xf32>,
        %get3A_1123 = arith.constant 7 : i32
        %get3A_1124 = arith.index_cast %get3A_1123 : i32 to index
        %get3A_1125 = arith.constant 64 : index
        %get3A_1126 = tpu.vector_load %arg12[%get3A_1124, %get3A_1125] {strides = array<i32>} : memref<8x128xi32, #tpu.memory_space<vmem>>, vector<16xi32>,
        tpu.vector_store_idx %arg13[%get3A_1126], %broadcast_in_dim3A_883 {add = true} : memref<10000xf32, #tpu.memory_space<vmem>>[vector<16xi32>], vector<16xf32>,
        %get3A_1127 = arith.constant 7 : i32
        %get3A_1128 = arith.index_cast %get3A_1127 : i32 to index
        %get3A_1129 = arith.constant 80 : index
        %get3A_1130 = tpu.vector_load %arg12[%get3A_1128, %get3A_1129] {strides = array<i32>} : memref<8x128xi32, #tpu.memory_space<vmem>>, vector<16xi32>,
        tpu.vector_store_idx %arg13[%get3A_1130], %broadcast_in_dim3A_883 {add = true} : memref<10000xf32, #tpu.memory_space<vmem>>[vector<16xi32>], vector<16xf32>,
        %get3A_1131 = arith.constant 7 : i32
        %get3A_1132 = arith.index_cast %get3A_1131 : i32 to index
        %get3A_1133 = arith.constant 96 : index
        %get3A_1134 = tpu.vector_load %arg12[%get3A_1132, %get3A_1133] {strides = array<i32>} : memref<8x128xi32, #tpu.memory_space<vmem>>, vector<16xi32>,
        tpu.vector_store_idx %arg13[%get3A_1134], %broadcast_in_dim3A_883 {add = true} : memref<10000xf32, #tpu.memory_space<vmem>>[vector<16xi32>], vector<16xf32>,
        %get3A_1135 = arith.constant 7 : i32
        %get3A_1136 = arith.index_cast %get3A_1135 : i32 to index
        %get3A_1137 = arith.constant 112 : index
        %get3A_1138 = tpu.vector_load %arg12[%get3A_1136, %get3A_1137] {strides = array<i32>} : memref<8x128xi32, #tpu.memory_space<vmem>>, vector<16xi32>,
        tpu.vector_store_idx %arg13[%get3A_1138], %broadcast_in_dim3A_883 {add = true} : memref<10000xf32, #tpu.memory_space<vmem>>[vector<16xi32>], vector<16xf32>,
      } else {
      }
      %dma_wait3A_149 = arith.constant 0 : i32
      %dma_wait3A_150 = arith.constant 0 : i32
      %dma_wait3A_151 = arith.constant 0 : i32
      %dma_wait3A_152 = arith.constant 0 : i32
      %dma_wait3A_153 = tpu.memref_slice %arg11[%dma_wait3A_150, %dma_wait3A_151, %dma_wait3A_152] : memref<2x125x128xf32, #tpu.memory_space<vmem>> -> memref<1x125x128xf32, #tpu.memory_space<vmem>>
      %dma_wait3A_154 = tpu.memref_squeeze %dma_wait3A_153 : memref<1x125x128xf32, #tpu.memory_space<vmem>> -> memref<125x128xf32, #tpu.memory_space<vmem>>
      %dma_wait3A_155 = arith.constant 0 : i32
      %dma_wait3A_156 = tpu.memref_slice %arg9[%dma_wait3A_149, %dma_wait3A_155] : memref<16x125xi32, #tpu.memory_space<vmem>> -> memref<1x125xi32, #tpu.memory_space<vmem>>
      %dma_wait3A_157 = tpu.memref_squeeze %dma_wait3A_156 : memref<1x125xi32, #tpu.memory_space<vmem>> -> memref<125xi32, #tpu.memory_space<vmem>>
      %dma_wait3A_158 = arith.constant 0 : i32
      %dma_wait3A_159 = arith.constant 0 : i32
      %dma_wait3A_160 = tpu.memref_slice %arg2[%dma_wait3A_158, %dma_wait3A_159] : memref<10000x128xf32, #tpu.memory_space<hbm>> -> memref<10000x128xf32, #tpu.memory_space<hbm>>
      tpu.wait_indirect_dma semaphore(%arg15 : memref<!tpu.dma_semaphore, #tpu.memory_space<semaphore_mem>>) src(%dma_wait3A_160 : memref<10000x128xf32, #tpu.memory_space<hbm>>) dst(%dma_wait3A_154 : memref<125x128xf32, #tpu.memory_space<vmem>>)
      %dma_start3A_161 = arith.constant 0 : i32
      %dma_start3A_162 = arith.constant 0 : i32
      %dma_start3A_163 = arith.constant 0 : i32
      %dma_start3A_164 = arith.constant 0 : i32
      %dma_start3A_165 = tpu.memref_slice %arg11[%dma_start3A_161, %dma_start3A_163, %dma_start3A_164] : memref<2x125x128xf32, #tpu.memory_space<vmem>> -> memref<1x125x128xf32, #tpu.memory_space<vmem>>
      %dma_start3A_166 = tpu.memref_squeeze %dma_start3A_165 : memref<1x125x128xf32, #tpu.memory_space<vmem>> -> memref<125x128xf32, #tpu.memory_space<vmem>>
      %dma_start3A_167 = arith.constant 0 : i32
      %dma_start3A_168 = tpu.memref_slice %arg10[%dma_start3A_162, %dma_start3A_167] : memref<16x125xi32, #tpu.memory_space<vmem>> -> memref<1x125xi32, #tpu.memory_space<vmem>>
      %dma_start3A_169 = tpu.memref_squeeze %dma_start3A_168 : memref<1x125xi32, #tpu.memory_space<vmem>> -> memref<125xi32, #tpu.memory_space<vmem>>
      %dma_start3A_170 = arith.constant 0 : i32
      %dma_start3A_171 = arith.constant 0 : i32
      %dma_start3A_172 = tpu.memref_slice %arg14[%dma_start3A_170, %dma_start3A_171] : memref<10000x128xf32, #tpu.memory_space<vmem_shared>> -> memref<10000x128xf32, #tpu.memory_space<vmem_shared>>
      tpu.enqueue_indirect_dma source(%dma_start3A_166 : memref<125x128xf32, #tpu.memory_space<vmem>>) target(%dma_start3A_172 : memref<10000x128xf32, #tpu.memory_space<vmem_shared>>) offsets(%dma_start3A_169 : memref<125xi32, #tpu.memory_space<vmem>>) semaphore(%arg17 : memref<!tpu.dma_semaphore, #tpu.memory_space<semaphore_mem>>) {add = true}
      %dma_wait3A_173 = arith.constant 0 : i32
      %dma_wait3A_174 = arith.constant 0 : i32
      %dma_wait3A_175 = arith.constant 0 : i32
      %dma_wait3A_176 = arith.constant 0 : i32
      %dma_wait3A_177 = tpu.memref_slice %arg11[%dma_wait3A_173, %dma_wait3A_175, %dma_wait3A_176] : memref<2x125x128xf32, #tpu.memory_space<vmem>> -> memref<1x125x128xf32, #tpu.memory_space<vmem>>
      %dma_wait3A_178 = tpu.memref_squeeze %dma_wait3A_177 : memref<1x125x128xf32, #tpu.memory_space<vmem>> -> memref<125x128xf32, #tpu.memory_space<vmem>>
      %dma_wait3A_179 = arith.constant 0 : i32
      %dma_wait3A_180 = tpu.memref_slice %arg10[%dma_wait3A_174, %dma_wait3A_179] : memref<16x125xi32, #tpu.memory_space<vmem>> -> memref<1x125xi32, #tpu.memory_space<vmem>>
      %dma_wait3A_181 = tpu.memref_squeeze %dma_wait3A_180 : memref<1x125xi32, #tpu.memory_space<vmem>> -> memref<125xi32, #tpu.memory_space<vmem>>
      %dma_wait3A_182 = arith.constant 0 : i32
      %dma_wait3A_183 = arith.constant 0 : i32
      %dma_wait3A_184 = tpu.memref_slice %arg14[%dma_wait3A_182, %dma_wait3A_183] : memref<10000x128xf32, #tpu.memory_space<vmem_shared>> -> memref<10000x128xf32, #tpu.memory_space<vmem_shared>>
      tpu.wait_indirect_dma semaphore(%arg17 : memref<!tpu.dma_semaphore, #tpu.memory_space<semaphore_mem>>) src(%dma_wait3A_178 : memref<125x128xf32, #tpu.memory_space<vmem>>) dst(%dma_wait3A_184 : memref<10000x128xf32, #tpu.memory_space<vmem_shared>>)
      %dma_start3A_185 = arith.constant 2 : i32
      %dma_start3A_186 = arith.constant 0 : i32
      %dma_start3A_187 = arith.constant 0 : i32
      %dma_start3A_188 = arith.constant 0 : i32
      %dma_start3A_189 = tpu.memref_slice %arg11[%dma_start3A_186, %dma_start3A_187, %dma_start3A_188] : memref<2x125x128xf32, #tpu.memory_space<vmem>> -> memref<1x125x128xf32, #tpu.memory_space<vmem>>
      %dma_start3A_190 = tpu.memref_squeeze %dma_start3A_189 : memref<1x125x128xf32, #tpu.memory_space<vmem>> -> memref<125x128xf32, #tpu.memory_space<vmem>>
      %dma_start3A_191 = arith.constant 0 : i32
      %dma_start3A_192 = tpu.memref_slice %arg9[%dma_start3A_185, %dma_start3A_191] : memref<16x125xi32, #tpu.memory_space<vmem>> -> memref<1x125xi32, #tpu.memory_space<vmem>>
      %dma_start3A_193 = tpu.memref_squeeze %dma_start3A_192 : memref<1x125xi32, #tpu.memory_space<vmem>> -> memref<125xi32, #tpu.memory_space<vmem>>
      %dma_start3A_194 = arith.constant 0 : i32
      %dma_start3A_195 = arith.constant 0 : i32
      %dma_start3A_196 = tpu.memref_slice %arg2[%dma_start3A_194, %dma_start3A_195] : memref<10000x128xf32, #tpu.memory_space<hbm>> -> memref<10000x128xf32, #tpu.memory_space<hbm>>
      tpu.enqueue_indirect_dma source(%dma_start3A_196 : memref<10000x128xf32, #tpu.memory_space<hbm>>) target(%dma_start3A_190 : memref<125x128xf32, #tpu.memory_space<vmem>>) offsets(%dma_start3A_193 : memref<125xi32, #tpu.memory_space<vmem>>) semaphore(%arg15 : memref<!tpu.dma_semaphore, #tpu.memory_space<semaphore_mem>>)
      %dma_wait3A_197 = arith.constant 1 : i32
      %dma_wait3A_198 = arith.constant 1 : i32
      %dma_wait3A_199 = arith.constant 0 : i32
      %dma_wait3A_200 = arith.constant 0 : i32
      %dma_wait3A_201 = tpu.memref_slice %arg11[%dma_wait3A_198, %dma_wait3A_199, %dma_wait3A_200] : memref<2x125x128xf32, #tpu.memory_space<vmem>> -> memref<1x125x128xf32, #tpu.memory_space<vmem>>
      %dma_wait3A_202 = tpu.memref_squeeze %dma_wait3A_201 : memref<1x125x128xf32, #tpu.memory_space<vmem>> -> memref<125x128xf32, #tpu.memory_space<vmem>>
      %dma_wait3A_203 = arith.constant 0 : i32
      %dma_wait3A_204 = tpu.memref_slice %arg9[%dma_wait3A_197, %dma_wait3A_203] : memref<16x125xi32, #tpu.memory_space<vmem>> -> memref<1x125xi32, #tpu.memory_space<vmem>>
      %dma_wait3A_205 = tpu.memref_squeeze %dma_wait3A_204 : memref<1x125xi32, #tpu.memory_space<vmem>> -> memref<125xi32, #tpu.memory_space<vmem>>
      %dma_wait3A_206 = arith.constant 0 : i32
      %dma_wait3A_207 = arith.constant 0 : i32
      %dma_wait3A_208 = tpu.memref_slice %arg2[%dma_wait3A_206, %dma_wait3A_207] : memref<10000x128xf32, #tpu.memory_space<hbm>> -> memref<10000x128xf32, #tpu.memory_space<hbm>>
      tpu.wait_indirect_dma semaphore(%arg16 : memref<!tpu.dma_semaphore, #tpu.memory_space<semaphore_mem>>) src(%dma_wait3A_208 : memref<10000x128xf32, #tpu.memory_space<hbm>>) dst(%dma_wait3A_202 : memref<125x128xf32, #tpu.memory_space<vmem>>)
      %dma_start3A_209 = arith.constant 1 : i32
      %dma_start3A_210 = arith.constant 1 : i32
      %dma_start3A_211 = arith.constant 0 : i32
      %dma_start3A_212 = arith.constant 0 : i32
      %dma_start3A_213 = tpu.memref_slice %arg11[%dma_start3A_209, %dma_start3A_211, %dma_start3A_212] : memref<2x125x128xf32, #tpu.memory_space<vmem>> -> memref<1x125x128xf32, #tpu.memory_space<vmem>>
      %dma_start3A_214 = tpu.memref_squeeze %dma_start3A_213 : memref<1x125x128xf32, #tpu.memory_space<vmem>> -> memref<125x128xf32, #tpu.memory_space<vmem>>
      %dma_start3A_215 = arith.constant 0 : i32
      %dma_start3A_216 = tpu.memref_slice %arg10[%dma_start3A_210, %dma_start3A_215] : memref<16x125xi32, #tpu.memory_space<vmem>> -> memref<1x125xi32, #tpu.memory_space<vmem>>
      %dma_start3A_217 = tpu.memref_squeeze %dma_start3A_216 : memref<1x125xi32, #tpu.memory_space<vmem>> -> memref<125xi32, #tpu.memory_space<vmem>>
      %dma_start3A_218 = arith.constant 0 : i32
      %dma_start3A_219 = arith.constant 0 : i32
      %dma_start3A_220 = tpu.memref_slice %arg14[%dma_start3A_218, %dma_start3A_219] : memref<10000x128xf32, #tpu.memory_space<vmem_shared>> -> memref<10000x128xf32, #tpu.memory_space<vmem_shared>>
      tpu.enqueue_indirect_dma source(%dma_start3A_214 : memref<125x128xf32, #tpu.memory_space<vmem>>) target(%dma_start3A_220 : memref<10000x128xf32, #tpu.memory_space<vmem_shared>>) offsets(%dma_start3A_217 : memref<125xi32, #tpu.memory_space<vmem>>) semaphore(%arg18 : memref<!tpu.dma_semaphore, #tpu.memory_space<semaphore_mem>>) {add = true}
      %dma_wait3A_221 = arith.constant 1 : i32
      %dma_wait3A_222 = arith.constant 1 : i32
      %dma_wait3A_223 = arith.constant 0 : i32
      %dma_wait3A_224 = arith.constant 0 : i32
      %dma_wait3A_225 = tpu.memref_slice %arg11[%dma_wait3A_221, %dma_wait3A_223, %dma_wait3A_224] : memref<2x125x128xf32, #tpu.memory_space<vmem>> -> memref<1x125x128xf32, #tpu.memory_space<vmem>>
      %dma_wait3A_226 = tpu.memref_squeeze %dma_wait3A_225 : memref<1x125x128xf32, #tpu.memory_space<vmem>> -> memref<125x128xf32, #tpu.memory_space<vmem>>
      %dma_wait3A_227 = arith.constant 0 : i32
      %dma_wait3A_228 = tpu.memref_slice %arg10[%dma_wait3A_222, %dma_wait3A_227] : memref<16x125xi32, #tpu.memory_space<vmem>> -> memref<1x125xi32, #tpu.memory_space<vmem>>
      %dma_wait3A_229 = tpu.memref_squeeze %dma_wait3A_228 : memref<1x125xi32, #tpu.memory_space<vmem>> -> memref<125xi32, #tpu.memory_space<vmem>>
      %dma_wait3A_230 = arith.constant 0 : i32
      %dma_wait3A_231 = arith.constant 0 : i32
      %dma_wait3A_232 = tpu.memref_slice %arg14[%dma_wait3A_230, %dma_wait3A_231] : memref<10000x128xf32, #tpu.memory_space<vmem_shared>> -> memref<10000x128xf32, #tpu.memory_space<vmem_shared>>
      tpu.wait_indirect_dma semaphore(%arg18 : memref<!tpu.dma_semaphore, #tpu.memory_space<semaphore_mem>>) src(%dma_wait3A_226 : memref<125x128xf32, #tpu.memory_space<vmem>>) dst(%dma_wait3A_232 : memref<10000x128xf32, #tpu.memory_space<vmem_shared>>)
      %dma_start3A_233 = arith.constant 3 : i32
      %dma_start3A_234 = arith.constant 1 : i32
      %dma_start3A_235 = arith.constant 0 : i32
      %dma_start3A_236 = arith.constant 0 : i32
      %dma_start3A_237 = tpu.memref_slice %arg11[%dma_start3A_234, %dma_start3A_235, %dma_start3A_236] : memref<2x125x128xf32, #tpu.memory_space<vmem>> -> memref<1x125x128xf32, #tpu.memory_space<vmem>>
      %dma_start3A_238 = tpu.memref_squeeze %dma_start3A_237 : memref<1x125x128xf32, #tpu.memory_space<vmem>> -> memref<125x128xf32, #tpu.memory_space<vmem>>
      %dma_start3A_239 = arith.constant 0 : i32
      %dma_start3A_240 = tpu.memref_slice %arg9[%dma_start3A_233, %dma_start3A_239] : memref<16x125xi32, #tpu.memory_space<vmem>> -> memref<1x125xi32, #tpu.memory_space<vmem>>
      %dma_start3A_241 = tpu.memref_squeeze %dma_start3A_240 : memref<1x125xi32, #tpu.memory_space<vmem>> -> memref<125xi32, #tpu.memory_space<vmem>>
      %dma_start3A_242 = arith.constant 0 : i32
      %dma_start3A_243 = arith.constant 0 : i32
      %dma_start3A_244 = tpu.memref_slice %arg2[%dma_start3A_242, %dma_start3A_243] : memref<10000x128xf32, #tpu.memory_space<hbm>> -> memref<10000x128xf32, #tpu.memory_space<hbm>>
      tpu.enqueue_indirect_dma source(%dma_start3A_244 : memref<10000x128xf32, #tpu.memory_space<hbm>>) target(%dma_start3A_238 : memref<125x128xf32, #tpu.memory_space<vmem>>) offsets(%dma_start3A_241 : memref<125xi32, #tpu.memory_space<vmem>>) semaphore(%arg16 : memref<!tpu.dma_semaphore, #tpu.memory_space<semaphore_mem>>)
      %dma_wait3A_245 = arith.constant 2 : i32
      %dma_wait3A_246 = arith.constant 0 : i32
      %dma_wait3A_247 = arith.constant 0 : i32
      %dma_wait3A_248 = arith.constant 0 : i32
      %dma_wait3A_249 = tpu.memref_slice %arg11[%dma_wait3A_246, %dma_wait3A_247, %dma_wait3A_248] : memref<2x125x128xf32, #tpu.memory_space<vmem>> -> memref<1x125x128xf32, #tpu.memory_space<vmem>>
      %dma_wait3A_250 = tpu.memref_squeeze %dma_wait3A_249 : memref<1x125x128xf32, #tpu.memory_space<vmem>> -> memref<125x128xf32, #tpu.memory_space<vmem>>
      %dma_wait3A_251 = arith.constant 0 : i32
      %dma_wait3A_252 = tpu.memref_slice %arg9[%dma_wait3A_245, %dma_wait3A_251] : memref<16x125xi32, #tpu.memory_space<vmem>> -> memref<1x125xi32, #tpu.memory_space<vmem>>
      %dma_wait3A_253 = tpu.memref_squeeze %dma_wait3A_252 : memref<1x125xi32, #tpu.memory_space<vmem>> -> memref<125xi32, #tpu.memory_space<vmem>>
      %dma_wait3A_254 = arith.constant 0 : i32
      %dma_wait3A_255 = arith.constant 0 : i32
      %dma_wait3A_256 = tpu.memref_slice %arg2[%dma_wait3A_254, %dma_wait3A_255] : memref<10000x128xf32, #tpu.memory_space<hbm>> -> memref<10000x128xf32, #tpu.memory_space<hbm>>
      tpu.wait_indirect_dma semaphore(%arg15 : memref<!tpu.dma_semaphore, #tpu.memory_space<semaphore_mem>>) src(%dma_wait3A_256 : memref<10000x128xf32, #tpu.memory_space<hbm>>) dst(%dma_wait3A_250 : memref<125x128xf32, #tpu.memory_space<vmem>>)
      %dma_start3A_257 = arith.constant 0 : i32
      %dma_start3A_258 = arith.constant 2 : i32
      %dma_start3A_259 = arith.constant 0 : i32
      %dma_start3A_260 = arith.constant 0 : i32
      %dma_start3A_261 = tpu.memref_slice %arg11[%dma_start3A_257, %dma_start3A_259, %dma_start3A_260] : memref<2x125x128xf32, #tpu.memory_space<vmem>> -> memref<1x125x128xf32, #tpu.memory_space<vmem>>
      %dma_start3A_262 = tpu.memref_squeeze %dma_start3A_261 : memref<1x125x128xf32, #tpu.memory_space<vmem>> -> memref<125x128xf32, #tpu.memory_space<vmem>>
      %dma_start3A_263 = arith.constant 0 : i32
      %dma_start3A_264 = tpu.memref_slice %arg10[%dma_start3A_258, %dma_start3A_263] : memref<16x125xi32, #tpu.memory_space<vmem>> -> memref<1x125xi32, #tpu.memory_space<vmem>>
      %dma_start3A_265 = tpu.memref_squeeze %dma_start3A_264 : memref<1x125xi32, #tpu.memory_space<vmem>> -> memref<125xi32, #tpu.memory_space<vmem>>
      %dma_start3A_266 = arith.constant 0 : i32
      %dma_start3A_267 = arith.constant 0 : i32
      %dma_start3A_268 = tpu.memref_slice %arg14[%dma_start3A_266, %dma_start3A_267] : memref<10000x128xf32, #tpu.memory_space<vmem_shared>> -> memref<10000x128xf32, #tpu.memory_space<vmem_shared>>
      tpu.enqueue_indirect_dma source(%dma_start3A_262 : memref<125x128xf32, #tpu.memory_space<vmem>>) target(%dma_start3A_268 : memref<10000x128xf32, #tpu.memory_space<vmem_shared>>) offsets(%dma_start3A_265 : memref<125xi32, #tpu.memory_space<vmem>>) semaphore(%arg17 : memref<!tpu.dma_semaphore, #tpu.memory_space<semaphore_mem>>) {add = true}
      %dma_wait3A_269 = arith.constant 0 : i32
      %dma_wait3A_270 = arith.constant 2 : i32
      %dma_wait3A_271 = arith.constant 0 : i32
      %dma_wait3A_272 = arith.constant 0 : i32
      %dma_wait3A_273 = tpu.memref_slice %arg11[%dma_wait3A_269, %dma_wait3A_271, %dma_wait3A_272] : memref<2x125x128xf32, #tpu.memory_space<vmem>> -> memref<1x125x128xf32, #tpu.memory_space<vmem>>
      %dma_wait3A_274 = tpu.memref_squeeze %dma_wait3A_273 : memref<1x125x128xf32, #tpu.memory_space<vmem>> -> memref<125x128xf32, #tpu.memory_space<vmem>>
      %dma_wait3A_275 = arith.constant 0 : i32
      %dma_wait3A_276 = tpu.memref_slice %arg10[%dma_wait3A_270, %dma_wait3A_275] : memref<16x125xi32, #tpu.memory_space<vmem>> -> memref<1x125xi32, #tpu.memory_space<vmem>>
      %dma_wait3A_277 = tpu.memref_squeeze %dma_wait3A_276 : memref<1x125xi32, #tpu.memory_space<vmem>> -> memref<125xi32, #tpu.memory_space<vmem>>
      %dma_wait3A_278 = arith.constant 0 : i32
      %dma_wait3A_279 = arith.constant 0 : i32
      %dma_wait3A_280 = tpu.memref_slice %arg14[%dma_wait3A_278, %dma_wait3A_279] : memref<10000x128xf32, #tpu.memory_space<vmem_shared>> -> memref<10000x128xf32, #tpu.memory_space<vmem_shared>>
      tpu.wait_indirect_dma semaphore(%arg17 : memref<!tpu.dma_semaphore, #tpu.memory_space<semaphore_mem>>) src(%dma_wait3A_274 : memref<125x128xf32, #tpu.memory_space<vmem>>) dst(%dma_wait3A_280 : memref<10000x128xf32, #tpu.memory_space<vmem_shared>>)
      %dma_start3A_281 = arith.constant 4 : i32
      %dma_start3A_282 = arith.constant 0 : i32
      %dma_start3A_283 = arith.constant 0 : i32
      %dma_start3A_284 = arith.constant 0 : i32
      %dma_start3A_285 = tpu.memref_slice %arg11[%dma_start3A_282, %dma_start3A_283, %dma_start3A_284] : memref<2x125x128xf32, #tpu.memory_space<vmem>> -> memref<1x125x128xf32, #tpu.memory_space<vmem>>
      %dma_start3A_286 = tpu.memref_squeeze %dma_start3A_285 : memref<1x125x128xf32, #tpu.memory_space<vmem>> -> memref<125x128xf32, #tpu.memory_space<vmem>>
      %dma_start3A_287 = arith.constant 0 : i32
      %dma_start3A_288 = tpu.memref_slice %arg9[%dma_start3A_281, %dma_start3A_287] : memref<16x125xi32, #tpu.memory_space<vmem>> -> memref<1x125xi32, #tpu.memory_space<vmem>>
      %dma_start3A_289 = tpu.memref_squeeze %dma_start3A_288 : memref<1x125xi32, #tpu.memory_space<vmem>> -> memref<125xi32, #tpu.memory_space<vmem>>
      %dma_start3A_290 = arith.constant 0 : i32
      %dma_start3A_291 = arith.constant 0 : i32
      %dma_start3A_292 = tpu.memref_slice %arg2[%dma_start3A_290, %dma_start3A_291] : memref<10000x128xf32, #tpu.memory_space<hbm>> -> memref<10000x128xf32, #tpu.memory_space<hbm>>
      tpu.enqueue_indirect_dma source(%dma_start3A_292 : memref<10000x128xf32, #tpu.memory_space<hbm>>) target(%dma_start3A_286 : memref<125x128xf32, #tpu.memory_space<vmem>>) offsets(%dma_start3A_289 : memref<125xi32, #tpu.memory_space<vmem>>) semaphore(%arg15 : memref<!tpu.dma_semaphore, #tpu.memory_space<semaphore_mem>>)
      %dma_wait3A_293 = arith.constant 3 : i32
      %dma_wait3A_294 = arith.constant 1 : i32
      %dma_wait3A_295 = arith.constant 0 : i32
      %dma_wait3A_296 = arith.constant 0 : i32
      %dma_wait3A_297 = tpu.memref_slice %arg11[%dma_wait3A_294, %dma_wait3A_295, %dma_wait3A_296] : memref<2x125x128xf32, #tpu.memory_space<vmem>> -> memref<1x125x128xf32, #tpu.memory_space<vmem>>
      %dma_wait3A_298 = tpu.memref_squeeze %dma_wait3A_297 : memref<1x125x128xf32, #tpu.memory_space<vmem>> -> memref<125x128xf32, #tpu.memory_space<vmem>>
      %dma_wait3A_299 = arith.constant 0 : i32
      %dma_wait3A_300 = tpu.memref_slice %arg9[%dma_wait3A_293, %dma_wait3A_299] : memref<16x125xi32, #tpu.memory_space<vmem>> -> memref<1x125xi32, #tpu.memory_space<vmem>>
      %dma_wait3A_301 = tpu.memref_squeeze %dma_wait3A_300 : memref<1x125xi32, #tpu.memory_space<vmem>> -> memref<125xi32, #tpu.memory_space<vmem>>
      %dma_wait3A_302 = arith.constant 0 : i32
      %dma_wait3A_303 = arith.constant 0 : i32
      %dma_wait3A_304 = tpu.memref_slice %arg2[%dma_wait3A_302, %dma_wait3A_303] : memref<10000x128xf32, #tpu.memory_space<hbm>> -> memref<10000x128xf32, #tpu.memory_space<hbm>>
      tpu.wait_indirect_dma semaphore(%arg16 : memref<!tpu.dma_semaphore, #tpu.memory_space<semaphore_mem>>) src(%dma_wait3A_304 : memref<10000x128xf32, #tpu.memory_space<hbm>>) dst(%dma_wait3A_298 : memref<125x128xf32, #tpu.memory_space<vmem>>)
      %dma_start3A_305 = arith.constant 1 : i32
      %dma_start3A_306 = arith.constant 3 : i32
      %dma_start3A_307 = arith.constant 0 : i32
      %dma_start3A_308 = arith.constant 0 : i32
      %dma_start3A_309 = tpu.memref_slice %arg11[%dma_start3A_305, %dma_start3A_307, %dma_start3A_308] : memref<2x125x128xf32, #tpu.memory_space<vmem>> -> memref<1x125x128xf32, #tpu.memory_space<vmem>>
      %dma_start3A_310 = tpu.memref_squeeze %dma_start3A_309 : memref<1x125x128xf32, #tpu.memory_space<vmem>> -> memref<125x128xf32, #tpu.memory_space<vmem>>
      %dma_start3A_311 = arith.constant 0 : i32
      %dma_start3A_312 = tpu.memref_slice %arg10[%dma_start3A_306, %dma_start3A_311] : memref<16x125xi32, #tpu.memory_space<vmem>> -> memref<1x125xi32, #tpu.memory_space<vmem>>
      %dma_start3A_313 = tpu.memref_squeeze %dma_start3A_312 : memref<1x125xi32, #tpu.memory_space<vmem>> -> memref<125xi32, #tpu.memory_space<vmem>>
      %dma_start3A_314 = arith.constant 0 : i32
      %dma_start3A_315 = arith.constant 0 : i32
      %dma_start3A_316 = tpu.memref_slice %arg14[%dma_start3A_314, %dma_start3A_315] : memref<10000x128xf32, #tpu.memory_space<vmem_shared>> -> memref<10000x128xf32, #tpu.memory_space<vmem_shared>>
      tpu.enqueue_indirect_dma source(%dma_start3A_310 : memref<125x128xf32, #tpu.memory_space<vmem>>) target(%dma_start3A_316 : memref<10000x128xf32, #tpu.memory_space<vmem_shared>>) offsets(%dma_start3A_313 : memref<125xi32, #tpu.memory_space<vmem>>) semaphore(%arg18 : memref<!tpu.dma_semaphore, #tpu.memory_space<semaphore_mem>>) {add = true}
      %dma_wait3A_317 = arith.constant 1 : i32
      %dma_wait3A_318 = arith.constant 3 : i32
      %dma_wait3A_319 = arith.constant 0 : i32
      %dma_wait3A_320 = arith.constant 0 : i32
      %dma_wait3A_321 = tpu.memref_slice %arg11[%dma_wait3A_317, %dma_wait3A_319, %dma_wait3A_320] : memref<2x125x128xf32, #tpu.memory_space<vmem>> -> memref<1x125x128xf32, #tpu.memory_space<vmem>>
      %dma_wait3A_322 = tpu.memref_squeeze %dma_wait3A_321 : memref<1x125x128xf32, #tpu.memory_space<vmem>> -> memref<125x128xf32, #tpu.memory_space<vmem>>
      %dma_wait3A_323 = arith.constant 0 : i32
      %dma_wait3A_324 = tpu.memref_slice %arg10[%dma_wait3A_318, %dma_wait3A_323] : memref<16x125xi32, #tpu.memory_space<vmem>> -> memref<1x125xi32, #tpu.memory_space<vmem>>
      %dma_wait3A_325 = tpu.memref_squeeze %dma_wait3A_324 : memref<1x125xi32, #tpu.memory_space<vmem>> -> memref<125xi32, #tpu.memory_space<vmem>>
      %dma_wait3A_326 = arith.constant 0 : i32
      %dma_wait3A_327 = arith.constant 0 : i32
      %dma_wait3A_328 = tpu.memref_slice %arg14[%dma_wait3A_326, %dma_wait3A_327] : memref<10000x128xf32, #tpu.memory_space<vmem_shared>> -> memref<10000x128xf32, #tpu.memory_space<vmem_shared>>
      tpu.wait_indirect_dma semaphore(%arg18 : memref<!tpu.dma_semaphore, #tpu.memory_space<semaphore_mem>>) src(%dma_wait3A_322 : memref<125x128xf32, #tpu.memory_space<vmem>>) dst(%dma_wait3A_328 : memref<10000x128xf32, #tpu.memory_space<vmem_shared>>)
      %dma_start3A_329 = arith.constant 5 : i32
      %dma_start3A_330 = arith.constant 1 : i32
      %dma_start3A_331 = arith.constant 0 : i32
      %dma_start3A_332 = arith.constant 0 : i32
      %dma_start3A_333 = tpu.memref_slice %arg11[%dma_start3A_330, %dma_start3A_331, %dma_start3A_332] : memref<2x125x128xf32, #tpu.memory_space<vmem>> -> memref<1x125x128xf32, #tpu.memory_space<vmem>>
      %dma_start3A_334 = tpu.memref_squeeze %dma_start3A_333 : memref<1x125x128xf32, #tpu.memory_space<vmem>> -> memref<125x128xf32, #tpu.memory_space<vmem>>
      %dma_start3A_335 = arith.constant 0 : i32
      %dma_start3A_336 = tpu.memref_slice %arg9[%dma_start3A_329, %dma_start3A_335] : memref<16x125xi32, #tpu.memory_space<vmem>> -> memref<1x125xi32, #tpu.memory_space<vmem>>
      %dma_start3A_337 = tpu.memref_squeeze %dma_start3A_336 : memref<1x125xi32, #tpu.memory_space<vmem>> -> memref<125xi32, #tpu.memory_space<vmem>>
      %dma_start3A_338 = arith.constant 0 : i32
      %dma_start3A_339 = arith.constant 0 : i32
      %dma_start3A_340 = tpu.memref_slice %arg2[%dma_start3A_338, %dma_start3A_339] : memref<10000x128xf32, #tpu.memory_space<hbm>> -> memref<10000x128xf32, #tpu.memory_space<hbm>>
      tpu.enqueue_indirect_dma source(%dma_start3A_340 : memref<10000x128xf32, #tpu.memory_space<hbm>>) target(%dma_start3A_334 : memref<125x128xf32, #tpu.memory_space<vmem>>) offsets(%dma_start3A_337 : memref<125xi32, #tpu.memory_space<vmem>>) semaphore(%arg16 : memref<!tpu.dma_semaphore, #tpu.memory_space<semaphore_mem>>)
      %dma_wait3A_341 = arith.constant 4 : i32
      %dma_wait3A_342 = arith.constant 0 : i32
      %dma_wait3A_343 = arith.constant 0 : i32
      %dma_wait3A_344 = arith.constant 0 : i32
      %dma_wait3A_345 = tpu.memref_slice %arg11[%dma_wait3A_342, %dma_wait3A_343, %dma_wait3A_344] : memref<2x125x128xf32, #tpu.memory_space<vmem>> -> memref<1x125x128xf32, #tpu.memory_space<vmem>>
      %dma_wait3A_346 = tpu.memref_squeeze %dma_wait3A_345 : memref<1x125x128xf32, #tpu.memory_space<vmem>> -> memref<125x128xf32, #tpu.memory_space<vmem>>
      %dma_wait3A_347 = arith.constant 0 : i32
      %dma_wait3A_348 = tpu.memref_slice %arg9[%dma_wait3A_341, %dma_wait3A_347] : memref<16x125xi32, #tpu.memory_space<vmem>> -> memref<1x125xi32, #tpu.memory_space<vmem>>
      %dma_wait3A_349 = tpu.memref_squeeze %dma_wait3A_348 : memref<1x125xi32, #tpu.memory_space<vmem>> -> memref<125xi32, #tpu.memory_space<vmem>>
      %dma_wait3A_350 = arith.constant 0 : i32
      %dma_wait3A_351 = arith.constant 0 : i32
      %dma_wait3A_352 = tpu.memref_slice %arg2[%dma_wait3A_350, %dma_wait3A_351] : memref<10000x128xf32, #tpu.memory_space<hbm>> -> memref<10000x128xf32, #tpu.memory_space<hbm>>
      tpu.wait_indirect_dma semaphore(%arg15 : memref<!tpu.dma_semaphore, #tpu.memory_space<semaphore_mem>>) src(%dma_wait3A_352 : memref<10000x128xf32, #tpu.memory_space<hbm>>) dst(%dma_wait3A_346 : memref<125x128xf32, #tpu.memory_space<vmem>>)
      %dma_start3A_353 = arith.constant 0 : i32
      %dma_start3A_354 = arith.constant 4 : i32
      %dma_start3A_355 = arith.constant 0 : i32
      %dma_start3A_356 = arith.constant 0 : i32
      %dma_start3A_357 = tpu.memref_slice %arg11[%dma_start3A_353, %dma_start3A_355, %dma_start3A_356] : memref<2x125x128xf32, #tpu.memory_space<vmem>> -> memref<1x125x128xf32, #tpu.memory_space<vmem>>
      %dma_start3A_358 = tpu.memref_squeeze %dma_start3A_357 : memref<1x125x128xf32, #tpu.memory_space<vmem>> -> memref<125x128xf32, #tpu.memory_space<vmem>>
      %dma_start3A_359 = arith.constant 0 : i32
      %dma_start3A_360 = tpu.memref_slice %arg10[%dma_start3A_354, %dma_start3A_359] : memref<16x125xi32, #tpu.memory_space<vmem>> -> memref<1x125xi32, #tpu.memory_space<vmem>>
      %dma_start3A_361 = tpu.memref_squeeze %dma_start3A_360 : memref<1x125xi32, #tpu.memory_space<vmem>> -> memref<125xi32, #tpu.memory_space<vmem>>
      %dma_start3A_362 = arith.constant 0 : i32
      %dma_start3A_363 = arith.constant 0 : i32
      %dma_start3A_364 = tpu.memref_slice %arg14[%dma_start3A_362, %dma_start3A_363] : memref<10000x128xf32, #tpu.memory_space<vmem_shared>> -> memref<10000x128xf32, #tpu.memory_space<vmem_shared>>
      tpu.enqueue_indirect_dma source(%dma_start3A_358 : memref<125x128xf32, #tpu.memory_space<vmem>>) target(%dma_start3A_364 : memref<10000x128xf32, #tpu.memory_space<vmem_shared>>) offsets(%dma_start3A_361 : memref<125xi32, #tpu.memory_space<vmem>>) semaphore(%arg17 : memref<!tpu.dma_semaphore, #tpu.memory_space<semaphore_mem>>) {add = true}
      %dma_wait3A_365 = arith.constant 0 : i32
      %dma_wait3A_366 = arith.constant 4 : i32
      %dma_wait3A_367 = arith.constant 0 : i32
      %dma_wait3A_368 = arith.constant 0 : i32
      %dma_wait3A_369 = tpu.memref_slice %arg11[%dma_wait3A_365, %dma_wait3A_367, %dma_wait3A_368] : memref<2x125x128xf32, #tpu.memory_space<vmem>> -> memref<1x125x128xf32, #tpu.memory_space<vmem>>
      %dma_wait3A_370 = tpu.memref_squeeze %dma_wait3A_369 : memref<1x125x128xf32, #tpu.memory_space<vmem>> -> memref<125x128xf32, #tpu.memory_space<vmem>>
      %dma_wait3A_371 = arith.constant 0 : i32
      %dma_wait3A_372 = tpu.memref_slice %arg10[%dma_wait3A_366, %dma_wait3A_371] : memref<16x125xi32, #tpu.memory_space<vmem>> -> memref<1x125xi32, #tpu.memory_space<vmem>>
      %dma_wait3A_373 = tpu.memref_squeeze %dma_wait3A_372 : memref<1x125xi32, #tpu.memory_space<vmem>> -> memref<125xi32, #tpu.memory_space<vmem>>
      %dma_wait3A_374 = arith.constant 0 : i32
      %dma_wait3A_375 = arith.constant 0 : i32
      %dma_wait3A_376 = tpu.memref_slice %arg14[%dma_wait3A_374, %dma_wait3A_375] : memref<10000x128xf32, #tpu.memory_space<vmem_shared>> -> memref<10000x128xf32, #tpu.memory_space<vmem_shared>>
      tpu.wait_indirect_dma semaphore(%arg17 : memref<!tpu.dma_semaphore, #tpu.memory_space<semaphore_mem>>) src(%dma_wait3A_370 : memref<125x128xf32, #tpu.memory_space<vmem>>) dst(%dma_wait3A_376 : memref<10000x128xf32, #tpu.memory_space<vmem_shared>>)
      %dma_start3A_377 = arith.constant 6 : i32
      %dma_start3A_378 = arith.constant 0 : i32
      %dma_start3A_379 = arith.constant 0 : i32
      %dma_start3A_380 = arith.constant 0 : i32
      %dma_start3A_381 = tpu.memref_slice %arg11[%dma_start3A_378, %dma_start3A_379, %dma_start3A_380] : memref<2x125x128xf32, #tpu.memory_space<vmem>> -> memref<1x125x128xf32, #tpu.memory_space<vmem>>
      %dma_start3A_382 = tpu.memref_squeeze %dma_start3A_381 : memref<1x125x128xf32, #tpu.memory_space<vmem>> -> memref<125x128xf32, #tpu.memory_space<vmem>>
      %dma_start3A_383 = arith.constant 0 : i32
      %dma_start3A_384 = tpu.memref_slice %arg9[%dma_start3A_377, %dma_start3A_383] : memref<16x125xi32, #tpu.memory_space<vmem>> -> memref<1x125xi32, #tpu.memory_space<vmem>>
      %dma_start3A_385 = tpu.memref_squeeze %dma_start3A_384 : memref<1x125xi32, #tpu.memory_space<vmem>> -> memref<125xi32, #tpu.memory_space<vmem>>
      %dma_start3A_386 = arith.constant 0 : i32
      %dma_start3A_387 = arith.constant 0 : i32
      %dma_start3A_388 = tpu.memref_slice %arg2[%dma_start3A_386, %dma_start3A_387] : memref<10000x128xf32, #tpu.memory_space<hbm>> -> memref<10000x128xf32, #tpu.memory_space<hbm>>
      tpu.enqueue_indirect_dma source(%dma_start3A_388 : memref<10000x128xf32, #tpu.memory_space<hbm>>) target(%dma_start3A_382 : memref<125x128xf32, #tpu.memory_space<vmem>>) offsets(%dma_start3A_385 : memref<125xi32, #tpu.memory_space<vmem>>) semaphore(%arg15 : memref<!tpu.dma_semaphore, #tpu.memory_space<semaphore_mem>>)
      %dma_wait3A_389 = arith.constant 5 : i32
      %dma_wait3A_390 = arith.constant 1 : i32
      %dma_wait3A_391 = arith.constant 0 : i32
      %dma_wait3A_392 = arith.constant 0 : i32
      %dma_wait3A_393 = tpu.memref_slice %arg11[%dma_wait3A_390, %dma_wait3A_391, %dma_wait3A_392] : memref<2x125x128xf32, #tpu.memory_space<vmem>> -> memref<1x125x128xf32, #tpu.memory_space<vmem>>
      %dma_wait3A_394 = tpu.memref_squeeze %dma_wait3A_393 : memref<1x125x128xf32, #tpu.memory_space<vmem>> -> memref<125x128xf32, #tpu.memory_space<vmem>>
      %dma_wait3A_395 = arith.constant 0 : i32
      %dma_wait3A_396 = tpu.memref_slice %arg9[%dma_wait3A_389, %dma_wait3A_395] : memref<16x125xi32, #tpu.memory_space<vmem>> -> memref<1x125xi32, #tpu.memory_space<vmem>>
      %dma_wait3A_397 = tpu.memref_squeeze %dma_wait3A_396 : memref<1x125xi32, #tpu.memory_space<vmem>> -> memref<125xi32, #tpu.memory_space<vmem>>
      %dma_wait3A_398 = arith.constant 0 : i32
      %dma_wait3A_399 = arith.constant 0 : i32
      %dma_wait3A_400 = tpu.memref_slice %arg2[%dma_wait3A_398, %dma_wait3A_399] : memref<10000x128xf32, #tpu.memory_space<hbm>> -> memref<10000x128xf32, #tpu.memory_space<hbm>>
      tpu.wait_indirect_dma semaphore(%arg16 : memref<!tpu.dma_semaphore, #tpu.memory_space<semaphore_mem>>) src(%dma_wait3A_400 : memref<10000x128xf32, #tpu.memory_space<hbm>>) dst(%dma_wait3A_394 : memref<125x128xf32, #tpu.memory_space<vmem>>)
      %dma_start3A_401 = arith.constant 1 : i32
      %dma_start3A_402 = arith.constant 5 : i32
      %dma_start3A_403 = arith.constant 0 : i32
      %dma_start3A_404 = arith.constant 0 : i32
      %dma_start3A_405 = tpu.memref_slice %arg11[%dma_start3A_401, %dma_start3A_403, %dma_start3A_404] : memref<2x125x128xf32, #tpu.memory_space<vmem>> -> memref<1x125x128xf32, #tpu.memory_space<vmem>>
      %dma_start3A_406 = tpu.memref_squeeze %dma_start3A_405 : memref<1x125x128xf32, #tpu.memory_space<vmem>> -> memref<125x128xf32, #tpu.memory_space<vmem>>
      %dma_start3A_407 = arith.constant 0 : i32
      %dma_start3A_408 = tpu.memref_slice %arg10[%dma_start3A_402, %dma_start3A_407] : memref<16x125xi32, #tpu.memory_space<vmem>> -> memref<1x125xi32, #tpu.memory_space<vmem>>
      %dma_start3A_409 = tpu.memref_squeeze %dma_start3A_408 : memref<1x125xi32, #tpu.memory_space<vmem>> -> memref<125xi32, #tpu.memory_space<vmem>>
      %dma_start3A_410 = arith.constant 0 : i32
      %dma_start3A_411 = arith.constant 0 : i32
      %dma_start3A_412 = tpu.memref_slice %arg14[%dma_start3A_410, %dma_start3A_411] : memref<10000x128xf32, #tpu.memory_space<vmem_shared>> -> memref<10000x128xf32, #tpu.memory_space<vmem_shared>>
      tpu.enqueue_indirect_dma source(%dma_start3A_406 : memref<125x128xf32, #tpu.memory_space<vmem>>) target(%dma_start3A_412 : memref<10000x128xf32, #tpu.memory_space<vmem_shared>>) offsets(%dma_start3A_409 : memref<125xi32, #tpu.memory_space<vmem>>) semaphore(%arg18 : memref<!tpu.dma_semaphore, #tpu.memory_space<semaphore_mem>>) {add = true}
      %dma_wait3A_413 = arith.constant 1 : i32
      %dma_wait3A_414 = arith.constant 5 : i32
      %dma_wait3A_415 = arith.constant 0 : i32
      %dma_wait3A_416 = arith.constant 0 : i32
      %dma_wait3A_417 = tpu.memref_slice %arg11[%dma_wait3A_413, %dma_wait3A_415, %dma_wait3A_416] : memref<2x125x128xf32, #tpu.memory_space<vmem>> -> memref<1x125x128xf32, #tpu.memory_space<vmem>>
      %dma_wait3A_418 = tpu.memref_squeeze %dma_wait3A_417 : memref<1x125x128xf32, #tpu.memory_space<vmem>> -> memref<125x128xf32, #tpu.memory_space<vmem>>
      %dma_wait3A_419 = arith.constant 0 : i32
      %dma_wait3A_420 = tpu.memref_slice %arg10[%dma_wait3A_414, %dma_wait3A_419] : memref<16x125xi32, #tpu.memory_space<vmem>> -> memref<1x125xi32, #tpu.memory_space<vmem>>
      %dma_wait3A_421 = tpu.memref_squeeze %dma_wait3A_420 : memref<1x125xi32, #tpu.memory_space<vmem>> -> memref<125xi32, #tpu.memory_space<vmem>>
      %dma_wait3A_422 = arith.constant 0 : i32
      %dma_wait3A_423 = arith.constant 0 : i32
      %dma_wait3A_424 = tpu.memref_slice %arg14[%dma_wait3A_422, %dma_wait3A_423] : memref<10000x128xf32, #tpu.memory_space<vmem_shared>> -> memref<10000x128xf32, #tpu.memory_space<vmem_shared>>
      tpu.wait_indirect_dma semaphore(%arg18 : memref<!tpu.dma_semaphore, #tpu.memory_space<semaphore_mem>>) src(%dma_wait3A_418 : memref<125x128xf32, #tpu.memory_space<vmem>>) dst(%dma_wait3A_424 : memref<10000x128xf32, #tpu.memory_space<vmem_shared>>)
      %dma_start3A_425 = arith.constant 7 : i32
      %dma_start3A_426 = arith.constant 1 : i32
      %dma_start3A_427 = arith.constant 0 : i32
      %dma_start3A_428 = arith.constant 0 : i32
      %dma_start3A_429 = tpu.memref_slice %arg11[%dma_start3A_426, %dma_start3A_427, %dma_start3A_428] : memref<2x125x128xf32, #tpu.memory_space<vmem>> -> memref<1x125x128xf32, #tpu.memory_space<vmem>>
      %dma_start3A_430 = tpu.memref_squeeze %dma_start3A_429 : memref<1x125x128xf32, #tpu.memory_space<vmem>> -> memref<125x128xf32, #tpu.memory_space<vmem>>
      %dma_start3A_431 = arith.constant 0 : i32
      %dma_start3A_432 = tpu.memref_slice %arg9[%dma_start3A_425, %dma_start3A_431] : memref<16x125xi32, #tpu.memory_space<vmem>> -> memref<1x125xi32, #tpu.memory_space<vmem>>
      %dma_start3A_433 = tpu.memref_squeeze %dma_start3A_432 : memref<1x125xi32, #tpu.memory_space<vmem>> -> memref<125xi32, #tpu.memory_space<vmem>>
      %dma_start3A_434 = arith.constant 0 : i32
      %dma_start3A_435 = arith.constant 0 : i32
      %dma_start3A_436 = tpu.memref_slice %arg2[%dma_start3A_434, %dma_start3A_435] : memref<10000x128xf32, #tpu.memory_space<hbm>> -> memref<10000x128xf32, #tpu.memory_space<hbm>>
      tpu.enqueue_indirect_dma source(%dma_start3A_436 : memref<10000x128xf32, #tpu.memory_space<hbm>>) target(%dma_start3A_430 : memref<125x128xf32, #tpu.memory_space<vmem>>) offsets(%dma_start3A_433 : memref<125xi32, #tpu.memory_space<vmem>>) semaphore(%arg16 : memref<!tpu.dma_semaphore, #tpu.memory_space<semaphore_mem>>)
      %dma_wait3A_437 = arith.constant 6 : i32
      %dma_wait3A_438 = arith.constant 0 : i32
      %dma_wait3A_439 = arith.constant 0 : i32
      %dma_wait3A_440 = arith.constant 0 : i32
      %dma_wait3A_441 = tpu.memref_slice %arg11[%dma_wait3A_438, %dma_wait3A_439, %dma_wait3A_440] : memref<2x125x128xf32, #tpu.memory_space<vmem>> -> memref<1x125x128xf32, #tpu.memory_space<vmem>>
      %dma_wait3A_442 = tpu.memref_squeeze %dma_wait3A_441 : memref<1x125x128xf32, #tpu.memory_space<vmem>> -> memref<125x128xf32, #tpu.memory_space<vmem>>
      %dma_wait3A_443 = arith.constant 0 : i32
      %dma_wait3A_444 = tpu.memref_slice %arg9[%dma_wait3A_437, %dma_wait3A_443] : memref<16x125xi32, #tpu.memory_space<vmem>> -> memref<1x125xi32, #tpu.memory_space<vmem>>
      %dma_wait3A_445 = tpu.memref_squeeze %dma_wait3A_444 : memref<1x125xi32, #tpu.memory_space<vmem>> -> memref<125xi32, #tpu.memory_space<vmem>>
      %dma_wait3A_446 = arith.constant 0 : i32
      %dma_wait3A_447 = arith.constant 0 : i32
      %dma_wait3A_448 = tpu.memref_slice %arg2[%dma_wait3A_446, %dma_wait3A_447] : memref<10000x128xf32, #tpu.memory_space<hbm>> -> memref<10000x128xf32, #tpu.memory_space<hbm>>
      tpu.wait_indirect_dma semaphore(%arg15 : memref<!tpu.dma_semaphore, #tpu.memory_space<semaphore_mem>>) src(%dma_wait3A_448 : memref<10000x128xf32, #tpu.memory_space<hbm>>) dst(%dma_wait3A_442 : memref<125x128xf32, #tpu.memory_space<vmem>>)
      %dma_start3A_449 = arith.constant 0 : i32
      %dma_start3A_450 = arith.constant 6 : i32
      %dma_start3A_451 = arith.constant 0 : i32
      %dma_start3A_452 = arith.constant 0 : i32
      %dma_start3A_453 = tpu.memref_slice %arg11[%dma_start3A_449, %dma_start3A_451, %dma_start3A_452] : memref<2x125x128xf32, #tpu.memory_space<vmem>> -> memref<1x125x128xf32, #tpu.memory_space<vmem>>
      %dma_start3A_454 = tpu.memref_squeeze %dma_start3A_453 : memref<1x125x128xf32, #tpu.memory_space<vmem>> -> memref<125x128xf32, #tpu.memory_space<vmem>>
      %dma_start3A_455 = arith.constant 0 : i32
      %dma_start3A_456 = tpu.memref_slice %arg10[%dma_start3A_450, %dma_start3A_455] : memref<16x125xi32, #tpu.memory_space<vmem>> -> memref<1x125xi32, #tpu.memory_space<vmem>>
      %dma_start3A_457 = tpu.memref_squeeze %dma_start3A_456 : memref<1x125xi32, #tpu.memory_space<vmem>> -> memref<125xi32, #tpu.memory_space<vmem>>
      %dma_start3A_458 = arith.constant 0 : i32
      %dma_start3A_459 = arith.constant 0 : i32
      %dma_start3A_460 = tpu.memref_slice %arg14[%dma_start3A_458, %dma_start3A_459] : memref<10000x128xf32, #tpu.memory_space<vmem_shared>> -> memref<10000x128xf32, #tpu.memory_space<vmem_shared>>
      tpu.enqueue_indirect_dma source(%dma_start3A_454 : memref<125x128xf32, #tpu.memory_space<vmem>>) target(%dma_start3A_460 : memref<10000x128xf32, #tpu.memory_space<vmem_shared>>) offsets(%dma_start3A_457 : memref<125xi32, #tpu.memory_space<vmem>>) semaphore(%arg17 : memref<!tpu.dma_semaphore, #tpu.memory_space<semaphore_mem>>) {add = true}
      %dma_wait3A_461 = arith.constant 0 : i32
      %dma_wait3A_462 = arith.constant 6 : i32
      %dma_wait3A_463 = arith.constant 0 : i32
      %dma_wait3A_464 = arith.constant 0 : i32
      %dma_wait3A_465 = tpu.memref_slice %arg11[%dma_wait3A_461, %dma_wait3A_463, %dma_wait3A_464] : memref<2x125x128xf32, #tpu.memory_space<vmem>> -> memref<1x125x128xf32, #tpu.memory_space<vmem>>
      %dma_wait3A_466 = tpu.memref_squeeze %dma_wait3A_465 : memref<1x125x128xf32, #tpu.memory_space<vmem>> -> memref<125x128xf32, #tpu.memory_space<vmem>>
      %dma_wait3A_467 = arith.constant 0 : i32
      %dma_wait3A_468 = tpu.memref_slice %arg10[%dma_wait3A_462, %dma_wait3A_467] : memref<16x125xi32, #tpu.memory_space<vmem>> -> memref<1x125xi32, #tpu.memory_space<vmem>>
      %dma_wait3A_469 = tpu.memref_squeeze %dma_wait3A_468 : memref<1x125xi32, #tpu.memory_space<vmem>> -> memref<125xi32, #tpu.memory_space<vmem>>
      %dma_wait3A_470 = arith.constant 0 : i32
      %dma_wait3A_471 = arith.constant 0 : i32
      %dma_wait3A_472 = tpu.memref_slice %arg14[%dma_wait3A_470, %dma_wait3A_471] : memref<10000x128xf32, #tpu.memory_space<vmem_shared>> -> memref<10000x128xf32, #tpu.memory_space<vmem_shared>>
      tpu.wait_indirect_dma semaphore(%arg17 : memref<!tpu.dma_semaphore, #tpu.memory_space<semaphore_mem>>) src(%dma_wait3A_466 : memref<125x128xf32, #tpu.memory_space<vmem>>) dst(%dma_wait3A_472 : memref<10000x128xf32, #tpu.memory_space<vmem_shared>>)
      %dma_start3A_473 = arith.constant 8 : i32
      %dma_start3A_474 = arith.constant 0 : i32
      %dma_start3A_475 = arith.constant 0 : i32
      %dma_start3A_476 = arith.constant 0 : i32
      %dma_start3A_477 = tpu.memref_slice %arg11[%dma_start3A_474, %dma_start3A_475, %dma_start3A_476] : memref<2x125x128xf32, #tpu.memory_space<vmem>> -> memref<1x125x128xf32, #tpu.memory_space<vmem>>
      %dma_start3A_478 = tpu.memref_squeeze %dma_start3A_477 : memref<1x125x128xf32, #tpu.memory_space<vmem>> -> memref<125x128xf32, #tpu.memory_space<vmem>>
      %dma_start3A_479 = arith.constant 0 : i32
      %dma_start3A_480 = tpu.memref_slice %arg9[%dma_start3A_473, %dma_start3A_479] : memref<16x125xi32, #tpu.memory_space<vmem>> -> memref<1x125xi32, #tpu.memory_space<vmem>>
      %dma_start3A_481 = tpu.memref_squeeze %dma_start3A_480 : memref<1x125xi32, #tpu.memory_space<vmem>> -> memref<125xi32, #tpu.memory_space<vmem>>
      %dma_start3A_482 = arith.constant 0 : i32
      %dma_start3A_483 = arith.constant 0 : i32
      %dma_start3A_484 = tpu.memref_slice %arg2[%dma_start3A_482, %dma_start3A_483] : memref<10000x128xf32, #tpu.memory_space<hbm>> -> memref<10000x128xf32, #tpu.memory_space<hbm>>
      tpu.enqueue_indirect_dma source(%dma_start3A_484 : memref<10000x128xf32, #tpu.memory_space<hbm>>) target(%dma_start3A_478 : memref<125x128xf32, #tpu.memory_space<vmem>>) offsets(%dma_start3A_481 : memref<125xi32, #tpu.memory_space<vmem>>) semaphore(%arg15 : memref<!tpu.dma_semaphore, #tpu.memory_space<semaphore_mem>>)
      %mul3A_485 = arith.constant 2 : i32
      %mul3A_486 = arith.muli %mul3A_485, %add3A_106 : i32
      %add3A_487 = arith.constant 1 : i32
      %add3A_488 = arith.addi %mul3A_486, %add3A_487 : i32
      %mul3A_489 = arith.constant 32 : i32
      %mul3A_490 = arith.muli %add3A_488, %mul3A_489 : i32
      %add3A_491 = arith.addi %add3A, %mul3A_490 : i32
      %lt3A_492 = arith.constant 312 : i32
      %lt3A_493 = arith.cmpi slt, %add3A_491, %lt3A_492 : i32
      %convert_element_type3A_494 = arith.extui %lt3A_493 : i1 to i32
      %cond3A_495 = arith.constant 0 : i32
      %cond3A_496 = arith.cmpi ne, %convert_element_type3A_494, %cond3A_495 : i32
      scf.if %cond3A_496 {
        %mul3A_881 = arith.constant 8 : i32
        %mul3A_882 = arith.muli %add3A_491, %mul3A_881 : i32
        "tpu.region"() ({
          %run_scoped3A = tpu.sem_alloc : memref<!tpu.dma_semaphore, #tpu.memory_space<semaphore_mem>>
          %dma_start3A_1139 = arith.constant 0 : i32
          %dma_start3A_1140 = tpu.memref_slice %arg5[%mul3A_882, %dma_start3A_1139] : memref<2500x128xi32, #tpu.memory_space<hbm>> -> memref<8x128xi32, #tpu.memory_space<hbm>>
          %dma_start3A_1141 = arith.constant 0 : i32
          %dma_start3A_1142 = tpu.memref_slice %arg5[%mul3A_882, %dma_start3A_1141] : memref<2500x128xi32, #tpu.memory_space<hbm>> -> memref<8x128xi32, #tpu.memory_space<hbm>>
          tpu.enqueue_dma source(%dma_start3A_1142 : memref<8x128xi32, #tpu.memory_space<hbm>>) target(%arg12 : memref<8x128xi32, #tpu.memory_space<vmem>>) target_semaphore(%run_scoped3A : memref<!tpu.dma_semaphore, #tpu.memory_space<semaphore_mem>>)
          %dma_wait3A_1143 = arith.constant 0 : i32
          %dma_wait3A_1144 = tpu.memref_slice %arg5[%mul3A_882, %dma_wait3A_1143] : memref<2500x128xi32, #tpu.memory_space<hbm>> -> memref<8x128xi32, #tpu.memory_space<hbm>>
          %dma_wait3A_1145 = arith.constant 0 : i32
          %dma_wait3A_1146 = tpu.memref_slice %arg5[%mul3A_882, %dma_wait3A_1145] : memref<2500x128xi32, #tpu.memory_space<hbm>> -> memref<8x128xi32, #tpu.memory_space<hbm>>
          tpu.wait_dma2 semaphore(%run_scoped3A : memref<!tpu.dma_semaphore, #tpu.memory_space<semaphore_mem>>) src(%dma_wait3A_1146 : memref<8x128xi32, #tpu.memory_space<hbm>>) dst(%arg12 : memref<8x128xi32, #tpu.memory_space<vmem>>)
          tpu.yield
        }) : () -> ()
        %broadcast_in_dim3A = arith.constant 1.000000e+00 : f32
        %broadcast_in_dim3A_883 = vector.broadcast %broadcast_in_dim3A : f32 to vector<16xf32>
        %get3A = arith.constant 0 : i32
        %get3A_884 = arith.index_cast %get3A : i32 to index
        %get3A_885 = arith.constant 0 : index
        %get3A_886 = tpu.vector_load %arg12[%get3A_884, %get3A_885] {strides = array<i32>} : memref<8x128xi32, #tpu.memory_space<vmem>>, vector<16xi32>,
        tpu.vector_store_idx %arg13[%get3A_886], %broadcast_in_dim3A_883 {add = true} : memref<10000xf32, #tpu.memory_space<vmem>>[vector<16xi32>], vector<16xf32>,
        %get3A_887 = arith.constant 0 : i32
        %get3A_888 = arith.index_cast %get3A_887 : i32 to index
        %get3A_889 = arith.constant 16 : index
        %get3A_890 = tpu.vector_load %arg12[%get3A_888, %get3A_889] {strides = array<i32>} : memref<8x128xi32, #tpu.memory_space<vmem>>, vector<16xi32>,
        tpu.vector_store_idx %arg13[%get3A_890], %broadcast_in_dim3A_883 {add = true} : memref<10000xf32, #tpu.memory_space<vmem>>[vector<16xi32>], vector<16xf32>,
        %get3A_891 = arith.constant 0 : i32
        %get3A_892 = arith.index_cast %get3A_891 : i32 to index
        %get3A_893 = arith.constant 32 : index
        %get3A_894 = tpu.vector_load %arg12[%get3A_892, %get3A_893] {strides = array<i32>} : memref<8x128xi32, #tpu.memory_space<vmem>>, vector<16xi32>,
        tpu.vector_store_idx %arg13[%get3A_894], %broadcast_in_dim3A_883 {add = true} : memref<10000xf32, #tpu.memory_space<vmem>>[vector<16xi32>], vector<16xf32>,
        %get3A_895 = arith.constant 0 : i32
        %get3A_896 = arith.index_cast %get3A_895 : i32 to index
        %get3A_897 = arith.constant 48 : index
        %get3A_898 = tpu.vector_load %arg12[%get3A_896, %get3A_897] {strides = array<i32>} : memref<8x128xi32, #tpu.memory_space<vmem>>, vector<16xi32>,
        tpu.vector_store_idx %arg13[%get3A_898], %broadcast_in_dim3A_883 {add = true} : memref<10000xf32, #tpu.memory_space<vmem>>[vector<16xi32>], vector<16xf32>,
        %get3A_899 = arith.constant 0 : i32
        %get3A_900 = arith.index_cast %get3A_899 : i32 to index
        %get3A_901 = arith.constant 64 : index
        %get3A_902 = tpu.vector_load %arg12[%get3A_900, %get3A_901] {strides = array<i32>} : memref<8x128xi32, #tpu.memory_space<vmem>>, vector<16xi32>,
        tpu.vector_store_idx %arg13[%get3A_902], %broadcast_in_dim3A_883 {add = true} : memref<10000xf32, #tpu.memory_space<vmem>>[vector<16xi32>], vector<16xf32>,
        %get3A_903 = arith.constant 0 : i32
        %get3A_904 = arith.index_cast %get3A_903 : i32 to index
        %get3A_905 = arith.constant 80 : index
        %get3A_906 = tpu.vector_load %arg12[%get3A_904, %get3A_905] {strides = array<i32>} : memref<8x128xi32, #tpu.memory_space<vmem>>, vector<16xi32>,
        tpu.vector_store_idx %arg13[%get3A_906], %broadcast_in_dim3A_883 {add = true} : memref<10000xf32, #tpu.memory_space<vmem>>[vector<16xi32>], vector<16xf32>,
        %get3A_907 = arith.constant 0 : i32
        %get3A_908 = arith.index_cast %get3A_907 : i32 to index
        %get3A_909 = arith.constant 96 : index
        %get3A_910 = tpu.vector_load %arg12[%get3A_908, %get3A_909] {strides = array<i32>} : memref<8x128xi32, #tpu.memory_space<vmem>>, vector<16xi32>,
        tpu.vector_store_idx %arg13[%get3A_910], %broadcast_in_dim3A_883 {add = true} : memref<10000xf32, #tpu.memory_space<vmem>>[vector<16xi32>], vector<16xf32>,
        %get3A_911 = arith.constant 0 : i32
        %get3A_912 = arith.index_cast %get3A_911 : i32 to index
        %get3A_913 = arith.constant 112 : index
        %get3A_914 = tpu.vector_load %arg12[%get3A_912, %get3A_913] {strides = array<i32>} : memref<8x128xi32, #tpu.memory_space<vmem>>, vector<16xi32>,
        tpu.vector_store_idx %arg13[%get3A_914], %broadcast_in_dim3A_883 {add = true} : memref<10000xf32, #tpu.memory_space<vmem>>[vector<16xi32>], vector<16xf32>,
        %get3A_915 = arith.constant 1 : i32
        %get3A_916 = arith.index_cast %get3A_915 : i32 to index
        %get3A_917 = arith.constant 0 : index
        %get3A_918 = tpu.vector_load %arg12[%get3A_916, %get3A_917] {strides = array<i32>} : memref<8x128xi32, #tpu.memory_space<vmem>>, vector<16xi32>,
        tpu.vector_store_idx %arg13[%get3A_918], %broadcast_in_dim3A_883 {add = true} : memref<10000xf32, #tpu.memory_space<vmem>>[vector<16xi32>], vector<16xf32>,
        %get3A_919 = arith.constant 1 : i32
        %get3A_920 = arith.index_cast %get3A_919 : i32 to index
        %get3A_921 = arith.constant 16 : index
        %get3A_922 = tpu.vector_load %arg12[%get3A_920, %get3A_921] {strides = array<i32>} : memref<8x128xi32, #tpu.memory_space<vmem>>, vector<16xi32>,
        tpu.vector_store_idx %arg13[%get3A_922], %broadcast_in_dim3A_883 {add = true} : memref<10000xf32, #tpu.memory_space<vmem>>[vector<16xi32>], vector<16xf32>,
        %get3A_923 = arith.constant 1 : i32
        %get3A_924 = arith.index_cast %get3A_923 : i32 to index
        %get3A_925 = arith.constant 32 : index
        %get3A_926 = tpu.vector_load %arg12[%get3A_924, %get3A_925] {strides = array<i32>} : memref<8x128xi32, #tpu.memory_space<vmem>>, vector<16xi32>,
        tpu.vector_store_idx %arg13[%get3A_926], %broadcast_in_dim3A_883 {add = true} : memref<10000xf32, #tpu.memory_space<vmem>>[vector<16xi32>], vector<16xf32>,
        %get3A_927 = arith.constant 1 : i32
        %get3A_928 = arith.index_cast %get3A_927 : i32 to index
        %get3A_929 = arith.constant 48 : index
        %get3A_930 = tpu.vector_load %arg12[%get3A_928, %get3A_929] {strides = array<i32>} : memref<8x128xi32, #tpu.memory_space<vmem>>, vector<16xi32>,
        tpu.vector_store_idx %arg13[%get3A_930], %broadcast_in_dim3A_883 {add = true} : memref<10000xf32, #tpu.memory_space<vmem>>[vector<16xi32>], vector<16xf32>,
        %get3A_931 = arith.constant 1 : i32
        %get3A_932 = arith.index_cast %get3A_931 : i32 to index
        %get3A_933 = arith.constant 64 : index
        %get3A_934 = tpu.vector_load %arg12[%get3A_932, %get3A_933] {strides = array<i32>} : memref<8x128xi32, #tpu.memory_space<vmem>>, vector<16xi32>,
        tpu.vector_store_idx %arg13[%get3A_934], %broadcast_in_dim3A_883 {add = true} : memref<10000xf32, #tpu.memory_space<vmem>>[vector<16xi32>], vector<16xf32>,
        %get3A_935 = arith.constant 1 : i32
        %get3A_936 = arith.index_cast %get3A_935 : i32 to index
        %get3A_937 = arith.constant 80 : index
        %get3A_938 = tpu.vector_load %arg12[%get3A_936, %get3A_937] {strides = array<i32>} : memref<8x128xi32, #tpu.memory_space<vmem>>, vector<16xi32>,
        tpu.vector_store_idx %arg13[%get3A_938], %broadcast_in_dim3A_883 {add = true} : memref<10000xf32, #tpu.memory_space<vmem>>[vector<16xi32>], vector<16xf32>,
        %get3A_939 = arith.constant 1 : i32
        %get3A_940 = arith.index_cast %get3A_939 : i32 to index
        %get3A_941 = arith.constant 96 : index
        %get3A_942 = tpu.vector_load %arg12[%get3A_940, %get3A_941] {strides = array<i32>} : memref<8x128xi32, #tpu.memory_space<vmem>>, vector<16xi32>,
        tpu.vector_store_idx %arg13[%get3A_942], %broadcast_in_dim3A_883 {add = true} : memref<10000xf32, #tpu.memory_space<vmem>>[vector<16xi32>], vector<16xf32>,
        %get3A_943 = arith.constant 1 : i32
        %get3A_944 = arith.index_cast %get3A_943 : i32 to index
        %get3A_945 = arith.constant 112 : index
        %get3A_946 = tpu.vector_load %arg12[%get3A_944, %get3A_945] {strides = array<i32>} : memref<8x128xi32, #tpu.memory_space<vmem>>, vector<16xi32>,
        tpu.vector_store_idx %arg13[%get3A_946], %broadcast_in_dim3A_883 {add = true} : memref<10000xf32, #tpu.memory_space<vmem>>[vector<16xi32>], vector<16xf32>,
        %get3A_947 = arith.constant 2 : i32
        %get3A_948 = arith.index_cast %get3A_947 : i32 to index
        %get3A_949 = arith.constant 0 : index
        %get3A_950 = tpu.vector_load %arg12[%get3A_948, %get3A_949] {strides = array<i32>} : memref<8x128xi32, #tpu.memory_space<vmem>>, vector<16xi32>,
        tpu.vector_store_idx %arg13[%get3A_950], %broadcast_in_dim3A_883 {add = true} : memref<10000xf32, #tpu.memory_space<vmem>>[vector<16xi32>], vector<16xf32>,
        %get3A_951 = arith.constant 2 : i32
        %get3A_952 = arith.index_cast %get3A_951 : i32 to index
        %get3A_953 = arith.constant 16 : index
        %get3A_954 = tpu.vector_load %arg12[%get3A_952, %get3A_953] {strides = array<i32>} : memref<8x128xi32, #tpu.memory_space<vmem>>, vector<16xi32>,
        tpu.vector_store_idx %arg13[%get3A_954], %broadcast_in_dim3A_883 {add = true} : memref<10000xf32, #tpu.memory_space<vmem>>[vector<16xi32>], vector<16xf32>,
        %get3A_955 = arith.constant 2 : i32
        %get3A_956 = arith.index_cast %get3A_955 : i32 to index
        %get3A_957 = arith.constant 32 : index
        %get3A_958 = tpu.vector_load %arg12[%get3A_956, %get3A_957] {strides = array<i32>} : memref<8x128xi32, #tpu.memory_space<vmem>>, vector<16xi32>,
        tpu.vector_store_idx %arg13[%get3A_958], %broadcast_in_dim3A_883 {add = true} : memref<10000xf32, #tpu.memory_space<vmem>>[vector<16xi32>], vector<16xf32>,
        %get3A_959 = arith.constant 2 : i32
        %get3A_960 = arith.index_cast %get3A_959 : i32 to index
        %get3A_961 = arith.constant 48 : index
        %get3A_962 = tpu.vector_load %arg12[%get3A_960, %get3A_961] {strides = array<i32>} : memref<8x128xi32, #tpu.memory_space<vmem>>, vector<16xi32>,
        tpu.vector_store_idx %arg13[%get3A_962], %broadcast_in_dim3A_883 {add = true} : memref<10000xf32, #tpu.memory_space<vmem>>[vector<16xi32>], vector<16xf32>,
        %get3A_963 = arith.constant 2 : i32
        %get3A_964 = arith.index_cast %get3A_963 : i32 to index
        %get3A_965 = arith.constant 64 : index
        %get3A_966 = tpu.vector_load %arg12[%get3A_964, %get3A_965] {strides = array<i32>} : memref<8x128xi32, #tpu.memory_space<vmem>>, vector<16xi32>,
        tpu.vector_store_idx %arg13[%get3A_966], %broadcast_in_dim3A_883 {add = true} : memref<10000xf32, #tpu.memory_space<vmem>>[vector<16xi32>], vector<16xf32>,
        %get3A_967 = arith.constant 2 : i32
        %get3A_968 = arith.index_cast %get3A_967 : i32 to index
        %get3A_969 = arith.constant 80 : index
        %get3A_970 = tpu.vector_load %arg12[%get3A_968, %get3A_969] {strides = array<i32>} : memref<8x128xi32, #tpu.memory_space<vmem>>, vector<16xi32>,
        tpu.vector_store_idx %arg13[%get3A_970], %broadcast_in_dim3A_883 {add = true} : memref<10000xf32, #tpu.memory_space<vmem>>[vector<16xi32>], vector<16xf32>,
        %get3A_971 = arith.constant 2 : i32
        %get3A_972 = arith.index_cast %get3A_971 : i32 to index
        %get3A_973 = arith.constant 96 : index
        %get3A_974 = tpu.vector_load %arg12[%get3A_972, %get3A_973] {strides = array<i32>} : memref<8x128xi32, #tpu.memory_space<vmem>>, vector<16xi32>,
        tpu.vector_store_idx %arg13[%get3A_974], %broadcast_in_dim3A_883 {add = true} : memref<10000xf32, #tpu.memory_space<vmem>>[vector<16xi32>], vector<16xf32>,
        %get3A_975 = arith.constant 2 : i32
        %get3A_976 = arith.index_cast %get3A_975 : i32 to index
        %get3A_977 = arith.constant 112 : index
        %get3A_978 = tpu.vector_load %arg12[%get3A_976, %get3A_977] {strides = array<i32>} : memref<8x128xi32, #tpu.memory_space<vmem>>, vector<16xi32>,
        tpu.vector_store_idx %arg13[%get3A_978], %broadcast_in_dim3A_883 {add = true} : memref<10000xf32, #tpu.memory_space<vmem>>[vector<16xi32>], vector<16xf32>,
        %get3A_979 = arith.constant 3 : i32
        %get3A_980 = arith.index_cast %get3A_979 : i32 to index
        %get3A_981 = arith.constant 0 : index
        %get3A_982 = tpu.vector_load %arg12[%get3A_980, %get3A_981] {strides = array<i32>} : memref<8x128xi32, #tpu.memory_space<vmem>>, vector<16xi32>,
        tpu.vector_store_idx %arg13[%get3A_982], %broadcast_in_dim3A_883 {add = true} : memref<10000xf32, #tpu.memory_space<vmem>>[vector<16xi32>], vector<16xf32>,
        %get3A_983 = arith.constant 3 : i32
        %get3A_984 = arith.index_cast %get3A_983 : i32 to index
        %get3A_985 = arith.constant 16 : index
        %get3A_986 = tpu.vector_load %arg12[%get3A_984, %get3A_985] {strides = array<i32>} : memref<8x128xi32, #tpu.memory_space<vmem>>, vector<16xi32>,
        tpu.vector_store_idx %arg13[%get3A_986], %broadcast_in_dim3A_883 {add = true} : memref<10000xf32, #tpu.memory_space<vmem>>[vector<16xi32>], vector<16xf32>,
        %get3A_987 = arith.constant 3 : i32
        %get3A_988 = arith.index_cast %get3A_987 : i32 to index
        %get3A_989 = arith.constant 32 : index
        %get3A_990 = tpu.vector_load %arg12[%get3A_988, %get3A_989] {strides = array<i32>} : memref<8x128xi32, #tpu.memory_space<vmem>>, vector<16xi32>,
        tpu.vector_store_idx %arg13[%get3A_990], %broadcast_in_dim3A_883 {add = true} : memref<10000xf32, #tpu.memory_space<vmem>>[vector<16xi32>], vector<16xf32>,
        %get3A_991 = arith.constant 3 : i32
        %get3A_992 = arith.index_cast %get3A_991 : i32 to index
        %get3A_993 = arith.constant 48 : index
        %get3A_994 = tpu.vector_load %arg12[%get3A_992, %get3A_993] {strides = array<i32>} : memref<8x128xi32, #tpu.memory_space<vmem>>, vector<16xi32>,
        tpu.vector_store_idx %arg13[%get3A_994], %broadcast_in_dim3A_883 {add = true} : memref<10000xf32, #tpu.memory_space<vmem>>[vector<16xi32>], vector<16xf32>,
        %get3A_995 = arith.constant 3 : i32
        %get3A_996 = arith.index_cast %get3A_995 : i32 to index
        %get3A_997 = arith.constant 64 : index
        %get3A_998 = tpu.vector_load %arg12[%get3A_996, %get3A_997] {strides = array<i32>} : memref<8x128xi32, #tpu.memory_space<vmem>>, vector<16xi32>,
        tpu.vector_store_idx %arg13[%get3A_998], %broadcast_in_dim3A_883 {add = true} : memref<10000xf32, #tpu.memory_space<vmem>>[vector<16xi32>], vector<16xf32>,
        %get3A_999 = arith.constant 3 : i32
        %get3A_1000 = arith.index_cast %get3A_999 : i32 to index
        %get3A_1001 = arith.constant 80 : index
        %get3A_1002 = tpu.vector_load %arg12[%get3A_1000, %get3A_1001] {strides = array<i32>} : memref<8x128xi32, #tpu.memory_space<vmem>>, vector<16xi32>,
        tpu.vector_store_idx %arg13[%get3A_1002], %broadcast_in_dim3A_883 {add = true} : memref<10000xf32, #tpu.memory_space<vmem>>[vector<16xi32>], vector<16xf32>,
        %get3A_1003 = arith.constant 3 : i32
        %get3A_1004 = arith.index_cast %get3A_1003 : i32 to index
        %get3A_1005 = arith.constant 96 : index
        %get3A_1006 = tpu.vector_load %arg12[%get3A_1004, %get3A_1005] {strides = array<i32>} : memref<8x128xi32, #tpu.memory_space<vmem>>, vector<16xi32>,
        tpu.vector_store_idx %arg13[%get3A_1006], %broadcast_in_dim3A_883 {add = true} : memref<10000xf32, #tpu.memory_space<vmem>>[vector<16xi32>], vector<16xf32>,
        %get3A_1007 = arith.constant 3 : i32
        %get3A_1008 = arith.index_cast %get3A_1007 : i32 to index
        %get3A_1009 = arith.constant 112 : index
        %get3A_1010 = tpu.vector_load %arg12[%get3A_1008, %get3A_1009] {strides = array<i32>} : memref<8x128xi32, #tpu.memory_space<vmem>>, vector<16xi32>,
        tpu.vector_store_idx %arg13[%get3A_1010], %broadcast_in_dim3A_883 {add = true} : memref<10000xf32, #tpu.memory_space<vmem>>[vector<16xi32>], vector<16xf32>,
        %get3A_1011 = arith.constant 4 : i32
        %get3A_1012 = arith.index_cast %get3A_1011 : i32 to index
        %get3A_1013 = arith.constant 0 : index
        %get3A_1014 = tpu.vector_load %arg12[%get3A_1012, %get3A_1013] {strides = array<i32>} : memref<8x128xi32, #tpu.memory_space<vmem>>, vector<16xi32>,
        tpu.vector_store_idx %arg13[%get3A_1014], %broadcast_in_dim3A_883 {add = true} : memref<10000xf32, #tpu.memory_space<vmem>>[vector<16xi32>], vector<16xf32>,
        %get3A_1015 = arith.constant 4 : i32
        %get3A_1016 = arith.index_cast %get3A_1015 : i32 to index
        %get3A_1017 = arith.constant 16 : index
        %get3A_1018 = tpu.vector_load %arg12[%get3A_1016, %get3A_1017] {strides = array<i32>} : memref<8x128xi32, #tpu.memory_space<vmem>>, vector<16xi32>,
        tpu.vector_store_idx %arg13[%get3A_1018], %broadcast_in_dim3A_883 {add = true} : memref<10000xf32, #tpu.memory_space<vmem>>[vector<16xi32>], vector<16xf32>,
        %get3A_1019 = arith.constant 4 : i32
        %get3A_1020 = arith.index_cast %get3A_1019 : i32 to index
        %get3A_1021 = arith.constant 32 : index
        %get3A_1022 = tpu.vector_load %arg12[%get3A_1020, %get3A_1021] {strides = array<i32>} : memref<8x128xi32, #tpu.memory_space<vmem>>, vector<16xi32>,
        tpu.vector_store_idx %arg13[%get3A_1022], %broadcast_in_dim3A_883 {add = true} : memref<10000xf32, #tpu.memory_space<vmem>>[vector<16xi32>], vector<16xf32>,
        %get3A_1023 = arith.constant 4 : i32
        %get3A_1024 = arith.index_cast %get3A_1023 : i32 to index
        %get3A_1025 = arith.constant 48 : index
        %get3A_1026 = tpu.vector_load %arg12[%get3A_1024, %get3A_1025] {strides = array<i32>} : memref<8x128xi32, #tpu.memory_space<vmem>>, vector<16xi32>,
        tpu.vector_store_idx %arg13[%get3A_1026], %broadcast_in_dim3A_883 {add = true} : memref<10000xf32, #tpu.memory_space<vmem>>[vector<16xi32>], vector<16xf32>,
        %get3A_1027 = arith.constant 4 : i32
        %get3A_1028 = arith.index_cast %get3A_1027 : i32 to index
        %get3A_1029 = arith.constant 64 : index
        %get3A_1030 = tpu.vector_load %arg12[%get3A_1028, %get3A_1029] {strides = array<i32>} : memref<8x128xi32, #tpu.memory_space<vmem>>, vector<16xi32>,
        tpu.vector_store_idx %arg13[%get3A_1030], %broadcast_in_dim3A_883 {add = true} : memref<10000xf32, #tpu.memory_space<vmem>>[vector<16xi32>], vector<16xf32>,
        %get3A_1031 = arith.constant 4 : i32
        %get3A_1032 = arith.index_cast %get3A_1031 : i32 to index
        %get3A_1033 = arith.constant 80 : index
        %get3A_1034 = tpu.vector_load %arg12[%get3A_1032, %get3A_1033] {strides = array<i32>} : memref<8x128xi32, #tpu.memory_space<vmem>>, vector<16xi32>,
        tpu.vector_store_idx %arg13[%get3A_1034], %broadcast_in_dim3A_883 {add = true} : memref<10000xf32, #tpu.memory_space<vmem>>[vector<16xi32>], vector<16xf32>,
        %get3A_1035 = arith.constant 4 : i32
        %get3A_1036 = arith.index_cast %get3A_1035 : i32 to index
        %get3A_1037 = arith.constant 96 : index
        %get3A_1038 = tpu.vector_load %arg12[%get3A_1036, %get3A_1037] {strides = array<i32>} : memref<8x128xi32, #tpu.memory_space<vmem>>, vector<16xi32>,
        tpu.vector_store_idx %arg13[%get3A_1038], %broadcast_in_dim3A_883 {add = true} : memref<10000xf32, #tpu.memory_space<vmem>>[vector<16xi32>], vector<16xf32>,
        %get3A_1039 = arith.constant 4 : i32
        %get3A_1040 = arith.index_cast %get3A_1039 : i32 to index
        %get3A_1041 = arith.constant 112 : index
        %get3A_1042 = tpu.vector_load %arg12[%get3A_1040, %get3A_1041] {strides = array<i32>} : memref<8x128xi32, #tpu.memory_space<vmem>>, vector<16xi32>,
        tpu.vector_store_idx %arg13[%get3A_1042], %broadcast_in_dim3A_883 {add = true} : memref<10000xf32, #tpu.memory_space<vmem>>[vector<16xi32>], vector<16xf32>,
        %get3A_1043 = arith.constant 5 : i32
        %get3A_1044 = arith.index_cast %get3A_1043 : i32 to index
        %get3A_1045 = arith.constant 0 : index
        %get3A_1046 = tpu.vector_load %arg12[%get3A_1044, %get3A_1045] {strides = array<i32>} : memref<8x128xi32, #tpu.memory_space<vmem>>, vector<16xi32>,
        tpu.vector_store_idx %arg13[%get3A_1046], %broadcast_in_dim3A_883 {add = true} : memref<10000xf32, #tpu.memory_space<vmem>>[vector<16xi32>], vector<16xf32>,
        %get3A_1047 = arith.constant 5 : i32
        %get3A_1048 = arith.index_cast %get3A_1047 : i32 to index
        %get3A_1049 = arith.constant 16 : index
        %get3A_1050 = tpu.vector_load %arg12[%get3A_1048, %get3A_1049] {strides = array<i32>} : memref<8x128xi32, #tpu.memory_space<vmem>>, vector<16xi32>,
        tpu.vector_store_idx %arg13[%get3A_1050], %broadcast_in_dim3A_883 {add = true} : memref<10000xf32, #tpu.memory_space<vmem>>[vector<16xi32>], vector<16xf32>,
        %get3A_1051 = arith.constant 5 : i32
        %get3A_1052 = arith.index_cast %get3A_1051 : i32 to index
        %get3A_1053 = arith.constant 32 : index
        %get3A_1054 = tpu.vector_load %arg12[%get3A_1052, %get3A_1053] {strides = array<i32>} : memref<8x128xi32, #tpu.memory_space<vmem>>, vector<16xi32>,
        tpu.vector_store_idx %arg13[%get3A_1054], %broadcast_in_dim3A_883 {add = true} : memref<10000xf32, #tpu.memory_space<vmem>>[vector<16xi32>], vector<16xf32>,
        %get3A_1055 = arith.constant 5 : i32
        %get3A_1056 = arith.index_cast %get3A_1055 : i32 to index
        %get3A_1057 = arith.constant 48 : index
        %get3A_1058 = tpu.vector_load %arg12[%get3A_1056, %get3A_1057] {strides = array<i32>} : memref<8x128xi32, #tpu.memory_space<vmem>>, vector<16xi32>,
        tpu.vector_store_idx %arg13[%get3A_1058], %broadcast_in_dim3A_883 {add = true} : memref<10000xf32, #tpu.memory_space<vmem>>[vector<16xi32>], vector<16xf32>,
        %get3A_1059 = arith.constant 5 : i32
        %get3A_1060 = arith.index_cast %get3A_1059 : i32 to index
        %get3A_1061 = arith.constant 64 : index
        %get3A_1062 = tpu.vector_load %arg12[%get3A_1060, %get3A_1061] {strides = array<i32>} : memref<8x128xi32, #tpu.memory_space<vmem>>, vector<16xi32>,
        tpu.vector_store_idx %arg13[%get3A_1062], %broadcast_in_dim3A_883 {add = true} : memref<10000xf32, #tpu.memory_space<vmem>>[vector<16xi32>], vector<16xf32>,
        %get3A_1063 = arith.constant 5 : i32
        %get3A_1064 = arith.index_cast %get3A_1063 : i32 to index
        %get3A_1065 = arith.constant 80 : index
        %get3A_1066 = tpu.vector_load %arg12[%get3A_1064, %get3A_1065] {strides = array<i32>} : memref<8x128xi32, #tpu.memory_space<vmem>>, vector<16xi32>,
        tpu.vector_store_idx %arg13[%get3A_1066], %broadcast_in_dim3A_883 {add = true} : memref<10000xf32, #tpu.memory_space<vmem>>[vector<16xi32>], vector<16xf32>,
        %get3A_1067 = arith.constant 5 : i32
        %get3A_1068 = arith.index_cast %get3A_1067 : i32 to index
        %get3A_1069 = arith.constant 96 : index
        %get3A_1070 = tpu.vector_load %arg12[%get3A_1068, %get3A_1069] {strides = array<i32>} : memref<8x128xi32, #tpu.memory_space<vmem>>, vector<16xi32>,
        tpu.vector_store_idx %arg13[%get3A_1070], %broadcast_in_dim3A_883 {add = true} : memref<10000xf32, #tpu.memory_space<vmem>>[vector<16xi32>], vector<16xf32>,
        %get3A_1071 = arith.constant 5 : i32
        %get3A_1072 = arith.index_cast %get3A_1071 : i32 to index
        %get3A_1073 = arith.constant 112 : index
        %get3A_1074 = tpu.vector_load %arg12[%get3A_1072, %get3A_1073] {strides = array<i32>} : memref<8x128xi32, #tpu.memory_space<vmem>>, vector<16xi32>,
        tpu.vector_store_idx %arg13[%get3A_1074], %broadcast_in_dim3A_883 {add = true} : memref<10000xf32, #tpu.memory_space<vmem>>[vector<16xi32>], vector<16xf32>,
        %get3A_1075 = arith.constant 6 : i32
        %get3A_1076 = arith.index_cast %get3A_1075 : i32 to index
        %get3A_1077 = arith.constant 0 : index
        %get3A_1078 = tpu.vector_load %arg12[%get3A_1076, %get3A_1077] {strides = array<i32>} : memref<8x128xi32, #tpu.memory_space<vmem>>, vector<16xi32>,
        tpu.vector_store_idx %arg13[%get3A_1078], %broadcast_in_dim3A_883 {add = true} : memref<10000xf32, #tpu.memory_space<vmem>>[vector<16xi32>], vector<16xf32>,
        %get3A_1079 = arith.constant 6 : i32
        %get3A_1080 = arith.index_cast %get3A_1079 : i32 to index
        %get3A_1081 = arith.constant 16 : index
        %get3A_1082 = tpu.vector_load %arg12[%get3A_1080, %get3A_1081] {strides = array<i32>} : memref<8x128xi32, #tpu.memory_space<vmem>>, vector<16xi32>,
        tpu.vector_store_idx %arg13[%get3A_1082], %broadcast_in_dim3A_883 {add = true} : memref<10000xf32, #tpu.memory_space<vmem>>[vector<16xi32>], vector<16xf32>,
        %get3A_1083 = arith.constant 6 : i32
        %get3A_1084 = arith.index_cast %get3A_1083 : i32 to index
        %get3A_1085 = arith.constant 32 : index
        %get3A_1086 = tpu.vector_load %arg12[%get3A_1084, %get3A_1085] {strides = array<i32>} : memref<8x128xi32, #tpu.memory_space<vmem>>, vector<16xi32>,
        tpu.vector_store_idx %arg13[%get3A_1086], %broadcast_in_dim3A_883 {add = true} : memref<10000xf32, #tpu.memory_space<vmem>>[vector<16xi32>], vector<16xf32>,
        %get3A_1087 = arith.constant 6 : i32
        %get3A_1088 = arith.index_cast %get3A_1087 : i32 to index
        %get3A_1089 = arith.constant 48 : index
        %get3A_1090 = tpu.vector_load %arg12[%get3A_1088, %get3A_1089] {strides = array<i32>} : memref<8x128xi32, #tpu.memory_space<vmem>>, vector<16xi32>,
        tpu.vector_store_idx %arg13[%get3A_1090], %broadcast_in_dim3A_883 {add = true} : memref<10000xf32, #tpu.memory_space<vmem>>[vector<16xi32>], vector<16xf32>,
        %get3A_1091 = arith.constant 6 : i32
        %get3A_1092 = arith.index_cast %get3A_1091 : i32 to index
        %get3A_1093 = arith.constant 64 : index
        %get3A_1094 = tpu.vector_load %arg12[%get3A_1092, %get3A_1093] {strides = array<i32>} : memref<8x128xi32, #tpu.memory_space<vmem>>, vector<16xi32>,
        tpu.vector_store_idx %arg13[%get3A_1094], %broadcast_in_dim3A_883 {add = true} : memref<10000xf32, #tpu.memory_space<vmem>>[vector<16xi32>], vector<16xf32>,
        %get3A_1095 = arith.constant 6 : i32
        %get3A_1096 = arith.index_cast %get3A_1095 : i32 to index
        %get3A_1097 = arith.constant 80 : index
        %get3A_1098 = tpu.vector_load %arg12[%get3A_1096, %get3A_1097] {strides = array<i32>} : memref<8x128xi32, #tpu.memory_space<vmem>>, vector<16xi32>,
        tpu.vector_store_idx %arg13[%get3A_1098], %broadcast_in_dim3A_883 {add = true} : memref<10000xf32, #tpu.memory_space<vmem>>[vector<16xi32>], vector<16xf32>,
        %get3A_1099 = arith.constant 6 : i32
        %get3A_1100 = arith.index_cast %get3A_1099 : i32 to index
        %get3A_1101 = arith.constant 96 : index
        %get3A_1102 = tpu.vector_load %arg12[%get3A_1100, %get3A_1101] {strides = array<i32>} : memref<8x128xi32, #tpu.memory_space<vmem>>, vector<16xi32>,
        tpu.vector_store_idx %arg13[%get3A_1102], %broadcast_in_dim3A_883 {add = true} : memref<10000xf32, #tpu.memory_space<vmem>>[vector<16xi32>], vector<16xf32>,
        %get3A_1103 = arith.constant 6 : i32
        %get3A_1104 = arith.index_cast %get3A_1103 : i32 to index
        %get3A_1105 = arith.constant 112 : index
        %get3A_1106 = tpu.vector_load %arg12[%get3A_1104, %get3A_1105] {strides = array<i32>} : memref<8x128xi32, #tpu.memory_space<vmem>>, vector<16xi32>,
        tpu.vector_store_idx %arg13[%get3A_1106], %broadcast_in_dim3A_883 {add = true} : memref<10000xf32, #tpu.memory_space<vmem>>[vector<16xi32>], vector<16xf32>,
        %get3A_1107 = arith.constant 7 : i32
        %get3A_1108 = arith.index_cast %get3A_1107 : i32 to index
        %get3A_1109 = arith.constant 0 : index
        %get3A_1110 = tpu.vector_load %arg12[%get3A_1108, %get3A_1109] {strides = array<i32>} : memref<8x128xi32, #tpu.memory_space<vmem>>, vector<16xi32>,
        tpu.vector_store_idx %arg13[%get3A_1110], %broadcast_in_dim3A_883 {add = true} : memref<10000xf32, #tpu.memory_space<vmem>>[vector<16xi32>], vector<16xf32>,
        %get3A_1111 = arith.constant 7 : i32
        %get3A_1112 = arith.index_cast %get3A_1111 : i32 to index
        %get3A_1113 = arith.constant 16 : index
        %get3A_1114 = tpu.vector_load %arg12[%get3A_1112, %get3A_1113] {strides = array<i32>} : memref<8x128xi32, #tpu.memory_space<vmem>>, vector<16xi32>,
        tpu.vector_store_idx %arg13[%get3A_1114], %broadcast_in_dim3A_883 {add = true} : memref<10000xf32, #tpu.memory_space<vmem>>[vector<16xi32>], vector<16xf32>,
        %get3A_1115 = arith.constant 7 : i32
        %get3A_1116 = arith.index_cast %get3A_1115 : i32 to index
        %get3A_1117 = arith.constant 32 : index
        %get3A_1118 = tpu.vector_load %arg12[%get3A_1116, %get3A_1117] {strides = array<i32>} : memref<8x128xi32, #tpu.memory_space<vmem>>, vector<16xi32>,
        tpu.vector_store_idx %arg13[%get3A_1118], %broadcast_in_dim3A_883 {add = true} : memref<10000xf32, #tpu.memory_space<vmem>>[vector<16xi32>], vector<16xf32>,
        %get3A_1119 = arith.constant 7 : i32
        %get3A_1120 = arith.index_cast %get3A_1119 : i32 to index
        %get3A_1121 = arith.constant 48 : index
        %get3A_1122 = tpu.vector_load %arg12[%get3A_1120, %get3A_1121] {strides = array<i32>} : memref<8x128xi32, #tpu.memory_space<vmem>>, vector<16xi32>,
        tpu.vector_store_idx %arg13[%get3A_1122], %broadcast_in_dim3A_883 {add = true} : memref<10000xf32, #tpu.memory_space<vmem>>[vector<16xi32>], vector<16xf32>,
        %get3A_1123 = arith.constant 7 : i32
        %get3A_1124 = arith.index_cast %get3A_1123 : i32 to index
        %get3A_1125 = arith.constant 64 : index
        %get3A_1126 = tpu.vector_load %arg12[%get3A_1124, %get3A_1125] {strides = array<i32>} : memref<8x128xi32, #tpu.memory_space<vmem>>, vector<16xi32>,
        tpu.vector_store_idx %arg13[%get3A_1126], %broadcast_in_dim3A_883 {add = true} : memref<10000xf32, #tpu.memory_space<vmem>>[vector<16xi32>], vector<16xf32>,
        %get3A_1127 = arith.constant 7 : i32
        %get3A_1128 = arith.index_cast %get3A_1127 : i32 to index
        %get3A_1129 = arith.constant 80 : index
        %get3A_1130 = tpu.vector_load %arg12[%get3A_1128, %get3A_1129] {strides = array<i32>} : memref<8x128xi32, #tpu.memory_space<vmem>>, vector<16xi32>,
        tpu.vector_store_idx %arg13[%get3A_1130], %broadcast_in_dim3A_883 {add = true} : memref<10000xf32, #tpu.memory_space<vmem>>[vector<16xi32>], vector<16xf32>,
        %get3A_1131 = arith.constant 7 : i32
        %get3A_1132 = arith.index_cast %get3A_1131 : i32 to index
        %get3A_1133 = arith.constant 96 : index
        %get3A_1134 = tpu.vector_load %arg12[%get3A_1132, %get3A_1133] {strides = array<i32>} : memref<8x128xi32, #tpu.memory_space<vmem>>, vector<16xi32>,
        tpu.vector_store_idx %arg13[%get3A_1134], %broadcast_in_dim3A_883 {add = true} : memref<10000xf32, #tpu.memory_space<vmem>>[vector<16xi32>], vector<16xf32>,
        %get3A_1135 = arith.constant 7 : i32
        %get3A_1136 = arith.index_cast %get3A_1135 : i32 to index
        %get3A_1137 = arith.constant 112 : index
        %get3A_1138 = tpu.vector_load %arg12[%get3A_1136, %get3A_1137] {strides = array<i32>} : memref<8x128xi32, #tpu.memory_space<vmem>>, vector<16xi32>,
        tpu.vector_store_idx %arg13[%get3A_1138], %broadcast_in_dim3A_883 {add = true} : memref<10000xf32, #tpu.memory_space<vmem>>[vector<16xi32>], vector<16xf32>,
      } else {
      }
      %dma_wait3A_497 = arith.constant 7 : i32
      %dma_wait3A_498 = arith.constant 1 : i32
      %dma_wait3A_499 = arith.constant 0 : i32
      %dma_wait3A_500 = arith.constant 0 : i32
      %dma_wait3A_501 = tpu.memref_slice %arg11[%dma_wait3A_498, %dma_wait3A_499, %dma_wait3A_500] : memref<2x125x128xf32, #tpu.memory_space<vmem>> -> memref<1x125x128xf32, #tpu.memory_space<vmem>>
      %dma_wait3A_502 = tpu.memref_squeeze %dma_wait3A_501 : memref<1x125x128xf32, #tpu.memory_space<vmem>> -> memref<125x128xf32, #tpu.memory_space<vmem>>
      %dma_wait3A_503 = arith.constant 0 : i32
      %dma_wait3A_504 = tpu.memref_slice %arg9[%dma_wait3A_497, %dma_wait3A_503] : memref<16x125xi32, #tpu.memory_space<vmem>> -> memref<1x125xi32, #tpu.memory_space<vmem>>
      %dma_wait3A_505 = tpu.memref_squeeze %dma_wait3A_504 : memref<1x125xi32, #tpu.memory_space<vmem>> -> memref<125xi32, #tpu.memory_space<vmem>>
      %dma_wait3A_506 = arith.constant 0 : i32
      %dma_wait3A_507 = arith.constant 0 : i32
      %dma_wait3A_508 = tpu.memref_slice %arg2[%dma_wait3A_506, %dma_wait3A_507] : memref<10000x128xf32, #tpu.memory_space<hbm>> -> memref<10000x128xf32, #tpu.memory_space<hbm>>
      tpu.wait_indirect_dma semaphore(%arg16 : memref<!tpu.dma_semaphore, #tpu.memory_space<semaphore_mem>>) src(%dma_wait3A_508 : memref<10000x128xf32, #tpu.memory_space<hbm>>) dst(%dma_wait3A_502 : memref<125x128xf32, #tpu.memory_space<vmem>>)
      %dma_start3A_509 = arith.constant 1 : i32
      %dma_start3A_510 = arith.constant 7 : i32
      %dma_start3A_511 = arith.constant 0 : i32
      %dma_start3A_512 = arith.constant 0 : i32
      %dma_start3A_513 = tpu.memref_slice %arg11[%dma_start3A_509, %dma_start3A_511, %dma_start3A_512] : memref<2x125x128xf32, #tpu.memory_space<vmem>> -> memref<1x125x128xf32, #tpu.memory_space<vmem>>
      %dma_start3A_514 = tpu.memref_squeeze %dma_start3A_513 : memref<1x125x128xf32, #tpu.memory_space<vmem>> -> memref<125x128xf32, #tpu.memory_space<vmem>>
      %dma_start3A_515 = arith.constant 0 : i32
      %dma_start3A_516 = tpu.memref_slice %arg10[%dma_start3A_510, %dma_start3A_515] : memref<16x125xi32, #tpu.memory_space<vmem>> -> memref<1x125xi32, #tpu.memory_space<vmem>>
      %dma_start3A_517 = tpu.memref_squeeze %dma_start3A_516 : memref<1x125xi32, #tpu.memory_space<vmem>> -> memref<125xi32, #tpu.memory_space<vmem>>
      %dma_start3A_518 = arith.constant 0 : i32
      %dma_start3A_519 = arith.constant 0 : i32
      %dma_start3A_520 = tpu.memref_slice %arg14[%dma_start3A_518, %dma_start3A_519] : memref<10000x128xf32, #tpu.memory_space<vmem_shared>> -> memref<10000x128xf32, #tpu.memory_space<vmem_shared>>
      tpu.enqueue_indirect_dma source(%dma_start3A_514 : memref<125x128xf32, #tpu.memory_space<vmem>>) target(%dma_start3A_520 : memref<10000x128xf32, #tpu.memory_space<vmem_shared>>) offsets(%dma_start3A_517 : memref<125xi32, #tpu.memory_space<vmem>>) semaphore(%arg18 : memref<!tpu.dma_semaphore, #tpu.memory_space<semaphore_mem>>) {add = true}
      %dma_wait3A_521 = arith.constant 1 : i32
      %dma_wait3A_522 = arith.constant 7 : i32
      %dma_wait3A_523 = arith.constant 0 : i32
      %dma_wait3A_524 = arith.constant 0 : i32
      %dma_wait3A_525 = tpu.memref_slice %arg11[%dma_wait3A_521, %dma_wait3A_523, %dma_wait3A_524] : memref<2x125x128xf32, #tpu.memory_space<vmem>> -> memref<1x125x128xf32, #tpu.memory_space<vmem>>
      %dma_wait3A_526 = tpu.memref_squeeze %dma_wait3A_525 : memref<1x125x128xf32, #tpu.memory_space<vmem>> -> memref<125x128xf32, #tpu.memory_space<vmem>>
      %dma_wait3A_527 = arith.constant 0 : i32
      %dma_wait3A_528 = tpu.memref_slice %arg10[%dma_wait3A_522, %dma_wait3A_527] : memref<16x125xi32, #tpu.memory_space<vmem>> -> memref<1x125xi32, #tpu.memory_space<vmem>>
      %dma_wait3A_529 = tpu.memref_squeeze %dma_wait3A_528 : memref<1x125xi32, #tpu.memory_space<vmem>> -> memref<125xi32, #tpu.memory_space<vmem>>
      %dma_wait3A_530 = arith.constant 0 : i32
      %dma_wait3A_531 = arith.constant 0 : i32
      %dma_wait3A_532 = tpu.memref_slice %arg14[%dma_wait3A_530, %dma_wait3A_531] : memref<10000x128xf32, #tpu.memory_space<vmem_shared>> -> memref<10000x128xf32, #tpu.memory_space<vmem_shared>>
      tpu.wait_indirect_dma semaphore(%arg18 : memref<!tpu.dma_semaphore, #tpu.memory_space<semaphore_mem>>) src(%dma_wait3A_526 : memref<125x128xf32, #tpu.memory_space<vmem>>) dst(%dma_wait3A_532 : memref<10000x128xf32, #tpu.memory_space<vmem_shared>>)
      %dma_start3A_533 = arith.constant 9 : i32
      %dma_start3A_534 = arith.constant 1 : i32
      %dma_start3A_535 = arith.constant 0 : i32
      %dma_start3A_536 = arith.constant 0 : i32
      %dma_start3A_537 = tpu.memref_slice %arg11[%dma_start3A_534, %dma_start3A_535, %dma_start3A_536] : memref<2x125x128xf32, #tpu.memory_space<vmem>> -> memref<1x125x128xf32, #tpu.memory_space<vmem>>
      %dma_start3A_538 = tpu.memref_squeeze %dma_start3A_537 : memref<1x125x128xf32, #tpu.memory_space<vmem>> -> memref<125x128xf32, #tpu.memory_space<vmem>>
      %dma_start3A_539 = arith.constant 0 : i32
      %dma_start3A_540 = tpu.memref_slice %arg9[%dma_start3A_533, %dma_start3A_539] : memref<16x125xi32, #tpu.memory_space<vmem>> -> memref<1x125xi32, #tpu.memory_space<vmem>>
      %dma_start3A_541 = tpu.memref_squeeze %dma_start3A_540 : memref<1x125xi32, #tpu.memory_space<vmem>> -> memref<125xi32, #tpu.memory_space<vmem>>
      %dma_start3A_542 = arith.constant 0 : i32
      %dma_start3A_543 = arith.constant 0 : i32
      %dma_start3A_544 = tpu.memref_slice %arg2[%dma_start3A_542, %dma_start3A_543] : memref<10000x128xf32, #tpu.memory_space<hbm>> -> memref<10000x128xf32, #tpu.memory_space<hbm>>
      tpu.enqueue_indirect_dma source(%dma_start3A_544 : memref<10000x128xf32, #tpu.memory_space<hbm>>) target(%dma_start3A_538 : memref<125x128xf32, #tpu.memory_space<vmem>>) offsets(%dma_start3A_541 : memref<125xi32, #tpu.memory_space<vmem>>) semaphore(%arg16 : memref<!tpu.dma_semaphore, #tpu.memory_space<semaphore_mem>>)
      %dma_wait3A_545 = arith.constant 8 : i32
      %dma_wait3A_546 = arith.constant 0 : i32
      %dma_wait3A_547 = arith.constant 0 : i32
      %dma_wait3A_548 = arith.constant 0 : i32
      %dma_wait3A_549 = tpu.memref_slice %arg11[%dma_wait3A_546, %dma_wait3A_547, %dma_wait3A_548] : memref<2x125x128xf32, #tpu.memory_space<vmem>> -> memref<1x125x128xf32, #tpu.memory_space<vmem>>
      %dma_wait3A_550 = tpu.memref_squeeze %dma_wait3A_549 : memref<1x125x128xf32, #tpu.memory_space<vmem>> -> memref<125x128xf32, #tpu.memory_space<vmem>>
      %dma_wait3A_551 = arith.constant 0 : i32
      %dma_wait3A_552 = tpu.memref_slice %arg9[%dma_wait3A_545, %dma_wait3A_551] : memref<16x125xi32, #tpu.memory_space<vmem>> -> memref<1x125xi32, #tpu.memory_space<vmem>>
      %dma_wait3A_553 = tpu.memref_squeeze %dma_wait3A_552 : memref<1x125xi32, #tpu.memory_space<vmem>> -> memref<125xi32, #tpu.memory_space<vmem>>
      %dma_wait3A_554 = arith.constant 0 : i32
      %dma_wait3A_555 = arith.constant 0 : i32
      %dma_wait3A_556 = tpu.memref_slice %arg2[%dma_wait3A_554, %dma_wait3A_555] : memref<10000x128xf32, #tpu.memory_space<hbm>> -> memref<10000x128xf32, #tpu.memory_space<hbm>>
      tpu.wait_indirect_dma semaphore(%arg15 : memref<!tpu.dma_semaphore, #tpu.memory_space<semaphore_mem>>) src(%dma_wait3A_556 : memref<10000x128xf32, #tpu.memory_space<hbm>>) dst(%dma_wait3A_550 : memref<125x128xf32, #tpu.memory_space<vmem>>)
      %dma_start3A_557 = arith.constant 0 : i32
      %dma_start3A_558 = arith.constant 8 : i32
      %dma_start3A_559 = arith.constant 0 : i32
      %dma_start3A_560 = arith.constant 0 : i32
      %dma_start3A_561 = tpu.memref_slice %arg11[%dma_start3A_557, %dma_start3A_559, %dma_start3A_560] : memref<2x125x128xf32, #tpu.memory_space<vmem>> -> memref<1x125x128xf32, #tpu.memory_space<vmem>>
      %dma_start3A_562 = tpu.memref_squeeze %dma_start3A_561 : memref<1x125x128xf32, #tpu.memory_space<vmem>> -> memref<125x128xf32, #tpu.memory_space<vmem>>
      %dma_start3A_563 = arith.constant 0 : i32
      %dma_start3A_564 = tpu.memref_slice %arg10[%dma_start3A_558, %dma_start3A_563] : memref<16x125xi32, #tpu.memory_space<vmem>> -> memref<1x125xi32, #tpu.memory_space<vmem>>
      %dma_start3A_565 = tpu.memref_squeeze %dma_start3A_564 : memref<1x125xi32, #tpu.memory_space<vmem>> -> memref<125xi32, #tpu.memory_space<vmem>>
      %dma_start3A_566 = arith.constant 0 : i32
      %dma_start3A_567 = arith.constant 0 : i32
      %dma_start3A_568 = tpu.memref_slice %arg14[%dma_start3A_566, %dma_start3A_567] : memref<10000x128xf32, #tpu.memory_space<vmem_shared>> -> memref<10000x128xf32, #tpu.memory_space<vmem_shared>>
      tpu.enqueue_indirect_dma source(%dma_start3A_562 : memref<125x128xf32, #tpu.memory_space<vmem>>) target(%dma_start3A_568 : memref<10000x128xf32, #tpu.memory_space<vmem_shared>>) offsets(%dma_start3A_565 : memref<125xi32, #tpu.memory_space<vmem>>) semaphore(%arg17 : memref<!tpu.dma_semaphore, #tpu.memory_space<semaphore_mem>>) {add = true}
      %dma_wait3A_569 = arith.constant 0 : i32
      %dma_wait3A_570 = arith.constant 8 : i32
      %dma_wait3A_571 = arith.constant 0 : i32
      %dma_wait3A_572 = arith.constant 0 : i32
      %dma_wait3A_573 = tpu.memref_slice %arg11[%dma_wait3A_569, %dma_wait3A_571, %dma_wait3A_572] : memref<2x125x128xf32, #tpu.memory_space<vmem>> -> memref<1x125x128xf32, #tpu.memory_space<vmem>>
      %dma_wait3A_574 = tpu.memref_squeeze %dma_wait3A_573 : memref<1x125x128xf32, #tpu.memory_space<vmem>> -> memref<125x128xf32, #tpu.memory_space<vmem>>
      %dma_wait3A_575 = arith.constant 0 : i32
      %dma_wait3A_576 = tpu.memref_slice %arg10[%dma_wait3A_570, %dma_wait3A_575] : memref<16x125xi32, #tpu.memory_space<vmem>> -> memref<1x125xi32, #tpu.memory_space<vmem>>
      %dma_wait3A_577 = tpu.memref_squeeze %dma_wait3A_576 : memref<1x125xi32, #tpu.memory_space<vmem>> -> memref<125xi32, #tpu.memory_space<vmem>>
      %dma_wait3A_578 = arith.constant 0 : i32
      %dma_wait3A_579 = arith.constant 0 : i32
      %dma_wait3A_580 = tpu.memref_slice %arg14[%dma_wait3A_578, %dma_wait3A_579] : memref<10000x128xf32, #tpu.memory_space<vmem_shared>> -> memref<10000x128xf32, #tpu.memory_space<vmem_shared>>
      tpu.wait_indirect_dma semaphore(%arg17 : memref<!tpu.dma_semaphore, #tpu.memory_space<semaphore_mem>>) src(%dma_wait3A_574 : memref<125x128xf32, #tpu.memory_space<vmem>>) dst(%dma_wait3A_580 : memref<10000x128xf32, #tpu.memory_space<vmem_shared>>)
      %dma_start3A_581 = arith.constant 10 : i32
      %dma_start3A_582 = arith.constant 0 : i32
      %dma_start3A_583 = arith.constant 0 : i32
      %dma_start3A_584 = arith.constant 0 : i32
      %dma_start3A_585 = tpu.memref_slice %arg11[%dma_start3A_582, %dma_start3A_583, %dma_start3A_584] : memref<2x125x128xf32, #tpu.memory_space<vmem>> -> memref<1x125x128xf32, #tpu.memory_space<vmem>>
      %dma_start3A_586 = tpu.memref_squeeze %dma_start3A_585 : memref<1x125x128xf32, #tpu.memory_space<vmem>> -> memref<125x128xf32, #tpu.memory_space<vmem>>
      %dma_start3A_587 = arith.constant 0 : i32
      %dma_start3A_588 = tpu.memref_slice %arg9[%dma_start3A_581, %dma_start3A_587] : memref<16x125xi32, #tpu.memory_space<vmem>> -> memref<1x125xi32, #tpu.memory_space<vmem>>
      %dma_start3A_589 = tpu.memref_squeeze %dma_start3A_588 : memref<1x125xi32, #tpu.memory_space<vmem>> -> memref<125xi32, #tpu.memory_space<vmem>>
      %dma_start3A_590 = arith.constant 0 : i32
      %dma_start3A_591 = arith.constant 0 : i32
      %dma_start3A_592 = tpu.memref_slice %arg2[%dma_start3A_590, %dma_start3A_591] : memref<10000x128xf32, #tpu.memory_space<hbm>> -> memref<10000x128xf32, #tpu.memory_space<hbm>>
      tpu.enqueue_indirect_dma source(%dma_start3A_592 : memref<10000x128xf32, #tpu.memory_space<hbm>>) target(%dma_start3A_586 : memref<125x128xf32, #tpu.memory_space<vmem>>) offsets(%dma_start3A_589 : memref<125xi32, #tpu.memory_space<vmem>>) semaphore(%arg15 : memref<!tpu.dma_semaphore, #tpu.memory_space<semaphore_mem>>)
      %dma_wait3A_593 = arith.constant 9 : i32
      %dma_wait3A_594 = arith.constant 1 : i32
      %dma_wait3A_595 = arith.constant 0 : i32
      %dma_wait3A_596 = arith.constant 0 : i32
      %dma_wait3A_597 = tpu.memref_slice %arg11[%dma_wait3A_594, %dma_wait3A_595, %dma_wait3A_596] : memref<2x125x128xf32, #tpu.memory_space<vmem>> -> memref<1x125x128xf32, #tpu.memory_space<vmem>>
      %dma_wait3A_598 = tpu.memref_squeeze %dma_wait3A_597 : memref<1x125x128xf32, #tpu.memory_space<vmem>> -> memref<125x128xf32, #tpu.memory_space<vmem>>
      %dma_wait3A_599 = arith.constant 0 : i32
      %dma_wait3A_600 = tpu.memref_slice %arg9[%dma_wait3A_593, %dma_wait3A_599] : memref<16x125xi32, #tpu.memory_space<vmem>> -> memref<1x125xi32, #tpu.memory_space<vmem>>
      %dma_wait3A_601 = tpu.memref_squeeze %dma_wait3A_600 : memref<1x125xi32, #tpu.memory_space<vmem>> -> memref<125xi32, #tpu.memory_space<vmem>>
      %dma_wait3A_602 = arith.constant 0 : i32
      %dma_wait3A_603 = arith.constant 0 : i32
      %dma_wait3A_604 = tpu.memref_slice %arg2[%dma_wait3A_602, %dma_wait3A_603] : memref<10000x128xf32, #tpu.memory_space<hbm>> -> memref<10000x128xf32, #tpu.memory_space<hbm>>
      tpu.wait_indirect_dma semaphore(%arg16 : memref<!tpu.dma_semaphore, #tpu.memory_space<semaphore_mem>>) src(%dma_wait3A_604 : memref<10000x128xf32, #tpu.memory_space<hbm>>) dst(%dma_wait3A_598 : memref<125x128xf32, #tpu.memory_space<vmem>>)
      %dma_start3A_605 = arith.constant 1 : i32
      %dma_start3A_606 = arith.constant 9 : i32
      %dma_start3A_607 = arith.constant 0 : i32
      %dma_start3A_608 = arith.constant 0 : i32
      %dma_start3A_609 = tpu.memref_slice %arg11[%dma_start3A_605, %dma_start3A_607, %dma_start3A_608] : memref<2x125x128xf32, #tpu.memory_space<vmem>> -> memref<1x125x128xf32, #tpu.memory_space<vmem>>
      %dma_start3A_610 = tpu.memref_squeeze %dma_start3A_609 : memref<1x125x128xf32, #tpu.memory_space<vmem>> -> memref<125x128xf32, #tpu.memory_space<vmem>>
      %dma_start3A_611 = arith.constant 0 : i32
      %dma_start3A_612 = tpu.memref_slice %arg10[%dma_start3A_606, %dma_start3A_611] : memref<16x125xi32, #tpu.memory_space<vmem>> -> memref<1x125xi32, #tpu.memory_space<vmem>>
      %dma_start3A_613 = tpu.memref_squeeze %dma_start3A_612 : memref<1x125xi32, #tpu.memory_space<vmem>> -> memref<125xi32, #tpu.memory_space<vmem>>
      %dma_start3A_614 = arith.constant 0 : i32
      %dma_start3A_615 = arith.constant 0 : i32
      %dma_start3A_616 = tpu.memref_slice %arg14[%dma_start3A_614, %dma_start3A_615] : memref<10000x128xf32, #tpu.memory_space<vmem_shared>> -> memref<10000x128xf32, #tpu.memory_space<vmem_shared>>
      tpu.enqueue_indirect_dma source(%dma_start3A_610 : memref<125x128xf32, #tpu.memory_space<vmem>>) target(%dma_start3A_616 : memref<10000x128xf32, #tpu.memory_space<vmem_shared>>) offsets(%dma_start3A_613 : memref<125xi32, #tpu.memory_space<vmem>>) semaphore(%arg18 : memref<!tpu.dma_semaphore, #tpu.memory_space<semaphore_mem>>) {add = true}
      %dma_wait3A_617 = arith.constant 1 : i32
      %dma_wait3A_618 = arith.constant 9 : i32
      %dma_wait3A_619 = arith.constant 0 : i32
      %dma_wait3A_620 = arith.constant 0 : i32
      %dma_wait3A_621 = tpu.memref_slice %arg11[%dma_wait3A_617, %dma_wait3A_619, %dma_wait3A_620] : memref<2x125x128xf32, #tpu.memory_space<vmem>> -> memref<1x125x128xf32, #tpu.memory_space<vmem>>
      %dma_wait3A_622 = tpu.memref_squeeze %dma_wait3A_621 : memref<1x125x128xf32, #tpu.memory_space<vmem>> -> memref<125x128xf32, #tpu.memory_space<vmem>>
      %dma_wait3A_623 = arith.constant 0 : i32
      %dma_wait3A_624 = tpu.memref_slice %arg10[%dma_wait3A_618, %dma_wait3A_623] : memref<16x125xi32, #tpu.memory_space<vmem>> -> memref<1x125xi32, #tpu.memory_space<vmem>>
      %dma_wait3A_625 = tpu.memref_squeeze %dma_wait3A_624 : memref<1x125xi32, #tpu.memory_space<vmem>> -> memref<125xi32, #tpu.memory_space<vmem>>
      %dma_wait3A_626 = arith.constant 0 : i32
      %dma_wait3A_627 = arith.constant 0 : i32
      %dma_wait3A_628 = tpu.memref_slice %arg14[%dma_wait3A_626, %dma_wait3A_627] : memref<10000x128xf32, #tpu.memory_space<vmem_shared>> -> memref<10000x128xf32, #tpu.memory_space<vmem_shared>>
      tpu.wait_indirect_dma semaphore(%arg18 : memref<!tpu.dma_semaphore, #tpu.memory_space<semaphore_mem>>) src(%dma_wait3A_622 : memref<125x128xf32, #tpu.memory_space<vmem>>) dst(%dma_wait3A_628 : memref<10000x128xf32, #tpu.memory_space<vmem_shared>>)
      %dma_start3A_629 = arith.constant 11 : i32
      %dma_start3A_630 = arith.constant 1 : i32
      %dma_start3A_631 = arith.constant 0 : i32
      %dma_start3A_632 = arith.constant 0 : i32
      %dma_start3A_633 = tpu.memref_slice %arg11[%dma_start3A_630, %dma_start3A_631, %dma_start3A_632] : memref<2x125x128xf32, #tpu.memory_space<vmem>> -> memref<1x125x128xf32, #tpu.memory_space<vmem>>
      %dma_start3A_634 = tpu.memref_squeeze %dma_start3A_633 : memref<1x125x128xf32, #tpu.memory_space<vmem>> -> memref<125x128xf32, #tpu.memory_space<vmem>>
      %dma_start3A_635 = arith.constant 0 : i32
      %dma_start3A_636 = tpu.memref_slice %arg9[%dma_start3A_629, %dma_start3A_635] : memref<16x125xi32, #tpu.memory_space<vmem>> -> memref<1x125xi32, #tpu.memory_space<vmem>>
      %dma_start3A_637 = tpu.memref_squeeze %dma_start3A_636 : memref<1x125xi32, #tpu.memory_space<vmem>> -> memref<125xi32, #tpu.memory_space<vmem>>
      %dma_start3A_638 = arith.constant 0 : i32
      %dma_start3A_639 = arith.constant 0 : i32
      %dma_start3A_640 = tpu.memref_slice %arg2[%dma_start3A_638, %dma_start3A_639] : memref<10000x128xf32, #tpu.memory_space<hbm>> -> memref<10000x128xf32, #tpu.memory_space<hbm>>
      tpu.enqueue_indirect_dma source(%dma_start3A_640 : memref<10000x128xf32, #tpu.memory_space<hbm>>) target(%dma_start3A_634 : memref<125x128xf32, #tpu.memory_space<vmem>>) offsets(%dma_start3A_637 : memref<125xi32, #tpu.memory_space<vmem>>) semaphore(%arg16 : memref<!tpu.dma_semaphore, #tpu.memory_space<semaphore_mem>>)
      %dma_wait3A_641 = arith.constant 10 : i32
      %dma_wait3A_642 = arith.constant 0 : i32
      %dma_wait3A_643 = arith.constant 0 : i32
      %dma_wait3A_644 = arith.constant 0 : i32
      %dma_wait3A_645 = tpu.memref_slice %arg11[%dma_wait3A_642, %dma_wait3A_643, %dma_wait3A_644] : memref<2x125x128xf32, #tpu.memory_space<vmem>> -> memref<1x125x128xf32, #tpu.memory_space<vmem>>
      %dma_wait3A_646 = tpu.memref_squeeze %dma_wait3A_645 : memref<1x125x128xf32, #tpu.memory_space<vmem>> -> memref<125x128xf32, #tpu.memory_space<vmem>>
      %dma_wait3A_647 = arith.constant 0 : i32
      %dma_wait3A_648 = tpu.memref_slice %arg9[%dma_wait3A_641, %dma_wait3A_647] : memref<16x125xi32, #tpu.memory_space<vmem>> -> memref<1x125xi32, #tpu.memory_space<vmem>>
      %dma_wait3A_649 = tpu.memref_squeeze %dma_wait3A_648 : memref<1x125xi32, #tpu.memory_space<vmem>> -> memref<125xi32, #tpu.memory_space<vmem>>
      %dma_wait3A_650 = arith.constant 0 : i32
      %dma_wait3A_651 = arith.constant 0 : i32
      %dma_wait3A_652 = tpu.memref_slice %arg2[%dma_wait3A_650, %dma_wait3A_651] : memref<10000x128xf32, #tpu.memory_space<hbm>> -> memref<10000x128xf32, #tpu.memory_space<hbm>>
      tpu.wait_indirect_dma semaphore(%arg15 : memref<!tpu.dma_semaphore, #tpu.memory_space<semaphore_mem>>) src(%dma_wait3A_652 : memref<10000x128xf32, #tpu.memory_space<hbm>>) dst(%dma_wait3A_646 : memref<125x128xf32, #tpu.memory_space<vmem>>)
      %dma_start3A_653 = arith.constant 0 : i32
      %dma_start3A_654 = arith.constant 10 : i32
      %dma_start3A_655 = arith.constant 0 : i32
      %dma_start3A_656 = arith.constant 0 : i32
      %dma_start3A_657 = tpu.memref_slice %arg11[%dma_start3A_653, %dma_start3A_655, %dma_start3A_656] : memref<2x125x128xf32, #tpu.memory_space<vmem>> -> memref<1x125x128xf32, #tpu.memory_space<vmem>>
      %dma_start3A_658 = tpu.memref_squeeze %dma_start3A_657 : memref<1x125x128xf32, #tpu.memory_space<vmem>> -> memref<125x128xf32, #tpu.memory_space<vmem>>
      %dma_start3A_659 = arith.constant 0 : i32
      %dma_start3A_660 = tpu.memref_slice %arg10[%dma_start3A_654, %dma_start3A_659] : memref<16x125xi32, #tpu.memory_space<vmem>> -> memref<1x125xi32, #tpu.memory_space<vmem>>
      %dma_start3A_661 = tpu.memref_squeeze %dma_start3A_660 : memref<1x125xi32, #tpu.memory_space<vmem>> -> memref<125xi32, #tpu.memory_space<vmem>>
      %dma_start3A_662 = arith.constant 0 : i32
      %dma_start3A_663 = arith.constant 0 : i32
      %dma_start3A_664 = tpu.memref_slice %arg14[%dma_start3A_662, %dma_start3A_663] : memref<10000x128xf32, #tpu.memory_space<vmem_shared>> -> memref<10000x128xf32, #tpu.memory_space<vmem_shared>>
      tpu.enqueue_indirect_dma source(%dma_start3A_658 : memref<125x128xf32, #tpu.memory_space<vmem>>) target(%dma_start3A_664 : memref<10000x128xf32, #tpu.memory_space<vmem_shared>>) offsets(%dma_start3A_661 : memref<125xi32, #tpu.memory_space<vmem>>) semaphore(%arg17 : memref<!tpu.dma_semaphore, #tpu.memory_space<semaphore_mem>>) {add = true}
      %dma_wait3A_665 = arith.constant 0 : i32
      %dma_wait3A_666 = arith.constant 10 : i32
      %dma_wait3A_667 = arith.constant 0 : i32
      %dma_wait3A_668 = arith.constant 0 : i32
      %dma_wait3A_669 = tpu.memref_slice %arg11[%dma_wait3A_665, %dma_wait3A_667, %dma_wait3A_668] : memref<2x125x128xf32, #tpu.memory_space<vmem>> -> memref<1x125x128xf32, #tpu.memory_space<vmem>>
      %dma_wait3A_670 = tpu.memref_squeeze %dma_wait3A_669 : memref<1x125x128xf32, #tpu.memory_space<vmem>> -> memref<125x128xf32, #tpu.memory_space<vmem>>
      %dma_wait3A_671 = arith.constant 0 : i32
      %dma_wait3A_672 = tpu.memref_slice %arg10[%dma_wait3A_666, %dma_wait3A_671] : memref<16x125xi32, #tpu.memory_space<vmem>> -> memref<1x125xi32, #tpu.memory_space<vmem>>
      %dma_wait3A_673 = tpu.memref_squeeze %dma_wait3A_672 : memref<1x125xi32, #tpu.memory_space<vmem>> -> memref<125xi32, #tpu.memory_space<vmem>>
      %dma_wait3A_674 = arith.constant 0 : i32
      %dma_wait3A_675 = arith.constant 0 : i32
      %dma_wait3A_676 = tpu.memref_slice %arg14[%dma_wait3A_674, %dma_wait3A_675] : memref<10000x128xf32, #tpu.memory_space<vmem_shared>> -> memref<10000x128xf32, #tpu.memory_space<vmem_shared>>
      tpu.wait_indirect_dma semaphore(%arg17 : memref<!tpu.dma_semaphore, #tpu.memory_space<semaphore_mem>>) src(%dma_wait3A_670 : memref<125x128xf32, #tpu.memory_space<vmem>>) dst(%dma_wait3A_676 : memref<10000x128xf32, #tpu.memory_space<vmem_shared>>)
      %dma_start3A_677 = arith.constant 12 : i32
      %dma_start3A_678 = arith.constant 0 : i32
      %dma_start3A_679 = arith.constant 0 : i32
      %dma_start3A_680 = arith.constant 0 : i32
      %dma_start3A_681 = tpu.memref_slice %arg11[%dma_start3A_678, %dma_start3A_679, %dma_start3A_680] : memref<2x125x128xf32, #tpu.memory_space<vmem>> -> memref<1x125x128xf32, #tpu.memory_space<vmem>>
      %dma_start3A_682 = tpu.memref_squeeze %dma_start3A_681 : memref<1x125x128xf32, #tpu.memory_space<vmem>> -> memref<125x128xf32, #tpu.memory_space<vmem>>
      %dma_start3A_683 = arith.constant 0 : i32
      %dma_start3A_684 = tpu.memref_slice %arg9[%dma_start3A_677, %dma_start3A_683] : memref<16x125xi32, #tpu.memory_space<vmem>> -> memref<1x125xi32, #tpu.memory_space<vmem>>
      %dma_start3A_685 = tpu.memref_squeeze %dma_start3A_684 : memref<1x125xi32, #tpu.memory_space<vmem>> -> memref<125xi32, #tpu.memory_space<vmem>>
      %dma_start3A_686 = arith.constant 0 : i32
      %dma_start3A_687 = arith.constant 0 : i32
      %dma_start3A_688 = tpu.memref_slice %arg2[%dma_start3A_686, %dma_start3A_687] : memref<10000x128xf32, #tpu.memory_space<hbm>> -> memref<10000x128xf32, #tpu.memory_space<hbm>>
      tpu.enqueue_indirect_dma source(%dma_start3A_688 : memref<10000x128xf32, #tpu.memory_space<hbm>>) target(%dma_start3A_682 : memref<125x128xf32, #tpu.memory_space<vmem>>) offsets(%dma_start3A_685 : memref<125xi32, #tpu.memory_space<vmem>>) semaphore(%arg15 : memref<!tpu.dma_semaphore, #tpu.memory_space<semaphore_mem>>)
      %dma_wait3A_689 = arith.constant 11 : i32
      %dma_wait3A_690 = arith.constant 1 : i32
      %dma_wait3A_691 = arith.constant 0 : i32
      %dma_wait3A_692 = arith.constant 0 : i32
      %dma_wait3A_693 = tpu.memref_slice %arg11[%dma_wait3A_690, %dma_wait3A_691, %dma_wait3A_692] : memref<2x125x128xf32, #tpu.memory_space<vmem>> -> memref<1x125x128xf32, #tpu.memory_space<vmem>>
      %dma_wait3A_694 = tpu.memref_squeeze %dma_wait3A_693 : memref<1x125x128xf32, #tpu.memory_space<vmem>> -> memref<125x128xf32, #tpu.memory_space<vmem>>
      %dma_wait3A_695 = arith.constant 0 : i32
      %dma_wait3A_696 = tpu.memref_slice %arg9[%dma_wait3A_689, %dma_wait3A_695] : memref<16x125xi32, #tpu.memory_space<vmem>> -> memref<1x125xi32, #tpu.memory_space<vmem>>
      %dma_wait3A_697 = tpu.memref_squeeze %dma_wait3A_696 : memref<1x125xi32, #tpu.memory_space<vmem>> -> memref<125xi32, #tpu.memory_space<vmem>>
      %dma_wait3A_698 = arith.constant 0 : i32
      %dma_wait3A_699 = arith.constant 0 : i32
      %dma_wait3A_700 = tpu.memref_slice %arg2[%dma_wait3A_698, %dma_wait3A_699] : memref<10000x128xf32, #tpu.memory_space<hbm>> -> memref<10000x128xf32, #tpu.memory_space<hbm>>
      tpu.wait_indirect_dma semaphore(%arg16 : memref<!tpu.dma_semaphore, #tpu.memory_space<semaphore_mem>>) src(%dma_wait3A_700 : memref<10000x128xf32, #tpu.memory_space<hbm>>) dst(%dma_wait3A_694 : memref<125x128xf32, #tpu.memory_space<vmem>>)
      %dma_start3A_701 = arith.constant 1 : i32
      %dma_start3A_702 = arith.constant 11 : i32
      %dma_start3A_703 = arith.constant 0 : i32
      %dma_start3A_704 = arith.constant 0 : i32
      %dma_start3A_705 = tpu.memref_slice %arg11[%dma_start3A_701, %dma_start3A_703, %dma_start3A_704] : memref<2x125x128xf32, #tpu.memory_space<vmem>> -> memref<1x125x128xf32, #tpu.memory_space<vmem>>
      %dma_start3A_706 = tpu.memref_squeeze %dma_start3A_705 : memref<1x125x128xf32, #tpu.memory_space<vmem>> -> memref<125x128xf32, #tpu.memory_space<vmem>>
      %dma_start3A_707 = arith.constant 0 : i32
      %dma_start3A_708 = tpu.memref_slice %arg10[%dma_start3A_702, %dma_start3A_707] : memref<16x125xi32, #tpu.memory_space<vmem>> -> memref<1x125xi32, #tpu.memory_space<vmem>>
      %dma_start3A_709 = tpu.memref_squeeze %dma_start3A_708 : memref<1x125xi32, #tpu.memory_space<vmem>> -> memref<125xi32, #tpu.memory_space<vmem>>
      %dma_start3A_710 = arith.constant 0 : i32
      %dma_start3A_711 = arith.constant 0 : i32
      %dma_start3A_712 = tpu.memref_slice %arg14[%dma_start3A_710, %dma_start3A_711] : memref<10000x128xf32, #tpu.memory_space<vmem_shared>> -> memref<10000x128xf32, #tpu.memory_space<vmem_shared>>
      tpu.enqueue_indirect_dma source(%dma_start3A_706 : memref<125x128xf32, #tpu.memory_space<vmem>>) target(%dma_start3A_712 : memref<10000x128xf32, #tpu.memory_space<vmem_shared>>) offsets(%dma_start3A_709 : memref<125xi32, #tpu.memory_space<vmem>>) semaphore(%arg18 : memref<!tpu.dma_semaphore, #tpu.memory_space<semaphore_mem>>) {add = true}
      %dma_wait3A_713 = arith.constant 1 : i32
      %dma_wait3A_714 = arith.constant 11 : i32
      %dma_wait3A_715 = arith.constant 0 : i32
      %dma_wait3A_716 = arith.constant 0 : i32
      %dma_wait3A_717 = tpu.memref_slice %arg11[%dma_wait3A_713, %dma_wait3A_715, %dma_wait3A_716] : memref<2x125x128xf32, #tpu.memory_space<vmem>> -> memref<1x125x128xf32, #tpu.memory_space<vmem>>
      %dma_wait3A_718 = tpu.memref_squeeze %dma_wait3A_717 : memref<1x125x128xf32, #tpu.memory_space<vmem>> -> memref<125x128xf32, #tpu.memory_space<vmem>>
      %dma_wait3A_719 = arith.constant 0 : i32
      %dma_wait3A_720 = tpu.memref_slice %arg10[%dma_wait3A_714, %dma_wait3A_719] : memref<16x125xi32, #tpu.memory_space<vmem>> -> memref<1x125xi32, #tpu.memory_space<vmem>>
      %dma_wait3A_721 = tpu.memref_squeeze %dma_wait3A_720 : memref<1x125xi32, #tpu.memory_space<vmem>> -> memref<125xi32, #tpu.memory_space<vmem>>
      %dma_wait3A_722 = arith.constant 0 : i32
      %dma_wait3A_723 = arith.constant 0 : i32
      %dma_wait3A_724 = tpu.memref_slice %arg14[%dma_wait3A_722, %dma_wait3A_723] : memref<10000x128xf32, #tpu.memory_space<vmem_shared>> -> memref<10000x128xf32, #tpu.memory_space<vmem_shared>>
      tpu.wait_indirect_dma semaphore(%arg18 : memref<!tpu.dma_semaphore, #tpu.memory_space<semaphore_mem>>) src(%dma_wait3A_718 : memref<125x128xf32, #tpu.memory_space<vmem>>) dst(%dma_wait3A_724 : memref<10000x128xf32, #tpu.memory_space<vmem_shared>>)
      %dma_start3A_725 = arith.constant 13 : i32
      %dma_start3A_726 = arith.constant 1 : i32
      %dma_start3A_727 = arith.constant 0 : i32
      %dma_start3A_728 = arith.constant 0 : i32
      %dma_start3A_729 = tpu.memref_slice %arg11[%dma_start3A_726, %dma_start3A_727, %dma_start3A_728] : memref<2x125x128xf32, #tpu.memory_space<vmem>> -> memref<1x125x128xf32, #tpu.memory_space<vmem>>
      %dma_start3A_730 = tpu.memref_squeeze %dma_start3A_729 : memref<1x125x128xf32, #tpu.memory_space<vmem>> -> memref<125x128xf32, #tpu.memory_space<vmem>>
      %dma_start3A_731 = arith.constant 0 : i32
      %dma_start3A_732 = tpu.memref_slice %arg9[%dma_start3A_725, %dma_start3A_731] : memref<16x125xi32, #tpu.memory_space<vmem>> -> memref<1x125xi32, #tpu.memory_space<vmem>>
      %dma_start3A_733 = tpu.memref_squeeze %dma_start3A_732 : memref<1x125xi32, #tpu.memory_space<vmem>> -> memref<125xi32, #tpu.memory_space<vmem>>
      %dma_start3A_734 = arith.constant 0 : i32
      %dma_start3A_735 = arith.constant 0 : i32
      %dma_start3A_736 = tpu.memref_slice %arg2[%dma_start3A_734, %dma_start3A_735] : memref<10000x128xf32, #tpu.memory_space<hbm>> -> memref<10000x128xf32, #tpu.memory_space<hbm>>
      tpu.enqueue_indirect_dma source(%dma_start3A_736 : memref<10000x128xf32, #tpu.memory_space<hbm>>) target(%dma_start3A_730 : memref<125x128xf32, #tpu.memory_space<vmem>>) offsets(%dma_start3A_733 : memref<125xi32, #tpu.memory_space<vmem>>) semaphore(%arg16 : memref<!tpu.dma_semaphore, #tpu.memory_space<semaphore_mem>>)
      %dma_wait3A_737 = arith.constant 12 : i32
      %dma_wait3A_738 = arith.constant 0 : i32
      %dma_wait3A_739 = arith.constant 0 : i32
      %dma_wait3A_740 = arith.constant 0 : i32
      %dma_wait3A_741 = tpu.memref_slice %arg11[%dma_wait3A_738, %dma_wait3A_739, %dma_wait3A_740] : memref<2x125x128xf32, #tpu.memory_space<vmem>> -> memref<1x125x128xf32, #tpu.memory_space<vmem>>
      %dma_wait3A_742 = tpu.memref_squeeze %dma_wait3A_741 : memref<1x125x128xf32, #tpu.memory_space<vmem>> -> memref<125x128xf32, #tpu.memory_space<vmem>>
      %dma_wait3A_743 = arith.constant 0 : i32
      %dma_wait3A_744 = tpu.memref_slice %arg9[%dma_wait3A_737, %dma_wait3A_743] : memref<16x125xi32, #tpu.memory_space<vmem>> -> memref<1x125xi32, #tpu.memory_space<vmem>>
      %dma_wait3A_745 = tpu.memref_squeeze %dma_wait3A_744 : memref<1x125xi32, #tpu.memory_space<vmem>> -> memref<125xi32, #tpu.memory_space<vmem>>
      %dma_wait3A_746 = arith.constant 0 : i32
      %dma_wait3A_747 = arith.constant 0 : i32
      %dma_wait3A_748 = tpu.memref_slice %arg2[%dma_wait3A_746, %dma_wait3A_747] : memref<10000x128xf32, #tpu.memory_space<hbm>> -> memref<10000x128xf32, #tpu.memory_space<hbm>>
      tpu.wait_indirect_dma semaphore(%arg15 : memref<!tpu.dma_semaphore, #tpu.memory_space<semaphore_mem>>) src(%dma_wait3A_748 : memref<10000x128xf32, #tpu.memory_space<hbm>>) dst(%dma_wait3A_742 : memref<125x128xf32, #tpu.memory_space<vmem>>)
      %dma_start3A_749 = arith.constant 0 : i32
      %dma_start3A_750 = arith.constant 12 : i32
      %dma_start3A_751 = arith.constant 0 : i32
      %dma_start3A_752 = arith.constant 0 : i32
      %dma_start3A_753 = tpu.memref_slice %arg11[%dma_start3A_749, %dma_start3A_751, %dma_start3A_752] : memref<2x125x128xf32, #tpu.memory_space<vmem>> -> memref<1x125x128xf32, #tpu.memory_space<vmem>>
      %dma_start3A_754 = tpu.memref_squeeze %dma_start3A_753 : memref<1x125x128xf32, #tpu.memory_space<vmem>> -> memref<125x128xf32, #tpu.memory_space<vmem>>
      %dma_start3A_755 = arith.constant 0 : i32
      %dma_start3A_756 = tpu.memref_slice %arg10[%dma_start3A_750, %dma_start3A_755] : memref<16x125xi32, #tpu.memory_space<vmem>> -> memref<1x125xi32, #tpu.memory_space<vmem>>
      %dma_start3A_757 = tpu.memref_squeeze %dma_start3A_756 : memref<1x125xi32, #tpu.memory_space<vmem>> -> memref<125xi32, #tpu.memory_space<vmem>>
      %dma_start3A_758 = arith.constant 0 : i32
      %dma_start3A_759 = arith.constant 0 : i32
      %dma_start3A_760 = tpu.memref_slice %arg14[%dma_start3A_758, %dma_start3A_759] : memref<10000x128xf32, #tpu.memory_space<vmem_shared>> -> memref<10000x128xf32, #tpu.memory_space<vmem_shared>>
      tpu.enqueue_indirect_dma source(%dma_start3A_754 : memref<125x128xf32, #tpu.memory_space<vmem>>) target(%dma_start3A_760 : memref<10000x128xf32, #tpu.memory_space<vmem_shared>>) offsets(%dma_start3A_757 : memref<125xi32, #tpu.memory_space<vmem>>) semaphore(%arg17 : memref<!tpu.dma_semaphore, #tpu.memory_space<semaphore_mem>>) {add = true}
      %dma_wait3A_761 = arith.constant 0 : i32
      %dma_wait3A_762 = arith.constant 12 : i32
      %dma_wait3A_763 = arith.constant 0 : i32
      %dma_wait3A_764 = arith.constant 0 : i32
      %dma_wait3A_765 = tpu.memref_slice %arg11[%dma_wait3A_761, %dma_wait3A_763, %dma_wait3A_764] : memref<2x125x128xf32, #tpu.memory_space<vmem>> -> memref<1x125x128xf32, #tpu.memory_space<vmem>>
      %dma_wait3A_766 = tpu.memref_squeeze %dma_wait3A_765 : memref<1x125x128xf32, #tpu.memory_space<vmem>> -> memref<125x128xf32, #tpu.memory_space<vmem>>
      %dma_wait3A_767 = arith.constant 0 : i32
      %dma_wait3A_768 = tpu.memref_slice %arg10[%dma_wait3A_762, %dma_wait3A_767] : memref<16x125xi32, #tpu.memory_space<vmem>> -> memref<1x125xi32, #tpu.memory_space<vmem>>
      %dma_wait3A_769 = tpu.memref_squeeze %dma_wait3A_768 : memref<1x125xi32, #tpu.memory_space<vmem>> -> memref<125xi32, #tpu.memory_space<vmem>>
      %dma_wait3A_770 = arith.constant 0 : i32
      %dma_wait3A_771 = arith.constant 0 : i32
      %dma_wait3A_772 = tpu.memref_slice %arg14[%dma_wait3A_770, %dma_wait3A_771] : memref<10000x128xf32, #tpu.memory_space<vmem_shared>> -> memref<10000x128xf32, #tpu.memory_space<vmem_shared>>
      tpu.wait_indirect_dma semaphore(%arg17 : memref<!tpu.dma_semaphore, #tpu.memory_space<semaphore_mem>>) src(%dma_wait3A_766 : memref<125x128xf32, #tpu.memory_space<vmem>>) dst(%dma_wait3A_772 : memref<10000x128xf32, #tpu.memory_space<vmem_shared>>)
      %dma_start3A_773 = arith.constant 14 : i32
      %dma_start3A_774 = arith.constant 0 : i32
      %dma_start3A_775 = arith.constant 0 : i32
      %dma_start3A_776 = arith.constant 0 : i32
      %dma_start3A_777 = tpu.memref_slice %arg11[%dma_start3A_774, %dma_start3A_775, %dma_start3A_776] : memref<2x125x128xf32, #tpu.memory_space<vmem>> -> memref<1x125x128xf32, #tpu.memory_space<vmem>>
      %dma_start3A_778 = tpu.memref_squeeze %dma_start3A_777 : memref<1x125x128xf32, #tpu.memory_space<vmem>> -> memref<125x128xf32, #tpu.memory_space<vmem>>
      %dma_start3A_779 = arith.constant 0 : i32
      %dma_start3A_780 = tpu.memref_slice %arg9[%dma_start3A_773, %dma_start3A_779] : memref<16x125xi32, #tpu.memory_space<vmem>> -> memref<1x125xi32, #tpu.memory_space<vmem>>
      %dma_start3A_781 = tpu.memref_squeeze %dma_start3A_780 : memref<1x125xi32, #tpu.memory_space<vmem>> -> memref<125xi32, #tpu.memory_space<vmem>>
      %dma_start3A_782 = arith.constant 0 : i32
      %dma_start3A_783 = arith.constant 0 : i32
      %dma_start3A_784 = tpu.memref_slice %arg2[%dma_start3A_782, %dma_start3A_783] : memref<10000x128xf32, #tpu.memory_space<hbm>> -> memref<10000x128xf32, #tpu.memory_space<hbm>>
      tpu.enqueue_indirect_dma source(%dma_start3A_784 : memref<10000x128xf32, #tpu.memory_space<hbm>>) target(%dma_start3A_778 : memref<125x128xf32, #tpu.memory_space<vmem>>) offsets(%dma_start3A_781 : memref<125xi32, #tpu.memory_space<vmem>>) semaphore(%arg15 : memref<!tpu.dma_semaphore, #tpu.memory_space<semaphore_mem>>)
      %dma_wait3A_785 = arith.constant 13 : i32
      %dma_wait3A_786 = arith.constant 1 : i32
      %dma_wait3A_787 = arith.constant 0 : i32
      %dma_wait3A_788 = arith.constant 0 : i32
      %dma_wait3A_789 = tpu.memref_slice %arg11[%dma_wait3A_786, %dma_wait3A_787, %dma_wait3A_788] : memref<2x125x128xf32, #tpu.memory_space<vmem>> -> memref<1x125x128xf32, #tpu.memory_space<vmem>>
      %dma_wait3A_790 = tpu.memref_squeeze %dma_wait3A_789 : memref<1x125x128xf32, #tpu.memory_space<vmem>> -> memref<125x128xf32, #tpu.memory_space<vmem>>
      %dma_wait3A_791 = arith.constant 0 : i32
      %dma_wait3A_792 = tpu.memref_slice %arg9[%dma_wait3A_785, %dma_wait3A_791] : memref<16x125xi32, #tpu.memory_space<vmem>> -> memref<1x125xi32, #tpu.memory_space<vmem>>
      %dma_wait3A_793 = tpu.memref_squeeze %dma_wait3A_792 : memref<1x125xi32, #tpu.memory_space<vmem>> -> memref<125xi32, #tpu.memory_space<vmem>>
      %dma_wait3A_794 = arith.constant 0 : i32
      %dma_wait3A_795 = arith.constant 0 : i32
      %dma_wait3A_796 = tpu.memref_slice %arg2[%dma_wait3A_794, %dma_wait3A_795] : memref<10000x128xf32, #tpu.memory_space<hbm>> -> memref<10000x128xf32, #tpu.memory_space<hbm>>
      tpu.wait_indirect_dma semaphore(%arg16 : memref<!tpu.dma_semaphore, #tpu.memory_space<semaphore_mem>>) src(%dma_wait3A_796 : memref<10000x128xf32, #tpu.memory_space<hbm>>) dst(%dma_wait3A_790 : memref<125x128xf32, #tpu.memory_space<vmem>>)
      %dma_start3A_797 = arith.constant 1 : i32
      %dma_start3A_798 = arith.constant 13 : i32
      %dma_start3A_799 = arith.constant 0 : i32
      %dma_start3A_800 = arith.constant 0 : i32
      %dma_start3A_801 = tpu.memref_slice %arg11[%dma_start3A_797, %dma_start3A_799, %dma_start3A_800] : memref<2x125x128xf32, #tpu.memory_space<vmem>> -> memref<1x125x128xf32, #tpu.memory_space<vmem>>
      %dma_start3A_802 = tpu.memref_squeeze %dma_start3A_801 : memref<1x125x128xf32, #tpu.memory_space<vmem>> -> memref<125x128xf32, #tpu.memory_space<vmem>>
      %dma_start3A_803 = arith.constant 0 : i32
      %dma_start3A_804 = tpu.memref_slice %arg10[%dma_start3A_798, %dma_start3A_803] : memref<16x125xi32, #tpu.memory_space<vmem>> -> memref<1x125xi32, #tpu.memory_space<vmem>>
      %dma_start3A_805 = tpu.memref_squeeze %dma_start3A_804 : memref<1x125xi32, #tpu.memory_space<vmem>> -> memref<125xi32, #tpu.memory_space<vmem>>
      %dma_start3A_806 = arith.constant 0 : i32
      %dma_start3A_807 = arith.constant 0 : i32
      %dma_start3A_808 = tpu.memref_slice %arg14[%dma_start3A_806, %dma_start3A_807] : memref<10000x128xf32, #tpu.memory_space<vmem_shared>> -> memref<10000x128xf32, #tpu.memory_space<vmem_shared>>
      tpu.enqueue_indirect_dma source(%dma_start3A_802 : memref<125x128xf32, #tpu.memory_space<vmem>>) target(%dma_start3A_808 : memref<10000x128xf32, #tpu.memory_space<vmem_shared>>) offsets(%dma_start3A_805 : memref<125xi32, #tpu.memory_space<vmem>>) semaphore(%arg18 : memref<!tpu.dma_semaphore, #tpu.memory_space<semaphore_mem>>) {add = true}
      %dma_wait3A_809 = arith.constant 1 : i32
      %dma_wait3A_810 = arith.constant 13 : i32
      %dma_wait3A_811 = arith.constant 0 : i32
      %dma_wait3A_812 = arith.constant 0 : i32
      %dma_wait3A_813 = tpu.memref_slice %arg11[%dma_wait3A_809, %dma_wait3A_811, %dma_wait3A_812] : memref<2x125x128xf32, #tpu.memory_space<vmem>> -> memref<1x125x128xf32, #tpu.memory_space<vmem>>
      %dma_wait3A_814 = tpu.memref_squeeze %dma_wait3A_813 : memref<1x125x128xf32, #tpu.memory_space<vmem>> -> memref<125x128xf32, #tpu.memory_space<vmem>>
      %dma_wait3A_815 = arith.constant 0 : i32
      %dma_wait3A_816 = tpu.memref_slice %arg10[%dma_wait3A_810, %dma_wait3A_815] : memref<16x125xi32, #tpu.memory_space<vmem>> -> memref<1x125xi32, #tpu.memory_space<vmem>>
      %dma_wait3A_817 = tpu.memref_squeeze %dma_wait3A_816 : memref<1x125xi32, #tpu.memory_space<vmem>> -> memref<125xi32, #tpu.memory_space<vmem>>
      %dma_wait3A_818 = arith.constant 0 : i32
      %dma_wait3A_819 = arith.constant 0 : i32
      %dma_wait3A_820 = tpu.memref_slice %arg14[%dma_wait3A_818, %dma_wait3A_819] : memref<10000x128xf32, #tpu.memory_space<vmem_shared>> -> memref<10000x128xf32, #tpu.memory_space<vmem_shared>>
      tpu.wait_indirect_dma semaphore(%arg18 : memref<!tpu.dma_semaphore, #tpu.memory_space<semaphore_mem>>) src(%dma_wait3A_814 : memref<125x128xf32, #tpu.memory_space<vmem>>) dst(%dma_wait3A_820 : memref<10000x128xf32, #tpu.memory_space<vmem_shared>>)
      %dma_start3A_821 = arith.constant 15 : i32
      %dma_start3A_822 = arith.constant 1 : i32
      %dma_start3A_823 = arith.constant 0 : i32
      %dma_start3A_824 = arith.constant 0 : i32
      %dma_start3A_825 = tpu.memref_slice %arg11[%dma_start3A_822, %dma_start3A_823, %dma_start3A_824] : memref<2x125x128xf32, #tpu.memory_space<vmem>> -> memref<1x125x128xf32, #tpu.memory_space<vmem>>
      %dma_start3A_826 = tpu.memref_squeeze %dma_start3A_825 : memref<1x125x128xf32, #tpu.memory_space<vmem>> -> memref<125x128xf32, #tpu.memory_space<vmem>>
      %dma_start3A_827 = arith.constant 0 : i32
      %dma_start3A_828 = tpu.memref_slice %arg9[%dma_start3A_821, %dma_start3A_827] : memref<16x125xi32, #tpu.memory_space<vmem>> -> memref<1x125xi32, #tpu.memory_space<vmem>>
      %dma_start3A_829 = tpu.memref_squeeze %dma_start3A_828 : memref<1x125xi32, #tpu.memory_space<vmem>> -> memref<125xi32, #tpu.memory_space<vmem>>
      %dma_start3A_830 = arith.constant 0 : i32
      %dma_start3A_831 = arith.constant 0 : i32
      %dma_start3A_832 = tpu.memref_slice %arg2[%dma_start3A_830, %dma_start3A_831] : memref<10000x128xf32, #tpu.memory_space<hbm>> -> memref<10000x128xf32, #tpu.memory_space<hbm>>
      tpu.enqueue_indirect_dma source(%dma_start3A_832 : memref<10000x128xf32, #tpu.memory_space<hbm>>) target(%dma_start3A_826 : memref<125x128xf32, #tpu.memory_space<vmem>>) offsets(%dma_start3A_829 : memref<125xi32, #tpu.memory_space<vmem>>) semaphore(%arg16 : memref<!tpu.dma_semaphore, #tpu.memory_space<semaphore_mem>>)
      %dma_wait3A_833 = arith.constant 14 : i32
      %dma_wait3A_834 = arith.constant 0 : i32
      %dma_wait3A_835 = arith.constant 0 : i32
      %dma_wait3A_836 = arith.constant 0 : i32
      %dma_wait3A_837 = tpu.memref_slice %arg11[%dma_wait3A_834, %dma_wait3A_835, %dma_wait3A_836] : memref<2x125x128xf32, #tpu.memory_space<vmem>> -> memref<1x125x128xf32, #tpu.memory_space<vmem>>
      %dma_wait3A_838 = tpu.memref_squeeze %dma_wait3A_837 : memref<1x125x128xf32, #tpu.memory_space<vmem>> -> memref<125x128xf32, #tpu.memory_space<vmem>>
      %dma_wait3A_839 = arith.constant 0 : i32
      %dma_wait3A_840 = tpu.memref_slice %arg9[%dma_wait3A_833, %dma_wait3A_839] : memref<16x125xi32, #tpu.memory_space<vmem>> -> memref<1x125xi32, #tpu.memory_space<vmem>>
      %dma_wait3A_841 = tpu.memref_squeeze %dma_wait3A_840 : memref<1x125xi32, #tpu.memory_space<vmem>> -> memref<125xi32, #tpu.memory_space<vmem>>
      %dma_wait3A_842 = arith.constant 0 : i32
      %dma_wait3A_843 = arith.constant 0 : i32
      %dma_wait3A_844 = tpu.memref_slice %arg2[%dma_wait3A_842, %dma_wait3A_843] : memref<10000x128xf32, #tpu.memory_space<hbm>> -> memref<10000x128xf32, #tpu.memory_space<hbm>>
      tpu.wait_indirect_dma semaphore(%arg15 : memref<!tpu.dma_semaphore, #tpu.memory_space<semaphore_mem>>) src(%dma_wait3A_844 : memref<10000x128xf32, #tpu.memory_space<hbm>>) dst(%dma_wait3A_838 : memref<125x128xf32, #tpu.memory_space<vmem>>)
      %dma_start3A_845 = arith.constant 0 : i32
      %dma_start3A_846 = arith.constant 14 : i32
      %dma_start3A_847 = arith.constant 0 : i32
      %dma_start3A_848 = arith.constant 0 : i32
      %dma_start3A_849 = tpu.memref_slice %arg11[%dma_start3A_845, %dma_start3A_847, %dma_start3A_848] : memref<2x125x128xf32, #tpu.memory_space<vmem>> -> memref<1x125x128xf32, #tpu.memory_space<vmem>>
      %dma_start3A_850 = tpu.memref_squeeze %dma_start3A_849 : memref<1x125x128xf32, #tpu.memory_space<vmem>> -> memref<125x128xf32, #tpu.memory_space<vmem>>
      %dma_start3A_851 = arith.constant 0 : i32
      %dma_start3A_852 = tpu.memref_slice %arg10[%dma_start3A_846, %dma_start3A_851] : memref<16x125xi32, #tpu.memory_space<vmem>> -> memref<1x125xi32, #tpu.memory_space<vmem>>
      %dma_start3A_853 = tpu.memref_squeeze %dma_start3A_852 : memref<1x125xi32, #tpu.memory_space<vmem>> -> memref<125xi32, #tpu.memory_space<vmem>>
      %dma_start3A_854 = arith.constant 0 : i32
      %dma_start3A_855 = arith.constant 0 : i32
      %dma_start3A_856 = tpu.memref_slice %arg14[%dma_start3A_854, %dma_start3A_855] : memref<10000x128xf32, #tpu.memory_space<vmem_shared>> -> memref<10000x128xf32, #tpu.memory_space<vmem_shared>>
      tpu.enqueue_indirect_dma source(%dma_start3A_850 : memref<125x128xf32, #tpu.memory_space<vmem>>) target(%dma_start3A_856 : memref<10000x128xf32, #tpu.memory_space<vmem_shared>>) offsets(%dma_start3A_853 : memref<125xi32, #tpu.memory_space<vmem>>) semaphore(%arg17 : memref<!tpu.dma_semaphore, #tpu.memory_space<semaphore_mem>>) {add = true}
      %dma_wait3A_857 = arith.constant 15 : i32
      %dma_wait3A_858 = arith.constant 1 : i32
      %dma_wait3A_859 = arith.constant 0 : i32
      %dma_wait3A_860 = arith.constant 0 : i32
      %dma_wait3A_861 = tpu.memref_slice %arg11[%dma_wait3A_858, %dma_wait3A_859, %dma_wait3A_860] : memref<2x125x128xf32, #tpu.memory_space<vmem>> -> memref<1x125x128xf32, #tpu.memory_space<vmem>>
      %dma_wait3A_862 = tpu.memref_squeeze %dma_wait3A_861 : memref<1x125x128xf32, #tpu.memory_space<vmem>> -> memref<125x128xf32, #tpu.memory_space<vmem>>
      %dma_wait3A_863 = arith.constant 0 : i32
      %dma_wait3A_864 = tpu.memref_slice %arg9[%dma_wait3A_857, %dma_wait3A_863] : memref<16x125xi32, #tpu.memory_space<vmem>> -> memref<1x125xi32, #tpu.memory_space<vmem>>
      %dma_wait3A_865 = tpu.memref_squeeze %dma_wait3A_864 : memref<1x125xi32, #tpu.memory_space<vmem>> -> memref<125xi32, #tpu.memory_space<vmem>>
      %dma_wait3A_866 = arith.constant 0 : i32
      %dma_wait3A_867 = arith.constant 0 : i32
      %dma_wait3A_868 = tpu.memref_slice %arg2[%dma_wait3A_866, %dma_wait3A_867] : memref<10000x128xf32, #tpu.memory_space<hbm>> -> memref<10000x128xf32, #tpu.memory_space<hbm>>
      tpu.wait_indirect_dma semaphore(%arg16 : memref<!tpu.dma_semaphore, #tpu.memory_space<semaphore_mem>>) src(%dma_wait3A_868 : memref<10000x128xf32, #tpu.memory_space<hbm>>) dst(%dma_wait3A_862 : memref<125x128xf32, #tpu.memory_space<vmem>>)
      %dma_start3A_869 = arith.constant 1 : i32
      %dma_start3A_870 = arith.constant 15 : i32
      %dma_start3A_871 = arith.constant 0 : i32
      %dma_start3A_872 = arith.constant 0 : i32
      %dma_start3A_873 = tpu.memref_slice %arg11[%dma_start3A_869, %dma_start3A_871, %dma_start3A_872] : memref<2x125x128xf32, #tpu.memory_space<vmem>> -> memref<1x125x128xf32, #tpu.memory_space<vmem>>
      %dma_start3A_874 = tpu.memref_squeeze %dma_start3A_873 : memref<1x125x128xf32, #tpu.memory_space<vmem>> -> memref<125x128xf32, #tpu.memory_space<vmem>>
      %dma_start3A_875 = arith.constant 0 : i32
      %dma_start3A_876 = tpu.memref_slice %arg10[%dma_start3A_870, %dma_start3A_875] : memref<16x125xi32, #tpu.memory_space<vmem>> -> memref<1x125xi32, #tpu.memory_space<vmem>>
      %dma_start3A_877 = tpu.memref_squeeze %dma_start3A_876 : memref<1x125xi32, #tpu.memory_space<vmem>> -> memref<125xi32, #tpu.memory_space<vmem>>
      %dma_start3A_878 = arith.constant 0 : i32
      %dma_start3A_879 = arith.constant 0 : i32
      %dma_start3A_880 = tpu.memref_slice %arg14[%dma_start3A_878, %dma_start3A_879] : memref<10000x128xf32, #tpu.memory_space<vmem_shared>> -> memref<10000x128xf32, #tpu.memory_space<vmem_shared>>
      tpu.enqueue_indirect_dma source(%dma_start3A_874 : memref<125x128xf32, #tpu.memory_space<vmem>>) target(%dma_start3A_880 : memref<10000x128xf32, #tpu.memory_space<vmem_shared>>) offsets(%dma_start3A_877 : memref<125xi32, #tpu.memory_space<vmem>>) semaphore(%arg18 : memref<!tpu.dma_semaphore, #tpu.memory_space<semaphore_mem>>) {add = true}
    }
    %scan3A_17 = arith.constant 5 : i32
    %dma_wait3A = arith.constant 0 : i32
    %dma_wait3A_18 = arith.constant 14 : i32
    %dma_wait3A_19 = arith.constant 0 : i32
    %dma_wait3A_20 = arith.constant 0 : i32
    %dma_wait3A_21 = tpu.memref_slice %arg11[%dma_wait3A, %dma_wait3A_19, %dma_wait3A_20] : memref<2x125x128xf32, #tpu.memory_space<vmem>> -> memref<1x125x128xf32, #tpu.memory_space<vmem>>
    %dma_wait3A_22 = tpu.memref_squeeze %dma_wait3A_21 : memref<1x125x128xf32, #tpu.memory_space<vmem>> -> memref<125x128xf32, #tpu.memory_space<vmem>>
    %dma_wait3A_23 = arith.constant 0 : i32
    %dma_wait3A_24 = tpu.memref_slice %arg10[%dma_wait3A_18, %dma_wait3A_23] : memref<16x125xi32, #tpu.memory_space<vmem>> -> memref<1x125xi32, #tpu.memory_space<vmem>>
    %dma_wait3A_25 = tpu.memref_squeeze %dma_wait3A_24 : memref<1x125xi32, #tpu.memory_space<vmem>> -> memref<125xi32, #tpu.memory_space<vmem>>
    %dma_wait3A_26 = arith.constant 0 : i32
    %dma_wait3A_27 = arith.constant 0 : i32
    %dma_wait3A_28 = tpu.memref_slice %arg14[%dma_wait3A_26, %dma_wait3A_27] : memref<10000x128xf32, #tpu.memory_space<vmem_shared>> -> memref<10000x128xf32, #tpu.memory_space<vmem_shared>>
    tpu.wait_indirect_dma semaphore(%arg17 : memref<!tpu.dma_semaphore, #tpu.memory_space<semaphore_mem>>) src(%dma_wait3A_22 : memref<125x128xf32, #tpu.memory_space<vmem>>) dst(%dma_wait3A_28 : memref<10000x128xf32, #tpu.memory_space<vmem_shared>>)
    %dma_wait3A_29 = arith.constant 1 : i32
    %dma_wait3A_30 = arith.constant 15 : i32
    %dma_wait3A_31 = arith.constant 0 : i32
    %dma_wait3A_32 = arith.constant 0 : i32
    %dma_wait3A_33 = tpu.memref_slice %arg11[%dma_wait3A_29, %dma_wait3A_31, %dma_wait3A_32] : memref<2x125x128xf32, #tpu.memory_space<vmem>> -> memref<1x125x128xf32, #tpu.memory_space<vmem>>
    %dma_wait3A_34 = tpu.memref_squeeze %dma_wait3A_33 : memref<1x125x128xf32, #tpu.memory_space<vmem>> -> memref<125x128xf32, #tpu.memory_space<vmem>>
    %dma_wait3A_35 = arith.constant 0 : i32
    %dma_wait3A_36 = tpu.memref_slice %arg10[%dma_wait3A_30, %dma_wait3A_35] : memref<16x125xi32, #tpu.memory_space<vmem>> -> memref<1x125xi32, #tpu.memory_space<vmem>>
    %dma_wait3A_37 = tpu.memref_squeeze %dma_wait3A_36 : memref<1x125xi32, #tpu.memory_space<vmem>> -> memref<125xi32, #tpu.memory_space<vmem>>
    %dma_wait3A_38 = arith.constant 0 : i32
    %dma_wait3A_39 = arith.constant 0 : i32
    %dma_wait3A_40 = tpu.memref_slice %arg14[%dma_wait3A_38, %dma_wait3A_39] : memref<10000x128xf32, #tpu.memory_space<vmem_shared>> -> memref<10000x128xf32, #tpu.memory_space<vmem_shared>>
    tpu.wait_indirect_dma semaphore(%arg18 : memref<!tpu.dma_semaphore, #tpu.memory_space<semaphore_mem>>) src(%dma_wait3A_34 : memref<125x128xf32, #tpu.memory_space<vmem>>) dst(%dma_wait3A_40 : memref<10000x128xf32, #tpu.memory_space<vmem_shared>>)
    %eq3A_41 = arith.constant 31 : i32
    %eq3A_42 = arith.cmpi eq, %add3A, %eq3A_41 : i32
    %convert_element_type3A_43 = arith.extui %eq3A_42 : i1 to i32
    %cond3A_44 = arith.constant 0 : i32
    %cond3A_45 = arith.cmpi ne, %convert_element_type3A_43, %cond3A_44 : i32
    scf.if %cond3A_45 {
      "tpu.region"() ({
        %run_scoped3A = tpu.sem_alloc : memref<!tpu.dma_semaphore, #tpu.memory_space<semaphore_mem>>
        %dma_start3A = arith.constant 0 : i32
        %dma_start3A_230 = arith.constant 0 : i32
        %dma_start3A_231 = tpu.memref_slice %arg12[%dma_start3A, %dma_start3A_230] : memref<8x128xi32, #tpu.memory_space<vmem>> -> memref<4x128xi32, #tpu.memory_space<vmem>>
        %dma_start3A_232 = arith.constant 2496 : i32
        %dma_start3A_233 = arith.constant 0 : i32
        %dma_start3A_234 = tpu.memref_slice %arg5[%dma_start3A_232, %dma_start3A_233] : memref<2500x128xi32, #tpu.memory_space<hbm>> -> memref<4x128xi32, #tpu.memory_space<hbm>>
        %dma_start3A_235 = arith.constant 0 : i32
        %dma_start3A_236 = arith.constant 0 : i32
        %dma_start3A_237 = tpu.memref_slice %arg12[%dma_start3A_235, %dma_start3A_236] : memref<8x128xi32, #tpu.memory_space<vmem>> -> memref<4x128xi32, #tpu.memory_space<vmem>>
        %dma_start3A_238 = arith.constant 2496 : i32
        %dma_start3A_239 = arith.constant 0 : i32
        %dma_start3A_240 = tpu.memref_slice %arg5[%dma_start3A_238, %dma_start3A_239] : memref<2500x128xi32, #tpu.memory_space<hbm>> -> memref<4x128xi32, #tpu.memory_space<hbm>>
        tpu.enqueue_dma source(%dma_start3A_240 : memref<4x128xi32, #tpu.memory_space<hbm>>) target(%dma_start3A_237 : memref<4x128xi32, #tpu.memory_space<vmem>>) target_semaphore(%run_scoped3A : memref<!tpu.dma_semaphore, #tpu.memory_space<semaphore_mem>>)
        %dma_wait3A_241 = arith.constant 0 : i32
        %dma_wait3A_242 = arith.constant 0 : i32
        %dma_wait3A_243 = tpu.memref_slice %arg12[%dma_wait3A_241, %dma_wait3A_242] : memref<8x128xi32, #tpu.memory_space<vmem>> -> memref<4x128xi32, #tpu.memory_space<vmem>>
        %dma_wait3A_244 = arith.constant 2496 : i32
        %dma_wait3A_245 = arith.constant 0 : i32
        %dma_wait3A_246 = tpu.memref_slice %arg5[%dma_wait3A_244, %dma_wait3A_245] : memref<2500x128xi32, #tpu.memory_space<hbm>> -> memref<4x128xi32, #tpu.memory_space<hbm>>
        %dma_wait3A_247 = arith.constant 0 : i32
        %dma_wait3A_248 = arith.constant 0 : i32
        %dma_wait3A_249 = tpu.memref_slice %arg12[%dma_wait3A_247, %dma_wait3A_248] : memref<8x128xi32, #tpu.memory_space<vmem>> -> memref<4x128xi32, #tpu.memory_space<vmem>>
        %dma_wait3A_250 = arith.constant 2496 : i32
        %dma_wait3A_251 = arith.constant 0 : i32
        %dma_wait3A_252 = tpu.memref_slice %arg5[%dma_wait3A_250, %dma_wait3A_251] : memref<2500x128xi32, #tpu.memory_space<hbm>> -> memref<4x128xi32, #tpu.memory_space<hbm>>
        tpu.wait_dma2 semaphore(%run_scoped3A : memref<!tpu.dma_semaphore, #tpu.memory_space<semaphore_mem>>) src(%dma_wait3A_252 : memref<4x128xi32, #tpu.memory_space<hbm>>) dst(%dma_wait3A_249 : memref<4x128xi32, #tpu.memory_space<vmem>>)
        tpu.yield
      }) : () -> ()
      %broadcast_in_dim3A = arith.constant 1.000000e+00 : f32
      %broadcast_in_dim3A_102 = vector.broadcast %broadcast_in_dim3A : f32 to vector<16xf32>
      %get3A = arith.constant 0 : i32
      %get3A_103 = arith.index_cast %get3A : i32 to index
      %get3A_104 = arith.constant 0 : index
      %get3A_105 = tpu.vector_load %arg12[%get3A_103, %get3A_104] {strides = array<i32>} : memref<8x128xi32, #tpu.memory_space<vmem>>, vector<16xi32>,
      tpu.vector_store_idx %arg13[%get3A_105], %broadcast_in_dim3A_102 {add = true} : memref<10000xf32, #tpu.memory_space<vmem>>[vector<16xi32>], vector<16xf32>,
      %get3A_106 = arith.constant 0 : i32
      %get3A_107 = arith.index_cast %get3A_106 : i32 to index
      %get3A_108 = arith.constant 16 : index
      %get3A_109 = tpu.vector_load %arg12[%get3A_107, %get3A_108] {strides = array<i32>} : memref<8x128xi32, #tpu.memory_space<vmem>>, vector<16xi32>,
      tpu.vector_store_idx %arg13[%get3A_109], %broadcast_in_dim3A_102 {add = true} : memref<10000xf32, #tpu.memory_space<vmem>>[vector<16xi32>], vector<16xf32>,
      %get3A_110 = arith.constant 0 : i32
      %get3A_111 = arith.index_cast %get3A_110 : i32 to index
      %get3A_112 = arith.constant 32 : index
      %get3A_113 = tpu.vector_load %arg12[%get3A_111, %get3A_112] {strides = array<i32>} : memref<8x128xi32, #tpu.memory_space<vmem>>, vector<16xi32>,
      tpu.vector_store_idx %arg13[%get3A_113], %broadcast_in_dim3A_102 {add = true} : memref<10000xf32, #tpu.memory_space<vmem>>[vector<16xi32>], vector<16xf32>,
      %get3A_114 = arith.constant 0 : i32
      %get3A_115 = arith.index_cast %get3A_114 : i32 to index
      %get3A_116 = arith.constant 48 : index
      %get3A_117 = tpu.vector_load %arg12[%get3A_115, %get3A_116] {strides = array<i32>} : memref<8x128xi32, #tpu.memory_space<vmem>>, vector<16xi32>,
      tpu.vector_store_idx %arg13[%get3A_117], %broadcast_in_dim3A_102 {add = true} : memref<10000xf32, #tpu.memory_space<vmem>>[vector<16xi32>], vector<16xf32>,
      %get3A_118 = arith.constant 0 : i32
      %get3A_119 = arith.index_cast %get3A_118 : i32 to index
      %get3A_120 = arith.constant 64 : index
      %get3A_121 = tpu.vector_load %arg12[%get3A_119, %get3A_120] {strides = array<i32>} : memref<8x128xi32, #tpu.memory_space<vmem>>, vector<16xi32>,
      tpu.vector_store_idx %arg13[%get3A_121], %broadcast_in_dim3A_102 {add = true} : memref<10000xf32, #tpu.memory_space<vmem>>[vector<16xi32>], vector<16xf32>,
      %get3A_122 = arith.constant 0 : i32
      %get3A_123 = arith.index_cast %get3A_122 : i32 to index
      %get3A_124 = arith.constant 80 : index
      %get3A_125 = tpu.vector_load %arg12[%get3A_123, %get3A_124] {strides = array<i32>} : memref<8x128xi32, #tpu.memory_space<vmem>>, vector<16xi32>,
      tpu.vector_store_idx %arg13[%get3A_125], %broadcast_in_dim3A_102 {add = true} : memref<10000xf32, #tpu.memory_space<vmem>>[vector<16xi32>], vector<16xf32>,
      %get3A_126 = arith.constant 0 : i32
      %get3A_127 = arith.index_cast %get3A_126 : i32 to index
      %get3A_128 = arith.constant 96 : index
      %get3A_129 = tpu.vector_load %arg12[%get3A_127, %get3A_128] {strides = array<i32>} : memref<8x128xi32, #tpu.memory_space<vmem>>, vector<16xi32>,
      tpu.vector_store_idx %arg13[%get3A_129], %broadcast_in_dim3A_102 {add = true} : memref<10000xf32, #tpu.memory_space<vmem>>[vector<16xi32>], vector<16xf32>,
      %get3A_130 = arith.constant 0 : i32
      %get3A_131 = arith.index_cast %get3A_130 : i32 to index
      %get3A_132 = arith.constant 112 : index
      %get3A_133 = tpu.vector_load %arg12[%get3A_131, %get3A_132] {strides = array<i32>} : memref<8x128xi32, #tpu.memory_space<vmem>>, vector<16xi32>,
      tpu.vector_store_idx %arg13[%get3A_133], %broadcast_in_dim3A_102 {add = true} : memref<10000xf32, #tpu.memory_space<vmem>>[vector<16xi32>], vector<16xf32>,
      %get3A_134 = arith.constant 1 : i32
      %get3A_135 = arith.index_cast %get3A_134 : i32 to index
      %get3A_136 = arith.constant 0 : index
      %get3A_137 = tpu.vector_load %arg12[%get3A_135, %get3A_136] {strides = array<i32>} : memref<8x128xi32, #tpu.memory_space<vmem>>, vector<16xi32>,
      tpu.vector_store_idx %arg13[%get3A_137], %broadcast_in_dim3A_102 {add = true} : memref<10000xf32, #tpu.memory_space<vmem>>[vector<16xi32>], vector<16xf32>,
      %get3A_138 = arith.constant 1 : i32
      %get3A_139 = arith.index_cast %get3A_138 : i32 to index
      %get3A_140 = arith.constant 16 : index
      %get3A_141 = tpu.vector_load %arg12[%get3A_139, %get3A_140] {strides = array<i32>} : memref<8x128xi32, #tpu.memory_space<vmem>>, vector<16xi32>,
      tpu.vector_store_idx %arg13[%get3A_141], %broadcast_in_dim3A_102 {add = true} : memref<10000xf32, #tpu.memory_space<vmem>>[vector<16xi32>], vector<16xf32>,
      %get3A_142 = arith.constant 1 : i32
      %get3A_143 = arith.index_cast %get3A_142 : i32 to index
      %get3A_144 = arith.constant 32 : index
      %get3A_145 = tpu.vector_load %arg12[%get3A_143, %get3A_144] {strides = array<i32>} : memref<8x128xi32, #tpu.memory_space<vmem>>, vector<16xi32>,
      tpu.vector_store_idx %arg13[%get3A_145], %broadcast_in_dim3A_102 {add = true} : memref<10000xf32, #tpu.memory_space<vmem>>[vector<16xi32>], vector<16xf32>,
      %get3A_146 = arith.constant 1 : i32
      %get3A_147 = arith.index_cast %get3A_146 : i32 to index
      %get3A_148 = arith.constant 48 : index
      %get3A_149 = tpu.vector_load %arg12[%get3A_147, %get3A_148] {strides = array<i32>} : memref<8x128xi32, #tpu.memory_space<vmem>>, vector<16xi32>,
      tpu.vector_store_idx %arg13[%get3A_149], %broadcast_in_dim3A_102 {add = true} : memref<10000xf32, #tpu.memory_space<vmem>>[vector<16xi32>], vector<16xf32>,
      %get3A_150 = arith.constant 1 : i32
      %get3A_151 = arith.index_cast %get3A_150 : i32 to index
      %get3A_152 = arith.constant 64 : index
      %get3A_153 = tpu.vector_load %arg12[%get3A_151, %get3A_152] {strides = array<i32>} : memref<8x128xi32, #tpu.memory_space<vmem>>, vector<16xi32>,
      tpu.vector_store_idx %arg13[%get3A_153], %broadcast_in_dim3A_102 {add = true} : memref<10000xf32, #tpu.memory_space<vmem>>[vector<16xi32>], vector<16xf32>,
      %get3A_154 = arith.constant 1 : i32
      %get3A_155 = arith.index_cast %get3A_154 : i32 to index
      %get3A_156 = arith.constant 80 : index
      %get3A_157 = tpu.vector_load %arg12[%get3A_155, %get3A_156] {strides = array<i32>} : memref<8x128xi32, #tpu.memory_space<vmem>>, vector<16xi32>,
      tpu.vector_store_idx %arg13[%get3A_157], %broadcast_in_dim3A_102 {add = true} : memref<10000xf32, #tpu.memory_space<vmem>>[vector<16xi32>], vector<16xf32>,
      %get3A_158 = arith.constant 1 : i32
      %get3A_159 = arith.index_cast %get3A_158 : i32 to index
      %get3A_160 = arith.constant 96 : index
      %get3A_161 = tpu.vector_load %arg12[%get3A_159, %get3A_160] {strides = array<i32>} : memref<8x128xi32, #tpu.memory_space<vmem>>, vector<16xi32>,
      tpu.vector_store_idx %arg13[%get3A_161], %broadcast_in_dim3A_102 {add = true} : memref<10000xf32, #tpu.memory_space<vmem>>[vector<16xi32>], vector<16xf32>,
      %get3A_162 = arith.constant 1 : i32
      %get3A_163 = arith.index_cast %get3A_162 : i32 to index
      %get3A_164 = arith.constant 112 : index
      %get3A_165 = tpu.vector_load %arg12[%get3A_163, %get3A_164] {strides = array<i32>} : memref<8x128xi32, #tpu.memory_space<vmem>>, vector<16xi32>,
      tpu.vector_store_idx %arg13[%get3A_165], %broadcast_in_dim3A_102 {add = true} : memref<10000xf32, #tpu.memory_space<vmem>>[vector<16xi32>], vector<16xf32>,
      %get3A_166 = arith.constant 2 : i32
      %get3A_167 = arith.index_cast %get3A_166 : i32 to index
      %get3A_168 = arith.constant 0 : index
      %get3A_169 = tpu.vector_load %arg12[%get3A_167, %get3A_168] {strides = array<i32>} : memref<8x128xi32, #tpu.memory_space<vmem>>, vector<16xi32>,
      tpu.vector_store_idx %arg13[%get3A_169], %broadcast_in_dim3A_102 {add = true} : memref<10000xf32, #tpu.memory_space<vmem>>[vector<16xi32>], vector<16xf32>,
      %get3A_170 = arith.constant 2 : i32
      %get3A_171 = arith.index_cast %get3A_170 : i32 to index
      %get3A_172 = arith.constant 16 : index
      %get3A_173 = tpu.vector_load %arg12[%get3A_171, %get3A_172] {strides = array<i32>} : memref<8x128xi32, #tpu.memory_space<vmem>>, vector<16xi32>,
      tpu.vector_store_idx %arg13[%get3A_173], %broadcast_in_dim3A_102 {add = true} : memref<10000xf32, #tpu.memory_space<vmem>>[vector<16xi32>], vector<16xf32>,
      %get3A_174 = arith.constant 2 : i32
      %get3A_175 = arith.index_cast %get3A_174 : i32 to index
      %get3A_176 = arith.constant 32 : index
      %get3A_177 = tpu.vector_load %arg12[%get3A_175, %get3A_176] {strides = array<i32>} : memref<8x128xi32, #tpu.memory_space<vmem>>, vector<16xi32>,
      tpu.vector_store_idx %arg13[%get3A_177], %broadcast_in_dim3A_102 {add = true} : memref<10000xf32, #tpu.memory_space<vmem>>[vector<16xi32>], vector<16xf32>,
      %get3A_178 = arith.constant 2 : i32
      %get3A_179 = arith.index_cast %get3A_178 : i32 to index
      %get3A_180 = arith.constant 48 : index
      %get3A_181 = tpu.vector_load %arg12[%get3A_179, %get3A_180] {strides = array<i32>} : memref<8x128xi32, #tpu.memory_space<vmem>>, vector<16xi32>,
      tpu.vector_store_idx %arg13[%get3A_181], %broadcast_in_dim3A_102 {add = true} : memref<10000xf32, #tpu.memory_space<vmem>>[vector<16xi32>], vector<16xf32>,
      %get3A_182 = arith.constant 2 : i32
      %get3A_183 = arith.index_cast %get3A_182 : i32 to index
      %get3A_184 = arith.constant 64 : index
      %get3A_185 = tpu.vector_load %arg12[%get3A_183, %get3A_184] {strides = array<i32>} : memref<8x128xi32, #tpu.memory_space<vmem>>, vector<16xi32>,
      tpu.vector_store_idx %arg13[%get3A_185], %broadcast_in_dim3A_102 {add = true} : memref<10000xf32, #tpu.memory_space<vmem>>[vector<16xi32>], vector<16xf32>,
      %get3A_186 = arith.constant 2 : i32
      %get3A_187 = arith.index_cast %get3A_186 : i32 to index
      %get3A_188 = arith.constant 80 : index
      %get3A_189 = tpu.vector_load %arg12[%get3A_187, %get3A_188] {strides = array<i32>} : memref<8x128xi32, #tpu.memory_space<vmem>>, vector<16xi32>,
      tpu.vector_store_idx %arg13[%get3A_189], %broadcast_in_dim3A_102 {add = true} : memref<10000xf32, #tpu.memory_space<vmem>>[vector<16xi32>], vector<16xf32>,
      %get3A_190 = arith.constant 2 : i32
      %get3A_191 = arith.index_cast %get3A_190 : i32 to index
      %get3A_192 = arith.constant 96 : index
      %get3A_193 = tpu.vector_load %arg12[%get3A_191, %get3A_192] {strides = array<i32>} : memref<8x128xi32, #tpu.memory_space<vmem>>, vector<16xi32>,
      tpu.vector_store_idx %arg13[%get3A_193], %broadcast_in_dim3A_102 {add = true} : memref<10000xf32, #tpu.memory_space<vmem>>[vector<16xi32>], vector<16xf32>,
      %get3A_194 = arith.constant 2 : i32
      %get3A_195 = arith.index_cast %get3A_194 : i32 to index
      %get3A_196 = arith.constant 112 : index
      %get3A_197 = tpu.vector_load %arg12[%get3A_195, %get3A_196] {strides = array<i32>} : memref<8x128xi32, #tpu.memory_space<vmem>>, vector<16xi32>,
      tpu.vector_store_idx %arg13[%get3A_197], %broadcast_in_dim3A_102 {add = true} : memref<10000xf32, #tpu.memory_space<vmem>>[vector<16xi32>], vector<16xf32>,
      %get3A_198 = arith.constant 3 : i32
      %get3A_199 = arith.index_cast %get3A_198 : i32 to index
      %get3A_200 = arith.constant 0 : index
      %get3A_201 = tpu.vector_load %arg12[%get3A_199, %get3A_200] {strides = array<i32>} : memref<8x128xi32, #tpu.memory_space<vmem>>, vector<16xi32>,
      tpu.vector_store_idx %arg13[%get3A_201], %broadcast_in_dim3A_102 {add = true} : memref<10000xf32, #tpu.memory_space<vmem>>[vector<16xi32>], vector<16xf32>,
      %get3A_202 = arith.constant 3 : i32
      %get3A_203 = arith.index_cast %get3A_202 : i32 to index
      %get3A_204 = arith.constant 16 : index
      %get3A_205 = tpu.vector_load %arg12[%get3A_203, %get3A_204] {strides = array<i32>} : memref<8x128xi32, #tpu.memory_space<vmem>>, vector<16xi32>,
      tpu.vector_store_idx %arg13[%get3A_205], %broadcast_in_dim3A_102 {add = true} : memref<10000xf32, #tpu.memory_space<vmem>>[vector<16xi32>], vector<16xf32>,
      %get3A_206 = arith.constant 3 : i32
      %get3A_207 = arith.index_cast %get3A_206 : i32 to index
      %get3A_208 = arith.constant 32 : index
      %get3A_209 = tpu.vector_load %arg12[%get3A_207, %get3A_208] {strides = array<i32>} : memref<8x128xi32, #tpu.memory_space<vmem>>, vector<16xi32>,
      tpu.vector_store_idx %arg13[%get3A_209], %broadcast_in_dim3A_102 {add = true} : memref<10000xf32, #tpu.memory_space<vmem>>[vector<16xi32>], vector<16xf32>,
      %get3A_210 = arith.constant 3 : i32
      %get3A_211 = arith.index_cast %get3A_210 : i32 to index
      %get3A_212 = arith.constant 48 : index
      %get3A_213 = tpu.vector_load %arg12[%get3A_211, %get3A_212] {strides = array<i32>} : memref<8x128xi32, #tpu.memory_space<vmem>>, vector<16xi32>,
      tpu.vector_store_idx %arg13[%get3A_213], %broadcast_in_dim3A_102 {add = true} : memref<10000xf32, #tpu.memory_space<vmem>>[vector<16xi32>], vector<16xf32>,
      %get3A_214 = arith.constant 3 : i32
      %get3A_215 = arith.index_cast %get3A_214 : i32 to index
      %get3A_216 = arith.constant 64 : index
      %get3A_217 = tpu.vector_load %arg12[%get3A_215, %get3A_216] {strides = array<i32>} : memref<8x128xi32, #tpu.memory_space<vmem>>, vector<16xi32>,
      tpu.vector_store_idx %arg13[%get3A_217], %broadcast_in_dim3A_102 {add = true} : memref<10000xf32, #tpu.memory_space<vmem>>[vector<16xi32>], vector<16xf32>,
      %get3A_218 = arith.constant 3 : i32
      %get3A_219 = arith.index_cast %get3A_218 : i32 to index
      %get3A_220 = arith.constant 80 : index
      %get3A_221 = tpu.vector_load %arg12[%get3A_219, %get3A_220] {strides = array<i32>} : memref<8x128xi32, #tpu.memory_space<vmem>>, vector<16xi32>,
      tpu.vector_store_idx %arg13[%get3A_221], %broadcast_in_dim3A_102 {add = true} : memref<10000xf32, #tpu.memory_space<vmem>>[vector<16xi32>], vector<16xf32>,
      %get3A_222 = arith.constant 3 : i32
      %get3A_223 = arith.index_cast %get3A_222 : i32 to index
      %get3A_224 = arith.constant 96 : index
      %get3A_225 = tpu.vector_load %arg12[%get3A_223, %get3A_224] {strides = array<i32>} : memref<8x128xi32, #tpu.memory_space<vmem>>, vector<16xi32>,
      tpu.vector_store_idx %arg13[%get3A_225], %broadcast_in_dim3A_102 {add = true} : memref<10000xf32, #tpu.memory_space<vmem>>[vector<16xi32>], vector<16xf32>,
      %get3A_226 = arith.constant 3 : i32
      %get3A_227 = arith.index_cast %get3A_226 : i32 to index
      %get3A_228 = arith.constant 112 : index
      %get3A_229 = tpu.vector_load %arg12[%get3A_227, %get3A_228] {strides = array<i32>} : memref<8x128xi32, #tpu.memory_space<vmem>>, vector<16xi32>,
      tpu.vector_store_idx %arg13[%get3A_229], %broadcast_in_dim3A_102 {add = true} : memref<10000xf32, #tpu.memory_space<vmem>>[vector<16xi32>], vector<16xf32>,
    } else {
    }
    %add3A_46 = arith.constant 0 : i32
    %add3A_47 = arith.addi %add3A_46, %add3A : i32
    %mul3A_48 = arith.constant 1000 : i32
    %mul3A_49 = arith.muli %add3A_47, %mul3A_48 : i32
    "tpu.region"() ({
      %run_scoped3A = tpu.sem_alloc : memref<!tpu.dma_semaphore, #tpu.memory_space<semaphore_mem>>
      %dma_start3A = arith.constant 0 : i32
      %dma_start3A_102 = tpu.memref_slice %arg13[%dma_start3A] : memref<10000xf32, #tpu.memory_space<vmem>> -> memref<1000xf32, #tpu.memory_space<vmem>>
      %dma_start3A_103 = tpu.memref_slice %arg8[%mul3A_49] : memref<320000xf32, #tpu.memory_space<hbm>> -> memref<1000xf32, #tpu.memory_space<hbm>>
      %dma_start3A_104 = tpu.memref_slice %arg8[%mul3A_49] : memref<320000xf32, #tpu.memory_space<hbm>> -> memref<1000xf32, #tpu.memory_space<hbm>>
      %dma_start3A_105 = arith.constant 0 : i32
      %dma_start3A_106 = tpu.memref_slice %arg13[%dma_start3A_105] : memref<10000xf32, #tpu.memory_space<vmem>> -> memref<1000xf32, #tpu.memory_space<vmem>>
      tpu.enqueue_dma source(%dma_start3A_106 : memref<1000xf32, #tpu.memory_space<vmem>>) target(%dma_start3A_104 : memref<1000xf32, #tpu.memory_space<hbm>>) target_semaphore(%run_scoped3A : memref<!tpu.dma_semaphore, #tpu.memory_space<semaphore_mem>>)
      %dma_wait3A_107 = arith.constant 0 : i32
      %dma_wait3A_108 = tpu.memref_slice %arg13[%dma_wait3A_107] : memref<10000xf32, #tpu.memory_space<vmem>> -> memref<1000xf32, #tpu.memory_space<vmem>>
      %dma_wait3A_109 = tpu.memref_slice %arg8[%mul3A_49] : memref<320000xf32, #tpu.memory_space<hbm>> -> memref<1000xf32, #tpu.memory_space<hbm>>
      %dma_wait3A_110 = tpu.memref_slice %arg8[%mul3A_49] : memref<320000xf32, #tpu.memory_space<hbm>> -> memref<1000xf32, #tpu.memory_space<hbm>>
      %dma_wait3A_111 = arith.constant 0 : i32
      %dma_wait3A_112 = tpu.memref_slice %arg13[%dma_wait3A_111] : memref<10000xf32, #tpu.memory_space<vmem>> -> memref<1000xf32, #tpu.memory_space<vmem>>
      tpu.wait_dma2 semaphore(%run_scoped3A : memref<!tpu.dma_semaphore, #tpu.memory_space<semaphore_mem>>) src(%dma_wait3A_112 : memref<1000xf32, #tpu.memory_space<vmem>>) dst(%dma_wait3A_110 : memref<1000xf32, #tpu.memory_space<hbm>>)
      tpu.yield
    }) : () -> ()
    %add3A_50 = arith.constant 32 : i32
    %add3A_51 = arith.addi %add3A_50, %add3A : i32
    %mul3A_52 = arith.constant 1000 : i32
    %mul3A_53 = arith.muli %add3A_51, %mul3A_52 : i32
    "tpu.region"() ({
      %run_scoped3A = tpu.sem_alloc : memref<!tpu.dma_semaphore, #tpu.memory_space<semaphore_mem>>
      %dma_start3A = arith.constant 1000 : i32
      %dma_start3A_102 = tpu.memref_slice %arg13[%dma_start3A] : memref<10000xf32, #tpu.memory_space<vmem>> -> memref<1000xf32, #tpu.memory_space<vmem>>
      %dma_start3A_103 = tpu.memref_slice %arg8[%mul3A_53] : memref<320000xf32, #tpu.memory_space<hbm>> -> memref<1000xf32, #tpu.memory_space<hbm>>
      %dma_start3A_104 = tpu.memref_slice %arg8[%mul3A_53] : memref<320000xf32, #tpu.memory_space<hbm>> -> memref<1000xf32, #tpu.memory_space<hbm>>
      %dma_start3A_105 = arith.constant 1000 : i32
      %dma_start3A_106 = tpu.memref_slice %arg13[%dma_start3A_105] : memref<10000xf32, #tpu.memory_space<vmem>> -> memref<1000xf32, #tpu.memory_space<vmem>>
      tpu.enqueue_dma source(%dma_start3A_106 : memref<1000xf32, #tpu.memory_space<vmem>>) target(%dma_start3A_104 : memref<1000xf32, #tpu.memory_space<hbm>>) target_semaphore(%run_scoped3A : memref<!tpu.dma_semaphore, #tpu.memory_space<semaphore_mem>>)
      %dma_wait3A_107 = arith.constant 1000 : i32
      %dma_wait3A_108 = tpu.memref_slice %arg13[%dma_wait3A_107] : memref<10000xf32, #tpu.memory_space<vmem>> -> memref<1000xf32, #tpu.memory_space<vmem>>
      %dma_wait3A_109 = tpu.memref_slice %arg8[%mul3A_53] : memref<320000xf32, #tpu.memory_space<hbm>> -> memref<1000xf32, #tpu.memory_space<hbm>>
      %dma_wait3A_110 = tpu.memref_slice %arg8[%mul3A_53] : memref<320000xf32, #tpu.memory_space<hbm>> -> memref<1000xf32, #tpu.memory_space<hbm>>
      %dma_wait3A_111 = arith.constant 1000 : i32
      %dma_wait3A_112 = tpu.memref_slice %arg13[%dma_wait3A_111] : memref<10000xf32, #tpu.memory_space<vmem>> -> memref<1000xf32, #tpu.memory_space<vmem>>
      tpu.wait_dma2 semaphore(%run_scoped3A : memref<!tpu.dma_semaphore, #tpu.memory_space<semaphore_mem>>) src(%dma_wait3A_112 : memref<1000xf32, #tpu.memory_space<vmem>>) dst(%dma_wait3A_110 : memref<1000xf32, #tpu.memory_space<hbm>>)
      tpu.yield
    }) : () -> ()
    %add3A_54 = arith.constant 64 : i32
    %add3A_55 = arith.addi %add3A_54, %add3A : i32
    %mul3A_56 = arith.constant 1000 : i32
    %mul3A_57 = arith.muli %add3A_55, %mul3A_56 : i32
    "tpu.region"() ({
      %run_scoped3A = tpu.sem_alloc : memref<!tpu.dma_semaphore, #tpu.memory_space<semaphore_mem>>
      %dma_start3A = arith.constant 2000 : i32
      %dma_start3A_102 = tpu.memref_slice %arg13[%dma_start3A] : memref<10000xf32, #tpu.memory_space<vmem>> -> memref<1000xf32, #tpu.memory_space<vmem>>
      %dma_start3A_103 = tpu.memref_slice %arg8[%mul3A_57] : memref<320000xf32, #tpu.memory_space<hbm>> -> memref<1000xf32, #tpu.memory_space<hbm>>
      %dma_start3A_104 = tpu.memref_slice %arg8[%mul3A_57] : memref<320000xf32, #tpu.memory_space<hbm>> -> memref<1000xf32, #tpu.memory_space<hbm>>
      %dma_start3A_105 = arith.constant 2000 : i32
      %dma_start3A_106 = tpu.memref_slice %arg13[%dma_start3A_105] : memref<10000xf32, #tpu.memory_space<vmem>> -> memref<1000xf32, #tpu.memory_space<vmem>>
      tpu.enqueue_dma source(%dma_start3A_106 : memref<1000xf32, #tpu.memory_space<vmem>>) target(%dma_start3A_104 : memref<1000xf32, #tpu.memory_space<hbm>>) target_semaphore(%run_scoped3A : memref<!tpu.dma_semaphore, #tpu.memory_space<semaphore_mem>>)
      %dma_wait3A_107 = arith.constant 2000 : i32
      %dma_wait3A_108 = tpu.memref_slice %arg13[%dma_wait3A_107] : memref<10000xf32, #tpu.memory_space<vmem>> -> memref<1000xf32, #tpu.memory_space<vmem>>
      %dma_wait3A_109 = tpu.memref_slice %arg8[%mul3A_57] : memref<320000xf32, #tpu.memory_space<hbm>> -> memref<1000xf32, #tpu.memory_space<hbm>>
      %dma_wait3A_110 = tpu.memref_slice %arg8[%mul3A_57] : memref<320000xf32, #tpu.memory_space<hbm>> -> memref<1000xf32, #tpu.memory_space<hbm>>
      %dma_wait3A_111 = arith.constant 2000 : i32
      %dma_wait3A_112 = tpu.memref_slice %arg13[%dma_wait3A_111] : memref<10000xf32, #tpu.memory_space<vmem>> -> memref<1000xf32, #tpu.memory_space<vmem>>
      tpu.wait_dma2 semaphore(%run_scoped3A : memref<!tpu.dma_semaphore, #tpu.memory_space<semaphore_mem>>) src(%dma_wait3A_112 : memref<1000xf32, #tpu.memory_space<vmem>>) dst(%dma_wait3A_110 : memref<1000xf32, #tpu.memory_space<hbm>>)
      tpu.yield
    }) : () -> ()
    %add3A_58 = arith.constant 96 : i32
    %add3A_59 = arith.addi %add3A_58, %add3A : i32
    %mul3A_60 = arith.constant 1000 : i32
    %mul3A_61 = arith.muli %add3A_59, %mul3A_60 : i32
    "tpu.region"() ({
      %run_scoped3A = tpu.sem_alloc : memref<!tpu.dma_semaphore, #tpu.memory_space<semaphore_mem>>
      %dma_start3A = arith.constant 3000 : i32
      %dma_start3A_102 = tpu.memref_slice %arg13[%dma_start3A] : memref<10000xf32, #tpu.memory_space<vmem>> -> memref<1000xf32, #tpu.memory_space<vmem>>
      %dma_start3A_103 = tpu.memref_slice %arg8[%mul3A_61] : memref<320000xf32, #tpu.memory_space<hbm>> -> memref<1000xf32, #tpu.memory_space<hbm>>
      %dma_start3A_104 = tpu.memref_slice %arg8[%mul3A_61] : memref<320000xf32, #tpu.memory_space<hbm>> -> memref<1000xf32, #tpu.memory_space<hbm>>
      %dma_start3A_105 = arith.constant 3000 : i32
      %dma_start3A_106 = tpu.memref_slice %arg13[%dma_start3A_105] : memref<10000xf32, #tpu.memory_space<vmem>> -> memref<1000xf32, #tpu.memory_space<vmem>>
      tpu.enqueue_dma source(%dma_start3A_106 : memref<1000xf32, #tpu.memory_space<vmem>>) target(%dma_start3A_104 : memref<1000xf32, #tpu.memory_space<hbm>>) target_semaphore(%run_scoped3A : memref<!tpu.dma_semaphore, #tpu.memory_space<semaphore_mem>>)
      %dma_wait3A_107 = arith.constant 3000 : i32
      %dma_wait3A_108 = tpu.memref_slice %arg13[%dma_wait3A_107] : memref<10000xf32, #tpu.memory_space<vmem>> -> memref<1000xf32, #tpu.memory_space<vmem>>
      %dma_wait3A_109 = tpu.memref_slice %arg8[%mul3A_61] : memref<320000xf32, #tpu.memory_space<hbm>> -> memref<1000xf32, #tpu.memory_space<hbm>>
      %dma_wait3A_110 = tpu.memref_slice %arg8[%mul3A_61] : memref<320000xf32, #tpu.memory_space<hbm>> -> memref<1000xf32, #tpu.memory_space<hbm>>
      %dma_wait3A_111 = arith.constant 3000 : i32
      %dma_wait3A_112 = tpu.memref_slice %arg13[%dma_wait3A_111] : memref<10000xf32, #tpu.memory_space<vmem>> -> memref<1000xf32, #tpu.memory_space<vmem>>
      tpu.wait_dma2 semaphore(%run_scoped3A : memref<!tpu.dma_semaphore, #tpu.memory_space<semaphore_mem>>) src(%dma_wait3A_112 : memref<1000xf32, #tpu.memory_space<vmem>>) dst(%dma_wait3A_110 : memref<1000xf32, #tpu.memory_space<hbm>>)
      tpu.yield
    }) : () -> ()
    %add3A_62 = arith.constant 128 : i32
    %add3A_63 = arith.addi %add3A_62, %add3A : i32
    %mul3A_64 = arith.constant 1000 : i32
    %mul3A_65 = arith.muli %add3A_63, %mul3A_64 : i32
    "tpu.region"() ({
      %run_scoped3A = tpu.sem_alloc : memref<!tpu.dma_semaphore, #tpu.memory_space<semaphore_mem>>
      %dma_start3A = arith.constant 4000 : i32
      %dma_start3A_102 = tpu.memref_slice %arg13[%dma_start3A] : memref<10000xf32, #tpu.memory_space<vmem>> -> memref<1000xf32, #tpu.memory_space<vmem>>
      %dma_start3A_103 = tpu.memref_slice %arg8[%mul3A_65] : memref<320000xf32, #tpu.memory_space<hbm>> -> memref<1000xf32, #tpu.memory_space<hbm>>
      %dma_start3A_104 = tpu.memref_slice %arg8[%mul3A_65] : memref<320000xf32, #tpu.memory_space<hbm>> -> memref<1000xf32, #tpu.memory_space<hbm>>
      %dma_start3A_105 = arith.constant 4000 : i32
      %dma_start3A_106 = tpu.memref_slice %arg13[%dma_start3A_105] : memref<10000xf32, #tpu.memory_space<vmem>> -> memref<1000xf32, #tpu.memory_space<vmem>>
      tpu.enqueue_dma source(%dma_start3A_106 : memref<1000xf32, #tpu.memory_space<vmem>>) target(%dma_start3A_104 : memref<1000xf32, #tpu.memory_space<hbm>>) target_semaphore(%run_scoped3A : memref<!tpu.dma_semaphore, #tpu.memory_space<semaphore_mem>>)
      %dma_wait3A_107 = arith.constant 4000 : i32
      %dma_wait3A_108 = tpu.memref_slice %arg13[%dma_wait3A_107] : memref<10000xf32, #tpu.memory_space<vmem>> -> memref<1000xf32, #tpu.memory_space<vmem>>
      %dma_wait3A_109 = tpu.memref_slice %arg8[%mul3A_65] : memref<320000xf32, #tpu.memory_space<hbm>> -> memref<1000xf32, #tpu.memory_space<hbm>>
      %dma_wait3A_110 = tpu.memref_slice %arg8[%mul3A_65] : memref<320000xf32, #tpu.memory_space<hbm>> -> memref<1000xf32, #tpu.memory_space<hbm>>
      %dma_wait3A_111 = arith.constant 4000 : i32
      %dma_wait3A_112 = tpu.memref_slice %arg13[%dma_wait3A_111] : memref<10000xf32, #tpu.memory_space<vmem>> -> memref<1000xf32, #tpu.memory_space<vmem>>
      tpu.wait_dma2 semaphore(%run_scoped3A : memref<!tpu.dma_semaphore, #tpu.memory_space<semaphore_mem>>) src(%dma_wait3A_112 : memref<1000xf32, #tpu.memory_space<vmem>>) dst(%dma_wait3A_110 : memref<1000xf32, #tpu.memory_space<hbm>>)
      tpu.yield
    }) : () -> ()
    %add3A_66 = arith.constant 160 : i32
    %add3A_67 = arith.addi %add3A_66, %add3A : i32
    %mul3A_68 = arith.constant 1000 : i32
    %mul3A_69 = arith.muli %add3A_67, %mul3A_68 : i32
    "tpu.region"() ({
      %run_scoped3A = tpu.sem_alloc : memref<!tpu.dma_semaphore, #tpu.memory_space<semaphore_mem>>
      %dma_start3A = arith.constant 5000 : i32
      %dma_start3A_102 = tpu.memref_slice %arg13[%dma_start3A] : memref<10000xf32, #tpu.memory_space<vmem>> -> memref<1000xf32, #tpu.memory_space<vmem>>
      %dma_start3A_103 = tpu.memref_slice %arg8[%mul3A_69] : memref<320000xf32, #tpu.memory_space<hbm>> -> memref<1000xf32, #tpu.memory_space<hbm>>
      %dma_start3A_104 = tpu.memref_slice %arg8[%mul3A_69] : memref<320000xf32, #tpu.memory_space<hbm>> -> memref<1000xf32, #tpu.memory_space<hbm>>
      %dma_start3A_105 = arith.constant 5000 : i32
      %dma_start3A_106 = tpu.memref_slice %arg13[%dma_start3A_105] : memref<10000xf32, #tpu.memory_space<vmem>> -> memref<1000xf32, #tpu.memory_space<vmem>>
      tpu.enqueue_dma source(%dma_start3A_106 : memref<1000xf32, #tpu.memory_space<vmem>>) target(%dma_start3A_104 : memref<1000xf32, #tpu.memory_space<hbm>>) target_semaphore(%run_scoped3A : memref<!tpu.dma_semaphore, #tpu.memory_space<semaphore_mem>>)
      %dma_wait3A_107 = arith.constant 5000 : i32
      %dma_wait3A_108 = tpu.memref_slice %arg13[%dma_wait3A_107] : memref<10000xf32, #tpu.memory_space<vmem>> -> memref<1000xf32, #tpu.memory_space<vmem>>
      %dma_wait3A_109 = tpu.memref_slice %arg8[%mul3A_69] : memref<320000xf32, #tpu.memory_space<hbm>> -> memref<1000xf32, #tpu.memory_space<hbm>>
      %dma_wait3A_110 = tpu.memref_slice %arg8[%mul3A_69] : memref<320000xf32, #tpu.memory_space<hbm>> -> memref<1000xf32, #tpu.memory_space<hbm>>
      %dma_wait3A_111 = arith.constant 5000 : i32
      %dma_wait3A_112 = tpu.memref_slice %arg13[%dma_wait3A_111] : memref<10000xf32, #tpu.memory_space<vmem>> -> memref<1000xf32, #tpu.memory_space<vmem>>
      tpu.wait_dma2 semaphore(%run_scoped3A : memref<!tpu.dma_semaphore, #tpu.memory_space<semaphore_mem>>) src(%dma_wait3A_112 : memref<1000xf32, #tpu.memory_space<vmem>>) dst(%dma_wait3A_110 : memref<1000xf32, #tpu.memory_space<hbm>>)
      tpu.yield
    }) : () -> ()
    %add3A_70 = arith.constant 192 : i32
    %add3A_71 = arith.addi %add3A_70, %add3A : i32
    %mul3A_72 = arith.constant 1000 : i32
    %mul3A_73 = arith.muli %add3A_71, %mul3A_72 : i32
    "tpu.region"() ({
      %run_scoped3A = tpu.sem_alloc : memref<!tpu.dma_semaphore, #tpu.memory_space<semaphore_mem>>
      %dma_start3A = arith.constant 6000 : i32
      %dma_start3A_102 = tpu.memref_slice %arg13[%dma_start3A] : memref<10000xf32, #tpu.memory_space<vmem>> -> memref<1000xf32, #tpu.memory_space<vmem>>
      %dma_start3A_103 = tpu.memref_slice %arg8[%mul3A_73] : memref<320000xf32, #tpu.memory_space<hbm>> -> memref<1000xf32, #tpu.memory_space<hbm>>
      %dma_start3A_104 = tpu.memref_slice %arg8[%mul3A_73] : memref<320000xf32, #tpu.memory_space<hbm>> -> memref<1000xf32, #tpu.memory_space<hbm>>
      %dma_start3A_105 = arith.constant 6000 : i32
      %dma_start3A_106 = tpu.memref_slice %arg13[%dma_start3A_105] : memref<10000xf32, #tpu.memory_space<vmem>> -> memref<1000xf32, #tpu.memory_space<vmem>>
      tpu.enqueue_dma source(%dma_start3A_106 : memref<1000xf32, #tpu.memory_space<vmem>>) target(%dma_start3A_104 : memref<1000xf32, #tpu.memory_space<hbm>>) target_semaphore(%run_scoped3A : memref<!tpu.dma_semaphore, #tpu.memory_space<semaphore_mem>>)
      %dma_wait3A_107 = arith.constant 6000 : i32
      %dma_wait3A_108 = tpu.memref_slice %arg13[%dma_wait3A_107] : memref<10000xf32, #tpu.memory_space<vmem>> -> memref<1000xf32, #tpu.memory_space<vmem>>
      %dma_wait3A_109 = tpu.memref_slice %arg8[%mul3A_73] : memref<320000xf32, #tpu.memory_space<hbm>> -> memref<1000xf32, #tpu.memory_space<hbm>>
      %dma_wait3A_110 = tpu.memref_slice %arg8[%mul3A_73] : memref<320000xf32, #tpu.memory_space<hbm>> -> memref<1000xf32, #tpu.memory_space<hbm>>
      %dma_wait3A_111 = arith.constant 6000 : i32
      %dma_wait3A_112 = tpu.memref_slice %arg13[%dma_wait3A_111] : memref<10000xf32, #tpu.memory_space<vmem>> -> memref<1000xf32, #tpu.memory_space<vmem>>
      tpu.wait_dma2 semaphore(%run_scoped3A : memref<!tpu.dma_semaphore, #tpu.memory_space<semaphore_mem>>) src(%dma_wait3A_112 : memref<1000xf32, #tpu.memory_space<vmem>>) dst(%dma_wait3A_110 : memref<1000xf32, #tpu.memory_space<hbm>>)
      tpu.yield
    }) : () -> ()
    %add3A_74 = arith.constant 224 : i32
    %add3A_75 = arith.addi %add3A_74, %add3A : i32
    %mul3A_76 = arith.constant 1000 : i32
    %mul3A_77 = arith.muli %add3A_75, %mul3A_76 : i32
    "tpu.region"() ({
      %run_scoped3A = tpu.sem_alloc : memref<!tpu.dma_semaphore, #tpu.memory_space<semaphore_mem>>
      %dma_start3A = arith.constant 7000 : i32
      %dma_start3A_102 = tpu.memref_slice %arg13[%dma_start3A] : memref<10000xf32, #tpu.memory_space<vmem>> -> memref<1000xf32, #tpu.memory_space<vmem>>
      %dma_start3A_103 = tpu.memref_slice %arg8[%mul3A_77] : memref<320000xf32, #tpu.memory_space<hbm>> -> memref<1000xf32, #tpu.memory_space<hbm>>
      %dma_start3A_104 = tpu.memref_slice %arg8[%mul3A_77] : memref<320000xf32, #tpu.memory_space<hbm>> -> memref<1000xf32, #tpu.memory_space<hbm>>
      %dma_start3A_105 = arith.constant 7000 : i32
      %dma_start3A_106 = tpu.memref_slice %arg13[%dma_start3A_105] : memref<10000xf32, #tpu.memory_space<vmem>> -> memref<1000xf32, #tpu.memory_space<vmem>>
      tpu.enqueue_dma source(%dma_start3A_106 : memref<1000xf32, #tpu.memory_space<vmem>>) target(%dma_start3A_104 : memref<1000xf32, #tpu.memory_space<hbm>>) target_semaphore(%run_scoped3A : memref<!tpu.dma_semaphore, #tpu.memory_space<semaphore_mem>>)
      %dma_wait3A_107 = arith.constant 7000 : i32
      %dma_wait3A_108 = tpu.memref_slice %arg13[%dma_wait3A_107] : memref<10000xf32, #tpu.memory_space<vmem>> -> memref<1000xf32, #tpu.memory_space<vmem>>
      %dma_wait3A_109 = tpu.memref_slice %arg8[%mul3A_77] : memref<320000xf32, #tpu.memory_space<hbm>> -> memref<1000xf32, #tpu.memory_space<hbm>>
      %dma_wait3A_110 = tpu.memref_slice %arg8[%mul3A_77] : memref<320000xf32, #tpu.memory_space<hbm>> -> memref<1000xf32, #tpu.memory_space<hbm>>
      %dma_wait3A_111 = arith.constant 7000 : i32
      %dma_wait3A_112 = tpu.memref_slice %arg13[%dma_wait3A_111] : memref<10000xf32, #tpu.memory_space<vmem>> -> memref<1000xf32, #tpu.memory_space<vmem>>
      tpu.wait_dma2 semaphore(%run_scoped3A : memref<!tpu.dma_semaphore, #tpu.memory_space<semaphore_mem>>) src(%dma_wait3A_112 : memref<1000xf32, #tpu.memory_space<vmem>>) dst(%dma_wait3A_110 : memref<1000xf32, #tpu.memory_space<hbm>>)
      tpu.yield
    }) : () -> ()
    %add3A_78 = arith.constant 256 : i32
    %add3A_79 = arith.addi %add3A_78, %add3A : i32
    %mul3A_80 = arith.constant 1000 : i32
    %mul3A_81 = arith.muli %add3A_79, %mul3A_80 : i32
    "tpu.region"() ({
      %run_scoped3A = tpu.sem_alloc : memref<!tpu.dma_semaphore, #tpu.memory_space<semaphore_mem>>
      %dma_start3A = arith.constant 8000 : i32
      %dma_start3A_102 = tpu.memref_slice %arg13[%dma_start3A] : memref<10000xf32, #tpu.memory_space<vmem>> -> memref<1000xf32, #tpu.memory_space<vmem>>
      %dma_start3A_103 = tpu.memref_slice %arg8[%mul3A_81] : memref<320000xf32, #tpu.memory_space<hbm>> -> memref<1000xf32, #tpu.memory_space<hbm>>
      %dma_start3A_104 = tpu.memref_slice %arg8[%mul3A_81] : memref<320000xf32, #tpu.memory_space<hbm>> -> memref<1000xf32, #tpu.memory_space<hbm>>
      %dma_start3A_105 = arith.constant 8000 : i32
      %dma_start3A_106 = tpu.memref_slice %arg13[%dma_start3A_105] : memref<10000xf32, #tpu.memory_space<vmem>> -> memref<1000xf32, #tpu.memory_space<vmem>>
      tpu.enqueue_dma source(%dma_start3A_106 : memref<1000xf32, #tpu.memory_space<vmem>>) target(%dma_start3A_104 : memref<1000xf32, #tpu.memory_space<hbm>>) target_semaphore(%run_scoped3A : memref<!tpu.dma_semaphore, #tpu.memory_space<semaphore_mem>>)
      %dma_wait3A_107 = arith.constant 8000 : i32
      %dma_wait3A_108 = tpu.memref_slice %arg13[%dma_wait3A_107] : memref<10000xf32, #tpu.memory_space<vmem>> -> memref<1000xf32, #tpu.memory_space<vmem>>
      %dma_wait3A_109 = tpu.memref_slice %arg8[%mul3A_81] : memref<320000xf32, #tpu.memory_space<hbm>> -> memref<1000xf32, #tpu.memory_space<hbm>>
      %dma_wait3A_110 = tpu.memref_slice %arg8[%mul3A_81] : memref<320000xf32, #tpu.memory_space<hbm>> -> memref<1000xf32, #tpu.memory_space<hbm>>
      %dma_wait3A_111 = arith.constant 8000 : i32
      %dma_wait3A_112 = tpu.memref_slice %arg13[%dma_wait3A_111] : memref<10000xf32, #tpu.memory_space<vmem>> -> memref<1000xf32, #tpu.memory_space<vmem>>
      tpu.wait_dma2 semaphore(%run_scoped3A : memref<!tpu.dma_semaphore, #tpu.memory_space<semaphore_mem>>) src(%dma_wait3A_112 : memref<1000xf32, #tpu.memory_space<vmem>>) dst(%dma_wait3A_110 : memref<1000xf32, #tpu.memory_space<hbm>>)
      tpu.yield
    }) : () -> ()
    %add3A_82 = arith.constant 288 : i32
    %add3A_83 = arith.addi %add3A_82, %add3A : i32
    %mul3A_84 = arith.constant 1000 : i32
    %mul3A_85 = arith.muli %add3A_83, %mul3A_84 : i32
    "tpu.region"() ({
      %run_scoped3A = tpu.sem_alloc : memref<!tpu.dma_semaphore, #tpu.memory_space<semaphore_mem>>
      %dma_start3A = arith.constant 9000 : i32
      %dma_start3A_102 = tpu.memref_slice %arg13[%dma_start3A] : memref<10000xf32, #tpu.memory_space<vmem>> -> memref<1000xf32, #tpu.memory_space<vmem>>
      %dma_start3A_103 = tpu.memref_slice %arg8[%mul3A_85] : memref<320000xf32, #tpu.memory_space<hbm>> -> memref<1000xf32, #tpu.memory_space<hbm>>
      %dma_start3A_104 = tpu.memref_slice %arg8[%mul3A_85] : memref<320000xf32, #tpu.memory_space<hbm>> -> memref<1000xf32, #tpu.memory_space<hbm>>
      %dma_start3A_105 = arith.constant 9000 : i32
      %dma_start3A_106 = tpu.memref_slice %arg13[%dma_start3A_105] : memref<10000xf32, #tpu.memory_space<vmem>> -> memref<1000xf32, #tpu.memory_space<vmem>>
      tpu.enqueue_dma source(%dma_start3A_106 : memref<1000xf32, #tpu.memory_space<vmem>>) target(%dma_start3A_104 : memref<1000xf32, #tpu.memory_space<hbm>>) target_semaphore(%run_scoped3A : memref<!tpu.dma_semaphore, #tpu.memory_space<semaphore_mem>>)
      %dma_wait3A_107 = arith.constant 9000 : i32
      %dma_wait3A_108 = tpu.memref_slice %arg13[%dma_wait3A_107] : memref<10000xf32, #tpu.memory_space<vmem>> -> memref<1000xf32, #tpu.memory_space<vmem>>
      %dma_wait3A_109 = tpu.memref_slice %arg8[%mul3A_85] : memref<320000xf32, #tpu.memory_space<hbm>> -> memref<1000xf32, #tpu.memory_space<hbm>>
      %dma_wait3A_110 = tpu.memref_slice %arg8[%mul3A_85] : memref<320000xf32, #tpu.memory_space<hbm>> -> memref<1000xf32, #tpu.memory_space<hbm>>
      %dma_wait3A_111 = arith.constant 9000 : i32
      %dma_wait3A_112 = tpu.memref_slice %arg13[%dma_wait3A_111] : memref<10000xf32, #tpu.memory_space<vmem>> -> memref<1000xf32, #tpu.memory_space<vmem>>
      tpu.wait_dma2 semaphore(%run_scoped3A : memref<!tpu.dma_semaphore, #tpu.memory_space<semaphore_mem>>) src(%dma_wait3A_112 : memref<1000xf32, #tpu.memory_space<vmem>>) dst(%dma_wait3A_110 : memref<1000xf32, #tpu.memory_space<hbm>>)
      tpu.yield
    }) : () -> ()
    %barrier3A_86 = arith.constant 0 : index
    tpu.barrier barrier_id(%barrier3A_86)
    %mul3A_87 = arith.constant 10000 : i32
    %mul3A_88 = arith.muli %arg0, %mul3A_87 : i32
    %mul3A_89 = arith.constant 624 : i32
    %mul3A_90 = arith.muli %arg1, %mul3A_89 : i32
    %add3A_91 = arith.addi %mul3A_88, %mul3A_90 : i32
    %lt3A_92 = arith.constant 15 : i32
    %lt3A_93 = arith.cmpi slt, %arg1, %lt3A_92 : i32
    %convert_element_type3A_94 = arith.extui %lt3A_93 : i1 to i32
    %cond3A_95 = arith.constant 0 : i32
    %cond3A_96 = arith.cmpi ne, %convert_element_type3A_94, %cond3A_95 : i32
    scf.if %cond3A_96 {
      %mul3A_102 = arith.constant 624 : i32
      %mul3A_103 = arith.muli %arg1, %mul3A_102 : i32
      "tpu.region"() ({
        %run_scoped3A = tpu.sem_alloc : memref<!tpu.dma_semaphore, #tpu.memory_space<semaphore_mem>>
        %dma_start3A = arith.constant 0 : i32
        %dma_start3A_104 = tpu.memref_slice %arg7[%add3A_91, %dma_start3A] : memref<20000x128xf32, #tpu.memory_space<hbm>> -> memref<624x128xf32, #tpu.memory_space<hbm>>
        %dma_start3A_105 = arith.constant 0 : i32
        %dma_start3A_106 = tpu.memref_slice %arg14[%mul3A_103, %dma_start3A_105] : memref<10000x128xf32, #tpu.memory_space<vmem_shared>> -> memref<624x128xf32, #tpu.memory_space<vmem_shared>>
        tpu.enqueue_dma source(%dma_start3A_106 : memref<624x128xf32, #tpu.memory_space<vmem_shared>>) target(%dma_start3A_104 : memref<624x128xf32, #tpu.memory_space<hbm>>) target_semaphore(%run_scoped3A : memref<!tpu.dma_semaphore, #tpu.memory_space<semaphore_mem>>)
        %dma_wait3A_107 = arith.constant 0 : i32
        %dma_wait3A_108 = tpu.memref_slice %arg7[%add3A_91, %dma_wait3A_107] : memref<20000x128xf32, #tpu.memory_space<hbm>> -> memref<624x128xf32, #tpu.memory_space<hbm>>
        %dma_wait3A_109 = arith.constant 0 : i32
        %dma_wait3A_110 = tpu.memref_slice %arg14[%mul3A_103, %dma_wait3A_109] : memref<10000x128xf32, #tpu.memory_space<vmem_shared>> -> memref<624x128xf32, #tpu.memory_space<vmem_shared>>
        tpu.wait_dma2 semaphore(%run_scoped3A : memref<!tpu.dma_semaphore, #tpu.memory_space<semaphore_mem>>) src(%dma_wait3A_110 : memref<624x128xf32, #tpu.memory_space<vmem_shared>>) dst(%dma_wait3A_108 : memref<624x128xf32, #tpu.memory_space<hbm>>)
        tpu.yield
      }) : () -> ()
    } else {
    }
    %eq3A_97 = arith.constant 15 : i32
    %eq3A_98 = arith.cmpi eq, %arg1, %eq3A_97 : i32
    %convert_element_type3A_99 = arith.extui %eq3A_98 : i1 to i32
    %cond3A_100 = arith.constant 0 : i32
    %cond3A_101 = arith.cmpi ne, %convert_element_type3A_99, %cond3A_100 : i32
    scf.if %cond3A_101 {
      %mul3A_102 = arith.constant 624 : i32
      %mul3A_103 = arith.muli %arg1, %mul3A_102 : i32
      "tpu.region"() ({
        %run_scoped3A = tpu.sem_alloc : memref<!tpu.dma_semaphore, #tpu.memory_space<semaphore_mem>>
        %dma_start3A = arith.constant 0 : i32
        %dma_start3A_104 = tpu.memref_slice %arg7[%add3A_91, %dma_start3A] : memref<20000x128xf32, #tpu.memory_space<hbm>> -> memref<640x128xf32, #tpu.memory_space<hbm>>
        %dma_start3A_105 = arith.constant 0 : i32
        %dma_start3A_106 = tpu.memref_slice %arg14[%mul3A_103, %dma_start3A_105] : memref<10000x128xf32, #tpu.memory_space<vmem_shared>> -> memref<640x128xf32, #tpu.memory_space<vmem_shared>>
        tpu.enqueue_dma source(%dma_start3A_106 : memref<640x128xf32, #tpu.memory_space<vmem_shared>>) target(%dma_start3A_104 : memref<640x128xf32, #tpu.memory_space<hbm>>) target_semaphore(%run_scoped3A : memref<!tpu.dma_semaphore, #tpu.memory_space<semaphore_mem>>)
        %dma_wait3A_107 = arith.constant 0 : i32
        %dma_wait3A_108 = tpu.memref_slice %arg7[%add3A_91, %dma_wait3A_107] : memref<20000x128xf32, #tpu.memory_space<hbm>> -> memref<640x128xf32, #tpu.memory_space<hbm>>
        %dma_wait3A_109 = arith.constant 0 : i32
        %dma_wait3A_110 = tpu.memref_slice %arg14[%mul3A_103, %dma_wait3A_109] : memref<10000x128xf32, #tpu.memory_space<vmem_shared>> -> memref<640x128xf32, #tpu.memory_space<vmem_shared>>
        tpu.wait_dma2 semaphore(%run_scoped3A : memref<!tpu.dma_semaphore, #tpu.memory_space<semaphore_mem>>) src(%dma_wait3A_110 : memref<640x128xf32, #tpu.memory_space<vmem_shared>>) dst(%dma_wait3A_108 : memref<640x128xf32, #tpu.memory_space<hbm>>)
        tpu.yield
      }) : () -> ()
    } else {
    }
    return
  }
}

#map = affine_map<(d0, d1) -> (0, 0)>
module attributes {stable_mosaic.version = 14 : i64} {
  func.func @_sc_agg_body(%arg0: i32, %arg1: i32, %arg2: memref<10000x128xf32, #tpu.memory_space<hbm>>, %arg3: memref<2560x125xi32, #tpu.memory_space<hbm>>, %arg4: memref<2560x125xi32, #tpu.memory_space<hbm>>, %arg5: memref<640x128xf32, #tpu.memory_space<hbm>>, %arg6: memref<20000x128xf32, #tpu.memory_space<hbm>>, %arg7: memref<16x125xi32, #tpu.memory_space<vmem>>, %arg8: memref<16x125xi32, #tpu.memory_space<vmem>>, %arg9: memref<2x125x128xf32, #tpu.memory_space<vmem>>, %arg10: memref<10000x128xf32, #tpu.memory_space<vmem_shared>>, %arg11: memref<!tpu.dma_semaphore, #tpu.memory_space<semaphore_mem>>, %arg12: memref<!tpu.dma_semaphore, #tpu.memory_space<semaphore_mem>>, %arg13: memref<!tpu.dma_semaphore, #tpu.memory_space<semaphore_mem>>, %arg14: memref<!tpu.dma_semaphore, #tpu.memory_space<semaphore_mem>>) attributes {dimension_semantics = [#tpu.dimension_semantics<core_parallel>, #tpu.dimension_semantics<subcore_parallel>], iteration_bounds = array<i64: 2, 16>, scalar_prefetch = 0 : i64, scratch_operands = 8 : i64, tpu.core_type = #tpu.core_type<sc_vector_subcore>, window_params = [{transform_indices = #map}, {transform_indices = #map}, {transform_indices = #map}, {transform_indices = #map}, {transform_indices = #map}]} {
    %mul3A = arith.constant 16 : i32
    %mul3A_0 = arith.muli %arg0, %mul3A : i32
    %add3A = arith.addi %mul3A_0, %arg1 : i32
    %lt3A = arith.constant 15 : i32
    %lt3A_1 = arith.cmpi slt, %arg1, %lt3A : i32
    %convert_element_type3A = arith.extui %lt3A_1 : i1 to i32
    %cond3A = arith.constant 0 : i32
    %cond3A_2 = arith.cmpi ne, %convert_element_type3A, %cond3A : i32
    scf.if %cond3A_2 {
      %mul3A_52 = arith.constant 624 : i32
      %mul3A_53 = arith.muli %arg1, %mul3A_52 : i32
      "tpu.region"() ({
        %run_scoped3A = tpu.sem_alloc : memref<!tpu.dma_semaphore, #tpu.memory_space<semaphore_mem>>
        %dma_start3A = arith.constant 0 : i32
        %dma_start3A_54 = tpu.memref_slice %arg10[%mul3A_53, %dma_start3A] : memref<10000x128xf32, #tpu.memory_space<vmem_shared>> -> memref<624x128xf32, #tpu.memory_space<vmem_shared>>
        %dma_start3A_55 = arith.constant 0 : i32
        %dma_start3A_56 = arith.constant 0 : i32
        %dma_start3A_57 = tpu.memref_slice %arg5[%dma_start3A_55, %dma_start3A_56] : memref<640x128xf32, #tpu.memory_space<hbm>> -> memref<624x128xf32, #tpu.memory_space<hbm>>
        tpu.enqueue_dma source(%dma_start3A_57 : memref<624x128xf32, #tpu.memory_space<hbm>>) target(%dma_start3A_54 : memref<624x128xf32, #tpu.memory_space<vmem_shared>>) target_semaphore(%run_scoped3A : memref<!tpu.dma_semaphore, #tpu.memory_space<semaphore_mem>>)
        %dma_wait3A_58 = arith.constant 0 : i32
        %dma_wait3A_59 = tpu.memref_slice %arg10[%mul3A_53, %dma_wait3A_58] : memref<10000x128xf32, #tpu.memory_space<vmem_shared>> -> memref<624x128xf32, #tpu.memory_space<vmem_shared>>
        %dma_wait3A_60 = arith.constant 0 : i32
        %dma_wait3A_61 = arith.constant 0 : i32
        %dma_wait3A_62 = tpu.memref_slice %arg5[%dma_wait3A_60, %dma_wait3A_61] : memref<640x128xf32, #tpu.memory_space<hbm>> -> memref<624x128xf32, #tpu.memory_space<hbm>>
        tpu.wait_dma2 semaphore(%run_scoped3A : memref<!tpu.dma_semaphore, #tpu.memory_space<semaphore_mem>>) src(%dma_wait3A_62 : memref<624x128xf32, #tpu.memory_space<hbm>>) dst(%dma_wait3A_59 : memref<624x128xf32, #tpu.memory_space<vmem_shared>>)
        tpu.yield
      }) : () -> ()
    } else {
    }
    %eq3A = arith.constant 15 : i32
    %eq3A_3 = arith.cmpi eq, %arg1, %eq3A : i32
    %convert_element_type3A_4 = arith.extui %eq3A_3 : i1 to i32
    %cond3A_5 = arith.constant 0 : i32
    %cond3A_6 = arith.cmpi ne, %convert_element_type3A_4, %cond3A_5 : i32
    scf.if %cond3A_6 {
      %mul3A_52 = arith.constant 624 : i32
      %mul3A_53 = arith.muli %arg1, %mul3A_52 : i32
      "tpu.region"() ({
        %run_scoped3A = tpu.sem_alloc : memref<!tpu.dma_semaphore, #tpu.memory_space<semaphore_mem>>
        %dma_start3A = arith.constant 0 : i32
        %dma_start3A_54 = tpu.memref_slice %arg10[%mul3A_53, %dma_start3A] : memref<10000x128xf32, #tpu.memory_space<vmem_shared>> -> memref<640x128xf32, #tpu.memory_space<vmem_shared>>
        tpu.enqueue_dma source(%arg5 : memref<640x128xf32, #tpu.memory_space<hbm>>) target(%dma_start3A_54 : memref<640x128xf32, #tpu.memory_space<vmem_shared>>) target_semaphore(%run_scoped3A : memref<!tpu.dma_semaphore, #tpu.memory_space<semaphore_mem>>)
        %dma_wait3A_55 = arith.constant 0 : i32
        %dma_wait3A_56 = tpu.memref_slice %arg10[%mul3A_53, %dma_wait3A_55] : memref<10000x128xf32, #tpu.memory_space<vmem_shared>> -> memref<640x128xf32, #tpu.memory_space<vmem_shared>>
        tpu.wait_dma2 semaphore(%run_scoped3A : memref<!tpu.dma_semaphore, #tpu.memory_space<semaphore_mem>>) src(%arg5 : memref<640x128xf32, #tpu.memory_space<hbm>>) dst(%dma_wait3A_56 : memref<640x128xf32, #tpu.memory_space<vmem_shared>>)
        tpu.yield
      }) : () -> ()
    } else {
    }
    %barrier3A = arith.constant 0 : index
    tpu.barrier barrier_id(%barrier3A)
    %mul3A_7 = arith.constant 80 : i32
    %mul3A_8 = arith.muli %add3A, %mul3A_7 : i32
    %scan3A = arith.constant 0 : i32
    %scan3A_9 = arith.constant 5 : i32
    %scan3A_10 = arith.addi %scan3A, %scan3A_9 : i32
    %scan3A_11 = arith.constant 1 : i32
    scf.for %scan3A_52 = %scan3A to %scan3A_10 step %scan3A_11  : i32 {
      %mul3A_53 = arith.constant 1 : i32
      %mul3A_54 = arith.muli %scan3A_52, %mul3A_53 : i32
      %add3A_55 = arith.constant 0 : i32
      %add3A_56 = arith.addi %add3A_55, %mul3A_54 : i32
      %gt3A = arith.constant 0 : i32
      %gt3A_57 = arith.cmpi sgt, %add3A_56, %gt3A : i32
      %convert_element_type3A_58 = arith.extui %gt3A_57 : i1 to i32
      %cond3A_59 = arith.constant 0 : i32
      %cond3A_60 = arith.cmpi ne, %convert_element_type3A_58, %cond3A_59 : i32
      scf.if %cond3A_60 {
        %dma_wait3A_807 = arith.constant 0 : i32
        %dma_wait3A_808 = arith.constant 14 : i32
        %dma_wait3A_809 = arith.constant 0 : i32
        %dma_wait3A_810 = arith.constant 0 : i32
        %dma_wait3A_811 = tpu.memref_slice %arg9[%dma_wait3A_807, %dma_wait3A_809, %dma_wait3A_810] : memref<2x125x128xf32, #tpu.memory_space<vmem>> -> memref<1x125x128xf32, #tpu.memory_space<vmem>>
        %dma_wait3A_812 = tpu.memref_squeeze %dma_wait3A_811 : memref<1x125x128xf32, #tpu.memory_space<vmem>> -> memref<125x128xf32, #tpu.memory_space<vmem>>
        %dma_wait3A_813 = arith.constant 0 : i32
        %dma_wait3A_814 = tpu.memref_slice %arg8[%dma_wait3A_808, %dma_wait3A_813] : memref<16x125xi32, #tpu.memory_space<vmem>> -> memref<1x125xi32, #tpu.memory_space<vmem>>
        %dma_wait3A_815 = tpu.memref_squeeze %dma_wait3A_814 : memref<1x125xi32, #tpu.memory_space<vmem>> -> memref<125xi32, #tpu.memory_space<vmem>>
        %dma_wait3A_816 = arith.constant 0 : i32
        %dma_wait3A_817 = arith.constant 0 : i32
        %dma_wait3A_818 = tpu.memref_slice %arg10[%dma_wait3A_816, %dma_wait3A_817] : memref<10000x128xf32, #tpu.memory_space<vmem_shared>> -> memref<10000x128xf32, #tpu.memory_space<vmem_shared>>
        tpu.wait_indirect_dma semaphore(%arg13 : memref<!tpu.dma_semaphore, #tpu.memory_space<semaphore_mem>>) src(%dma_wait3A_812 : memref<125x128xf32, #tpu.memory_space<vmem>>) dst(%dma_wait3A_818 : memref<10000x128xf32, #tpu.memory_space<vmem_shared>>)
        %dma_wait3A_819 = arith.constant 1 : i32
        %dma_wait3A_820 = arith.constant 15 : i32
        %dma_wait3A_821 = arith.constant 0 : i32
        %dma_wait3A_822 = arith.constant 0 : i32
        %dma_wait3A_823 = tpu.memref_slice %arg9[%dma_wait3A_819, %dma_wait3A_821, %dma_wait3A_822] : memref<2x125x128xf32, #tpu.memory_space<vmem>> -> memref<1x125x128xf32, #tpu.memory_space<vmem>>
        %dma_wait3A_824 = tpu.memref_squeeze %dma_wait3A_823 : memref<1x125x128xf32, #tpu.memory_space<vmem>> -> memref<125x128xf32, #tpu.memory_space<vmem>>
        %dma_wait3A_825 = arith.constant 0 : i32
        %dma_wait3A_826 = tpu.memref_slice %arg8[%dma_wait3A_820, %dma_wait3A_825] : memref<16x125xi32, #tpu.memory_space<vmem>> -> memref<1x125xi32, #tpu.memory_space<vmem>>
        %dma_wait3A_827 = tpu.memref_squeeze %dma_wait3A_826 : memref<1x125xi32, #tpu.memory_space<vmem>> -> memref<125xi32, #tpu.memory_space<vmem>>
        %dma_wait3A_828 = arith.constant 0 : i32
        %dma_wait3A_829 = arith.constant 0 : i32
        %dma_wait3A_830 = tpu.memref_slice %arg10[%dma_wait3A_828, %dma_wait3A_829] : memref<10000x128xf32, #tpu.memory_space<vmem_shared>> -> memref<10000x128xf32, #tpu.memory_space<vmem_shared>>
        tpu.wait_indirect_dma semaphore(%arg14 : memref<!tpu.dma_semaphore, #tpu.memory_space<semaphore_mem>>) src(%dma_wait3A_824 : memref<125x128xf32, #tpu.memory_space<vmem>>) dst(%dma_wait3A_830 : memref<10000x128xf32, #tpu.memory_space<vmem_shared>>)
      } else {
      }
      %mul3A_61 = arith.constant 16 : i32
      %mul3A_62 = arith.muli %add3A_56, %mul3A_61 : i32
      %add3A_63 = arith.addi %mul3A_8, %mul3A_62 : i32
      "tpu.region"() ({
        %run_scoped3A = tpu.sem_alloc : memref<!tpu.dma_semaphore, #tpu.memory_space<semaphore_mem>>
        %dma_start3A_807 = arith.constant 0 : i32
        %dma_start3A_808 = tpu.memref_slice %arg3[%add3A_63, %dma_start3A_807] : memref<2560x125xi32, #tpu.memory_space<hbm>> -> memref<16x125xi32, #tpu.memory_space<hbm>>
        %dma_start3A_809 = arith.constant 0 : i32
        %dma_start3A_810 = tpu.memref_slice %arg3[%add3A_63, %dma_start3A_809] : memref<2560x125xi32, #tpu.memory_space<hbm>> -> memref<16x125xi32, #tpu.memory_space<hbm>>
        tpu.enqueue_dma source(%dma_start3A_810 : memref<16x125xi32, #tpu.memory_space<hbm>>) target(%arg7 : memref<16x125xi32, #tpu.memory_space<vmem>>) target_semaphore(%run_scoped3A : memref<!tpu.dma_semaphore, #tpu.memory_space<semaphore_mem>>)
        %dma_wait3A_811 = arith.constant 0 : i32
        %dma_wait3A_812 = tpu.memref_slice %arg3[%add3A_63, %dma_wait3A_811] : memref<2560x125xi32, #tpu.memory_space<hbm>> -> memref<16x125xi32, #tpu.memory_space<hbm>>
        %dma_wait3A_813 = arith.constant 0 : i32
        %dma_wait3A_814 = tpu.memref_slice %arg3[%add3A_63, %dma_wait3A_813] : memref<2560x125xi32, #tpu.memory_space<hbm>> -> memref<16x125xi32, #tpu.memory_space<hbm>>
        tpu.wait_dma2 semaphore(%run_scoped3A : memref<!tpu.dma_semaphore, #tpu.memory_space<semaphore_mem>>) src(%dma_wait3A_814 : memref<16x125xi32, #tpu.memory_space<hbm>>) dst(%arg7 : memref<16x125xi32, #tpu.memory_space<vmem>>)
        tpu.yield
      }) : () -> ()
      "tpu.region"() ({
        %run_scoped3A = tpu.sem_alloc : memref<!tpu.dma_semaphore, #tpu.memory_space<semaphore_mem>>
        %dma_start3A_807 = arith.constant 0 : i32
        %dma_start3A_808 = tpu.memref_slice %arg4[%add3A_63, %dma_start3A_807] : memref<2560x125xi32, #tpu.memory_space<hbm>> -> memref<16x125xi32, #tpu.memory_space<hbm>>
        %dma_start3A_809 = arith.constant 0 : i32
        %dma_start3A_810 = tpu.memref_slice %arg4[%add3A_63, %dma_start3A_809] : memref<2560x125xi32, #tpu.memory_space<hbm>> -> memref<16x125xi32, #tpu.memory_space<hbm>>
        tpu.enqueue_dma source(%dma_start3A_810 : memref<16x125xi32, #tpu.memory_space<hbm>>) target(%arg8 : memref<16x125xi32, #tpu.memory_space<vmem>>) target_semaphore(%run_scoped3A : memref<!tpu.dma_semaphore, #tpu.memory_space<semaphore_mem>>)
        %dma_wait3A_811 = arith.constant 0 : i32
        %dma_wait3A_812 = tpu.memref_slice %arg4[%add3A_63, %dma_wait3A_811] : memref<2560x125xi32, #tpu.memory_space<hbm>> -> memref<16x125xi32, #tpu.memory_space<hbm>>
        %dma_wait3A_813 = arith.constant 0 : i32
        %dma_wait3A_814 = tpu.memref_slice %arg4[%add3A_63, %dma_wait3A_813] : memref<2560x125xi32, #tpu.memory_space<hbm>> -> memref<16x125xi32, #tpu.memory_space<hbm>>
        tpu.wait_dma2 semaphore(%run_scoped3A : memref<!tpu.dma_semaphore, #tpu.memory_space<semaphore_mem>>) src(%dma_wait3A_814 : memref<16x125xi32, #tpu.memory_space<hbm>>) dst(%arg8 : memref<16x125xi32, #tpu.memory_space<vmem>>)
        tpu.yield
      }) : () -> ()
      %dma_start3A = arith.constant 0 : i32
      %dma_start3A_64 = arith.constant 0 : i32
      %dma_start3A_65 = arith.constant 0 : i32
      %dma_start3A_66 = arith.constant 0 : i32
      %dma_start3A_67 = tpu.memref_slice %arg9[%dma_start3A_64, %dma_start3A_65, %dma_start3A_66] : memref<2x125x128xf32, #tpu.memory_space<vmem>> -> memref<1x125x128xf32, #tpu.memory_space<vmem>>
      %dma_start3A_68 = tpu.memref_squeeze %dma_start3A_67 : memref<1x125x128xf32, #tpu.memory_space<vmem>> -> memref<125x128xf32, #tpu.memory_space<vmem>>
      %dma_start3A_69 = arith.constant 0 : i32
      %dma_start3A_70 = tpu.memref_slice %arg7[%dma_start3A, %dma_start3A_69] : memref<16x125xi32, #tpu.memory_space<vmem>> -> memref<1x125xi32, #tpu.memory_space<vmem>>
      %dma_start3A_71 = tpu.memref_squeeze %dma_start3A_70 : memref<1x125xi32, #tpu.memory_space<vmem>> -> memref<125xi32, #tpu.memory_space<vmem>>
      %dma_start3A_72 = arith.constant 0 : i32
      %dma_start3A_73 = arith.constant 0 : i32
      %dma_start3A_74 = tpu.memref_slice %arg2[%dma_start3A_72, %dma_start3A_73] : memref<10000x128xf32, #tpu.memory_space<hbm>> -> memref<10000x128xf32, #tpu.memory_space<hbm>>
      tpu.enqueue_indirect_dma source(%dma_start3A_74 : memref<10000x128xf32, #tpu.memory_space<hbm>>) target(%dma_start3A_68 : memref<125x128xf32, #tpu.memory_space<vmem>>) offsets(%dma_start3A_71 : memref<125xi32, #tpu.memory_space<vmem>>) semaphore(%arg11 : memref<!tpu.dma_semaphore, #tpu.memory_space<semaphore_mem>>)
      %dma_start3A_75 = arith.constant 1 : i32
      %dma_start3A_76 = arith.constant 1 : i32
      %dma_start3A_77 = arith.constant 0 : i32
      %dma_start3A_78 = arith.constant 0 : i32
      %dma_start3A_79 = tpu.memref_slice %arg9[%dma_start3A_76, %dma_start3A_77, %dma_start3A_78] : memref<2x125x128xf32, #tpu.memory_space<vmem>> -> memref<1x125x128xf32, #tpu.memory_space<vmem>>
      %dma_start3A_80 = tpu.memref_squeeze %dma_start3A_79 : memref<1x125x128xf32, #tpu.memory_space<vmem>> -> memref<125x128xf32, #tpu.memory_space<vmem>>
      %dma_start3A_81 = arith.constant 0 : i32
      %dma_start3A_82 = tpu.memref_slice %arg7[%dma_start3A_75, %dma_start3A_81] : memref<16x125xi32, #tpu.memory_space<vmem>> -> memref<1x125xi32, #tpu.memory_space<vmem>>
      %dma_start3A_83 = tpu.memref_squeeze %dma_start3A_82 : memref<1x125xi32, #tpu.memory_space<vmem>> -> memref<125xi32, #tpu.memory_space<vmem>>
      %dma_start3A_84 = arith.constant 0 : i32
      %dma_start3A_85 = arith.constant 0 : i32
      %dma_start3A_86 = tpu.memref_slice %arg2[%dma_start3A_84, %dma_start3A_85] : memref<10000x128xf32, #tpu.memory_space<hbm>> -> memref<10000x128xf32, #tpu.memory_space<hbm>>
      tpu.enqueue_indirect_dma source(%dma_start3A_86 : memref<10000x128xf32, #tpu.memory_space<hbm>>) target(%dma_start3A_80 : memref<125x128xf32, #tpu.memory_space<vmem>>) offsets(%dma_start3A_83 : memref<125xi32, #tpu.memory_space<vmem>>) semaphore(%arg12 : memref<!tpu.dma_semaphore, #tpu.memory_space<semaphore_mem>>)
      %dma_wait3A_87 = arith.constant 0 : i32
      %dma_wait3A_88 = arith.constant 0 : i32
      %dma_wait3A_89 = arith.constant 0 : i32
      %dma_wait3A_90 = arith.constant 0 : i32
      %dma_wait3A_91 = tpu.memref_slice %arg9[%dma_wait3A_88, %dma_wait3A_89, %dma_wait3A_90] : memref<2x125x128xf32, #tpu.memory_space<vmem>> -> memref<1x125x128xf32, #tpu.memory_space<vmem>>
      %dma_wait3A_92 = tpu.memref_squeeze %dma_wait3A_91 : memref<1x125x128xf32, #tpu.memory_space<vmem>> -> memref<125x128xf32, #tpu.memory_space<vmem>>
      %dma_wait3A_93 = arith.constant 0 : i32
      %dma_wait3A_94 = tpu.memref_slice %arg7[%dma_wait3A_87, %dma_wait3A_93] : memref<16x125xi32, #tpu.memory_space<vmem>> -> memref<1x125xi32, #tpu.memory_space<vmem>>
      %dma_wait3A_95 = tpu.memref_squeeze %dma_wait3A_94 : memref<1x125xi32, #tpu.memory_space<vmem>> -> memref<125xi32, #tpu.memory_space<vmem>>
      %dma_wait3A_96 = arith.constant 0 : i32
      %dma_wait3A_97 = arith.constant 0 : i32
      %dma_wait3A_98 = tpu.memref_slice %arg2[%dma_wait3A_96, %dma_wait3A_97] : memref<10000x128xf32, #tpu.memory_space<hbm>> -> memref<10000x128xf32, #tpu.memory_space<hbm>>
      tpu.wait_indirect_dma semaphore(%arg11 : memref<!tpu.dma_semaphore, #tpu.memory_space<semaphore_mem>>) src(%dma_wait3A_98 : memref<10000x128xf32, #tpu.memory_space<hbm>>) dst(%dma_wait3A_92 : memref<125x128xf32, #tpu.memory_space<vmem>>)
      %dma_start3A_99 = arith.constant 0 : i32
      %dma_start3A_100 = arith.constant 0 : i32
      %dma_start3A_101 = arith.constant 0 : i32
      %dma_start3A_102 = arith.constant 0 : i32
      %dma_start3A_103 = tpu.memref_slice %arg9[%dma_start3A_99, %dma_start3A_101, %dma_start3A_102] : memref<2x125x128xf32, #tpu.memory_space<vmem>> -> memref<1x125x128xf32, #tpu.memory_space<vmem>>
      %dma_start3A_104 = tpu.memref_squeeze %dma_start3A_103 : memref<1x125x128xf32, #tpu.memory_space<vmem>> -> memref<125x128xf32, #tpu.memory_space<vmem>>
      %dma_start3A_105 = arith.constant 0 : i32
      %dma_start3A_106 = tpu.memref_slice %arg8[%dma_start3A_100, %dma_start3A_105] : memref<16x125xi32, #tpu.memory_space<vmem>> -> memref<1x125xi32, #tpu.memory_space<vmem>>
      %dma_start3A_107 = tpu.memref_squeeze %dma_start3A_106 : memref<1x125xi32, #tpu.memory_space<vmem>> -> memref<125xi32, #tpu.memory_space<vmem>>
      %dma_start3A_108 = arith.constant 0 : i32
      %dma_start3A_109 = arith.constant 0 : i32
      %dma_start3A_110 = tpu.memref_slice %arg10[%dma_start3A_108, %dma_start3A_109] : memref<10000x128xf32, #tpu.memory_space<vmem_shared>> -> memref<10000x128xf32, #tpu.memory_space<vmem_shared>>
      tpu.enqueue_indirect_dma source(%dma_start3A_104 : memref<125x128xf32, #tpu.memory_space<vmem>>) target(%dma_start3A_110 : memref<10000x128xf32, #tpu.memory_space<vmem_shared>>) offsets(%dma_start3A_107 : memref<125xi32, #tpu.memory_space<vmem>>) semaphore(%arg13 : memref<!tpu.dma_semaphore, #tpu.memory_space<semaphore_mem>>) {add = true}
      %dma_wait3A_111 = arith.constant 0 : i32
      %dma_wait3A_112 = arith.constant 0 : i32
      %dma_wait3A_113 = arith.constant 0 : i32
      %dma_wait3A_114 = arith.constant 0 : i32
      %dma_wait3A_115 = tpu.memref_slice %arg9[%dma_wait3A_111, %dma_wait3A_113, %dma_wait3A_114] : memref<2x125x128xf32, #tpu.memory_space<vmem>> -> memref<1x125x128xf32, #tpu.memory_space<vmem>>
      %dma_wait3A_116 = tpu.memref_squeeze %dma_wait3A_115 : memref<1x125x128xf32, #tpu.memory_space<vmem>> -> memref<125x128xf32, #tpu.memory_space<vmem>>
      %dma_wait3A_117 = arith.constant 0 : i32
      %dma_wait3A_118 = tpu.memref_slice %arg8[%dma_wait3A_112, %dma_wait3A_117] : memref<16x125xi32, #tpu.memory_space<vmem>> -> memref<1x125xi32, #tpu.memory_space<vmem>>
      %dma_wait3A_119 = tpu.memref_squeeze %dma_wait3A_118 : memref<1x125xi32, #tpu.memory_space<vmem>> -> memref<125xi32, #tpu.memory_space<vmem>>
      %dma_wait3A_120 = arith.constant 0 : i32
      %dma_wait3A_121 = arith.constant 0 : i32
      %dma_wait3A_122 = tpu.memref_slice %arg10[%dma_wait3A_120, %dma_wait3A_121] : memref<10000x128xf32, #tpu.memory_space<vmem_shared>> -> memref<10000x128xf32, #tpu.memory_space<vmem_shared>>
      tpu.wait_indirect_dma semaphore(%arg13 : memref<!tpu.dma_semaphore, #tpu.memory_space<semaphore_mem>>) src(%dma_wait3A_116 : memref<125x128xf32, #tpu.memory_space<vmem>>) dst(%dma_wait3A_122 : memref<10000x128xf32, #tpu.memory_space<vmem_shared>>)
      %dma_start3A_123 = arith.constant 2 : i32
      %dma_start3A_124 = arith.constant 0 : i32
      %dma_start3A_125 = arith.constant 0 : i32
      %dma_start3A_126 = arith.constant 0 : i32
      %dma_start3A_127 = tpu.memref_slice %arg9[%dma_start3A_124, %dma_start3A_125, %dma_start3A_126] : memref<2x125x128xf32, #tpu.memory_space<vmem>> -> memref<1x125x128xf32, #tpu.memory_space<vmem>>
      %dma_start3A_128 = tpu.memref_squeeze %dma_start3A_127 : memref<1x125x128xf32, #tpu.memory_space<vmem>> -> memref<125x128xf32, #tpu.memory_space<vmem>>
      %dma_start3A_129 = arith.constant 0 : i32
      %dma_start3A_130 = tpu.memref_slice %arg7[%dma_start3A_123, %dma_start3A_129] : memref<16x125xi32, #tpu.memory_space<vmem>> -> memref<1x125xi32, #tpu.memory_space<vmem>>
      %dma_start3A_131 = tpu.memref_squeeze %dma_start3A_130 : memref<1x125xi32, #tpu.memory_space<vmem>> -> memref<125xi32, #tpu.memory_space<vmem>>
      %dma_start3A_132 = arith.constant 0 : i32
      %dma_start3A_133 = arith.constant 0 : i32
      %dma_start3A_134 = tpu.memref_slice %arg2[%dma_start3A_132, %dma_start3A_133] : memref<10000x128xf32, #tpu.memory_space<hbm>> -> memref<10000x128xf32, #tpu.memory_space<hbm>>
      tpu.enqueue_indirect_dma source(%dma_start3A_134 : memref<10000x128xf32, #tpu.memory_space<hbm>>) target(%dma_start3A_128 : memref<125x128xf32, #tpu.memory_space<vmem>>) offsets(%dma_start3A_131 : memref<125xi32, #tpu.memory_space<vmem>>) semaphore(%arg11 : memref<!tpu.dma_semaphore, #tpu.memory_space<semaphore_mem>>)
      %dma_wait3A_135 = arith.constant 1 : i32
      %dma_wait3A_136 = arith.constant 1 : i32
      %dma_wait3A_137 = arith.constant 0 : i32
      %dma_wait3A_138 = arith.constant 0 : i32
      %dma_wait3A_139 = tpu.memref_slice %arg9[%dma_wait3A_136, %dma_wait3A_137, %dma_wait3A_138] : memref<2x125x128xf32, #tpu.memory_space<vmem>> -> memref<1x125x128xf32, #tpu.memory_space<vmem>>
      %dma_wait3A_140 = tpu.memref_squeeze %dma_wait3A_139 : memref<1x125x128xf32, #tpu.memory_space<vmem>> -> memref<125x128xf32, #tpu.memory_space<vmem>>
      %dma_wait3A_141 = arith.constant 0 : i32
      %dma_wait3A_142 = tpu.memref_slice %arg7[%dma_wait3A_135, %dma_wait3A_141] : memref<16x125xi32, #tpu.memory_space<vmem>> -> memref<1x125xi32, #tpu.memory_space<vmem>>
      %dma_wait3A_143 = tpu.memref_squeeze %dma_wait3A_142 : memref<1x125xi32, #tpu.memory_space<vmem>> -> memref<125xi32, #tpu.memory_space<vmem>>
      %dma_wait3A_144 = arith.constant 0 : i32
      %dma_wait3A_145 = arith.constant 0 : i32
      %dma_wait3A_146 = tpu.memref_slice %arg2[%dma_wait3A_144, %dma_wait3A_145] : memref<10000x128xf32, #tpu.memory_space<hbm>> -> memref<10000x128xf32, #tpu.memory_space<hbm>>
      tpu.wait_indirect_dma semaphore(%arg12 : memref<!tpu.dma_semaphore, #tpu.memory_space<semaphore_mem>>) src(%dma_wait3A_146 : memref<10000x128xf32, #tpu.memory_space<hbm>>) dst(%dma_wait3A_140 : memref<125x128xf32, #tpu.memory_space<vmem>>)
      %dma_start3A_147 = arith.constant 1 : i32
      %dma_start3A_148 = arith.constant 1 : i32
      %dma_start3A_149 = arith.constant 0 : i32
      %dma_start3A_150 = arith.constant 0 : i32
      %dma_start3A_151 = tpu.memref_slice %arg9[%dma_start3A_147, %dma_start3A_149, %dma_start3A_150] : memref<2x125x128xf32, #tpu.memory_space<vmem>> -> memref<1x125x128xf32, #tpu.memory_space<vmem>>
      %dma_start3A_152 = tpu.memref_squeeze %dma_start3A_151 : memref<1x125x128xf32, #tpu.memory_space<vmem>> -> memref<125x128xf32, #tpu.memory_space<vmem>>
      %dma_start3A_153 = arith.constant 0 : i32
      %dma_start3A_154 = tpu.memref_slice %arg8[%dma_start3A_148, %dma_start3A_153] : memref<16x125xi32, #tpu.memory_space<vmem>> -> memref<1x125xi32, #tpu.memory_space<vmem>>
      %dma_start3A_155 = tpu.memref_squeeze %dma_start3A_154 : memref<1x125xi32, #tpu.memory_space<vmem>> -> memref<125xi32, #tpu.memory_space<vmem>>
      %dma_start3A_156 = arith.constant 0 : i32
      %dma_start3A_157 = arith.constant 0 : i32
      %dma_start3A_158 = tpu.memref_slice %arg10[%dma_start3A_156, %dma_start3A_157] : memref<10000x128xf32, #tpu.memory_space<vmem_shared>> -> memref<10000x128xf32, #tpu.memory_space<vmem_shared>>
      tpu.enqueue_indirect_dma source(%dma_start3A_152 : memref<125x128xf32, #tpu.memory_space<vmem>>) target(%dma_start3A_158 : memref<10000x128xf32, #tpu.memory_space<vmem_shared>>) offsets(%dma_start3A_155 : memref<125xi32, #tpu.memory_space<vmem>>) semaphore(%arg14 : memref<!tpu.dma_semaphore, #tpu.memory_space<semaphore_mem>>) {add = true}
      %dma_wait3A_159 = arith.constant 1 : i32
      %dma_wait3A_160 = arith.constant 1 : i32
      %dma_wait3A_161 = arith.constant 0 : i32
      %dma_wait3A_162 = arith.constant 0 : i32
      %dma_wait3A_163 = tpu.memref_slice %arg9[%dma_wait3A_159, %dma_wait3A_161, %dma_wait3A_162] : memref<2x125x128xf32, #tpu.memory_space<vmem>> -> memref<1x125x128xf32, #tpu.memory_space<vmem>>
      %dma_wait3A_164 = tpu.memref_squeeze %dma_wait3A_163 : memref<1x125x128xf32, #tpu.memory_space<vmem>> -> memref<125x128xf32, #tpu.memory_space<vmem>>
      %dma_wait3A_165 = arith.constant 0 : i32
      %dma_wait3A_166 = tpu.memref_slice %arg8[%dma_wait3A_160, %dma_wait3A_165] : memref<16x125xi32, #tpu.memory_space<vmem>> -> memref<1x125xi32, #tpu.memory_space<vmem>>
      %dma_wait3A_167 = tpu.memref_squeeze %dma_wait3A_166 : memref<1x125xi32, #tpu.memory_space<vmem>> -> memref<125xi32, #tpu.memory_space<vmem>>
      %dma_wait3A_168 = arith.constant 0 : i32
      %dma_wait3A_169 = arith.constant 0 : i32
      %dma_wait3A_170 = tpu.memref_slice %arg10[%dma_wait3A_168, %dma_wait3A_169] : memref<10000x128xf32, #tpu.memory_space<vmem_shared>> -> memref<10000x128xf32, #tpu.memory_space<vmem_shared>>
      tpu.wait_indirect_dma semaphore(%arg14 : memref<!tpu.dma_semaphore, #tpu.memory_space<semaphore_mem>>) src(%dma_wait3A_164 : memref<125x128xf32, #tpu.memory_space<vmem>>) dst(%dma_wait3A_170 : memref<10000x128xf32, #tpu.memory_space<vmem_shared>>)
      %dma_start3A_171 = arith.constant 3 : i32
      %dma_start3A_172 = arith.constant 1 : i32
      %dma_start3A_173 = arith.constant 0 : i32
      %dma_start3A_174 = arith.constant 0 : i32
      %dma_start3A_175 = tpu.memref_slice %arg9[%dma_start3A_172, %dma_start3A_173, %dma_start3A_174] : memref<2x125x128xf32, #tpu.memory_space<vmem>> -> memref<1x125x128xf32, #tpu.memory_space<vmem>>
      %dma_start3A_176 = tpu.memref_squeeze %dma_start3A_175 : memref<1x125x128xf32, #tpu.memory_space<vmem>> -> memref<125x128xf32, #tpu.memory_space<vmem>>
      %dma_start3A_177 = arith.constant 0 : i32
      %dma_start3A_178 = tpu.memref_slice %arg7[%dma_start3A_171, %dma_start3A_177] : memref<16x125xi32, #tpu.memory_space<vmem>> -> memref<1x125xi32, #tpu.memory_space<vmem>>
      %dma_start3A_179 = tpu.memref_squeeze %dma_start3A_178 : memref<1x125xi32, #tpu.memory_space<vmem>> -> memref<125xi32, #tpu.memory_space<vmem>>
      %dma_start3A_180 = arith.constant 0 : i32
      %dma_start3A_181 = arith.constant 0 : i32
      %dma_start3A_182 = tpu.memref_slice %arg2[%dma_start3A_180, %dma_start3A_181] : memref<10000x128xf32, #tpu.memory_space<hbm>> -> memref<10000x128xf32, #tpu.memory_space<hbm>>
      tpu.enqueue_indirect_dma source(%dma_start3A_182 : memref<10000x128xf32, #tpu.memory_space<hbm>>) target(%dma_start3A_176 : memref<125x128xf32, #tpu.memory_space<vmem>>) offsets(%dma_start3A_179 : memref<125xi32, #tpu.memory_space<vmem>>) semaphore(%arg12 : memref<!tpu.dma_semaphore, #tpu.memory_space<semaphore_mem>>)
      %dma_wait3A_183 = arith.constant 2 : i32
      %dma_wait3A_184 = arith.constant 0 : i32
      %dma_wait3A_185 = arith.constant 0 : i32
      %dma_wait3A_186 = arith.constant 0 : i32
      %dma_wait3A_187 = tpu.memref_slice %arg9[%dma_wait3A_184, %dma_wait3A_185, %dma_wait3A_186] : memref<2x125x128xf32, #tpu.memory_space<vmem>> -> memref<1x125x128xf32, #tpu.memory_space<vmem>>
      %dma_wait3A_188 = tpu.memref_squeeze %dma_wait3A_187 : memref<1x125x128xf32, #tpu.memory_space<vmem>> -> memref<125x128xf32, #tpu.memory_space<vmem>>
      %dma_wait3A_189 = arith.constant 0 : i32
      %dma_wait3A_190 = tpu.memref_slice %arg7[%dma_wait3A_183, %dma_wait3A_189] : memref<16x125xi32, #tpu.memory_space<vmem>> -> memref<1x125xi32, #tpu.memory_space<vmem>>
      %dma_wait3A_191 = tpu.memref_squeeze %dma_wait3A_190 : memref<1x125xi32, #tpu.memory_space<vmem>> -> memref<125xi32, #tpu.memory_space<vmem>>
      %dma_wait3A_192 = arith.constant 0 : i32
      %dma_wait3A_193 = arith.constant 0 : i32
      %dma_wait3A_194 = tpu.memref_slice %arg2[%dma_wait3A_192, %dma_wait3A_193] : memref<10000x128xf32, #tpu.memory_space<hbm>> -> memref<10000x128xf32, #tpu.memory_space<hbm>>
      tpu.wait_indirect_dma semaphore(%arg11 : memref<!tpu.dma_semaphore, #tpu.memory_space<semaphore_mem>>) src(%dma_wait3A_194 : memref<10000x128xf32, #tpu.memory_space<hbm>>) dst(%dma_wait3A_188 : memref<125x128xf32, #tpu.memory_space<vmem>>)
      %dma_start3A_195 = arith.constant 0 : i32
      %dma_start3A_196 = arith.constant 2 : i32
      %dma_start3A_197 = arith.constant 0 : i32
      %dma_start3A_198 = arith.constant 0 : i32
      %dma_start3A_199 = tpu.memref_slice %arg9[%dma_start3A_195, %dma_start3A_197, %dma_start3A_198] : memref<2x125x128xf32, #tpu.memory_space<vmem>> -> memref<1x125x128xf32, #tpu.memory_space<vmem>>
      %dma_start3A_200 = tpu.memref_squeeze %dma_start3A_199 : memref<1x125x128xf32, #tpu.memory_space<vmem>> -> memref<125x128xf32, #tpu.memory_space<vmem>>
      %dma_start3A_201 = arith.constant 0 : i32
      %dma_start3A_202 = tpu.memref_slice %arg8[%dma_start3A_196, %dma_start3A_201] : memref<16x125xi32, #tpu.memory_space<vmem>> -> memref<1x125xi32, #tpu.memory_space<vmem>>
      %dma_start3A_203 = tpu.memref_squeeze %dma_start3A_202 : memref<1x125xi32, #tpu.memory_space<vmem>> -> memref<125xi32, #tpu.memory_space<vmem>>
      %dma_start3A_204 = arith.constant 0 : i32
      %dma_start3A_205 = arith.constant 0 : i32
      %dma_start3A_206 = tpu.memref_slice %arg10[%dma_start3A_204, %dma_start3A_205] : memref<10000x128xf32, #tpu.memory_space<vmem_shared>> -> memref<10000x128xf32, #tpu.memory_space<vmem_shared>>
      tpu.enqueue_indirect_dma source(%dma_start3A_200 : memref<125x128xf32, #tpu.memory_space<vmem>>) target(%dma_start3A_206 : memref<10000x128xf32, #tpu.memory_space<vmem_shared>>) offsets(%dma_start3A_203 : memref<125xi32, #tpu.memory_space<vmem>>) semaphore(%arg13 : memref<!tpu.dma_semaphore, #tpu.memory_space<semaphore_mem>>) {add = true}
      %dma_wait3A_207 = arith.constant 0 : i32
      %dma_wait3A_208 = arith.constant 2 : i32
      %dma_wait3A_209 = arith.constant 0 : i32
      %dma_wait3A_210 = arith.constant 0 : i32
      %dma_wait3A_211 = tpu.memref_slice %arg9[%dma_wait3A_207, %dma_wait3A_209, %dma_wait3A_210] : memref<2x125x128xf32, #tpu.memory_space<vmem>> -> memref<1x125x128xf32, #tpu.memory_space<vmem>>
      %dma_wait3A_212 = tpu.memref_squeeze %dma_wait3A_211 : memref<1x125x128xf32, #tpu.memory_space<vmem>> -> memref<125x128xf32, #tpu.memory_space<vmem>>
      %dma_wait3A_213 = arith.constant 0 : i32
      %dma_wait3A_214 = tpu.memref_slice %arg8[%dma_wait3A_208, %dma_wait3A_213] : memref<16x125xi32, #tpu.memory_space<vmem>> -> memref<1x125xi32, #tpu.memory_space<vmem>>
      %dma_wait3A_215 = tpu.memref_squeeze %dma_wait3A_214 : memref<1x125xi32, #tpu.memory_space<vmem>> -> memref<125xi32, #tpu.memory_space<vmem>>
      %dma_wait3A_216 = arith.constant 0 : i32
      %dma_wait3A_217 = arith.constant 0 : i32
      %dma_wait3A_218 = tpu.memref_slice %arg10[%dma_wait3A_216, %dma_wait3A_217] : memref<10000x128xf32, #tpu.memory_space<vmem_shared>> -> memref<10000x128xf32, #tpu.memory_space<vmem_shared>>
      tpu.wait_indirect_dma semaphore(%arg13 : memref<!tpu.dma_semaphore, #tpu.memory_space<semaphore_mem>>) src(%dma_wait3A_212 : memref<125x128xf32, #tpu.memory_space<vmem>>) dst(%dma_wait3A_218 : memref<10000x128xf32, #tpu.memory_space<vmem_shared>>)
      %dma_start3A_219 = arith.constant 4 : i32
      %dma_start3A_220 = arith.constant 0 : i32
      %dma_start3A_221 = arith.constant 0 : i32
      %dma_start3A_222 = arith.constant 0 : i32
      %dma_start3A_223 = tpu.memref_slice %arg9[%dma_start3A_220, %dma_start3A_221, %dma_start3A_222] : memref<2x125x128xf32, #tpu.memory_space<vmem>> -> memref<1x125x128xf32, #tpu.memory_space<vmem>>
      %dma_start3A_224 = tpu.memref_squeeze %dma_start3A_223 : memref<1x125x128xf32, #tpu.memory_space<vmem>> -> memref<125x128xf32, #tpu.memory_space<vmem>>
      %dma_start3A_225 = arith.constant 0 : i32
      %dma_start3A_226 = tpu.memref_slice %arg7[%dma_start3A_219, %dma_start3A_225] : memref<16x125xi32, #tpu.memory_space<vmem>> -> memref<1x125xi32, #tpu.memory_space<vmem>>
      %dma_start3A_227 = tpu.memref_squeeze %dma_start3A_226 : memref<1x125xi32, #tpu.memory_space<vmem>> -> memref<125xi32, #tpu.memory_space<vmem>>
      %dma_start3A_228 = arith.constant 0 : i32
      %dma_start3A_229 = arith.constant 0 : i32
      %dma_start3A_230 = tpu.memref_slice %arg2[%dma_start3A_228, %dma_start3A_229] : memref<10000x128xf32, #tpu.memory_space<hbm>> -> memref<10000x128xf32, #tpu.memory_space<hbm>>
      tpu.enqueue_indirect_dma source(%dma_start3A_230 : memref<10000x128xf32, #tpu.memory_space<hbm>>) target(%dma_start3A_224 : memref<125x128xf32, #tpu.memory_space<vmem>>) offsets(%dma_start3A_227 : memref<125xi32, #tpu.memory_space<vmem>>) semaphore(%arg11 : memref<!tpu.dma_semaphore, #tpu.memory_space<semaphore_mem>>)
      %dma_wait3A_231 = arith.constant 3 : i32
      %dma_wait3A_232 = arith.constant 1 : i32
      %dma_wait3A_233 = arith.constant 0 : i32
      %dma_wait3A_234 = arith.constant 0 : i32
      %dma_wait3A_235 = tpu.memref_slice %arg9[%dma_wait3A_232, %dma_wait3A_233, %dma_wait3A_234] : memref<2x125x128xf32, #tpu.memory_space<vmem>> -> memref<1x125x128xf32, #tpu.memory_space<vmem>>
      %dma_wait3A_236 = tpu.memref_squeeze %dma_wait3A_235 : memref<1x125x128xf32, #tpu.memory_space<vmem>> -> memref<125x128xf32, #tpu.memory_space<vmem>>
      %dma_wait3A_237 = arith.constant 0 : i32
      %dma_wait3A_238 = tpu.memref_slice %arg7[%dma_wait3A_231, %dma_wait3A_237] : memref<16x125xi32, #tpu.memory_space<vmem>> -> memref<1x125xi32, #tpu.memory_space<vmem>>
      %dma_wait3A_239 = tpu.memref_squeeze %dma_wait3A_238 : memref<1x125xi32, #tpu.memory_space<vmem>> -> memref<125xi32, #tpu.memory_space<vmem>>
      %dma_wait3A_240 = arith.constant 0 : i32
      %dma_wait3A_241 = arith.constant 0 : i32
      %dma_wait3A_242 = tpu.memref_slice %arg2[%dma_wait3A_240, %dma_wait3A_241] : memref<10000x128xf32, #tpu.memory_space<hbm>> -> memref<10000x128xf32, #tpu.memory_space<hbm>>
      tpu.wait_indirect_dma semaphore(%arg12 : memref<!tpu.dma_semaphore, #tpu.memory_space<semaphore_mem>>) src(%dma_wait3A_242 : memref<10000x128xf32, #tpu.memory_space<hbm>>) dst(%dma_wait3A_236 : memref<125x128xf32, #tpu.memory_space<vmem>>)
      %dma_start3A_243 = arith.constant 1 : i32
      %dma_start3A_244 = arith.constant 3 : i32
      %dma_start3A_245 = arith.constant 0 : i32
      %dma_start3A_246 = arith.constant 0 : i32
      %dma_start3A_247 = tpu.memref_slice %arg9[%dma_start3A_243, %dma_start3A_245, %dma_start3A_246] : memref<2x125x128xf32, #tpu.memory_space<vmem>> -> memref<1x125x128xf32, #tpu.memory_space<vmem>>
      %dma_start3A_248 = tpu.memref_squeeze %dma_start3A_247 : memref<1x125x128xf32, #tpu.memory_space<vmem>> -> memref<125x128xf32, #tpu.memory_space<vmem>>
      %dma_start3A_249 = arith.constant 0 : i32
      %dma_start3A_250 = tpu.memref_slice %arg8[%dma_start3A_244, %dma_start3A_249] : memref<16x125xi32, #tpu.memory_space<vmem>> -> memref<1x125xi32, #tpu.memory_space<vmem>>
      %dma_start3A_251 = tpu.memref_squeeze %dma_start3A_250 : memref<1x125xi32, #tpu.memory_space<vmem>> -> memref<125xi32, #tpu.memory_space<vmem>>
      %dma_start3A_252 = arith.constant 0 : i32
      %dma_start3A_253 = arith.constant 0 : i32
      %dma_start3A_254 = tpu.memref_slice %arg10[%dma_start3A_252, %dma_start3A_253] : memref<10000x128xf32, #tpu.memory_space<vmem_shared>> -> memref<10000x128xf32, #tpu.memory_space<vmem_shared>>
      tpu.enqueue_indirect_dma source(%dma_start3A_248 : memref<125x128xf32, #tpu.memory_space<vmem>>) target(%dma_start3A_254 : memref<10000x128xf32, #tpu.memory_space<vmem_shared>>) offsets(%dma_start3A_251 : memref<125xi32, #tpu.memory_space<vmem>>) semaphore(%arg14 : memref<!tpu.dma_semaphore, #tpu.memory_space<semaphore_mem>>) {add = true}
      %dma_wait3A_255 = arith.constant 1 : i32
      %dma_wait3A_256 = arith.constant 3 : i32
      %dma_wait3A_257 = arith.constant 0 : i32
      %dma_wait3A_258 = arith.constant 0 : i32
      %dma_wait3A_259 = tpu.memref_slice %arg9[%dma_wait3A_255, %dma_wait3A_257, %dma_wait3A_258] : memref<2x125x128xf32, #tpu.memory_space<vmem>> -> memref<1x125x128xf32, #tpu.memory_space<vmem>>
      %dma_wait3A_260 = tpu.memref_squeeze %dma_wait3A_259 : memref<1x125x128xf32, #tpu.memory_space<vmem>> -> memref<125x128xf32, #tpu.memory_space<vmem>>
      %dma_wait3A_261 = arith.constant 0 : i32
      %dma_wait3A_262 = tpu.memref_slice %arg8[%dma_wait3A_256, %dma_wait3A_261] : memref<16x125xi32, #tpu.memory_space<vmem>> -> memref<1x125xi32, #tpu.memory_space<vmem>>
      %dma_wait3A_263 = tpu.memref_squeeze %dma_wait3A_262 : memref<1x125xi32, #tpu.memory_space<vmem>> -> memref<125xi32, #tpu.memory_space<vmem>>
      %dma_wait3A_264 = arith.constant 0 : i32
      %dma_wait3A_265 = arith.constant 0 : i32
      %dma_wait3A_266 = tpu.memref_slice %arg10[%dma_wait3A_264, %dma_wait3A_265] : memref<10000x128xf32, #tpu.memory_space<vmem_shared>> -> memref<10000x128xf32, #tpu.memory_space<vmem_shared>>
      tpu.wait_indirect_dma semaphore(%arg14 : memref<!tpu.dma_semaphore, #tpu.memory_space<semaphore_mem>>) src(%dma_wait3A_260 : memref<125x128xf32, #tpu.memory_space<vmem>>) dst(%dma_wait3A_266 : memref<10000x128xf32, #tpu.memory_space<vmem_shared>>)
      %dma_start3A_267 = arith.constant 5 : i32
      %dma_start3A_268 = arith.constant 1 : i32
      %dma_start3A_269 = arith.constant 0 : i32
      %dma_start3A_270 = arith.constant 0 : i32
      %dma_start3A_271 = tpu.memref_slice %arg9[%dma_start3A_268, %dma_start3A_269, %dma_start3A_270] : memref<2x125x128xf32, #tpu.memory_space<vmem>> -> memref<1x125x128xf32, #tpu.memory_space<vmem>>
      %dma_start3A_272 = tpu.memref_squeeze %dma_start3A_271 : memref<1x125x128xf32, #tpu.memory_space<vmem>> -> memref<125x128xf32, #tpu.memory_space<vmem>>
      %dma_start3A_273 = arith.constant 0 : i32
      %dma_start3A_274 = tpu.memref_slice %arg7[%dma_start3A_267, %dma_start3A_273] : memref<16x125xi32, #tpu.memory_space<vmem>> -> memref<1x125xi32, #tpu.memory_space<vmem>>
      %dma_start3A_275 = tpu.memref_squeeze %dma_start3A_274 : memref<1x125xi32, #tpu.memory_space<vmem>> -> memref<125xi32, #tpu.memory_space<vmem>>
      %dma_start3A_276 = arith.constant 0 : i32
      %dma_start3A_277 = arith.constant 0 : i32
      %dma_start3A_278 = tpu.memref_slice %arg2[%dma_start3A_276, %dma_start3A_277] : memref<10000x128xf32, #tpu.memory_space<hbm>> -> memref<10000x128xf32, #tpu.memory_space<hbm>>
      tpu.enqueue_indirect_dma source(%dma_start3A_278 : memref<10000x128xf32, #tpu.memory_space<hbm>>) target(%dma_start3A_272 : memref<125x128xf32, #tpu.memory_space<vmem>>) offsets(%dma_start3A_275 : memref<125xi32, #tpu.memory_space<vmem>>) semaphore(%arg12 : memref<!tpu.dma_semaphore, #tpu.memory_space<semaphore_mem>>)
      %dma_wait3A_279 = arith.constant 4 : i32
      %dma_wait3A_280 = arith.constant 0 : i32
      %dma_wait3A_281 = arith.constant 0 : i32
      %dma_wait3A_282 = arith.constant 0 : i32
      %dma_wait3A_283 = tpu.memref_slice %arg9[%dma_wait3A_280, %dma_wait3A_281, %dma_wait3A_282] : memref<2x125x128xf32, #tpu.memory_space<vmem>> -> memref<1x125x128xf32, #tpu.memory_space<vmem>>
      %dma_wait3A_284 = tpu.memref_squeeze %dma_wait3A_283 : memref<1x125x128xf32, #tpu.memory_space<vmem>> -> memref<125x128xf32, #tpu.memory_space<vmem>>
      %dma_wait3A_285 = arith.constant 0 : i32
      %dma_wait3A_286 = tpu.memref_slice %arg7[%dma_wait3A_279, %dma_wait3A_285] : memref<16x125xi32, #tpu.memory_space<vmem>> -> memref<1x125xi32, #tpu.memory_space<vmem>>
      %dma_wait3A_287 = tpu.memref_squeeze %dma_wait3A_286 : memref<1x125xi32, #tpu.memory_space<vmem>> -> memref<125xi32, #tpu.memory_space<vmem>>
      %dma_wait3A_288 = arith.constant 0 : i32
      %dma_wait3A_289 = arith.constant 0 : i32
      %dma_wait3A_290 = tpu.memref_slice %arg2[%dma_wait3A_288, %dma_wait3A_289] : memref<10000x128xf32, #tpu.memory_space<hbm>> -> memref<10000x128xf32, #tpu.memory_space<hbm>>
      tpu.wait_indirect_dma semaphore(%arg11 : memref<!tpu.dma_semaphore, #tpu.memory_space<semaphore_mem>>) src(%dma_wait3A_290 : memref<10000x128xf32, #tpu.memory_space<hbm>>) dst(%dma_wait3A_284 : memref<125x128xf32, #tpu.memory_space<vmem>>)
      %dma_start3A_291 = arith.constant 0 : i32
      %dma_start3A_292 = arith.constant 4 : i32
      %dma_start3A_293 = arith.constant 0 : i32
      %dma_start3A_294 = arith.constant 0 : i32
      %dma_start3A_295 = tpu.memref_slice %arg9[%dma_start3A_291, %dma_start3A_293, %dma_start3A_294] : memref<2x125x128xf32, #tpu.memory_space<vmem>> -> memref<1x125x128xf32, #tpu.memory_space<vmem>>
      %dma_start3A_296 = tpu.memref_squeeze %dma_start3A_295 : memref<1x125x128xf32, #tpu.memory_space<vmem>> -> memref<125x128xf32, #tpu.memory_space<vmem>>
      %dma_start3A_297 = arith.constant 0 : i32
      %dma_start3A_298 = tpu.memref_slice %arg8[%dma_start3A_292, %dma_start3A_297] : memref<16x125xi32, #tpu.memory_space<vmem>> -> memref<1x125xi32, #tpu.memory_space<vmem>>
      %dma_start3A_299 = tpu.memref_squeeze %dma_start3A_298 : memref<1x125xi32, #tpu.memory_space<vmem>> -> memref<125xi32, #tpu.memory_space<vmem>>
      %dma_start3A_300 = arith.constant 0 : i32
      %dma_start3A_301 = arith.constant 0 : i32
      %dma_start3A_302 = tpu.memref_slice %arg10[%dma_start3A_300, %dma_start3A_301] : memref<10000x128xf32, #tpu.memory_space<vmem_shared>> -> memref<10000x128xf32, #tpu.memory_space<vmem_shared>>
      tpu.enqueue_indirect_dma source(%dma_start3A_296 : memref<125x128xf32, #tpu.memory_space<vmem>>) target(%dma_start3A_302 : memref<10000x128xf32, #tpu.memory_space<vmem_shared>>) offsets(%dma_start3A_299 : memref<125xi32, #tpu.memory_space<vmem>>) semaphore(%arg13 : memref<!tpu.dma_semaphore, #tpu.memory_space<semaphore_mem>>) {add = true}
      %dma_wait3A_303 = arith.constant 0 : i32
      %dma_wait3A_304 = arith.constant 4 : i32
      %dma_wait3A_305 = arith.constant 0 : i32
      %dma_wait3A_306 = arith.constant 0 : i32
      %dma_wait3A_307 = tpu.memref_slice %arg9[%dma_wait3A_303, %dma_wait3A_305, %dma_wait3A_306] : memref<2x125x128xf32, #tpu.memory_space<vmem>> -> memref<1x125x128xf32, #tpu.memory_space<vmem>>
      %dma_wait3A_308 = tpu.memref_squeeze %dma_wait3A_307 : memref<1x125x128xf32, #tpu.memory_space<vmem>> -> memref<125x128xf32, #tpu.memory_space<vmem>>
      %dma_wait3A_309 = arith.constant 0 : i32
      %dma_wait3A_310 = tpu.memref_slice %arg8[%dma_wait3A_304, %dma_wait3A_309] : memref<16x125xi32, #tpu.memory_space<vmem>> -> memref<1x125xi32, #tpu.memory_space<vmem>>
      %dma_wait3A_311 = tpu.memref_squeeze %dma_wait3A_310 : memref<1x125xi32, #tpu.memory_space<vmem>> -> memref<125xi32, #tpu.memory_space<vmem>>
      %dma_wait3A_312 = arith.constant 0 : i32
      %dma_wait3A_313 = arith.constant 0 : i32
      %dma_wait3A_314 = tpu.memref_slice %arg10[%dma_wait3A_312, %dma_wait3A_313] : memref<10000x128xf32, #tpu.memory_space<vmem_shared>> -> memref<10000x128xf32, #tpu.memory_space<vmem_shared>>
      tpu.wait_indirect_dma semaphore(%arg13 : memref<!tpu.dma_semaphore, #tpu.memory_space<semaphore_mem>>) src(%dma_wait3A_308 : memref<125x128xf32, #tpu.memory_space<vmem>>) dst(%dma_wait3A_314 : memref<10000x128xf32, #tpu.memory_space<vmem_shared>>)
      %dma_start3A_315 = arith.constant 6 : i32
      %dma_start3A_316 = arith.constant 0 : i32
      %dma_start3A_317 = arith.constant 0 : i32
      %dma_start3A_318 = arith.constant 0 : i32
      %dma_start3A_319 = tpu.memref_slice %arg9[%dma_start3A_316, %dma_start3A_317, %dma_start3A_318] : memref<2x125x128xf32, #tpu.memory_space<vmem>> -> memref<1x125x128xf32, #tpu.memory_space<vmem>>
      %dma_start3A_320 = tpu.memref_squeeze %dma_start3A_319 : memref<1x125x128xf32, #tpu.memory_space<vmem>> -> memref<125x128xf32, #tpu.memory_space<vmem>>
      %dma_start3A_321 = arith.constant 0 : i32
      %dma_start3A_322 = tpu.memref_slice %arg7[%dma_start3A_315, %dma_start3A_321] : memref<16x125xi32, #tpu.memory_space<vmem>> -> memref<1x125xi32, #tpu.memory_space<vmem>>
      %dma_start3A_323 = tpu.memref_squeeze %dma_start3A_322 : memref<1x125xi32, #tpu.memory_space<vmem>> -> memref<125xi32, #tpu.memory_space<vmem>>
      %dma_start3A_324 = arith.constant 0 : i32
      %dma_start3A_325 = arith.constant 0 : i32
      %dma_start3A_326 = tpu.memref_slice %arg2[%dma_start3A_324, %dma_start3A_325] : memref<10000x128xf32, #tpu.memory_space<hbm>> -> memref<10000x128xf32, #tpu.memory_space<hbm>>
      tpu.enqueue_indirect_dma source(%dma_start3A_326 : memref<10000x128xf32, #tpu.memory_space<hbm>>) target(%dma_start3A_320 : memref<125x128xf32, #tpu.memory_space<vmem>>) offsets(%dma_start3A_323 : memref<125xi32, #tpu.memory_space<vmem>>) semaphore(%arg11 : memref<!tpu.dma_semaphore, #tpu.memory_space<semaphore_mem>>)
      %dma_wait3A_327 = arith.constant 5 : i32
      %dma_wait3A_328 = arith.constant 1 : i32
      %dma_wait3A_329 = arith.constant 0 : i32
      %dma_wait3A_330 = arith.constant 0 : i32
      %dma_wait3A_331 = tpu.memref_slice %arg9[%dma_wait3A_328, %dma_wait3A_329, %dma_wait3A_330] : memref<2x125x128xf32, #tpu.memory_space<vmem>> -> memref<1x125x128xf32, #tpu.memory_space<vmem>>
      %dma_wait3A_332 = tpu.memref_squeeze %dma_wait3A_331 : memref<1x125x128xf32, #tpu.memory_space<vmem>> -> memref<125x128xf32, #tpu.memory_space<vmem>>
      %dma_wait3A_333 = arith.constant 0 : i32
      %dma_wait3A_334 = tpu.memref_slice %arg7[%dma_wait3A_327, %dma_wait3A_333] : memref<16x125xi32, #tpu.memory_space<vmem>> -> memref<1x125xi32, #tpu.memory_space<vmem>>
      %dma_wait3A_335 = tpu.memref_squeeze %dma_wait3A_334 : memref<1x125xi32, #tpu.memory_space<vmem>> -> memref<125xi32, #tpu.memory_space<vmem>>
      %dma_wait3A_336 = arith.constant 0 : i32
      %dma_wait3A_337 = arith.constant 0 : i32
      %dma_wait3A_338 = tpu.memref_slice %arg2[%dma_wait3A_336, %dma_wait3A_337] : memref<10000x128xf32, #tpu.memory_space<hbm>> -> memref<10000x128xf32, #tpu.memory_space<hbm>>
      tpu.wait_indirect_dma semaphore(%arg12 : memref<!tpu.dma_semaphore, #tpu.memory_space<semaphore_mem>>) src(%dma_wait3A_338 : memref<10000x128xf32, #tpu.memory_space<hbm>>) dst(%dma_wait3A_332 : memref<125x128xf32, #tpu.memory_space<vmem>>)
      %dma_start3A_339 = arith.constant 1 : i32
      %dma_start3A_340 = arith.constant 5 : i32
      %dma_start3A_341 = arith.constant 0 : i32
      %dma_start3A_342 = arith.constant 0 : i32
      %dma_start3A_343 = tpu.memref_slice %arg9[%dma_start3A_339, %dma_start3A_341, %dma_start3A_342] : memref<2x125x128xf32, #tpu.memory_space<vmem>> -> memref<1x125x128xf32, #tpu.memory_space<vmem>>
      %dma_start3A_344 = tpu.memref_squeeze %dma_start3A_343 : memref<1x125x128xf32, #tpu.memory_space<vmem>> -> memref<125x128xf32, #tpu.memory_space<vmem>>
      %dma_start3A_345 = arith.constant 0 : i32
      %dma_start3A_346 = tpu.memref_slice %arg8[%dma_start3A_340, %dma_start3A_345] : memref<16x125xi32, #tpu.memory_space<vmem>> -> memref<1x125xi32, #tpu.memory_space<vmem>>
      %dma_start3A_347 = tpu.memref_squeeze %dma_start3A_346 : memref<1x125xi32, #tpu.memory_space<vmem>> -> memref<125xi32, #tpu.memory_space<vmem>>
      %dma_start3A_348 = arith.constant 0 : i32
      %dma_start3A_349 = arith.constant 0 : i32
      %dma_start3A_350 = tpu.memref_slice %arg10[%dma_start3A_348, %dma_start3A_349] : memref<10000x128xf32, #tpu.memory_space<vmem_shared>> -> memref<10000x128xf32, #tpu.memory_space<vmem_shared>>
      tpu.enqueue_indirect_dma source(%dma_start3A_344 : memref<125x128xf32, #tpu.memory_space<vmem>>) target(%dma_start3A_350 : memref<10000x128xf32, #tpu.memory_space<vmem_shared>>) offsets(%dma_start3A_347 : memref<125xi32, #tpu.memory_space<vmem>>) semaphore(%arg14 : memref<!tpu.dma_semaphore, #tpu.memory_space<semaphore_mem>>) {add = true}
      %dma_wait3A_351 = arith.constant 1 : i32
      %dma_wait3A_352 = arith.constant 5 : i32
      %dma_wait3A_353 = arith.constant 0 : i32
      %dma_wait3A_354 = arith.constant 0 : i32
      %dma_wait3A_355 = tpu.memref_slice %arg9[%dma_wait3A_351, %dma_wait3A_353, %dma_wait3A_354] : memref<2x125x128xf32, #tpu.memory_space<vmem>> -> memref<1x125x128xf32, #tpu.memory_space<vmem>>
      %dma_wait3A_356 = tpu.memref_squeeze %dma_wait3A_355 : memref<1x125x128xf32, #tpu.memory_space<vmem>> -> memref<125x128xf32, #tpu.memory_space<vmem>>
      %dma_wait3A_357 = arith.constant 0 : i32
      %dma_wait3A_358 = tpu.memref_slice %arg8[%dma_wait3A_352, %dma_wait3A_357] : memref<16x125xi32, #tpu.memory_space<vmem>> -> memref<1x125xi32, #tpu.memory_space<vmem>>
      %dma_wait3A_359 = tpu.memref_squeeze %dma_wait3A_358 : memref<1x125xi32, #tpu.memory_space<vmem>> -> memref<125xi32, #tpu.memory_space<vmem>>
      %dma_wait3A_360 = arith.constant 0 : i32
      %dma_wait3A_361 = arith.constant 0 : i32
      %dma_wait3A_362 = tpu.memref_slice %arg10[%dma_wait3A_360, %dma_wait3A_361] : memref<10000x128xf32, #tpu.memory_space<vmem_shared>> -> memref<10000x128xf32, #tpu.memory_space<vmem_shared>>
      tpu.wait_indirect_dma semaphore(%arg14 : memref<!tpu.dma_semaphore, #tpu.memory_space<semaphore_mem>>) src(%dma_wait3A_356 : memref<125x128xf32, #tpu.memory_space<vmem>>) dst(%dma_wait3A_362 : memref<10000x128xf32, #tpu.memory_space<vmem_shared>>)
      %dma_start3A_363 = arith.constant 7 : i32
      %dma_start3A_364 = arith.constant 1 : i32
      %dma_start3A_365 = arith.constant 0 : i32
      %dma_start3A_366 = arith.constant 0 : i32
      %dma_start3A_367 = tpu.memref_slice %arg9[%dma_start3A_364, %dma_start3A_365, %dma_start3A_366] : memref<2x125x128xf32, #tpu.memory_space<vmem>> -> memref<1x125x128xf32, #tpu.memory_space<vmem>>
      %dma_start3A_368 = tpu.memref_squeeze %dma_start3A_367 : memref<1x125x128xf32, #tpu.memory_space<vmem>> -> memref<125x128xf32, #tpu.memory_space<vmem>>
      %dma_start3A_369 = arith.constant 0 : i32
      %dma_start3A_370 = tpu.memref_slice %arg7[%dma_start3A_363, %dma_start3A_369] : memref<16x125xi32, #tpu.memory_space<vmem>> -> memref<1x125xi32, #tpu.memory_space<vmem>>
      %dma_start3A_371 = tpu.memref_squeeze %dma_start3A_370 : memref<1x125xi32, #tpu.memory_space<vmem>> -> memref<125xi32, #tpu.memory_space<vmem>>
      %dma_start3A_372 = arith.constant 0 : i32
      %dma_start3A_373 = arith.constant 0 : i32
      %dma_start3A_374 = tpu.memref_slice %arg2[%dma_start3A_372, %dma_start3A_373] : memref<10000x128xf32, #tpu.memory_space<hbm>> -> memref<10000x128xf32, #tpu.memory_space<hbm>>
      tpu.enqueue_indirect_dma source(%dma_start3A_374 : memref<10000x128xf32, #tpu.memory_space<hbm>>) target(%dma_start3A_368 : memref<125x128xf32, #tpu.memory_space<vmem>>) offsets(%dma_start3A_371 : memref<125xi32, #tpu.memory_space<vmem>>) semaphore(%arg12 : memref<!tpu.dma_semaphore, #tpu.memory_space<semaphore_mem>>)
      %dma_wait3A_375 = arith.constant 6 : i32
      %dma_wait3A_376 = arith.constant 0 : i32
      %dma_wait3A_377 = arith.constant 0 : i32
      %dma_wait3A_378 = arith.constant 0 : i32
      %dma_wait3A_379 = tpu.memref_slice %arg9[%dma_wait3A_376, %dma_wait3A_377, %dma_wait3A_378] : memref<2x125x128xf32, #tpu.memory_space<vmem>> -> memref<1x125x128xf32, #tpu.memory_space<vmem>>
      %dma_wait3A_380 = tpu.memref_squeeze %dma_wait3A_379 : memref<1x125x128xf32, #tpu.memory_space<vmem>> -> memref<125x128xf32, #tpu.memory_space<vmem>>
      %dma_wait3A_381 = arith.constant 0 : i32
      %dma_wait3A_382 = tpu.memref_slice %arg7[%dma_wait3A_375, %dma_wait3A_381] : memref<16x125xi32, #tpu.memory_space<vmem>> -> memref<1x125xi32, #tpu.memory_space<vmem>>
      %dma_wait3A_383 = tpu.memref_squeeze %dma_wait3A_382 : memref<1x125xi32, #tpu.memory_space<vmem>> -> memref<125xi32, #tpu.memory_space<vmem>>
      %dma_wait3A_384 = arith.constant 0 : i32
      %dma_wait3A_385 = arith.constant 0 : i32
      %dma_wait3A_386 = tpu.memref_slice %arg2[%dma_wait3A_384, %dma_wait3A_385] : memref<10000x128xf32, #tpu.memory_space<hbm>> -> memref<10000x128xf32, #tpu.memory_space<hbm>>
      tpu.wait_indirect_dma semaphore(%arg11 : memref<!tpu.dma_semaphore, #tpu.memory_space<semaphore_mem>>) src(%dma_wait3A_386 : memref<10000x128xf32, #tpu.memory_space<hbm>>) dst(%dma_wait3A_380 : memref<125x128xf32, #tpu.memory_space<vmem>>)
      %dma_start3A_387 = arith.constant 0 : i32
      %dma_start3A_388 = arith.constant 6 : i32
      %dma_start3A_389 = arith.constant 0 : i32
      %dma_start3A_390 = arith.constant 0 : i32
      %dma_start3A_391 = tpu.memref_slice %arg9[%dma_start3A_387, %dma_start3A_389, %dma_start3A_390] : memref<2x125x128xf32, #tpu.memory_space<vmem>> -> memref<1x125x128xf32, #tpu.memory_space<vmem>>
      %dma_start3A_392 = tpu.memref_squeeze %dma_start3A_391 : memref<1x125x128xf32, #tpu.memory_space<vmem>> -> memref<125x128xf32, #tpu.memory_space<vmem>>
      %dma_start3A_393 = arith.constant 0 : i32
      %dma_start3A_394 = tpu.memref_slice %arg8[%dma_start3A_388, %dma_start3A_393] : memref<16x125xi32, #tpu.memory_space<vmem>> -> memref<1x125xi32, #tpu.memory_space<vmem>>
      %dma_start3A_395 = tpu.memref_squeeze %dma_start3A_394 : memref<1x125xi32, #tpu.memory_space<vmem>> -> memref<125xi32, #tpu.memory_space<vmem>>
      %dma_start3A_396 = arith.constant 0 : i32
      %dma_start3A_397 = arith.constant 0 : i32
      %dma_start3A_398 = tpu.memref_slice %arg10[%dma_start3A_396, %dma_start3A_397] : memref<10000x128xf32, #tpu.memory_space<vmem_shared>> -> memref<10000x128xf32, #tpu.memory_space<vmem_shared>>
      tpu.enqueue_indirect_dma source(%dma_start3A_392 : memref<125x128xf32, #tpu.memory_space<vmem>>) target(%dma_start3A_398 : memref<10000x128xf32, #tpu.memory_space<vmem_shared>>) offsets(%dma_start3A_395 : memref<125xi32, #tpu.memory_space<vmem>>) semaphore(%arg13 : memref<!tpu.dma_semaphore, #tpu.memory_space<semaphore_mem>>) {add = true}
      %dma_wait3A_399 = arith.constant 0 : i32
      %dma_wait3A_400 = arith.constant 6 : i32
      %dma_wait3A_401 = arith.constant 0 : i32
      %dma_wait3A_402 = arith.constant 0 : i32
      %dma_wait3A_403 = tpu.memref_slice %arg9[%dma_wait3A_399, %dma_wait3A_401, %dma_wait3A_402] : memref<2x125x128xf32, #tpu.memory_space<vmem>> -> memref<1x125x128xf32, #tpu.memory_space<vmem>>
      %dma_wait3A_404 = tpu.memref_squeeze %dma_wait3A_403 : memref<1x125x128xf32, #tpu.memory_space<vmem>> -> memref<125x128xf32, #tpu.memory_space<vmem>>
      %dma_wait3A_405 = arith.constant 0 : i32
      %dma_wait3A_406 = tpu.memref_slice %arg8[%dma_wait3A_400, %dma_wait3A_405] : memref<16x125xi32, #tpu.memory_space<vmem>> -> memref<1x125xi32, #tpu.memory_space<vmem>>
      %dma_wait3A_407 = tpu.memref_squeeze %dma_wait3A_406 : memref<1x125xi32, #tpu.memory_space<vmem>> -> memref<125xi32, #tpu.memory_space<vmem>>
      %dma_wait3A_408 = arith.constant 0 : i32
      %dma_wait3A_409 = arith.constant 0 : i32
      %dma_wait3A_410 = tpu.memref_slice %arg10[%dma_wait3A_408, %dma_wait3A_409] : memref<10000x128xf32, #tpu.memory_space<vmem_shared>> -> memref<10000x128xf32, #tpu.memory_space<vmem_shared>>
      tpu.wait_indirect_dma semaphore(%arg13 : memref<!tpu.dma_semaphore, #tpu.memory_space<semaphore_mem>>) src(%dma_wait3A_404 : memref<125x128xf32, #tpu.memory_space<vmem>>) dst(%dma_wait3A_410 : memref<10000x128xf32, #tpu.memory_space<vmem_shared>>)
      %dma_start3A_411 = arith.constant 8 : i32
      %dma_start3A_412 = arith.constant 0 : i32
      %dma_start3A_413 = arith.constant 0 : i32
      %dma_start3A_414 = arith.constant 0 : i32
      %dma_start3A_415 = tpu.memref_slice %arg9[%dma_start3A_412, %dma_start3A_413, %dma_start3A_414] : memref<2x125x128xf32, #tpu.memory_space<vmem>> -> memref<1x125x128xf32, #tpu.memory_space<vmem>>
      %dma_start3A_416 = tpu.memref_squeeze %dma_start3A_415 : memref<1x125x128xf32, #tpu.memory_space<vmem>> -> memref<125x128xf32, #tpu.memory_space<vmem>>
      %dma_start3A_417 = arith.constant 0 : i32
      %dma_start3A_418 = tpu.memref_slice %arg7[%dma_start3A_411, %dma_start3A_417] : memref<16x125xi32, #tpu.memory_space<vmem>> -> memref<1x125xi32, #tpu.memory_space<vmem>>
      %dma_start3A_419 = tpu.memref_squeeze %dma_start3A_418 : memref<1x125xi32, #tpu.memory_space<vmem>> -> memref<125xi32, #tpu.memory_space<vmem>>
      %dma_start3A_420 = arith.constant 0 : i32
      %dma_start3A_421 = arith.constant 0 : i32
      %dma_start3A_422 = tpu.memref_slice %arg2[%dma_start3A_420, %dma_start3A_421] : memref<10000x128xf32, #tpu.memory_space<hbm>> -> memref<10000x128xf32, #tpu.memory_space<hbm>>
      tpu.enqueue_indirect_dma source(%dma_start3A_422 : memref<10000x128xf32, #tpu.memory_space<hbm>>) target(%dma_start3A_416 : memref<125x128xf32, #tpu.memory_space<vmem>>) offsets(%dma_start3A_419 : memref<125xi32, #tpu.memory_space<vmem>>) semaphore(%arg11 : memref<!tpu.dma_semaphore, #tpu.memory_space<semaphore_mem>>)
      %dma_wait3A_423 = arith.constant 7 : i32
      %dma_wait3A_424 = arith.constant 1 : i32
      %dma_wait3A_425 = arith.constant 0 : i32
      %dma_wait3A_426 = arith.constant 0 : i32
      %dma_wait3A_427 = tpu.memref_slice %arg9[%dma_wait3A_424, %dma_wait3A_425, %dma_wait3A_426] : memref<2x125x128xf32, #tpu.memory_space<vmem>> -> memref<1x125x128xf32, #tpu.memory_space<vmem>>
      %dma_wait3A_428 = tpu.memref_squeeze %dma_wait3A_427 : memref<1x125x128xf32, #tpu.memory_space<vmem>> -> memref<125x128xf32, #tpu.memory_space<vmem>>
      %dma_wait3A_429 = arith.constant 0 : i32
      %dma_wait3A_430 = tpu.memref_slice %arg7[%dma_wait3A_423, %dma_wait3A_429] : memref<16x125xi32, #tpu.memory_space<vmem>> -> memref<1x125xi32, #tpu.memory_space<vmem>>
      %dma_wait3A_431 = tpu.memref_squeeze %dma_wait3A_430 : memref<1x125xi32, #tpu.memory_space<vmem>> -> memref<125xi32, #tpu.memory_space<vmem>>
      %dma_wait3A_432 = arith.constant 0 : i32
      %dma_wait3A_433 = arith.constant 0 : i32
      %dma_wait3A_434 = tpu.memref_slice %arg2[%dma_wait3A_432, %dma_wait3A_433] : memref<10000x128xf32, #tpu.memory_space<hbm>> -> memref<10000x128xf32, #tpu.memory_space<hbm>>
      tpu.wait_indirect_dma semaphore(%arg12 : memref<!tpu.dma_semaphore, #tpu.memory_space<semaphore_mem>>) src(%dma_wait3A_434 : memref<10000x128xf32, #tpu.memory_space<hbm>>) dst(%dma_wait3A_428 : memref<125x128xf32, #tpu.memory_space<vmem>>)
      %dma_start3A_435 = arith.constant 1 : i32
      %dma_start3A_436 = arith.constant 7 : i32
      %dma_start3A_437 = arith.constant 0 : i32
      %dma_start3A_438 = arith.constant 0 : i32
      %dma_start3A_439 = tpu.memref_slice %arg9[%dma_start3A_435, %dma_start3A_437, %dma_start3A_438] : memref<2x125x128xf32, #tpu.memory_space<vmem>> -> memref<1x125x128xf32, #tpu.memory_space<vmem>>
      %dma_start3A_440 = tpu.memref_squeeze %dma_start3A_439 : memref<1x125x128xf32, #tpu.memory_space<vmem>> -> memref<125x128xf32, #tpu.memory_space<vmem>>
      %dma_start3A_441 = arith.constant 0 : i32
      %dma_start3A_442 = tpu.memref_slice %arg8[%dma_start3A_436, %dma_start3A_441] : memref<16x125xi32, #tpu.memory_space<vmem>> -> memref<1x125xi32, #tpu.memory_space<vmem>>
      %dma_start3A_443 = tpu.memref_squeeze %dma_start3A_442 : memref<1x125xi32, #tpu.memory_space<vmem>> -> memref<125xi32, #tpu.memory_space<vmem>>
      %dma_start3A_444 = arith.constant 0 : i32
      %dma_start3A_445 = arith.constant 0 : i32
      %dma_start3A_446 = tpu.memref_slice %arg10[%dma_start3A_444, %dma_start3A_445] : memref<10000x128xf32, #tpu.memory_space<vmem_shared>> -> memref<10000x128xf32, #tpu.memory_space<vmem_shared>>
      tpu.enqueue_indirect_dma source(%dma_start3A_440 : memref<125x128xf32, #tpu.memory_space<vmem>>) target(%dma_start3A_446 : memref<10000x128xf32, #tpu.memory_space<vmem_shared>>) offsets(%dma_start3A_443 : memref<125xi32, #tpu.memory_space<vmem>>) semaphore(%arg14 : memref<!tpu.dma_semaphore, #tpu.memory_space<semaphore_mem>>) {add = true}
      %dma_wait3A_447 = arith.constant 1 : i32
      %dma_wait3A_448 = arith.constant 7 : i32
      %dma_wait3A_449 = arith.constant 0 : i32
      %dma_wait3A_450 = arith.constant 0 : i32
      %dma_wait3A_451 = tpu.memref_slice %arg9[%dma_wait3A_447, %dma_wait3A_449, %dma_wait3A_450] : memref<2x125x128xf32, #tpu.memory_space<vmem>> -> memref<1x125x128xf32, #tpu.memory_space<vmem>>
      %dma_wait3A_452 = tpu.memref_squeeze %dma_wait3A_451 : memref<1x125x128xf32, #tpu.memory_space<vmem>> -> memref<125x128xf32, #tpu.memory_space<vmem>>
      %dma_wait3A_453 = arith.constant 0 : i32
      %dma_wait3A_454 = tpu.memref_slice %arg8[%dma_wait3A_448, %dma_wait3A_453] : memref<16x125xi32, #tpu.memory_space<vmem>> -> memref<1x125xi32, #tpu.memory_space<vmem>>
      %dma_wait3A_455 = tpu.memref_squeeze %dma_wait3A_454 : memref<1x125xi32, #tpu.memory_space<vmem>> -> memref<125xi32, #tpu.memory_space<vmem>>
      %dma_wait3A_456 = arith.constant 0 : i32
      %dma_wait3A_457 = arith.constant 0 : i32
      %dma_wait3A_458 = tpu.memref_slice %arg10[%dma_wait3A_456, %dma_wait3A_457] : memref<10000x128xf32, #tpu.memory_space<vmem_shared>> -> memref<10000x128xf32, #tpu.memory_space<vmem_shared>>
      tpu.wait_indirect_dma semaphore(%arg14 : memref<!tpu.dma_semaphore, #tpu.memory_space<semaphore_mem>>) src(%dma_wait3A_452 : memref<125x128xf32, #tpu.memory_space<vmem>>) dst(%dma_wait3A_458 : memref<10000x128xf32, #tpu.memory_space<vmem_shared>>)
      %dma_start3A_459 = arith.constant 9 : i32
      %dma_start3A_460 = arith.constant 1 : i32
      %dma_start3A_461 = arith.constant 0 : i32
      %dma_start3A_462 = arith.constant 0 : i32
      %dma_start3A_463 = tpu.memref_slice %arg9[%dma_start3A_460, %dma_start3A_461, %dma_start3A_462] : memref<2x125x128xf32, #tpu.memory_space<vmem>> -> memref<1x125x128xf32, #tpu.memory_space<vmem>>
      %dma_start3A_464 = tpu.memref_squeeze %dma_start3A_463 : memref<1x125x128xf32, #tpu.memory_space<vmem>> -> memref<125x128xf32, #tpu.memory_space<vmem>>
      %dma_start3A_465 = arith.constant 0 : i32
      %dma_start3A_466 = tpu.memref_slice %arg7[%dma_start3A_459, %dma_start3A_465] : memref<16x125xi32, #tpu.memory_space<vmem>> -> memref<1x125xi32, #tpu.memory_space<vmem>>
      %dma_start3A_467 = tpu.memref_squeeze %dma_start3A_466 : memref<1x125xi32, #tpu.memory_space<vmem>> -> memref<125xi32, #tpu.memory_space<vmem>>
      %dma_start3A_468 = arith.constant 0 : i32
      %dma_start3A_469 = arith.constant 0 : i32
      %dma_start3A_470 = tpu.memref_slice %arg2[%dma_start3A_468, %dma_start3A_469] : memref<10000x128xf32, #tpu.memory_space<hbm>> -> memref<10000x128xf32, #tpu.memory_space<hbm>>
      tpu.enqueue_indirect_dma source(%dma_start3A_470 : memref<10000x128xf32, #tpu.memory_space<hbm>>) target(%dma_start3A_464 : memref<125x128xf32, #tpu.memory_space<vmem>>) offsets(%dma_start3A_467 : memref<125xi32, #tpu.memory_space<vmem>>) semaphore(%arg12 : memref<!tpu.dma_semaphore, #tpu.memory_space<semaphore_mem>>)
      %dma_wait3A_471 = arith.constant 8 : i32
      %dma_wait3A_472 = arith.constant 0 : i32
      %dma_wait3A_473 = arith.constant 0 : i32
      %dma_wait3A_474 = arith.constant 0 : i32
      %dma_wait3A_475 = tpu.memref_slice %arg9[%dma_wait3A_472, %dma_wait3A_473, %dma_wait3A_474] : memref<2x125x128xf32, #tpu.memory_space<vmem>> -> memref<1x125x128xf32, #tpu.memory_space<vmem>>
      %dma_wait3A_476 = tpu.memref_squeeze %dma_wait3A_475 : memref<1x125x128xf32, #tpu.memory_space<vmem>> -> memref<125x128xf32, #tpu.memory_space<vmem>>
      %dma_wait3A_477 = arith.constant 0 : i32
      %dma_wait3A_478 = tpu.memref_slice %arg7[%dma_wait3A_471, %dma_wait3A_477] : memref<16x125xi32, #tpu.memory_space<vmem>> -> memref<1x125xi32, #tpu.memory_space<vmem>>
      %dma_wait3A_479 = tpu.memref_squeeze %dma_wait3A_478 : memref<1x125xi32, #tpu.memory_space<vmem>> -> memref<125xi32, #tpu.memory_space<vmem>>
      %dma_wait3A_480 = arith.constant 0 : i32
      %dma_wait3A_481 = arith.constant 0 : i32
      %dma_wait3A_482 = tpu.memref_slice %arg2[%dma_wait3A_480, %dma_wait3A_481] : memref<10000x128xf32, #tpu.memory_space<hbm>> -> memref<10000x128xf32, #tpu.memory_space<hbm>>
      tpu.wait_indirect_dma semaphore(%arg11 : memref<!tpu.dma_semaphore, #tpu.memory_space<semaphore_mem>>) src(%dma_wait3A_482 : memref<10000x128xf32, #tpu.memory_space<hbm>>) dst(%dma_wait3A_476 : memref<125x128xf32, #tpu.memory_space<vmem>>)
      %dma_start3A_483 = arith.constant 0 : i32
      %dma_start3A_484 = arith.constant 8 : i32
      %dma_start3A_485 = arith.constant 0 : i32
      %dma_start3A_486 = arith.constant 0 : i32
      %dma_start3A_487 = tpu.memref_slice %arg9[%dma_start3A_483, %dma_start3A_485, %dma_start3A_486] : memref<2x125x128xf32, #tpu.memory_space<vmem>> -> memref<1x125x128xf32, #tpu.memory_space<vmem>>
      %dma_start3A_488 = tpu.memref_squeeze %dma_start3A_487 : memref<1x125x128xf32, #tpu.memory_space<vmem>> -> memref<125x128xf32, #tpu.memory_space<vmem>>
      %dma_start3A_489 = arith.constant 0 : i32
      %dma_start3A_490 = tpu.memref_slice %arg8[%dma_start3A_484, %dma_start3A_489] : memref<16x125xi32, #tpu.memory_space<vmem>> -> memref<1x125xi32, #tpu.memory_space<vmem>>
      %dma_start3A_491 = tpu.memref_squeeze %dma_start3A_490 : memref<1x125xi32, #tpu.memory_space<vmem>> -> memref<125xi32, #tpu.memory_space<vmem>>
      %dma_start3A_492 = arith.constant 0 : i32
      %dma_start3A_493 = arith.constant 0 : i32
      %dma_start3A_494 = tpu.memref_slice %arg10[%dma_start3A_492, %dma_start3A_493] : memref<10000x128xf32, #tpu.memory_space<vmem_shared>> -> memref<10000x128xf32, #tpu.memory_space<vmem_shared>>
      tpu.enqueue_indirect_dma source(%dma_start3A_488 : memref<125x128xf32, #tpu.memory_space<vmem>>) target(%dma_start3A_494 : memref<10000x128xf32, #tpu.memory_space<vmem_shared>>) offsets(%dma_start3A_491 : memref<125xi32, #tpu.memory_space<vmem>>) semaphore(%arg13 : memref<!tpu.dma_semaphore, #tpu.memory_space<semaphore_mem>>) {add = true}
      %dma_wait3A_495 = arith.constant 0 : i32
      %dma_wait3A_496 = arith.constant 8 : i32
      %dma_wait3A_497 = arith.constant 0 : i32
      %dma_wait3A_498 = arith.constant 0 : i32
      %dma_wait3A_499 = tpu.memref_slice %arg9[%dma_wait3A_495, %dma_wait3A_497, %dma_wait3A_498] : memref<2x125x128xf32, #tpu.memory_space<vmem>> -> memref<1x125x128xf32, #tpu.memory_space<vmem>>
      %dma_wait3A_500 = tpu.memref_squeeze %dma_wait3A_499 : memref<1x125x128xf32, #tpu.memory_space<vmem>> -> memref<125x128xf32, #tpu.memory_space<vmem>>
      %dma_wait3A_501 = arith.constant 0 : i32
      %dma_wait3A_502 = tpu.memref_slice %arg8[%dma_wait3A_496, %dma_wait3A_501] : memref<16x125xi32, #tpu.memory_space<vmem>> -> memref<1x125xi32, #tpu.memory_space<vmem>>
      %dma_wait3A_503 = tpu.memref_squeeze %dma_wait3A_502 : memref<1x125xi32, #tpu.memory_space<vmem>> -> memref<125xi32, #tpu.memory_space<vmem>>
      %dma_wait3A_504 = arith.constant 0 : i32
      %dma_wait3A_505 = arith.constant 0 : i32
      %dma_wait3A_506 = tpu.memref_slice %arg10[%dma_wait3A_504, %dma_wait3A_505] : memref<10000x128xf32, #tpu.memory_space<vmem_shared>> -> memref<10000x128xf32, #tpu.memory_space<vmem_shared>>
      tpu.wait_indirect_dma semaphore(%arg13 : memref<!tpu.dma_semaphore, #tpu.memory_space<semaphore_mem>>) src(%dma_wait3A_500 : memref<125x128xf32, #tpu.memory_space<vmem>>) dst(%dma_wait3A_506 : memref<10000x128xf32, #tpu.memory_space<vmem_shared>>)
      %dma_start3A_507 = arith.constant 10 : i32
      %dma_start3A_508 = arith.constant 0 : i32
      %dma_start3A_509 = arith.constant 0 : i32
      %dma_start3A_510 = arith.constant 0 : i32
      %dma_start3A_511 = tpu.memref_slice %arg9[%dma_start3A_508, %dma_start3A_509, %dma_start3A_510] : memref<2x125x128xf32, #tpu.memory_space<vmem>> -> memref<1x125x128xf32, #tpu.memory_space<vmem>>
      %dma_start3A_512 = tpu.memref_squeeze %dma_start3A_511 : memref<1x125x128xf32, #tpu.memory_space<vmem>> -> memref<125x128xf32, #tpu.memory_space<vmem>>
      %dma_start3A_513 = arith.constant 0 : i32
      %dma_start3A_514 = tpu.memref_slice %arg7[%dma_start3A_507, %dma_start3A_513] : memref<16x125xi32, #tpu.memory_space<vmem>> -> memref<1x125xi32, #tpu.memory_space<vmem>>
      %dma_start3A_515 = tpu.memref_squeeze %dma_start3A_514 : memref<1x125xi32, #tpu.memory_space<vmem>> -> memref<125xi32, #tpu.memory_space<vmem>>
      %dma_start3A_516 = arith.constant 0 : i32
      %dma_start3A_517 = arith.constant 0 : i32
      %dma_start3A_518 = tpu.memref_slice %arg2[%dma_start3A_516, %dma_start3A_517] : memref<10000x128xf32, #tpu.memory_space<hbm>> -> memref<10000x128xf32, #tpu.memory_space<hbm>>
      tpu.enqueue_indirect_dma source(%dma_start3A_518 : memref<10000x128xf32, #tpu.memory_space<hbm>>) target(%dma_start3A_512 : memref<125x128xf32, #tpu.memory_space<vmem>>) offsets(%dma_start3A_515 : memref<125xi32, #tpu.memory_space<vmem>>) semaphore(%arg11 : memref<!tpu.dma_semaphore, #tpu.memory_space<semaphore_mem>>)
      %dma_wait3A_519 = arith.constant 9 : i32
      %dma_wait3A_520 = arith.constant 1 : i32
      %dma_wait3A_521 = arith.constant 0 : i32
      %dma_wait3A_522 = arith.constant 0 : i32
      %dma_wait3A_523 = tpu.memref_slice %arg9[%dma_wait3A_520, %dma_wait3A_521, %dma_wait3A_522] : memref<2x125x128xf32, #tpu.memory_space<vmem>> -> memref<1x125x128xf32, #tpu.memory_space<vmem>>
      %dma_wait3A_524 = tpu.memref_squeeze %dma_wait3A_523 : memref<1x125x128xf32, #tpu.memory_space<vmem>> -> memref<125x128xf32, #tpu.memory_space<vmem>>
      %dma_wait3A_525 = arith.constant 0 : i32
      %dma_wait3A_526 = tpu.memref_slice %arg7[%dma_wait3A_519, %dma_wait3A_525] : memref<16x125xi32, #tpu.memory_space<vmem>> -> memref<1x125xi32, #tpu.memory_space<vmem>>
      %dma_wait3A_527 = tpu.memref_squeeze %dma_wait3A_526 : memref<1x125xi32, #tpu.memory_space<vmem>> -> memref<125xi32, #tpu.memory_space<vmem>>
      %dma_wait3A_528 = arith.constant 0 : i32
      %dma_wait3A_529 = arith.constant 0 : i32
      %dma_wait3A_530 = tpu.memref_slice %arg2[%dma_wait3A_528, %dma_wait3A_529] : memref<10000x128xf32, #tpu.memory_space<hbm>> -> memref<10000x128xf32, #tpu.memory_space<hbm>>
      tpu.wait_indirect_dma semaphore(%arg12 : memref<!tpu.dma_semaphore, #tpu.memory_space<semaphore_mem>>) src(%dma_wait3A_530 : memref<10000x128xf32, #tpu.memory_space<hbm>>) dst(%dma_wait3A_524 : memref<125x128xf32, #tpu.memory_space<vmem>>)
      %dma_start3A_531 = arith.constant 1 : i32
      %dma_start3A_532 = arith.constant 9 : i32
      %dma_start3A_533 = arith.constant 0 : i32
      %dma_start3A_534 = arith.constant 0 : i32
      %dma_start3A_535 = tpu.memref_slice %arg9[%dma_start3A_531, %dma_start3A_533, %dma_start3A_534] : memref<2x125x128xf32, #tpu.memory_space<vmem>> -> memref<1x125x128xf32, #tpu.memory_space<vmem>>
      %dma_start3A_536 = tpu.memref_squeeze %dma_start3A_535 : memref<1x125x128xf32, #tpu.memory_space<vmem>> -> memref<125x128xf32, #tpu.memory_space<vmem>>
      %dma_start3A_537 = arith.constant 0 : i32
      %dma_start3A_538 = tpu.memref_slice %arg8[%dma_start3A_532, %dma_start3A_537] : memref<16x125xi32, #tpu.memory_space<vmem>> -> memref<1x125xi32, #tpu.memory_space<vmem>>
      %dma_start3A_539 = tpu.memref_squeeze %dma_start3A_538 : memref<1x125xi32, #tpu.memory_space<vmem>> -> memref<125xi32, #tpu.memory_space<vmem>>
      %dma_start3A_540 = arith.constant 0 : i32
      %dma_start3A_541 = arith.constant 0 : i32
      %dma_start3A_542 = tpu.memref_slice %arg10[%dma_start3A_540, %dma_start3A_541] : memref<10000x128xf32, #tpu.memory_space<vmem_shared>> -> memref<10000x128xf32, #tpu.memory_space<vmem_shared>>
      tpu.enqueue_indirect_dma source(%dma_start3A_536 : memref<125x128xf32, #tpu.memory_space<vmem>>) target(%dma_start3A_542 : memref<10000x128xf32, #tpu.memory_space<vmem_shared>>) offsets(%dma_start3A_539 : memref<125xi32, #tpu.memory_space<vmem>>) semaphore(%arg14 : memref<!tpu.dma_semaphore, #tpu.memory_space<semaphore_mem>>) {add = true}
      %dma_wait3A_543 = arith.constant 1 : i32
      %dma_wait3A_544 = arith.constant 9 : i32
      %dma_wait3A_545 = arith.constant 0 : i32
      %dma_wait3A_546 = arith.constant 0 : i32
      %dma_wait3A_547 = tpu.memref_slice %arg9[%dma_wait3A_543, %dma_wait3A_545, %dma_wait3A_546] : memref<2x125x128xf32, #tpu.memory_space<vmem>> -> memref<1x125x128xf32, #tpu.memory_space<vmem>>
      %dma_wait3A_548 = tpu.memref_squeeze %dma_wait3A_547 : memref<1x125x128xf32, #tpu.memory_space<vmem>> -> memref<125x128xf32, #tpu.memory_space<vmem>>
      %dma_wait3A_549 = arith.constant 0 : i32
      %dma_wait3A_550 = tpu.memref_slice %arg8[%dma_wait3A_544, %dma_wait3A_549] : memref<16x125xi32, #tpu.memory_space<vmem>> -> memref<1x125xi32, #tpu.memory_space<vmem>>
      %dma_wait3A_551 = tpu.memref_squeeze %dma_wait3A_550 : memref<1x125xi32, #tpu.memory_space<vmem>> -> memref<125xi32, #tpu.memory_space<vmem>>
      %dma_wait3A_552 = arith.constant 0 : i32
      %dma_wait3A_553 = arith.constant 0 : i32
      %dma_wait3A_554 = tpu.memref_slice %arg10[%dma_wait3A_552, %dma_wait3A_553] : memref<10000x128xf32, #tpu.memory_space<vmem_shared>> -> memref<10000x128xf32, #tpu.memory_space<vmem_shared>>
      tpu.wait_indirect_dma semaphore(%arg14 : memref<!tpu.dma_semaphore, #tpu.memory_space<semaphore_mem>>) src(%dma_wait3A_548 : memref<125x128xf32, #tpu.memory_space<vmem>>) dst(%dma_wait3A_554 : memref<10000x128xf32, #tpu.memory_space<vmem_shared>>)
      %dma_start3A_555 = arith.constant 11 : i32
      %dma_start3A_556 = arith.constant 1 : i32
      %dma_start3A_557 = arith.constant 0 : i32
      %dma_start3A_558 = arith.constant 0 : i32
      %dma_start3A_559 = tpu.memref_slice %arg9[%dma_start3A_556, %dma_start3A_557, %dma_start3A_558] : memref<2x125x128xf32, #tpu.memory_space<vmem>> -> memref<1x125x128xf32, #tpu.memory_space<vmem>>
      %dma_start3A_560 = tpu.memref_squeeze %dma_start3A_559 : memref<1x125x128xf32, #tpu.memory_space<vmem>> -> memref<125x128xf32, #tpu.memory_space<vmem>>
      %dma_start3A_561 = arith.constant 0 : i32
      %dma_start3A_562 = tpu.memref_slice %arg7[%dma_start3A_555, %dma_start3A_561] : memref<16x125xi32, #tpu.memory_space<vmem>> -> memref<1x125xi32, #tpu.memory_space<vmem>>
      %dma_start3A_563 = tpu.memref_squeeze %dma_start3A_562 : memref<1x125xi32, #tpu.memory_space<vmem>> -> memref<125xi32, #tpu.memory_space<vmem>>
      %dma_start3A_564 = arith.constant 0 : i32
      %dma_start3A_565 = arith.constant 0 : i32
      %dma_start3A_566 = tpu.memref_slice %arg2[%dma_start3A_564, %dma_start3A_565] : memref<10000x128xf32, #tpu.memory_space<hbm>> -> memref<10000x128xf32, #tpu.memory_space<hbm>>
      tpu.enqueue_indirect_dma source(%dma_start3A_566 : memref<10000x128xf32, #tpu.memory_space<hbm>>) target(%dma_start3A_560 : memref<125x128xf32, #tpu.memory_space<vmem>>) offsets(%dma_start3A_563 : memref<125xi32, #tpu.memory_space<vmem>>) semaphore(%arg12 : memref<!tpu.dma_semaphore, #tpu.memory_space<semaphore_mem>>)
      %dma_wait3A_567 = arith.constant 10 : i32
      %dma_wait3A_568 = arith.constant 0 : i32
      %dma_wait3A_569 = arith.constant 0 : i32
      %dma_wait3A_570 = arith.constant 0 : i32
      %dma_wait3A_571 = tpu.memref_slice %arg9[%dma_wait3A_568, %dma_wait3A_569, %dma_wait3A_570] : memref<2x125x128xf32, #tpu.memory_space<vmem>> -> memref<1x125x128xf32, #tpu.memory_space<vmem>>
      %dma_wait3A_572 = tpu.memref_squeeze %dma_wait3A_571 : memref<1x125x128xf32, #tpu.memory_space<vmem>> -> memref<125x128xf32, #tpu.memory_space<vmem>>
      %dma_wait3A_573 = arith.constant 0 : i32
      %dma_wait3A_574 = tpu.memref_slice %arg7[%dma_wait3A_567, %dma_wait3A_573] : memref<16x125xi32, #tpu.memory_space<vmem>> -> memref<1x125xi32, #tpu.memory_space<vmem>>
      %dma_wait3A_575 = tpu.memref_squeeze %dma_wait3A_574 : memref<1x125xi32, #tpu.memory_space<vmem>> -> memref<125xi32, #tpu.memory_space<vmem>>
      %dma_wait3A_576 = arith.constant 0 : i32
      %dma_wait3A_577 = arith.constant 0 : i32
      %dma_wait3A_578 = tpu.memref_slice %arg2[%dma_wait3A_576, %dma_wait3A_577] : memref<10000x128xf32, #tpu.memory_space<hbm>> -> memref<10000x128xf32, #tpu.memory_space<hbm>>
      tpu.wait_indirect_dma semaphore(%arg11 : memref<!tpu.dma_semaphore, #tpu.memory_space<semaphore_mem>>) src(%dma_wait3A_578 : memref<10000x128xf32, #tpu.memory_space<hbm>>) dst(%dma_wait3A_572 : memref<125x128xf32, #tpu.memory_space<vmem>>)
      %dma_start3A_579 = arith.constant 0 : i32
      %dma_start3A_580 = arith.constant 10 : i32
      %dma_start3A_581 = arith.constant 0 : i32
      %dma_start3A_582 = arith.constant 0 : i32
      %dma_start3A_583 = tpu.memref_slice %arg9[%dma_start3A_579, %dma_start3A_581, %dma_start3A_582] : memref<2x125x128xf32, #tpu.memory_space<vmem>> -> memref<1x125x128xf32, #tpu.memory_space<vmem>>
      %dma_start3A_584 = tpu.memref_squeeze %dma_start3A_583 : memref<1x125x128xf32, #tpu.memory_space<vmem>> -> memref<125x128xf32, #tpu.memory_space<vmem>>
      %dma_start3A_585 = arith.constant 0 : i32
      %dma_start3A_586 = tpu.memref_slice %arg8[%dma_start3A_580, %dma_start3A_585] : memref<16x125xi32, #tpu.memory_space<vmem>> -> memref<1x125xi32, #tpu.memory_space<vmem>>
      %dma_start3A_587 = tpu.memref_squeeze %dma_start3A_586 : memref<1x125xi32, #tpu.memory_space<vmem>> -> memref<125xi32, #tpu.memory_space<vmem>>
      %dma_start3A_588 = arith.constant 0 : i32
      %dma_start3A_589 = arith.constant 0 : i32
      %dma_start3A_590 = tpu.memref_slice %arg10[%dma_start3A_588, %dma_start3A_589] : memref<10000x128xf32, #tpu.memory_space<vmem_shared>> -> memref<10000x128xf32, #tpu.memory_space<vmem_shared>>
      tpu.enqueue_indirect_dma source(%dma_start3A_584 : memref<125x128xf32, #tpu.memory_space<vmem>>) target(%dma_start3A_590 : memref<10000x128xf32, #tpu.memory_space<vmem_shared>>) offsets(%dma_start3A_587 : memref<125xi32, #tpu.memory_space<vmem>>) semaphore(%arg13 : memref<!tpu.dma_semaphore, #tpu.memory_space<semaphore_mem>>) {add = true}
      %dma_wait3A_591 = arith.constant 0 : i32
      %dma_wait3A_592 = arith.constant 10 : i32
      %dma_wait3A_593 = arith.constant 0 : i32
      %dma_wait3A_594 = arith.constant 0 : i32
      %dma_wait3A_595 = tpu.memref_slice %arg9[%dma_wait3A_591, %dma_wait3A_593, %dma_wait3A_594] : memref<2x125x128xf32, #tpu.memory_space<vmem>> -> memref<1x125x128xf32, #tpu.memory_space<vmem>>
      %dma_wait3A_596 = tpu.memref_squeeze %dma_wait3A_595 : memref<1x125x128xf32, #tpu.memory_space<vmem>> -> memref<125x128xf32, #tpu.memory_space<vmem>>
      %dma_wait3A_597 = arith.constant 0 : i32
      %dma_wait3A_598 = tpu.memref_slice %arg8[%dma_wait3A_592, %dma_wait3A_597] : memref<16x125xi32, #tpu.memory_space<vmem>> -> memref<1x125xi32, #tpu.memory_space<vmem>>
      %dma_wait3A_599 = tpu.memref_squeeze %dma_wait3A_598 : memref<1x125xi32, #tpu.memory_space<vmem>> -> memref<125xi32, #tpu.memory_space<vmem>>
      %dma_wait3A_600 = arith.constant 0 : i32
      %dma_wait3A_601 = arith.constant 0 : i32
      %dma_wait3A_602 = tpu.memref_slice %arg10[%dma_wait3A_600, %dma_wait3A_601] : memref<10000x128xf32, #tpu.memory_space<vmem_shared>> -> memref<10000x128xf32, #tpu.memory_space<vmem_shared>>
      tpu.wait_indirect_dma semaphore(%arg13 : memref<!tpu.dma_semaphore, #tpu.memory_space<semaphore_mem>>) src(%dma_wait3A_596 : memref<125x128xf32, #tpu.memory_space<vmem>>) dst(%dma_wait3A_602 : memref<10000x128xf32, #tpu.memory_space<vmem_shared>>)
      %dma_start3A_603 = arith.constant 12 : i32
      %dma_start3A_604 = arith.constant 0 : i32
      %dma_start3A_605 = arith.constant 0 : i32
      %dma_start3A_606 = arith.constant 0 : i32
      %dma_start3A_607 = tpu.memref_slice %arg9[%dma_start3A_604, %dma_start3A_605, %dma_start3A_606] : memref<2x125x128xf32, #tpu.memory_space<vmem>> -> memref<1x125x128xf32, #tpu.memory_space<vmem>>
      %dma_start3A_608 = tpu.memref_squeeze %dma_start3A_607 : memref<1x125x128xf32, #tpu.memory_space<vmem>> -> memref<125x128xf32, #tpu.memory_space<vmem>>
      %dma_start3A_609 = arith.constant 0 : i32
      %dma_start3A_610 = tpu.memref_slice %arg7[%dma_start3A_603, %dma_start3A_609] : memref<16x125xi32, #tpu.memory_space<vmem>> -> memref<1x125xi32, #tpu.memory_space<vmem>>
      %dma_start3A_611 = tpu.memref_squeeze %dma_start3A_610 : memref<1x125xi32, #tpu.memory_space<vmem>> -> memref<125xi32, #tpu.memory_space<vmem>>
      %dma_start3A_612 = arith.constant 0 : i32
      %dma_start3A_613 = arith.constant 0 : i32
      %dma_start3A_614 = tpu.memref_slice %arg2[%dma_start3A_612, %dma_start3A_613] : memref<10000x128xf32, #tpu.memory_space<hbm>> -> memref<10000x128xf32, #tpu.memory_space<hbm>>
      tpu.enqueue_indirect_dma source(%dma_start3A_614 : memref<10000x128xf32, #tpu.memory_space<hbm>>) target(%dma_start3A_608 : memref<125x128xf32, #tpu.memory_space<vmem>>) offsets(%dma_start3A_611 : memref<125xi32, #tpu.memory_space<vmem>>) semaphore(%arg11 : memref<!tpu.dma_semaphore, #tpu.memory_space<semaphore_mem>>)
      %dma_wait3A_615 = arith.constant 11 : i32
      %dma_wait3A_616 = arith.constant 1 : i32
      %dma_wait3A_617 = arith.constant 0 : i32
      %dma_wait3A_618 = arith.constant 0 : i32
      %dma_wait3A_619 = tpu.memref_slice %arg9[%dma_wait3A_616, %dma_wait3A_617, %dma_wait3A_618] : memref<2x125x128xf32, #tpu.memory_space<vmem>> -> memref<1x125x128xf32, #tpu.memory_space<vmem>>
      %dma_wait3A_620 = tpu.memref_squeeze %dma_wait3A_619 : memref<1x125x128xf32, #tpu.memory_space<vmem>> -> memref<125x128xf32, #tpu.memory_space<vmem>>
      %dma_wait3A_621 = arith.constant 0 : i32
      %dma_wait3A_622 = tpu.memref_slice %arg7[%dma_wait3A_615, %dma_wait3A_621] : memref<16x125xi32, #tpu.memory_space<vmem>> -> memref<1x125xi32, #tpu.memory_space<vmem>>
      %dma_wait3A_623 = tpu.memref_squeeze %dma_wait3A_622 : memref<1x125xi32, #tpu.memory_space<vmem>> -> memref<125xi32, #tpu.memory_space<vmem>>
      %dma_wait3A_624 = arith.constant 0 : i32
      %dma_wait3A_625 = arith.constant 0 : i32
      %dma_wait3A_626 = tpu.memref_slice %arg2[%dma_wait3A_624, %dma_wait3A_625] : memref<10000x128xf32, #tpu.memory_space<hbm>> -> memref<10000x128xf32, #tpu.memory_space<hbm>>
      tpu.wait_indirect_dma semaphore(%arg12 : memref<!tpu.dma_semaphore, #tpu.memory_space<semaphore_mem>>) src(%dma_wait3A_626 : memref<10000x128xf32, #tpu.memory_space<hbm>>) dst(%dma_wait3A_620 : memref<125x128xf32, #tpu.memory_space<vmem>>)
      %dma_start3A_627 = arith.constant 1 : i32
      %dma_start3A_628 = arith.constant 11 : i32
      %dma_start3A_629 = arith.constant 0 : i32
      %dma_start3A_630 = arith.constant 0 : i32
      %dma_start3A_631 = tpu.memref_slice %arg9[%dma_start3A_627, %dma_start3A_629, %dma_start3A_630] : memref<2x125x128xf32, #tpu.memory_space<vmem>> -> memref<1x125x128xf32, #tpu.memory_space<vmem>>
      %dma_start3A_632 = tpu.memref_squeeze %dma_start3A_631 : memref<1x125x128xf32, #tpu.memory_space<vmem>> -> memref<125x128xf32, #tpu.memory_space<vmem>>
      %dma_start3A_633 = arith.constant 0 : i32
      %dma_start3A_634 = tpu.memref_slice %arg8[%dma_start3A_628, %dma_start3A_633] : memref<16x125xi32, #tpu.memory_space<vmem>> -> memref<1x125xi32, #tpu.memory_space<vmem>>
      %dma_start3A_635 = tpu.memref_squeeze %dma_start3A_634 : memref<1x125xi32, #tpu.memory_space<vmem>> -> memref<125xi32, #tpu.memory_space<vmem>>
      %dma_start3A_636 = arith.constant 0 : i32
      %dma_start3A_637 = arith.constant 0 : i32
      %dma_start3A_638 = tpu.memref_slice %arg10[%dma_start3A_636, %dma_start3A_637] : memref<10000x128xf32, #tpu.memory_space<vmem_shared>> -> memref<10000x128xf32, #tpu.memory_space<vmem_shared>>
      tpu.enqueue_indirect_dma source(%dma_start3A_632 : memref<125x128xf32, #tpu.memory_space<vmem>>) target(%dma_start3A_638 : memref<10000x128xf32, #tpu.memory_space<vmem_shared>>) offsets(%dma_start3A_635 : memref<125xi32, #tpu.memory_space<vmem>>) semaphore(%arg14 : memref<!tpu.dma_semaphore, #tpu.memory_space<semaphore_mem>>) {add = true}
      %dma_wait3A_639 = arith.constant 1 : i32
      %dma_wait3A_640 = arith.constant 11 : i32
      %dma_wait3A_641 = arith.constant 0 : i32
      %dma_wait3A_642 = arith.constant 0 : i32
      %dma_wait3A_643 = tpu.memref_slice %arg9[%dma_wait3A_639, %dma_wait3A_641, %dma_wait3A_642] : memref<2x125x128xf32, #tpu.memory_space<vmem>> -> memref<1x125x128xf32, #tpu.memory_space<vmem>>
      %dma_wait3A_644 = tpu.memref_squeeze %dma_wait3A_643 : memref<1x125x128xf32, #tpu.memory_space<vmem>> -> memref<125x128xf32, #tpu.memory_space<vmem>>
      %dma_wait3A_645 = arith.constant 0 : i32
      %dma_wait3A_646 = tpu.memref_slice %arg8[%dma_wait3A_640, %dma_wait3A_645] : memref<16x125xi32, #tpu.memory_space<vmem>> -> memref<1x125xi32, #tpu.memory_space<vmem>>
      %dma_wait3A_647 = tpu.memref_squeeze %dma_wait3A_646 : memref<1x125xi32, #tpu.memory_space<vmem>> -> memref<125xi32, #tpu.memory_space<vmem>>
      %dma_wait3A_648 = arith.constant 0 : i32
      %dma_wait3A_649 = arith.constant 0 : i32
      %dma_wait3A_650 = tpu.memref_slice %arg10[%dma_wait3A_648, %dma_wait3A_649] : memref<10000x128xf32, #tpu.memory_space<vmem_shared>> -> memref<10000x128xf32, #tpu.memory_space<vmem_shared>>
      tpu.wait_indirect_dma semaphore(%arg14 : memref<!tpu.dma_semaphore, #tpu.memory_space<semaphore_mem>>) src(%dma_wait3A_644 : memref<125x128xf32, #tpu.memory_space<vmem>>) dst(%dma_wait3A_650 : memref<10000x128xf32, #tpu.memory_space<vmem_shared>>)
      %dma_start3A_651 = arith.constant 13 : i32
      %dma_start3A_652 = arith.constant 1 : i32
      %dma_start3A_653 = arith.constant 0 : i32
      %dma_start3A_654 = arith.constant 0 : i32
      %dma_start3A_655 = tpu.memref_slice %arg9[%dma_start3A_652, %dma_start3A_653, %dma_start3A_654] : memref<2x125x128xf32, #tpu.memory_space<vmem>> -> memref<1x125x128xf32, #tpu.memory_space<vmem>>
      %dma_start3A_656 = tpu.memref_squeeze %dma_start3A_655 : memref<1x125x128xf32, #tpu.memory_space<vmem>> -> memref<125x128xf32, #tpu.memory_space<vmem>>
      %dma_start3A_657 = arith.constant 0 : i32
      %dma_start3A_658 = tpu.memref_slice %arg7[%dma_start3A_651, %dma_start3A_657] : memref<16x125xi32, #tpu.memory_space<vmem>> -> memref<1x125xi32, #tpu.memory_space<vmem>>
      %dma_start3A_659 = tpu.memref_squeeze %dma_start3A_658 : memref<1x125xi32, #tpu.memory_space<vmem>> -> memref<125xi32, #tpu.memory_space<vmem>>
      %dma_start3A_660 = arith.constant 0 : i32
      %dma_start3A_661 = arith.constant 0 : i32
      %dma_start3A_662 = tpu.memref_slice %arg2[%dma_start3A_660, %dma_start3A_661] : memref<10000x128xf32, #tpu.memory_space<hbm>> -> memref<10000x128xf32, #tpu.memory_space<hbm>>
      tpu.enqueue_indirect_dma source(%dma_start3A_662 : memref<10000x128xf32, #tpu.memory_space<hbm>>) target(%dma_start3A_656 : memref<125x128xf32, #tpu.memory_space<vmem>>) offsets(%dma_start3A_659 : memref<125xi32, #tpu.memory_space<vmem>>) semaphore(%arg12 : memref<!tpu.dma_semaphore, #tpu.memory_space<semaphore_mem>>)
      %dma_wait3A_663 = arith.constant 12 : i32
      %dma_wait3A_664 = arith.constant 0 : i32
      %dma_wait3A_665 = arith.constant 0 : i32
      %dma_wait3A_666 = arith.constant 0 : i32
      %dma_wait3A_667 = tpu.memref_slice %arg9[%dma_wait3A_664, %dma_wait3A_665, %dma_wait3A_666] : memref<2x125x128xf32, #tpu.memory_space<vmem>> -> memref<1x125x128xf32, #tpu.memory_space<vmem>>
      %dma_wait3A_668 = tpu.memref_squeeze %dma_wait3A_667 : memref<1x125x128xf32, #tpu.memory_space<vmem>> -> memref<125x128xf32, #tpu.memory_space<vmem>>
      %dma_wait3A_669 = arith.constant 0 : i32
      %dma_wait3A_670 = tpu.memref_slice %arg7[%dma_wait3A_663, %dma_wait3A_669] : memref<16x125xi32, #tpu.memory_space<vmem>> -> memref<1x125xi32, #tpu.memory_space<vmem>>
      %dma_wait3A_671 = tpu.memref_squeeze %dma_wait3A_670 : memref<1x125xi32, #tpu.memory_space<vmem>> -> memref<125xi32, #tpu.memory_space<vmem>>
      %dma_wait3A_672 = arith.constant 0 : i32
      %dma_wait3A_673 = arith.constant 0 : i32
      %dma_wait3A_674 = tpu.memref_slice %arg2[%dma_wait3A_672, %dma_wait3A_673] : memref<10000x128xf32, #tpu.memory_space<hbm>> -> memref<10000x128xf32, #tpu.memory_space<hbm>>
      tpu.wait_indirect_dma semaphore(%arg11 : memref<!tpu.dma_semaphore, #tpu.memory_space<semaphore_mem>>) src(%dma_wait3A_674 : memref<10000x128xf32, #tpu.memory_space<hbm>>) dst(%dma_wait3A_668 : memref<125x128xf32, #tpu.memory_space<vmem>>)
      %dma_start3A_675 = arith.constant 0 : i32
      %dma_start3A_676 = arith.constant 12 : i32
      %dma_start3A_677 = arith.constant 0 : i32
      %dma_start3A_678 = arith.constant 0 : i32
      %dma_start3A_679 = tpu.memref_slice %arg9[%dma_start3A_675, %dma_start3A_677, %dma_start3A_678] : memref<2x125x128xf32, #tpu.memory_space<vmem>> -> memref<1x125x128xf32, #tpu.memory_space<vmem>>
      %dma_start3A_680 = tpu.memref_squeeze %dma_start3A_679 : memref<1x125x128xf32, #tpu.memory_space<vmem>> -> memref<125x128xf32, #tpu.memory_space<vmem>>
      %dma_start3A_681 = arith.constant 0 : i32
      %dma_start3A_682 = tpu.memref_slice %arg8[%dma_start3A_676, %dma_start3A_681] : memref<16x125xi32, #tpu.memory_space<vmem>> -> memref<1x125xi32, #tpu.memory_space<vmem>>
      %dma_start3A_683 = tpu.memref_squeeze %dma_start3A_682 : memref<1x125xi32, #tpu.memory_space<vmem>> -> memref<125xi32, #tpu.memory_space<vmem>>
      %dma_start3A_684 = arith.constant 0 : i32
      %dma_start3A_685 = arith.constant 0 : i32
      %dma_start3A_686 = tpu.memref_slice %arg10[%dma_start3A_684, %dma_start3A_685] : memref<10000x128xf32, #tpu.memory_space<vmem_shared>> -> memref<10000x128xf32, #tpu.memory_space<vmem_shared>>
      tpu.enqueue_indirect_dma source(%dma_start3A_680 : memref<125x128xf32, #tpu.memory_space<vmem>>) target(%dma_start3A_686 : memref<10000x128xf32, #tpu.memory_space<vmem_shared>>) offsets(%dma_start3A_683 : memref<125xi32, #tpu.memory_space<vmem>>) semaphore(%arg13 : memref<!tpu.dma_semaphore, #tpu.memory_space<semaphore_mem>>) {add = true}
      %dma_wait3A_687 = arith.constant 0 : i32
      %dma_wait3A_688 = arith.constant 12 : i32
      %dma_wait3A_689 = arith.constant 0 : i32
      %dma_wait3A_690 = arith.constant 0 : i32
      %dma_wait3A_691 = tpu.memref_slice %arg9[%dma_wait3A_687, %dma_wait3A_689, %dma_wait3A_690] : memref<2x125x128xf32, #tpu.memory_space<vmem>> -> memref<1x125x128xf32, #tpu.memory_space<vmem>>
      %dma_wait3A_692 = tpu.memref_squeeze %dma_wait3A_691 : memref<1x125x128xf32, #tpu.memory_space<vmem>> -> memref<125x128xf32, #tpu.memory_space<vmem>>
      %dma_wait3A_693 = arith.constant 0 : i32
      %dma_wait3A_694 = tpu.memref_slice %arg8[%dma_wait3A_688, %dma_wait3A_693] : memref<16x125xi32, #tpu.memory_space<vmem>> -> memref<1x125xi32, #tpu.memory_space<vmem>>
      %dma_wait3A_695 = tpu.memref_squeeze %dma_wait3A_694 : memref<1x125xi32, #tpu.memory_space<vmem>> -> memref<125xi32, #tpu.memory_space<vmem>>
      %dma_wait3A_696 = arith.constant 0 : i32
      %dma_wait3A_697 = arith.constant 0 : i32
      %dma_wait3A_698 = tpu.memref_slice %arg10[%dma_wait3A_696, %dma_wait3A_697] : memref<10000x128xf32, #tpu.memory_space<vmem_shared>> -> memref<10000x128xf32, #tpu.memory_space<vmem_shared>>
      tpu.wait_indirect_dma semaphore(%arg13 : memref<!tpu.dma_semaphore, #tpu.memory_space<semaphore_mem>>) src(%dma_wait3A_692 : memref<125x128xf32, #tpu.memory_space<vmem>>) dst(%dma_wait3A_698 : memref<10000x128xf32, #tpu.memory_space<vmem_shared>>)
      %dma_start3A_699 = arith.constant 14 : i32
      %dma_start3A_700 = arith.constant 0 : i32
      %dma_start3A_701 = arith.constant 0 : i32
      %dma_start3A_702 = arith.constant 0 : i32
      %dma_start3A_703 = tpu.memref_slice %arg9[%dma_start3A_700, %dma_start3A_701, %dma_start3A_702] : memref<2x125x128xf32, #tpu.memory_space<vmem>> -> memref<1x125x128xf32, #tpu.memory_space<vmem>>
      %dma_start3A_704 = tpu.memref_squeeze %dma_start3A_703 : memref<1x125x128xf32, #tpu.memory_space<vmem>> -> memref<125x128xf32, #tpu.memory_space<vmem>>
      %dma_start3A_705 = arith.constant 0 : i32
      %dma_start3A_706 = tpu.memref_slice %arg7[%dma_start3A_699, %dma_start3A_705] : memref<16x125xi32, #tpu.memory_space<vmem>> -> memref<1x125xi32, #tpu.memory_space<vmem>>
      %dma_start3A_707 = tpu.memref_squeeze %dma_start3A_706 : memref<1x125xi32, #tpu.memory_space<vmem>> -> memref<125xi32, #tpu.memory_space<vmem>>
      %dma_start3A_708 = arith.constant 0 : i32
      %dma_start3A_709 = arith.constant 0 : i32
      %dma_start3A_710 = tpu.memref_slice %arg2[%dma_start3A_708, %dma_start3A_709] : memref<10000x128xf32, #tpu.memory_space<hbm>> -> memref<10000x128xf32, #tpu.memory_space<hbm>>
      tpu.enqueue_indirect_dma source(%dma_start3A_710 : memref<10000x128xf32, #tpu.memory_space<hbm>>) target(%dma_start3A_704 : memref<125x128xf32, #tpu.memory_space<vmem>>) offsets(%dma_start3A_707 : memref<125xi32, #tpu.memory_space<vmem>>) semaphore(%arg11 : memref<!tpu.dma_semaphore, #tpu.memory_space<semaphore_mem>>)
      %dma_wait3A_711 = arith.constant 13 : i32
      %dma_wait3A_712 = arith.constant 1 : i32
      %dma_wait3A_713 = arith.constant 0 : i32
      %dma_wait3A_714 = arith.constant 0 : i32
      %dma_wait3A_715 = tpu.memref_slice %arg9[%dma_wait3A_712, %dma_wait3A_713, %dma_wait3A_714] : memref<2x125x128xf32, #tpu.memory_space<vmem>> -> memref<1x125x128xf32, #tpu.memory_space<vmem>>
      %dma_wait3A_716 = tpu.memref_squeeze %dma_wait3A_715 : memref<1x125x128xf32, #tpu.memory_space<vmem>> -> memref<125x128xf32, #tpu.memory_space<vmem>>
      %dma_wait3A_717 = arith.constant 0 : i32
      %dma_wait3A_718 = tpu.memref_slice %arg7[%dma_wait3A_711, %dma_wait3A_717] : memref<16x125xi32, #tpu.memory_space<vmem>> -> memref<1x125xi32, #tpu.memory_space<vmem>>
      %dma_wait3A_719 = tpu.memref_squeeze %dma_wait3A_718 : memref<1x125xi32, #tpu.memory_space<vmem>> -> memref<125xi32, #tpu.memory_space<vmem>>
      %dma_wait3A_720 = arith.constant 0 : i32
      %dma_wait3A_721 = arith.constant 0 : i32
      %dma_wait3A_722 = tpu.memref_slice %arg2[%dma_wait3A_720, %dma_wait3A_721] : memref<10000x128xf32, #tpu.memory_space<hbm>> -> memref<10000x128xf32, #tpu.memory_space<hbm>>
      tpu.wait_indirect_dma semaphore(%arg12 : memref<!tpu.dma_semaphore, #tpu.memory_space<semaphore_mem>>) src(%dma_wait3A_722 : memref<10000x128xf32, #tpu.memory_space<hbm>>) dst(%dma_wait3A_716 : memref<125x128xf32, #tpu.memory_space<vmem>>)
      %dma_start3A_723 = arith.constant 1 : i32
      %dma_start3A_724 = arith.constant 13 : i32
      %dma_start3A_725 = arith.constant 0 : i32
      %dma_start3A_726 = arith.constant 0 : i32
      %dma_start3A_727 = tpu.memref_slice %arg9[%dma_start3A_723, %dma_start3A_725, %dma_start3A_726] : memref<2x125x128xf32, #tpu.memory_space<vmem>> -> memref<1x125x128xf32, #tpu.memory_space<vmem>>
      %dma_start3A_728 = tpu.memref_squeeze %dma_start3A_727 : memref<1x125x128xf32, #tpu.memory_space<vmem>> -> memref<125x128xf32, #tpu.memory_space<vmem>>
      %dma_start3A_729 = arith.constant 0 : i32
      %dma_start3A_730 = tpu.memref_slice %arg8[%dma_start3A_724, %dma_start3A_729] : memref<16x125xi32, #tpu.memory_space<vmem>> -> memref<1x125xi32, #tpu.memory_space<vmem>>
      %dma_start3A_731 = tpu.memref_squeeze %dma_start3A_730 : memref<1x125xi32, #tpu.memory_space<vmem>> -> memref<125xi32, #tpu.memory_space<vmem>>
      %dma_start3A_732 = arith.constant 0 : i32
      %dma_start3A_733 = arith.constant 0 : i32
      %dma_start3A_734 = tpu.memref_slice %arg10[%dma_start3A_732, %dma_start3A_733] : memref<10000x128xf32, #tpu.memory_space<vmem_shared>> -> memref<10000x128xf32, #tpu.memory_space<vmem_shared>>
      tpu.enqueue_indirect_dma source(%dma_start3A_728 : memref<125x128xf32, #tpu.memory_space<vmem>>) target(%dma_start3A_734 : memref<10000x128xf32, #tpu.memory_space<vmem_shared>>) offsets(%dma_start3A_731 : memref<125xi32, #tpu.memory_space<vmem>>) semaphore(%arg14 : memref<!tpu.dma_semaphore, #tpu.memory_space<semaphore_mem>>) {add = true}
      %dma_wait3A_735 = arith.constant 1 : i32
      %dma_wait3A_736 = arith.constant 13 : i32
      %dma_wait3A_737 = arith.constant 0 : i32
      %dma_wait3A_738 = arith.constant 0 : i32
      %dma_wait3A_739 = tpu.memref_slice %arg9[%dma_wait3A_735, %dma_wait3A_737, %dma_wait3A_738] : memref<2x125x128xf32, #tpu.memory_space<vmem>> -> memref<1x125x128xf32, #tpu.memory_space<vmem>>
      %dma_wait3A_740 = tpu.memref_squeeze %dma_wait3A_739 : memref<1x125x128xf32, #tpu.memory_space<vmem>> -> memref<125x128xf32, #tpu.memory_space<vmem>>
      %dma_wait3A_741 = arith.constant 0 : i32
      %dma_wait3A_742 = tpu.memref_slice %arg8[%dma_wait3A_736, %dma_wait3A_741] : memref<16x125xi32, #tpu.memory_space<vmem>> -> memref<1x125xi32, #tpu.memory_space<vmem>>
      %dma_wait3A_743 = tpu.memref_squeeze %dma_wait3A_742 : memref<1x125xi32, #tpu.memory_space<vmem>> -> memref<125xi32, #tpu.memory_space<vmem>>
      %dma_wait3A_744 = arith.constant 0 : i32
      %dma_wait3A_745 = arith.constant 0 : i32
      %dma_wait3A_746 = tpu.memref_slice %arg10[%dma_wait3A_744, %dma_wait3A_745] : memref<10000x128xf32, #tpu.memory_space<vmem_shared>> -> memref<10000x128xf32, #tpu.memory_space<vmem_shared>>
      tpu.wait_indirect_dma semaphore(%arg14 : memref<!tpu.dma_semaphore, #tpu.memory_space<semaphore_mem>>) src(%dma_wait3A_740 : memref<125x128xf32, #tpu.memory_space<vmem>>) dst(%dma_wait3A_746 : memref<10000x128xf32, #tpu.memory_space<vmem_shared>>)
      %dma_start3A_747 = arith.constant 15 : i32
      %dma_start3A_748 = arith.constant 1 : i32
      %dma_start3A_749 = arith.constant 0 : i32
      %dma_start3A_750 = arith.constant 0 : i32
      %dma_start3A_751 = tpu.memref_slice %arg9[%dma_start3A_748, %dma_start3A_749, %dma_start3A_750] : memref<2x125x128xf32, #tpu.memory_space<vmem>> -> memref<1x125x128xf32, #tpu.memory_space<vmem>>
      %dma_start3A_752 = tpu.memref_squeeze %dma_start3A_751 : memref<1x125x128xf32, #tpu.memory_space<vmem>> -> memref<125x128xf32, #tpu.memory_space<vmem>>
      %dma_start3A_753 = arith.constant 0 : i32
      %dma_start3A_754 = tpu.memref_slice %arg7[%dma_start3A_747, %dma_start3A_753] : memref<16x125xi32, #tpu.memory_space<vmem>> -> memref<1x125xi32, #tpu.memory_space<vmem>>
      %dma_start3A_755 = tpu.memref_squeeze %dma_start3A_754 : memref<1x125xi32, #tpu.memory_space<vmem>> -> memref<125xi32, #tpu.memory_space<vmem>>
      %dma_start3A_756 = arith.constant 0 : i32
      %dma_start3A_757 = arith.constant 0 : i32
      %dma_start3A_758 = tpu.memref_slice %arg2[%dma_start3A_756, %dma_start3A_757] : memref<10000x128xf32, #tpu.memory_space<hbm>> -> memref<10000x128xf32, #tpu.memory_space<hbm>>
      tpu.enqueue_indirect_dma source(%dma_start3A_758 : memref<10000x128xf32, #tpu.memory_space<hbm>>) target(%dma_start3A_752 : memref<125x128xf32, #tpu.memory_space<vmem>>) offsets(%dma_start3A_755 : memref<125xi32, #tpu.memory_space<vmem>>) semaphore(%arg12 : memref<!tpu.dma_semaphore, #tpu.memory_space<semaphore_mem>>)
      %dma_wait3A_759 = arith.constant 14 : i32
      %dma_wait3A_760 = arith.constant 0 : i32
      %dma_wait3A_761 = arith.constant 0 : i32
      %dma_wait3A_762 = arith.constant 0 : i32
      %dma_wait3A_763 = tpu.memref_slice %arg9[%dma_wait3A_760, %dma_wait3A_761, %dma_wait3A_762] : memref<2x125x128xf32, #tpu.memory_space<vmem>> -> memref<1x125x128xf32, #tpu.memory_space<vmem>>
      %dma_wait3A_764 = tpu.memref_squeeze %dma_wait3A_763 : memref<1x125x128xf32, #tpu.memory_space<vmem>> -> memref<125x128xf32, #tpu.memory_space<vmem>>
      %dma_wait3A_765 = arith.constant 0 : i32
      %dma_wait3A_766 = tpu.memref_slice %arg7[%dma_wait3A_759, %dma_wait3A_765] : memref<16x125xi32, #tpu.memory_space<vmem>> -> memref<1x125xi32, #tpu.memory_space<vmem>>
      %dma_wait3A_767 = tpu.memref_squeeze %dma_wait3A_766 : memref<1x125xi32, #tpu.memory_space<vmem>> -> memref<125xi32, #tpu.memory_space<vmem>>
      %dma_wait3A_768 = arith.constant 0 : i32
      %dma_wait3A_769 = arith.constant 0 : i32
      %dma_wait3A_770 = tpu.memref_slice %arg2[%dma_wait3A_768, %dma_wait3A_769] : memref<10000x128xf32, #tpu.memory_space<hbm>> -> memref<10000x128xf32, #tpu.memory_space<hbm>>
      tpu.wait_indirect_dma semaphore(%arg11 : memref<!tpu.dma_semaphore, #tpu.memory_space<semaphore_mem>>) src(%dma_wait3A_770 : memref<10000x128xf32, #tpu.memory_space<hbm>>) dst(%dma_wait3A_764 : memref<125x128xf32, #tpu.memory_space<vmem>>)
      %dma_start3A_771 = arith.constant 0 : i32
      %dma_start3A_772 = arith.constant 14 : i32
      %dma_start3A_773 = arith.constant 0 : i32
      %dma_start3A_774 = arith.constant 0 : i32
      %dma_start3A_775 = tpu.memref_slice %arg9[%dma_start3A_771, %dma_start3A_773, %dma_start3A_774] : memref<2x125x128xf32, #tpu.memory_space<vmem>> -> memref<1x125x128xf32, #tpu.memory_space<vmem>>
      %dma_start3A_776 = tpu.memref_squeeze %dma_start3A_775 : memref<1x125x128xf32, #tpu.memory_space<vmem>> -> memref<125x128xf32, #tpu.memory_space<vmem>>
      %dma_start3A_777 = arith.constant 0 : i32
      %dma_start3A_778 = tpu.memref_slice %arg8[%dma_start3A_772, %dma_start3A_777] : memref<16x125xi32, #tpu.memory_space<vmem>> -> memref<1x125xi32, #tpu.memory_space<vmem>>
      %dma_start3A_779 = tpu.memref_squeeze %dma_start3A_778 : memref<1x125xi32, #tpu.memory_space<vmem>> -> memref<125xi32, #tpu.memory_space<vmem>>
      %dma_start3A_780 = arith.constant 0 : i32
      %dma_start3A_781 = arith.constant 0 : i32
      %dma_start3A_782 = tpu.memref_slice %arg10[%dma_start3A_780, %dma_start3A_781] : memref<10000x128xf32, #tpu.memory_space<vmem_shared>> -> memref<10000x128xf32, #tpu.memory_space<vmem_shared>>
      tpu.enqueue_indirect_dma source(%dma_start3A_776 : memref<125x128xf32, #tpu.memory_space<vmem>>) target(%dma_start3A_782 : memref<10000x128xf32, #tpu.memory_space<vmem_shared>>) offsets(%dma_start3A_779 : memref<125xi32, #tpu.memory_space<vmem>>) semaphore(%arg13 : memref<!tpu.dma_semaphore, #tpu.memory_space<semaphore_mem>>) {add = true}
      %dma_wait3A_783 = arith.constant 15 : i32
      %dma_wait3A_784 = arith.constant 1 : i32
      %dma_wait3A_785 = arith.constant 0 : i32
      %dma_wait3A_786 = arith.constant 0 : i32
      %dma_wait3A_787 = tpu.memref_slice %arg9[%dma_wait3A_784, %dma_wait3A_785, %dma_wait3A_786] : memref<2x125x128xf32, #tpu.memory_space<vmem>> -> memref<1x125x128xf32, #tpu.memory_space<vmem>>
      %dma_wait3A_788 = tpu.memref_squeeze %dma_wait3A_787 : memref<1x125x128xf32, #tpu.memory_space<vmem>> -> memref<125x128xf32, #tpu.memory_space<vmem>>
      %dma_wait3A_789 = arith.constant 0 : i32
      %dma_wait3A_790 = tpu.memref_slice %arg7[%dma_wait3A_783, %dma_wait3A_789] : memref<16x125xi32, #tpu.memory_space<vmem>> -> memref<1x125xi32, #tpu.memory_space<vmem>>
      %dma_wait3A_791 = tpu.memref_squeeze %dma_wait3A_790 : memref<1x125xi32, #tpu.memory_space<vmem>> -> memref<125xi32, #tpu.memory_space<vmem>>
      %dma_wait3A_792 = arith.constant 0 : i32
      %dma_wait3A_793 = arith.constant 0 : i32
      %dma_wait3A_794 = tpu.memref_slice %arg2[%dma_wait3A_792, %dma_wait3A_793] : memref<10000x128xf32, #tpu.memory_space<hbm>> -> memref<10000x128xf32, #tpu.memory_space<hbm>>
      tpu.wait_indirect_dma semaphore(%arg12 : memref<!tpu.dma_semaphore, #tpu.memory_space<semaphore_mem>>) src(%dma_wait3A_794 : memref<10000x128xf32, #tpu.memory_space<hbm>>) dst(%dma_wait3A_788 : memref<125x128xf32, #tpu.memory_space<vmem>>)
      %dma_start3A_795 = arith.constant 1 : i32
      %dma_start3A_796 = arith.constant 15 : i32
      %dma_start3A_797 = arith.constant 0 : i32
      %dma_start3A_798 = arith.constant 0 : i32
      %dma_start3A_799 = tpu.memref_slice %arg9[%dma_start3A_795, %dma_start3A_797, %dma_start3A_798] : memref<2x125x128xf32, #tpu.memory_space<vmem>> -> memref<1x125x128xf32, #tpu.memory_space<vmem>>
      %dma_start3A_800 = tpu.memref_squeeze %dma_start3A_799 : memref<1x125x128xf32, #tpu.memory_space<vmem>> -> memref<125x128xf32, #tpu.memory_space<vmem>>
      %dma_start3A_801 = arith.constant 0 : i32
      %dma_start3A_802 = tpu.memref_slice %arg8[%dma_start3A_796, %dma_start3A_801] : memref<16x125xi32, #tpu.memory_space<vmem>> -> memref<1x125xi32, #tpu.memory_space<vmem>>
      %dma_start3A_803 = tpu.memref_squeeze %dma_start3A_802 : memref<1x125xi32, #tpu.memory_space<vmem>> -> memref<125xi32, #tpu.memory_space<vmem>>
      %dma_start3A_804 = arith.constant 0 : i32
      %dma_start3A_805 = arith.constant 0 : i32
      %dma_start3A_806 = tpu.memref_slice %arg10[%dma_start3A_804, %dma_start3A_805] : memref<10000x128xf32, #tpu.memory_space<vmem_shared>> -> memref<10000x128xf32, #tpu.memory_space<vmem_shared>>
      tpu.enqueue_indirect_dma source(%dma_start3A_800 : memref<125x128xf32, #tpu.memory_space<vmem>>) target(%dma_start3A_806 : memref<10000x128xf32, #tpu.memory_space<vmem_shared>>) offsets(%dma_start3A_803 : memref<125xi32, #tpu.memory_space<vmem>>) semaphore(%arg14 : memref<!tpu.dma_semaphore, #tpu.memory_space<semaphore_mem>>) {add = true}
    }
    %scan3A_12 = arith.constant 5 : i32
    %dma_wait3A = arith.constant 0 : i32
    %dma_wait3A_13 = arith.constant 14 : i32
    %dma_wait3A_14 = arith.constant 0 : i32
    %dma_wait3A_15 = arith.constant 0 : i32
    %dma_wait3A_16 = tpu.memref_slice %arg9[%dma_wait3A, %dma_wait3A_14, %dma_wait3A_15] : memref<2x125x128xf32, #tpu.memory_space<vmem>> -> memref<1x125x128xf32, #tpu.memory_space<vmem>>
    %dma_wait3A_17 = tpu.memref_squeeze %dma_wait3A_16 : memref<1x125x128xf32, #tpu.memory_space<vmem>> -> memref<125x128xf32, #tpu.memory_space<vmem>>
    %dma_wait3A_18 = arith.constant 0 : i32
    %dma_wait3A_19 = tpu.memref_slice %arg8[%dma_wait3A_13, %dma_wait3A_18] : memref<16x125xi32, #tpu.memory_space<vmem>> -> memref<1x125xi32, #tpu.memory_space<vmem>>
    %dma_wait3A_20 = tpu.memref_squeeze %dma_wait3A_19 : memref<1x125xi32, #tpu.memory_space<vmem>> -> memref<125xi32, #tpu.memory_space<vmem>>
    %dma_wait3A_21 = arith.constant 0 : i32
    %dma_wait3A_22 = arith.constant 0 : i32
    %dma_wait3A_23 = tpu.memref_slice %arg10[%dma_wait3A_21, %dma_wait3A_22] : memref<10000x128xf32, #tpu.memory_space<vmem_shared>> -> memref<10000x128xf32, #tpu.memory_space<vmem_shared>>
    tpu.wait_indirect_dma semaphore(%arg13 : memref<!tpu.dma_semaphore, #tpu.memory_space<semaphore_mem>>) src(%dma_wait3A_17 : memref<125x128xf32, #tpu.memory_space<vmem>>) dst(%dma_wait3A_23 : memref<10000x128xf32, #tpu.memory_space<vmem_shared>>)
    %dma_wait3A_24 = arith.constant 1 : i32
    %dma_wait3A_25 = arith.constant 15 : i32
    %dma_wait3A_26 = arith.constant 0 : i32
    %dma_wait3A_27 = arith.constant 0 : i32
    %dma_wait3A_28 = tpu.memref_slice %arg9[%dma_wait3A_24, %dma_wait3A_26, %dma_wait3A_27] : memref<2x125x128xf32, #tpu.memory_space<vmem>> -> memref<1x125x128xf32, #tpu.memory_space<vmem>>
    %dma_wait3A_29 = tpu.memref_squeeze %dma_wait3A_28 : memref<1x125x128xf32, #tpu.memory_space<vmem>> -> memref<125x128xf32, #tpu.memory_space<vmem>>
    %dma_wait3A_30 = arith.constant 0 : i32
    %dma_wait3A_31 = tpu.memref_slice %arg8[%dma_wait3A_25, %dma_wait3A_30] : memref<16x125xi32, #tpu.memory_space<vmem>> -> memref<1x125xi32, #tpu.memory_space<vmem>>
    %dma_wait3A_32 = tpu.memref_squeeze %dma_wait3A_31 : memref<1x125xi32, #tpu.memory_space<vmem>> -> memref<125xi32, #tpu.memory_space<vmem>>
    %dma_wait3A_33 = arith.constant 0 : i32
    %dma_wait3A_34 = arith.constant 0 : i32
    %dma_wait3A_35 = tpu.memref_slice %arg10[%dma_wait3A_33, %dma_wait3A_34] : memref<10000x128xf32, #tpu.memory_space<vmem_shared>> -> memref<10000x128xf32, #tpu.memory_space<vmem_shared>>
    tpu.wait_indirect_dma semaphore(%arg14 : memref<!tpu.dma_semaphore, #tpu.memory_space<semaphore_mem>>) src(%dma_wait3A_29 : memref<125x128xf32, #tpu.memory_space<vmem>>) dst(%dma_wait3A_35 : memref<10000x128xf32, #tpu.memory_space<vmem_shared>>)
    %barrier3A_36 = arith.constant 0 : index
    tpu.barrier barrier_id(%barrier3A_36)
    %mul3A_37 = arith.constant 10000 : i32
    %mul3A_38 = arith.muli %arg0, %mul3A_37 : i32
    %mul3A_39 = arith.constant 624 : i32
    %mul3A_40 = arith.muli %arg1, %mul3A_39 : i32
    %add3A_41 = arith.addi %mul3A_38, %mul3A_40 : i32
    %lt3A_42 = arith.constant 15 : i32
    %lt3A_43 = arith.cmpi slt, %arg1, %lt3A_42 : i32
    %convert_element_type3A_44 = arith.extui %lt3A_43 : i1 to i32
    %cond3A_45 = arith.constant 0 : i32
    %cond3A_46 = arith.cmpi ne, %convert_element_type3A_44, %cond3A_45 : i32
    scf.if %cond3A_46 {
      %mul3A_52 = arith.constant 624 : i32
      %mul3A_53 = arith.muli %arg1, %mul3A_52 : i32
      "tpu.region"() ({
        %run_scoped3A = tpu.sem_alloc : memref<!tpu.dma_semaphore, #tpu.memory_space<semaphore_mem>>
        %dma_start3A = arith.constant 0 : i32
        %dma_start3A_54 = tpu.memref_slice %arg6[%add3A_41, %dma_start3A] : memref<20000x128xf32, #tpu.memory_space<hbm>> -> memref<624x128xf32, #tpu.memory_space<hbm>>
        %dma_start3A_55 = arith.constant 0 : i32
        %dma_start3A_56 = tpu.memref_slice %arg10[%mul3A_53, %dma_start3A_55] : memref<10000x128xf32, #tpu.memory_space<vmem_shared>> -> memref<624x128xf32, #tpu.memory_space<vmem_shared>>
        tpu.enqueue_dma source(%dma_start3A_56 : memref<624x128xf32, #tpu.memory_space<vmem_shared>>) target(%dma_start3A_54 : memref<624x128xf32, #tpu.memory_space<hbm>>) target_semaphore(%run_scoped3A : memref<!tpu.dma_semaphore, #tpu.memory_space<semaphore_mem>>)
        %dma_wait3A_57 = arith.constant 0 : i32
        %dma_wait3A_58 = tpu.memref_slice %arg6[%add3A_41, %dma_wait3A_57] : memref<20000x128xf32, #tpu.memory_space<hbm>> -> memref<624x128xf32, #tpu.memory_space<hbm>>
        %dma_wait3A_59 = arith.constant 0 : i32
        %dma_wait3A_60 = tpu.memref_slice %arg10[%mul3A_53, %dma_wait3A_59] : memref<10000x128xf32, #tpu.memory_space<vmem_shared>> -> memref<624x128xf32, #tpu.memory_space<vmem_shared>>
        tpu.wait_dma2 semaphore(%run_scoped3A : memref<!tpu.dma_semaphore, #tpu.memory_space<semaphore_mem>>) src(%dma_wait3A_60 : memref<624x128xf32, #tpu.memory_space<vmem_shared>>) dst(%dma_wait3A_58 : memref<624x128xf32, #tpu.memory_space<hbm>>)
        tpu.yield
      }) : () -> ()
    } else {
    }
    %eq3A_47 = arith.constant 15 : i32
    %eq3A_48 = arith.cmpi eq, %arg1, %eq3A_47 : i32
    %convert_element_type3A_49 = arith.extui %eq3A_48 : i1 to i32
    %cond3A_50 = arith.constant 0 : i32
    %cond3A_51 = arith.cmpi ne, %convert_element_type3A_49, %cond3A_50 : i32
    scf.if %cond3A_51 {
      %mul3A_52 = arith.constant 624 : i32
      %mul3A_53 = arith.muli %arg1, %mul3A_52 : i32
      "tpu.region"() ({
        %run_scoped3A = tpu.sem_alloc : memref<!tpu.dma_semaphore, #tpu.memory_space<semaphore_mem>>
        %dma_start3A = arith.constant 0 : i32
        %dma_start3A_54 = tpu.memref_slice %arg6[%add3A_41, %dma_start3A] : memref<20000x128xf32, #tpu.memory_space<hbm>> -> memref<640x128xf32, #tpu.memory_space<hbm>>
        %dma_start3A_55 = arith.constant 0 : i32
        %dma_start3A_56 = tpu.memref_slice %arg10[%mul3A_53, %dma_start3A_55] : memref<10000x128xf32, #tpu.memory_space<vmem_shared>> -> memref<640x128xf32, #tpu.memory_space<vmem_shared>>
        tpu.enqueue_dma source(%dma_start3A_56 : memref<640x128xf32, #tpu.memory_space<vmem_shared>>) target(%dma_start3A_54 : memref<640x128xf32, #tpu.memory_space<hbm>>) target_semaphore(%run_scoped3A : memref<!tpu.dma_semaphore, #tpu.memory_space<semaphore_mem>>)
        %dma_wait3A_57 = arith.constant 0 : i32
        %dma_wait3A_58 = tpu.memref_slice %arg6[%add3A_41, %dma_wait3A_57] : memref<20000x128xf32, #tpu.memory_space<hbm>> -> memref<640x128xf32, #tpu.memory_space<hbm>>
        %dma_wait3A_59 = arith.constant 0 : i32
        %dma_wait3A_60 = tpu.memref_slice %arg10[%mul3A_53, %dma_wait3A_59] : memref<10000x128xf32, #tpu.memory_space<vmem_shared>> -> memref<640x128xf32, #tpu.memory_space<vmem_shared>>
        tpu.wait_dma2 semaphore(%run_scoped3A : memref<!tpu.dma_semaphore, #tpu.memory_space<semaphore_mem>>) src(%dma_wait3A_60 : memref<640x128xf32, #tpu.memory_space<vmem_shared>>) dst(%dma_wait3A_58 : memref<640x128xf32, #tpu.memory_space<hbm>>)
        tpu.yield
      }) : () -> ()
    } else {
    }
    return
  }
}

module attributes {stable_mosaic.version = 14 : i64} {
  func.func @_dense_body(%arg0: i32, %arg1: memref<2x1000x128xf32, #tpu.memory_space<vmem>>, %arg2: memref<1x32x1000xf32, #tpu.memory_space<vmem>>, %arg3: memref<1000x128xf32, #tpu.memory_space<vmem>>, %arg4: memref<128x128xf32, #tpu.memory_space<vmem>>, %arg5: memref<1x128xf32, #tpu.memory_space<vmem>>, %arg6: memref<128x128xf32, #tpu.memory_space<vmem>>, %arg7: memref<1000x128xf32, #tpu.memory_space<vmem>>) attributes {dimension_semantics = [#tpu.dimension_semantics<arbitrary>], iteration_bounds = array<i64: 10>, scalar_prefetch = 0 : i64, scratch_operands = 0 : i64, tpu.core_type = #tpu.core_type<tc>, window_params = [{transform_indices = @transform_0, window_bounds = array<i64: 2, 1000, 128>}, {transform_indices = @transform_1, window_bounds = array<i64: 1, 32, 1000>}, {transform_indices = @transform_2, window_bounds = array<i64: 1000, 128>}, {pipeline_mode = #tpu.pipeline_mode<synchronous>, transform_indices = @transform_3, window_bounds = array<i64: 128, 128>}, {pipeline_mode = #tpu.pipeline_mode<synchronous>, transform_indices = @transform_4, window_bounds = array<i64: 1, 128>}, {pipeline_mode = #tpu.pipeline_mode<synchronous>, transform_indices = @transform_5, window_bounds = array<i64: 128, 128>}, {transform_indices = @transform_6, window_bounds = array<i64: 1000, 128>}]} {
    %get3A = arith.constant 0 : index
    %get3A_0 = arith.constant 0 : index
    %get3A_1 = arith.constant 0 : index
    %get3A_2 = vector.load %arg1[%get3A, %get3A_0, %get3A_1] : memref<2x1000x128xf32, #tpu.memory_space<vmem>>, vector<1x1000x128xf32>
    %get3A_3 = vector.shape_cast %get3A_2 : vector<1x1000x128xf32> to vector<1000x128xf32>
    %get3A_4 = arith.constant 1 : index
    %get3A_5 = arith.constant 0 : index
    %get3A_6 = arith.constant 0 : index
    %get3A_7 = vector.load %arg1[%get3A_4, %get3A_5, %get3A_6] : memref<2x1000x128xf32, #tpu.memory_space<vmem>>, vector<1x1000x128xf32>
    %get3A_8 = vector.shape_cast %get3A_7 : vector<1x1000x128xf32> to vector<1000x128xf32>
    %add3A = arith.addf %get3A_3, %get3A_8 : vector<1000x128xf32>
    %get3A_9 = arith.constant 0 : index
    %get3A_10 = arith.constant 0 : index
    %get3A_11 = arith.constant 0 : index
    %get3A_12 = vector.load %arg2[%get3A_9, %get3A_10, %get3A_11] : memref<1x32x1000xf32, #tpu.memory_space<vmem>>, vector<1x32x1000xf32>
    %get3A_13 = vector.shape_cast %get3A_12 : vector<1x32x1000xf32> to vector<32x1000xf32>
    %reduce_sum3A = arith.constant dense<0.000000e+00> : vector<1000xf32>
    %reduce_sum3A_14 = vector.multi_reduction <add>, %get3A_13, %reduce_sum3A [0] : vector<32x1000xf32> to vector<1000xf32>
    %broadcast_in_dim3A = vector.shape_cast %reduce_sum3A_14 : vector<1000xf32> to vector<1000x1xf32>
    %max3A = arith.constant 1.000000e+00 : f32
    %max3A_15 = vector.broadcast %max3A : f32 to vector<1000x1xf32>
    %max3A_16 = arith.maximumf %broadcast_in_dim3A, %max3A_15 : vector<1000x1xf32>
    %div3A = arith.constant 1.000000e+00 : f32
    %div3A_17 = vector.broadcast %div3A : f32 to vector<1000x1xf32>
    %div3A_18 = arith.divf %div3A_17, %max3A_16 : vector<1000x1xf32>
    %mul3A = vector.broadcast %div3A_18 : vector<1000x1xf32> to vector<1000x128xf32>
    %mul3A_19 = arith.mulf %add3A, %mul3A : vector<1000x128xf32>
    %get3A_20 = arith.constant 0 : index
    %get3A_21 = arith.constant 0 : index
    %get3A_22 = vector.load %arg4[%get3A_20, %get3A_21] : memref<128x128xf32, #tpu.memory_space<vmem>>, vector<128x128xf32>
    %dot_general3A = arith.constant dense<0.000000e+00> : vector<1000x128xf32>
    %dot_general3A_23 = tpu.matmul %mul3A_19, %get3A_22, %dot_general3A {dimension_numbers = #tpu.dot_dimension_numbers<[1], [0], [0], [1], [0, 0, 1, 1], [], []>, transpose_lhs_hint = false} : vector<1000x128xf32>, vector<128x128xf32>, vector<1000x128xf32> -> vector<1000x128xf32>
    %get3A_24 = arith.constant 0 : index
    %get3A_25 = arith.constant 0 : index
    %get3A_26 = vector.load %arg5[%get3A_24, %get3A_25] : memref<1x128xf32, #tpu.memory_space<vmem>>, vector<1x128xf32>
    %add3A_27 = vector.broadcast %get3A_26 : vector<1x128xf32> to vector<1000x128xf32>
    %add3A_28 = arith.addf %dot_general3A_23, %add3A_27 : vector<1000x128xf32>
    %get3A_29 = arith.constant 0 : index
    %get3A_30 = arith.constant 0 : index
    %get3A_31 = vector.load %arg3[%get3A_29, %get3A_30] : memref<1000x128xf32, #tpu.memory_space<vmem>>, vector<1000x128xf32>
    %get3A_32 = arith.constant 0 : index
    %get3A_33 = arith.constant 0 : index
    %get3A_34 = vector.load %arg6[%get3A_32, %get3A_33] : memref<128x128xf32, #tpu.memory_space<vmem>>, vector<128x128xf32>
    %dot_general3A_35 = arith.constant dense<0.000000e+00> : vector<1000x128xf32>
    %dot_general3A_36 = tpu.matmul %get3A_31, %get3A_34, %dot_general3A_35 {dimension_numbers = #tpu.dot_dimension_numbers<[1], [0], [0], [1], [0, 0, 1, 1], [], []>, transpose_lhs_hint = false} : vector<1000x128xf32>, vector<128x128xf32>, vector<1000x128xf32> -> vector<1000x128xf32>
    %add3A_37 = arith.addf %add3A_28, %dot_general3A_36 : vector<1000x128xf32>
    %max3A_38 = arith.constant 0.000000e+00 : f32
    %max3A_39 = vector.broadcast %max3A_38 : f32 to vector<1000x128xf32>
    %max3A_40 = arith.maximumf %add3A_37, %max3A_39 : vector<1000x128xf32>
    %swap3A = arith.constant 0 : index
    %swap3A_41 = arith.constant 0 : index
    %swap3A_42 = vector.load %arg7[%swap3A, %swap3A_41] : memref<1000x128xf32, #tpu.memory_space<vmem>>, vector<1000x128xf32>
    tpu.vector_store %arg7[%swap3A, %swap3A_41], %max3A_40 {strides = array<i32>} : memref<1000x128xf32, #tpu.memory_space<vmem>>, vector<1000x128xf32>,
    return
  }
  func.func @transform_0(%arg0: i32) -> (i32, i32, i32) {
    %c0_i32 = arith.constant 0 : i32
    %c0_i32_0 = arith.constant 0 : i32
    %c0_i32_1 = arith.constant 0 : i32
    return %c0_i32, %arg0, %c0_i32_0 : i32, i32, i32
  }
  func.func @transform_1(%arg0: i32) -> (i32, i32, i32) {
    %c0_i32 = arith.constant 0 : i32
    %c0_i32_0 = arith.constant 0 : i32
    %c0_i32_1 = arith.constant 0 : i32
    return %arg0, %c0_i32, %c0_i32_0 : i32, i32, i32
  }
  func.func @transform_2(%arg0: i32) -> (i32, i32) {
    %c0_i32 = arith.constant 0 : i32
    %c0_i32_0 = arith.constant 0 : i32
    return %arg0, %c0_i32 : i32, i32
  }
  func.func @transform_3(%arg0: i32) -> (i32, i32) {
    %c0_i32 = arith.constant 0 : i32
    %c0_i32_0 = arith.constant 0 : i32
    %c0_i32_1 = arith.constant 0 : i32
    return %c0_i32, %c0_i32_0 : i32, i32
  }
  func.func @transform_4(%arg0: i32) -> (i32, i32) {
    %c0_i32 = arith.constant 0 : i32
    %c0_i32_0 = arith.constant 0 : i32
    %c0_i32_1 = arith.constant 0 : i32
    return %c0_i32, %c0_i32_0 : i32, i32
  }
  func.func @transform_5(%arg0: i32) -> (i32, i32) {
    %c0_i32 = arith.constant 0 : i32
    %c0_i32_0 = arith.constant 0 : i32
    %c0_i32_1 = arith.constant 0 : i32
    return %c0_i32, %c0_i32_0 : i32, i32
  }
  func.func @transform_6(%arg0: i32) -> (i32, i32) {
    %c0_i32 = arith.constant 0 : i32
    %c0_i32_0 = arith.constant 0 : i32
    return %arg0, %c0_i32 : i32, i32
  }
}

module attributes {stable_mosaic.version = 14 : i64} {
  func.func @_dense_body(%arg0: i32, %arg1: memref<2x1000x128xf32, #tpu.memory_space<vmem>>, %arg2: memref<1x32x1000xf32, #tpu.memory_space<vmem>>, %arg3: memref<1000x128xf32, #tpu.memory_space<vmem>>, %arg4: memref<128x128xf32, #tpu.memory_space<vmem>>, %arg5: memref<1x128xf32, #tpu.memory_space<vmem>>, %arg6: memref<128x128xf32, #tpu.memory_space<vmem>>, %arg7: memref<1000x128xf32, #tpu.memory_space<vmem>>) attributes {dimension_semantics = [#tpu.dimension_semantics<arbitrary>], iteration_bounds = array<i64: 10>, scalar_prefetch = 0 : i64, scratch_operands = 0 : i64, tpu.core_type = #tpu.core_type<tc>, window_params = [{transform_indices = @transform_0, window_bounds = array<i64: 2, 1000, 128>}, {transform_indices = @transform_1, window_bounds = array<i64: 1, 32, 1000>}, {transform_indices = @transform_2, window_bounds = array<i64: 1000, 128>}, {pipeline_mode = #tpu.pipeline_mode<synchronous>, transform_indices = @transform_3, window_bounds = array<i64: 128, 128>}, {pipeline_mode = #tpu.pipeline_mode<synchronous>, transform_indices = @transform_4, window_bounds = array<i64: 1, 128>}, {pipeline_mode = #tpu.pipeline_mode<synchronous>, transform_indices = @transform_5, window_bounds = array<i64: 128, 128>}, {transform_indices = @transform_6, window_bounds = array<i64: 1000, 128>}]} {
    %get3A = arith.constant 0 : index
    %get3A_0 = arith.constant 0 : index
    %get3A_1 = arith.constant 0 : index
    %get3A_2 = vector.load %arg1[%get3A, %get3A_0, %get3A_1] : memref<2x1000x128xf32, #tpu.memory_space<vmem>>, vector<1x1000x128xf32>
    %get3A_3 = vector.shape_cast %get3A_2 : vector<1x1000x128xf32> to vector<1000x128xf32>
    %get3A_4 = arith.constant 1 : index
    %get3A_5 = arith.constant 0 : index
    %get3A_6 = arith.constant 0 : index
    %get3A_7 = vector.load %arg1[%get3A_4, %get3A_5, %get3A_6] : memref<2x1000x128xf32, #tpu.memory_space<vmem>>, vector<1x1000x128xf32>
    %get3A_8 = vector.shape_cast %get3A_7 : vector<1x1000x128xf32> to vector<1000x128xf32>
    %add3A = arith.addf %get3A_3, %get3A_8 : vector<1000x128xf32>
    %get3A_9 = arith.constant 0 : index
    %get3A_10 = arith.constant 0 : index
    %get3A_11 = arith.constant 0 : index
    %get3A_12 = vector.load %arg2[%get3A_9, %get3A_10, %get3A_11] : memref<1x32x1000xf32, #tpu.memory_space<vmem>>, vector<1x32x1000xf32>
    %get3A_13 = vector.shape_cast %get3A_12 : vector<1x32x1000xf32> to vector<32x1000xf32>
    %reduce_sum3A = arith.constant dense<0.000000e+00> : vector<1000xf32>
    %reduce_sum3A_14 = vector.multi_reduction <add>, %get3A_13, %reduce_sum3A [0] : vector<32x1000xf32> to vector<1000xf32>
    %broadcast_in_dim3A = vector.shape_cast %reduce_sum3A_14 : vector<1000xf32> to vector<1000x1xf32>
    %max3A = arith.constant 1.000000e+00 : f32
    %max3A_15 = vector.broadcast %max3A : f32 to vector<1000x1xf32>
    %max3A_16 = arith.maximumf %broadcast_in_dim3A, %max3A_15 : vector<1000x1xf32>
    %div3A = arith.constant 1.000000e+00 : f32
    %div3A_17 = vector.broadcast %div3A : f32 to vector<1000x1xf32>
    %div3A_18 = arith.divf %div3A_17, %max3A_16 : vector<1000x1xf32>
    %mul3A = vector.broadcast %div3A_18 : vector<1000x1xf32> to vector<1000x128xf32>
    %mul3A_19 = arith.mulf %add3A, %mul3A : vector<1000x128xf32>
    %get3A_20 = arith.constant 0 : index
    %get3A_21 = arith.constant 0 : index
    %get3A_22 = vector.load %arg4[%get3A_20, %get3A_21] : memref<128x128xf32, #tpu.memory_space<vmem>>, vector<128x128xf32>
    %dot_general3A = arith.constant dense<0.000000e+00> : vector<1000x128xf32>
    %dot_general3A_23 = tpu.matmul %mul3A_19, %get3A_22, %dot_general3A {dimension_numbers = #tpu.dot_dimension_numbers<[1], [0], [0], [1], [0, 0, 1, 1], [], []>, transpose_lhs_hint = false} : vector<1000x128xf32>, vector<128x128xf32>, vector<1000x128xf32> -> vector<1000x128xf32>
    %get3A_24 = arith.constant 0 : index
    %get3A_25 = arith.constant 0 : index
    %get3A_26 = vector.load %arg5[%get3A_24, %get3A_25] : memref<1x128xf32, #tpu.memory_space<vmem>>, vector<1x128xf32>
    %add3A_27 = vector.broadcast %get3A_26 : vector<1x128xf32> to vector<1000x128xf32>
    %add3A_28 = arith.addf %dot_general3A_23, %add3A_27 : vector<1000x128xf32>
    %get3A_29 = arith.constant 0 : index
    %get3A_30 = arith.constant 0 : index
    %get3A_31 = vector.load %arg3[%get3A_29, %get3A_30] : memref<1000x128xf32, #tpu.memory_space<vmem>>, vector<1000x128xf32>
    %get3A_32 = arith.constant 0 : index
    %get3A_33 = arith.constant 0 : index
    %get3A_34 = vector.load %arg6[%get3A_32, %get3A_33] : memref<128x128xf32, #tpu.memory_space<vmem>>, vector<128x128xf32>
    %dot_general3A_35 = arith.constant dense<0.000000e+00> : vector<1000x128xf32>
    %dot_general3A_36 = tpu.matmul %get3A_31, %get3A_34, %dot_general3A_35 {dimension_numbers = #tpu.dot_dimension_numbers<[1], [0], [0], [1], [0, 0, 1, 1], [], []>, transpose_lhs_hint = false} : vector<1000x128xf32>, vector<128x128xf32>, vector<1000x128xf32> -> vector<1000x128xf32>
    %add3A_37 = arith.addf %add3A_28, %dot_general3A_36 : vector<1000x128xf32>
    %swap3A = arith.constant 0 : index
    %swap3A_38 = arith.constant 0 : index
    %swap3A_39 = vector.load %arg7[%swap3A, %swap3A_38] : memref<1000x128xf32, #tpu.memory_space<vmem>>, vector<1000x128xf32>
    tpu.vector_store %arg7[%swap3A, %swap3A_38], %add3A_37 {strides = array<i32>} : memref<1000x128xf32, #tpu.memory_space<vmem>>, vector<1000x128xf32>,
    return
  }
  func.func @transform_0(%arg0: i32) -> (i32, i32, i32) {
    %c0_i32 = arith.constant 0 : i32
    %c0_i32_0 = arith.constant 0 : i32
    %c0_i32_1 = arith.constant 0 : i32
    return %c0_i32, %arg0, %c0_i32_0 : i32, i32, i32
  }
  func.func @transform_1(%arg0: i32) -> (i32, i32, i32) {
    %c0_i32 = arith.constant 0 : i32
    %c0_i32_0 = arith.constant 0 : i32
    %c0_i32_1 = arith.constant 0 : i32
    return %arg0, %c0_i32, %c0_i32_0 : i32, i32, i32
  }
  func.func @transform_2(%arg0: i32) -> (i32, i32) {
    %c0_i32 = arith.constant 0 : i32
    %c0_i32_0 = arith.constant 0 : i32
    return %arg0, %c0_i32 : i32, i32
  }
  func.func @transform_3(%arg0: i32) -> (i32, i32) {
    %c0_i32 = arith.constant 0 : i32
    %c0_i32_0 = arith.constant 0 : i32
    %c0_i32_1 = arith.constant 0 : i32
    return %c0_i32, %c0_i32_0 : i32, i32
  }
  func.func @transform_4(%arg0: i32) -> (i32, i32) {
    %c0_i32 = arith.constant 0 : i32
    %c0_i32_0 = arith.constant 0 : i32
    %c0_i32_1 = arith.constant 0 : i32
    return %c0_i32, %c0_i32_0 : i32, i32
  }
  func.func @transform_5(%arg0: i32) -> (i32, i32) {
    %c0_i32 = arith.constant 0 : i32
    %c0_i32_0 = arith.constant 0 : i32
    %c0_i32_1 = arith.constant 0 : i32
    return %c0_i32, %c0_i32_0 : i32, i32
  }
  func.func @transform_6(%arg0: i32) -> (i32, i32) {
    %c0_i32 = arith.constant 0 : i32
    %c0_i32_0 = arith.constant 0 : i32
    return %arg0, %c0_i32 : i32, i32
  }
}

</mosaic_0001>

<sc_bundles>
// kernel: kernel.6.cloned.1.call-start
scs
__scs_entry_jumppad:
0x0: {  	(pc) =	sbr.rel $0x88, $3  }
0x1: {  	(tag) =	ssettag $0x0;
	lr =	simm.s32 $0x1  }
0x2: {  	[smem:$0x3F99] =	sst lr;
	_ =	strace $0xD0000000  }
0x3: {  	_ = 	snop  }
0x4: {  	_ = 	snop  }
0x5: {  	_ = 	snop  }
0x6: {  	_ = 	snop  }
0x7: {  	_ = 	snop  }
__scs_overlays_trampoline_lowered:
0x8: {  	[smem:$0x3FA8] =	sst s0  }
0x9: {  	[smem:$0x3FA9] =	sst s1  }
0xa: {  	[smem:$0x3FAA] =	sst s2  }
0xb: {  	[smem:$0x3FAB] =	sst s3  }
0xc: {  	[smem:$0x3FAC] =	sst s4  }
0xd: {  	[smem:$0x3FAD] =	sst s5  }
0xe: {  	[smem:$0x3FAE] =	sst s6  }
0xf: {  	[smem:$0x3FAF] =	sst s7  }
0x10: {  	[smem:$0x3FB0] =	sst s8  }
0x11: {  	[smem:$0x3FB1] =	sst s9;
	s0 =	simm.s32 @!p0 $0x0  }
0x12: {  	s1 =	sld [smem:$0x3F97];
	s0 =	simm.s32 @p0 $0x1  }
0x13: {  	[smem:$0x3FB2] =	sst s0;
	s0 =	simm.s32 @!p1 $0x0  }
0x14: {  	s2 =	sld [smem:$0x3F96];
	s0 =	simm.s32 @p1 $0x1  }
0x15: {  	[smem:$0x3FB3] =	sst s0;
	s0 =	simm.s32 @!p2 $0x0  }
0x16: {  	s3 =	sld [smem:$0x3FDB];
	s0 =	simm.s32 @p2 $0x1  }
0x17: {  	s4 =	simm.s32 $0x1BF5;
	[smem:$0x3FB5] =	sst s0  }
0x18: {  	s0 =	sld [smem:$0x3F98];
	_ =	swait.ge [sflag:s4], $0x0  }
0x19: {  	s7 =	sld [smem:$0x3F99]  }
0x1a: {  	s8 =	sadd.s32 $0xFFFFE003, lr  }
0x1b: {  	s9 =	sadd.s32 $0xFFFFFEF7, lr;
	s5 =	simm.s32 $0xFFFFFFFF;
	p2 =	slt.u32 s8, $0xFFFFF086  }
0x1c: {  	p1 =	slt.u32 s9, $0xF7A;
	s5 =	simm.s32 @!p2 $0x0  }
0x1d: {  	s5 =	simm.s32 @p1 $0x1;
	p0 =	seq.s32 s7, s2  }
0x1e: {  	s7 =	smul.u32 @!p0 $0xF7A, s2;
	p2 =	seq.s32 @!p0 s5, $0x0  }
0x1f: {  	s9 =	smul.u32 $0xF7A, s1;
	s8 =	simm.s32 @!p0 $0x1BF5;
	p2 =	por !p2, p0  }
0x20: {  	[sflag:s8] =	ssyncset.s32 @!p0 $0xFFFFF086;
	s6 =	sadd.s32 @!p0 s3, s7;
	s7 =	simm.s32 @!p0 $0x108  }
0x21: {  	s3 =	sadd.s32 s3, s9;
	s6 =	sadd.s32 @!p0 $0x88, s6;
	s7 =	simm.s32 @p2 $0x1082  }
0x22: {  	[simem:s7], [sflag:s8] =	dma.local @!p0 [hbm:s6], $0xF7A  }
0x23: {  	s9 =	sor.u32 $0xD0000000, s2;
	s6 =	simm.s32 $0x108;
	_ =	swait.ge @!p0 [sflag:s8], $0x0  }
0x24: {  	s3 =	sadd.s32 $0x88, s3;
	s6 =	simm.s32 @!p1 $0x1082;
	[sflag:s4] =	ssyncset.s32 $0xFFFFF086  }
0x25: {  	[simem:s6], [sflag:s4] =	dma.local [hbm:s3], $0xF7A  }
0x26: {  	[smem:$0x3F99] =	sst s1;
	(tag) =	ssettag s2;
	_ =	strace s9  }
0x27: {  	s1 =	sld [smem:$0x3FA9]  }
0x28: {  	s2 =	sld [smem:$0x3FAA]  }
0x29: {  	s4 =	sld [smem:$0x3FAC]  }
0x2a: {  	p0 =	seq.s32 s5, $0x0;
	s5 =	sld [smem:$0x3FAD]  }
0x2b: {  	s6 =	sld [smem:$0x3FAE]  }
0x2c: {  	s7 =	sld [smem:$0x3FAF]  }
0x2d: {  	s3 =	simm.s32 $0x108;
	s8 =	sld [smem:$0x3FB0]  }
0x2e: {  	s3 =	simm.s32 @!p0 $0x1082;
	s9 =	sld [smem:$0x3FB1]  }
0x2f: {  	lr =	sadd.s32 s0, s3;
	s0 =	sld [smem:$0x3FA8]  }
0x30: {  	s3 =	sld [smem:$0x3FAB]  }
0x31: {  	[smem:$0x3FB4] =	sst s10  }
0x32: {  	s10 =	sld [smem:$0x3FB2];
	_ =	sdelay $0x3  }
0x33: {  	p0 =	seq.s32 s10, $0x1;
	s10 =	sld [smem:$0x3FB4];
	_ =	sdelay $0x3  }
0x34: {  	[smem:$0x3FB4] =	sst s10  }
0x35: {  	s10 =	sld [smem:$0x3FB3];
	_ =	sdelay $0x3  }
0x36: {  	p1 =	seq.s32 s10, $0x1;
	s10 =	sld [smem:$0x3FB4];
	_ =	sdelay $0x3  }
0x37: {  	[smem:$0x3FB4] =	sst s10  }
0x38: {  	s10 =	sld [smem:$0x3FB5]  }
0x39: {  	_ = 	snop;
	(pc) =	sbr.ind lr, $3  }
0x3a: {  	_ = 	snop  }
0x3b: {  	_ = 	snop  }
0x3c: {  	p2 =	seq.s32 s10, $0x1;
	s10 =	sld [smem:$0x3FB4]  }
0x3d: {  	_ =	shalt  }
0x3e: {  	_ =	shalt  }
0x3f: {  	_ =	shalt  }
0x40: {  	_ =	shalt  }
0x41: {  	_ =	shalt  }
0x42: {  	_ =	shalt  }
0x43: {  	_ =	shalt  }
0x44: {  	_ =	shalt  }
0x45: {  	_ =	shalt  }
0x46: {  	_ =	shalt  }
0x47: {  	_ =	shalt  }
0x48: {  	_ =	shalt  }
0x49: {  	_ =	shalt  }
0x4a: {  	_ =	shalt  }
0x4b: {  	_ =	shalt  }
0x4c: {  	_ =	shalt  }
0x4d: {  	_ =	shalt  }
0x4e: {  	_ =	shalt  }
0x4f: {  	_ =	shalt  }
0x50: {  	_ =	shalt  }
0x51: {  	_ =	shalt  }
0x52: {  	_ =	shalt  }
0x53: {  	_ =	shalt  }
0x54: {  	_ =	shalt  }
0x55: {  	_ =	shalt  }
0x56: {  	_ =	shalt  }
0x57: {  	_ =	shalt  }
0x58: {  	_ =	shalt  }
0x59: {  	_ =	shalt  }
0x5a: {  	_ =	shalt  }
0x5b: {  	_ =	shalt  }
0x5c: {  	_ =	shalt  }
0x5d: {  	_ =	shalt  }
0x5e: {  	_ =	shalt  }
0x5f: {  	_ =	shalt  }
0x60: {  	_ =	shalt  }
0x61: {  	_ =	shalt  }
0x62: {  	_ =	shalt  }
0x63: {  	_ =	shalt  }
0x64: {  	_ =	shalt  }
0x65: {  	_ =	shalt  }
0x66: {  	_ =	shalt  }
0x67: {  	_ =	shalt  }
0x68: {  	_ =	shalt  }
0x69: {  	_ =	shalt  }
0x6a: {  	_ =	shalt  }
0x6b: {  	_ =	shalt  }
0x6c: {  	_ =	shalt  }
0x6d: {  	_ =	shalt  }
0x6e: {  	_ =	shalt  }
0x6f: {  	_ =	shalt  }
0x70: {  	_ =	shalt  }
0x71: {  	_ =	shalt  }
0x72: {  	_ =	shalt  }
0x73: {  	_ =	shalt  }
0x74: {  	_ =	shalt  }
0x75: {  	_ =	shalt  }
0x76: {  	_ =	shalt  }
0x77: {  	_ =	shalt  }
0x78: {  	_ =	shalt  }
0x79: {  	_ =	shalt  }
0x7a: {  	_ =	shalt  }
0x7b: {  	_ =	shalt  }
0x7c: {  	_ =	shalt  }
0x7d: {  	_ =	shalt  }
0x7e: {  	_ =	shalt  }
0x7f: {  	_ =	shalt  }
0x80: {  	_ =	shalt  }
0x81: {  	_ =	shalt  }
0x82: {  	_ =	shalt  }
0x83: {  	_ =	shalt  }
0x84: {  	_ =	shalt  }
0x85: {  	_ =	shalt  }
0x86: {  	_ =	shalt  }
0x87: {  	_ =	shalt  }
.Lfunc_end0:
.L_simem_size_0:
called_computation_lowered:
.L_overlay_start_0:
0x88: {  	s2 =	sld [smem:$0x3FD9]  }
0x89: {  	s3 =	sld [smem:$0x3FFE];
	_ =	sdelay $0x1  }
0x8a: {  	s1 =	srdreg.scid  }
0x8b: {  	s0 =	sand.u32 $0x1, s1  }
0x8c: {  	s17 =	sshll.u32 s0, $0xA;
	s2 =	sadd.s32 s3, s2  }
0x8d: {  	s2 =	sadd.s32 s2, s17  }
0x8e: {  	[smem:$0x3FC0] =	sst s2  }
0x8f: {  	_ = 	snop  }
0x90: {  	s2 =	sld [smem:$0x3FC9]  }
0x91: {  	s18 =	sld [smem:$0x3FD0];
	(tm) =	ssettm $0x1  }
0x92: {  	s4 =	sld [smem:$0x3FFB];
	_ =	sdelay $0x3  }
0x93: {  	_ =	strace s4  }
0x94: {  	s4 =	sld [smem:$0x3FFC];
	_ =	sdelay $0x3  }
0x95: {  	_ =	strace s4  }
0x96: {  	s4 =	sld [smem:$0x3FFD];
	_ =	sdelay $0x3  }
0x97: {  	_ =	strace s4  }
0x98: {  	_ =	strace $0x8FFFFFFF  }
0x99: {  	s19 =	sld [smem:$0x3FDB];
	_ =	sdelay $0x1  }
0x9a: {  	s5 =	simm.s32 $_scs_section_size  }
0x9b: {  	s6 =	simm.s32 $_size__tile_overlayer_lowered;
	s7 =	simm.s32 $_tile_overlayer_lowered  }
0x9c: {  	s22 =	simm.s32 $0x1BFF;
	s21 =	sshll.u32 s7, $0x1;
	s4 =	sadd.s32 s5, s19  }
0x9d: {  	s8 =	simm.s32 $0x0;
	s20 =	sshll.u32 s6, $0x1;
	s6 =	sadd.s32 s21, s4  }
0x9e: {  	[timem:s8], [sflag:s22] =	dma.local [hbm:s6], s20  }
0x9f: {  	_ =	swait.ge [sflag:s22], s20  }
0xa0: {  	s5 =	ssub.s32 $0x0, s20;
	[sflag:s22] =	ssyncset.done $0x0  }
0xa1: {  	[sflag:s22] =	ssyncadd.s32 s5;
	_ =	sdelay $0x1  }
0xa2: {  	s23 =	simm.s32 $0x1B8B  }
0xa3: {  	_ =	swait.ge [sflag:s23], $0x1  }
0xa4: {  	[sflag:s23] =	ssyncset.done $0x0  }
0xa5: {  	s25 =	simm.s32 $0x1B8E;
	s24 =	sld [smem:$0x3FFE];
	[sflag:s23] =	ssyncadd.s32 $0xFFFFFFFF  }
0xa6: {  	s26 =	simm.s32 $execute0_lowered;
	[smem:$0x3FD2] =	sst s25  }
0xa7: {  	s6 =	sshll.u32 s26, $0x1;
	_ =	strace $0x80000046;
	[dreg:$0x1] =	wrdreg $0xFFFFFFFF  }
0xa8: {  	s28 =	simm.s32 $_size_execute0_lowered;
	s4 =	sadd.s32 s4, s6;
	[dreg:$0x0] =	wrdreg $0x0  }
0xa9: {  	s6 =	sshll.u32 s28, $0x1;
	[dreg:$0x2] =	wrdreg s4  }
0xaa: {  	[dreg:$0x3] =	wrdreg s6  }
0xab: {  	[dreg:$0x4] =	wrdreg $0xC0  }
0xac: {  	_ =	task [dreg:s8], $0x5FFFF  }
0xad: {  	[dreg:$0x1] =	wrdreg $0xFFFFFFFF  }
0xae: {  	[dreg:$0x0] =	wrdreg $0x60  }
0xaf: {  	[dreg:$0x2] =	wrdreg s2  }
0xb0: {  	[dreg:$0x3] =	wrdreg s24  }
0xb1: {  	[dreg:$0x4] =	wrdreg s18  }
0xb2: {  	[dreg:$0x5] =	wrdreg $0xBB800  }
0xb3: {  	[dreg:$0x6] =	wrdreg $0x9  }
0xb4: {  	_ =	task.clear_ibuf [dreg:s8], $0x7FFFF;
	_ =	strace $0x90000046  }
0xb5: {  	s29 =	simm.s32 $0x9;
	_ =	strace $0x80000048  }
0xb6: {  	_ =	swait.ge [sflag:s29], $0x1  }
0xb7: {  	[sflag:s29] =	ssyncadd.s32 $0xFFFFFFFF  }
0xb8: {  	_ =	strace $0x90000048  }
0xb9: {  	_ =	sfence  }
0xba: {  	s30 =	sld [smem:$0x0];
	_ =	sdelay $0x2  }
0xbb: {  	s31 =	sshll.u32 s1, $0xD;
	s1 =	sshrl.u32 s1, $0x2  }
0xbc: {  	s3 =	sand.u32 $0x4000, s31;
	s1 =	sadd.s32 s1, s30  }
0xbd: {  	s0 =	sor.u32 s3, s0;
	s1 =	sshll.u32 s1, $0x11  }
0xbe: {  	s0 =	sor.u32 s1, s0  }
0xbf: {  	s0 =	sadd.s32 $0x8F2B, s0  }
0xc0: {  	[sflag:s0] =	ssyncadd.remote.s32 $0x1  }
0xc1: {  	_ =	sfence.sel $0xFFFF  }
0xc2: {  	[dreg:$0x0] =	wrdreg $0xFFFFFFFF;
	(pc) =	sbr.abs _section_cstart, $3  }
0xc3: {  	[dreg:$0x1] =	wrdreg $0xFFFFFFFF  }
0xc4: {  	_ =	task.clear_ibuf [dreg:s8], $0x2FFFF;
	_ =	strace $0x9FFFFFFF  }
0xc5: {  	(tm) =	ssettm $0x7FFFFFFF  }
tec
execute0_lowered:
.L_overlay_start_1:
0x0: {  	(tag) =	ssettag $0x1  }
0x1: {  	s1 =	rddreg [dreg:$0x0]  }
0x2: {  	s5 =	rddreg [dreg:$0x1]  }
0x3: {  	s0 =	srdreg.scid;
	s7 =	rddreg [dreg:$0x2]  }
0x4: {  	s13 =	stileid.u32;
	s3 =	rddreg [dreg:$0x3];
	s4 =	simm.s32 $0x0  }
0x5: {  	s28 =	simm.s32 $0x7D;
	s29 =	simm.s32 $0x1000;
	s6 =	smul.u32 $0x2800, s13  }
0x6: {  	s31 =	simm.s32 $0x5000;
	s0 =	sand.u32 $0x1, s0;
	s9 =	smul.u32 $0x270, s13  }
0x7: {  	[smem:$0x7FF] =	sst s4;
	s25 =	sadd.s32 $0x16200, s5;
	s10 =	smul.u32 $0x4E000, s13  }
0x8: {  	s15 =	sadd.s32 $0x124800, s3;
	s17 =	sadd.s32 $0x9C00, s7;
	p0 =	seq.s32 s13, $0xF  }
0x9: {  	s2 =	smul.u32 $0x28000, s0;
	_ =	strace $0x80000047;
	[dreg:$0x5] =	wrdreg s25  }
0xa: {  	s8 =	smul.u32 $0x2710, s0;
	s26 =	sshll.u32 s0, $0x4;
	[dreg:$0x7] =	wrdreg s15  }
0xb: {  	s30 =	ssub.s32 $0x2, s0;
	[dreg:$0x8] =	wrdreg s17;
	s0 =	sshll.u32 s0, $0xB  }
0xc: {  	s25 =	sshll.u32 s13, $0x7;
	s15 =	simm.s32 $0x600;
	s17 =	simm.s32 $0x680  }
0xd: {  	s11 =	sshrl.u32 s30, $0x1;
	s10 =	sshrl.u32 s10, $0x2;
	s0 =	sadd.s32 s0, s7  }
0xe: {  	s2 =	sadd.s32 s6, s2;
	s24 =	sadd.s32 s9, s8;
	s8 =	sor.u32 s13, s26  }
0xf: {  	s9 =	ssub.s32 s30, s11;
	s10 =	sadd.s32 s10, s3;
	s0 =	sadd.s32 s25, s0  }
0x10: {  	s25 =	simm.s32 $0x5;
	s13 =	simm.s32 $0x580;
	s12 =	smul.u32 $0x3E8, s8  }
0x11: {  	s2 =	sshrl.u32 s2, $0x3;
	s6 =	sshll.u32 s24, $0x4;
	s14 =	smul.u32 $0x7D, s8  }
0x12: {  	[dreg:$0x6] =	wrdreg s10;
	s26 =	smax.u32 s9, $0x1;
	s0 =	sadd.s32 $0x1000, s0  }
0x13: {  	s30 =	sor.u32 $0x20, s8;
	s2 =	sadd.s32 s2, s5;
	[dreg:$0x14] =	wrdreg s26  }
0x14: {  	s6 =	sadd.s32 s6, s5;
	s5 =	sadd.s32 $0x18A00, s5;
	[dreg:$0x15] =	wrdreg s0  }
0x15: {  	[dreg:$0x16] =	wrdreg s30;
	s16 =	sshrl.u32 s12, $0x3;
	s11 =	sadd.s32 s5, s14  }
0x16: {  	s6 =	sadd.s32 $0x22800, s6;
	[dreg:$0x9] =	wrdreg s11;
	s5 =	sadd.s32 s5, s16  }
0x17: {  	p1 =	sne.s32 s8, $0x1F;
	[dreg:$0x13] =	wrdreg s6;
	s10 =	sadd.s32 $0xFA0, s5  }
0x18: {  	s8 =	simm.s32 $0x9400;
	s18 =	sadd.s32 $0x1F40, s5;
	[dreg:$0xa] =	wrdreg s10  }
0x19: {  	s9 =	simm.s32 $0x2;
	s19 =	sadd.s32 $0x2EE0, s5;
	[dreg:$0xb] =	wrdreg s18  }
0x1a: {  	s26 =	simm.s32 $0x800;
	s20 =	sadd.s32 $0x3E80, s5;
	[dreg:$0xc] =	wrdreg s19  }
0x1b: {  	s0 =	simm.s32 $0x1;
	s21 =	sadd.s32 $0x4E20, s5;
	[dreg:$0xd] =	wrdreg s20  }
0x1c: {  	s14 =	simm.s32 $0xD00;
	s22 =	sadd.s32 $0x5DC0, s5;
	[dreg:$0xe] =	wrdreg s21  }
0x1d: {  	s12 =	simm.s32 $0x0;
	s23 =	sadd.s32 $0x6D60, s5;
	[dreg:$0xf] =	wrdreg s22  }
0x1e: {  	s6 =	simm.s32 $0x3;
	s24 =	sadd.s32 $0x7D00, s5;
	[dreg:$0x10] =	wrdreg s23  }
.Ltmp0:
0x1f: {  	s5 =	sadd.s32 $0x8CA0, s5;
	[dreg:$0x11] =	wrdreg s24;
	(pc) =	sbr.rel .LBB2_1-.Ltmp0, $4  }
0x20: {  	s11 =	simm.s32 $0x4;
	s16 =	simm.s32 $0xD80;
	[dreg:$0x12] =	wrdreg s5  }
0x21: {  	s21 =	sadd.s32 $0xC200, s2;
	s22 =	sadd.s32 $0x2200, s2;
	s2 =	simm.s32 $0x9000  }
0x22: {  	s18 =	simm.s32 $0xE00;
	s20 =	simm.s32 $0x700;
	s23 =	simm.s32 $0xE80  }
0x23: {  	v0 =	vimm.f32 $0.0e+00;
	v1 =	vimm.f32 $1.000000000e+00;
	s24 =	simm.s32 $0x780;
	s5 =	simm.s32 $0xF00;
	s19 =	simm.s32 $0xF80  }
.LBB2_9:
0x24: {  	s7 =	rddreg [dreg:$0x9]  }
0x25: {  	[hbm4b:s7+s4] =	stream.linear.scatter [tilespmem:s8], [sflag:$0x5], $0x3E8, $0x38;
	[tilespmem:$0x1F400] =	vst v63  }
0x26: {  	_ =	swait.ge [sflag:s25], $0x3E8  }
0x27: {  	[sflag:s25] =	ssyncset.done $0x0  }
0x28: {  	s10 =	simm.s32 $0x97E8;
	s30 =	rddreg [dreg:$0xa];
	[sflag:s25] =	ssyncadd.s32 $0xFFFFFC18  }
0x29: {  	[hbm4b:s30+s4] =	stream.linear.scatter [tilespmem:s10], [sflag:$0x5], $0x3E8, $0x38;
	[tilespmem:$0x1F400] =	vst v63  }
0x2a: {  	_ =	swait.ge [sflag:s25], $0x3E8  }
0x2b: {  	[sflag:s25] =	ssyncset.done $0x0  }
0x2c: {  	s30 =	simm.s32 $0x9BD0;
	s10 =	rddreg [dreg:$0xb];
	[sflag:s25] =	ssyncadd.s32 $0xFFFFFC18  }
0x2d: {  	[hbm4b:s10+s4] =	stream.linear.scatter [tilespmem:s30], [sflag:$0x5], $0x3E8, $0x38;
	[tilespmem:$0x1F400] =	vst v63  }
0x2e: {  	_ =	swait.ge [sflag:s25], $0x3E8  }
0x2f: {  	[sflag:s25] =	ssyncset.done $0x0  }
0x30: {  	s30 =	simm.s32 $0x9FB8;
	s10 =	rddreg [dreg:$0xc];
	[sflag:s25] =	ssyncadd.s32 $0xFFFFFC18  }
0x31: {  	[hbm4b:s10+s4] =	stream.linear.scatter [tilespmem:s30], [sflag:$0x5], $0x3E8, $0x38;
	[tilespmem:$0x1F400] =	vst v63  }
0x32: {  	_ =	swait.ge [sflag:s25], $0x3E8  }
0x33: {  	[sflag:s25] =	ssyncset.done $0x0  }
0x34: {  	s30 =	simm.s32 $0xA3A0;
	s10 =	rddreg [dreg:$0xd];
	[sflag:s25] =	ssyncadd.s32 $0xFFFFFC18  }
0x35: {  	[hbm4b:s10+s4] =	stream.linear.scatter [tilespmem:s30], [sflag:$0x5], $0x3E8, $0x38;
	[tilespmem:$0x1F400] =	vst v63  }
0x36: {  	_ =	swait.ge [sflag:s25], $0x3E8  }
0x37: {  	[sflag:s25] =	ssyncset.done $0x0  }
0x38: {  	s30 =	simm.s32 $0xA788;
	s10 =	rddreg [dreg:$0xe];
	[sflag:s25] =	ssyncadd.s32 $0xFFFFFC18  }
0x39: {  	[hbm4b:s10+s4] =	stream.linear.scatter [tilespmem:s30], [sflag:$0x5], $0x3E8, $0x38;
	[tilespmem:$0x1F400] =	vst v63  }
0x3a: {  	_ =	swait.ge [sflag:s25], $0x3E8  }
0x3b: {  	[sflag:s25] =	ssyncset.done $0x0  }
0x3c: {  	s30 =	simm.s32 $0xAB70;
	s10 =	rddreg [dreg:$0xf];
	[sflag:s25] =	ssyncadd.s32 $0xFFFFFC18  }
0x3d: {  	[hbm4b:s10+s4] =	stream.linear.scatter [tilespmem:s30], [sflag:$0x5], $0x3E8, $0x38;
	[tilespmem:$0x1F400] =	vst v63  }
0x3e: {  	_ =	swait.ge [sflag:s25], $0x3E8  }
0x3f: {  	[sflag:s25] =	ssyncset.done $0x0  }
0x40: {  	s30 =	simm.s32 $0xAF58;
	s10 =	rddreg [dreg:$0x10];
	[sflag:s25] =	ssyncadd.s32 $0xFFFFFC18  }
0x41: {  	[hbm4b:s10+s4] =	stream.linear.scatter [tilespmem:s30], [sflag:$0x5], $0x3E8, $0x38;
	[tilespmem:$0x1F400] =	vst v63  }
0x42: {  	_ =	swait.ge [sflag:s25], $0x3E8  }
0x43: {  	[sflag:s25] =	ssyncset.done $0x0  }
0x44: {  	s30 =	simm.s32 $0xB340;
	s10 =	rddreg [dreg:$0x11];
	[sflag:s25] =	ssyncadd.s32 $0xFFFFFC18  }
0x45: {  	[hbm4b:s10+s4] =	stream.linear.scatter [tilespmem:s30], [sflag:$0x5], $0x3E8, $0x38;
	[tilespmem:$0x1F400] =	vst v63  }
0x46: {  	_ =	swait.ge [sflag:s25], $0x3E8  }
0x47: {  	[sflag:s25] =	ssyncset.done $0x0  }
0x48: {  	s30 =	simm.s32 $0xB728;
	s10 =	rddreg [dreg:$0x12];
	[sflag:s25] =	ssyncadd.s32 $0xFFFFFC18  }
0x49: {  	[hbm4b:s10+s4] =	stream.linear.scatter [tilespmem:s30], [sflag:$0x5], $0x3E8, $0x38;
	[tilespmem:$0x1F400] =	vst v63  }
0x4a: {  	_ =	swait.ge [sflag:s25], $0x3E8  }
0x4b: {  	[sflag:s25] =	ssyncset.done $0x0  }
0x4c: {  	[sflag:s25] =	ssyncadd.s32 $0xFFFFFC18  }
0x4d: {  	[bflag:$0x0] =	sbarrier.arrive $0xFFFF  }
0x4e: {  	s10 =	rddreg [dreg:$0x13]  }
0x4f: {  	s7 =	simm.s32 @p0 $0x1FC5;
	s30 =	rddreg [dreg:$0x18]  }
0x50: {  	[hbm:s10], [sflag:s7] =	dma.local @p0 [spmem:s30], $0x2800  }
0x51: {  	s7 =	simm.s32 @p0 $0x5  }
0x52: {  	_ =	swait.ge @p0 [sflag:s7], $0x2800  }
0x53: {  	[sflag:s7] =	ssyncset.done @p0 $0x0;
	s30 =	rddreg [dreg:$0x1a]  }
0x54: {  	[sflag:s7] =	ssyncadd.s32 @p0 $0xFFFFD800;
	s7 =	rddreg [dreg:$0x19]  }
0x55: {  	[hbm:s10], [sflag:s7] =	dma.local @!p0 [spmem:s30], $0x2700  }
0x56: {  	s7 =	simm.s32 @!p0 $0x5  }
0x57: {  	_ =	swait.ge @!p0 [sflag:s7], $0x2700  }
0x58: {  	s12 =	sadd.s32 $0x1, s12;
	s30 =	rddreg [dreg:$0x14]  }
0x59: {  	p2 =	sne.s32 s12, s30  }
.Ltmp1:
0x5a: {  	_ = 	snop;
	(pc) =	sbr.rel @!p2 .LBB2_10-.Ltmp1, $3  }
0x5b: {  	_ =	sdelay $0x1  }
0x5c: {  	[sflag:s7] =	ssyncset.done @!p0 $0x0  }
0x5d: {  	[sflag:s7] =	ssyncadd.s32 @!p0 $0xFFFFD900  }
.LBB2_1:
0x5e: {  	[dreg:$0x17] =	wrdreg s12  }
0x5f: {  	s7 =	rddreg [dreg:$0x7]  }
0x60: {  	s12 =	rddreg [dreg:$0x5];
	s10 =	sshrl.u32 @p0 s7, $0x3  }
0x61: {  	s7 =	simm.s32 @p0 $0x1FC5;
	[dreg:$0x18] =	wrdreg s10  }
0x62: {  	[spmem:s10], [sflag:s7] =	dma.local @p0 [hbm:s12], $0x2800  }
0x63: {  	s7 =	simm.s32 @p0 $0x5  }
0x64: {  	s10 =	stileid.u32;
	_ =	swait.ge @p0 [sflag:s7], $0x2800  }
0x65: {  	s10 =	sshll.u32 @!p0 s10, $0x6;
	[sflag:s7] =	ssyncset.done @p0 $0x0  }
0x66: {  	s10 =	sor.u32 @!p0 $0x1C05, s10;
	[sflag:s7] =	ssyncadd.s32 @p0 $0xFFFFD800;
	s7 =	rddreg [dreg:$0x6]  }
0x67: {  	[dreg:$0x19] =	wrdreg s10;
	s7 =	sshrl.u32 @!p0 s7, $0x3  }
0x68: {  	[dreg:$0x1a] =	wrdreg s7  }
0x69: {  	[spmem:s7], [sflag:s10] =	dma.local @!p0 [hbm:s12], $0x2700  }
0x6a: {  	s7 =	simm.s32 @!p0 $0x5  }
0x6b: {  	_ =	swait.ge @!p0 [sflag:s7], $0x2700  }
0x6c: {  	[sflag:s7] =	ssyncset.done @!p0 $0x0  }
0x6d: {  	s10 =	simm.s32 $0x0;
	[sflag:s7] =	ssyncadd.s32 @!p0 $0xFFFFD900;
	s7 =	simm.s32 $0x40  }
.LBB2_2:
0x6e: {  	p2 =	sne.s32 s7, $0x9C00;
	[tilespmem:s10+$0x9400] =	vst v0;
	s10 =	smov.u32 s7;
	s7 =	sadd.s32 $0x40, s7  }
.Ltmp2:
0x6f: {  	(pc) =	sbr.rel @p2 .LBB2_2-.Ltmp2, $2  }
0x70: {  	_ =	sdelay $0x2  }
0x71: {  	s10 =	sshra.s32 s10, $0x2  }
.Ltmp3:
0x72: {  	(pc) =	sbr.rel .LBB2_4-.Ltmp3, $4  }
0x73: {  	[tilespmem:s10+$0x9400] =	vst v0  }
0x74: {  	[bflag:$0x0] =	sbarrier.arrive $0xFFFF  }
0x75: {  	s7 =	rddreg [dreg:$0x16]  }
0x76: {  	s30 =	simm.s32 $0x0;
	s10 =	rddreg [dreg:$0x15]  }
.LBB2_6:
0x77: {  	_ =	swait.ge [sflag:s9], $0x3E80  }
0x78: {  	[sflag:s9] =	ssyncset.done $0x0  }
0x79: {  	s12 =	simm.s32 $0xB80;
	[sflag:s9] =	ssyncadd.s32 $0xFFFFC180  }
0x7a: {  	[spmem:s3] =	stream.indirect.scatter.add.f32 [tilespmem:s31], [sflag:$0x4], $0x80, s12, s28, $0xb8;
	[tilespmem:$0x1F400] =	vst v63  }
0x7b: {  	_ =	swait.ge [sflag:s11], $0x3E80  }
0x7c: {  	[sflag:s11] =	ssyncset.done $0x0  }
0x7d: {  	s12 =	simm.s32 $0x480;
	[sflag:s11] =	ssyncadd.s32 $0xFFFFC180  }
0x7e: {  	[tilespmem:s31], [sflag:$0x2] =	stream.indirect.gather [hbm4b:s1+s28], $0x80, s12, s28, $0xb8;
	[tilespmem:$0x1F400] =	vst v63  }
0x7f: {  	_ =	swait.ge [sflag:s0], $0x3E80  }
0x80: {  	[sflag:s0] =	ssyncset.done $0x0  }
0x81: {  	s12 =	simm.s32 $0xC00;
	[sflag:s0] =	ssyncadd.s32 $0xFFFFC180  }
0x82: {  	[spmem:s3] =	stream.indirect.scatter.add.f32 [tilespmem:s29], [sflag:$0x3], $0x80, s12, s28, $0xb8;
	[tilespmem:$0x1F400] =	vst v63  }
0x83: {  	_ =	swait.ge [sflag:s6], $0x3E80  }
0x84: {  	[sflag:s6] =	ssyncset.done $0x0  }
0x85: {  	s12 =	simm.s32 $0x500;
	[sflag:s6] =	ssyncadd.s32 $0xFFFFC180  }
0x86: {  	[tilespmem:s29], [sflag:$0x1] =	stream.indirect.gather [hbm4b:s1+s28], $0x80, s12, s28, $0xb8;
	[tilespmem:$0x1F400] =	vst v63  }
0x87: {  	_ =	swait.ge [sflag:s9], $0x3E80  }
0x88: {  	[sflag:s9] =	ssyncset.done $0x0  }
0x89: {  	s12 =	simm.s32 $0xC80;
	[sflag:s9] =	ssyncadd.s32 $0xFFFFC180  }
0x8a: {  	[spmem:s3] =	stream.indirect.scatter.add.f32 [tilespmem:s31], [sflag:$0x4], $0x80, s12, s28, $0xb8;
	[tilespmem:$0x1F400] =	vst v63  }
0x8b: {  	_ =	swait.ge [sflag:s11], $0x3E80  }
0x8c: {  	[sflag:s11] =	ssyncset.done $0x0  }
0x8d: {  	[sflag:s11] =	ssyncadd.s32 $0xFFFFC180  }
0x8e: {  	[tilespmem:s31], [sflag:$0x2] =	stream.indirect.gather [hbm4b:s1+s28], $0x80, s13, s28, $0xb8;
	[tilespmem:$0x1F400] =	vst v63  }
0x8f: {  	_ =	swait.ge [sflag:s0], $0x3E80  }
0x90: {  	[sflag:s0] =	ssyncset.done $0x0  }
0x91: {  	[sflag:s0] =	ssyncadd.s32 $0xFFFFC180  }
0x92: {  	[spmem:s3] =	stream.indirect.scatter.add.f32 [tilespmem:s29], [sflag:$0x3], $0x80, s14, s28, $0xb8;
	[tilespmem:$0x1F400] =	vst v63  }
0x93: {  	_ =	swait.ge [sflag:s6], $0x3E80  }
0x94: {  	[sflag:s6] =	ssyncset.done $0x0  }
0x95: {  	[sflag:s6] =	ssyncadd.s32 $0xFFFFC180  }
0x96: {  	[tilespmem:s29], [sflag:$0x1] =	stream.indirect.gather [hbm4b:s1+s28], $0x80, s15, s28, $0xb8;
	[tilespmem:$0x1F400] =	vst v63  }
0x97: {  	_ =	swait.ge [sflag:s9], $0x3E80  }
0x98: {  	[sflag:s9] =	ssyncset.done $0x0  }
0x99: {  	[sflag:s9] =	ssyncadd.s32 $0xFFFFC180  }
0x9a: {  	[spmem:s3] =	stream.indirect.scatter.add.f32 [tilespmem:s31], [sflag:$0x4], $0x80, s16, s28, $0xb8;
	[tilespmem:$0x1F400] =	vst v63  }
0x9b: {  	_ =	swait.ge [sflag:s11], $0x3E80  }
0x9c: {  	[sflag:s11] =	ssyncset.done $0x0  }
0x9d: {  	[sflag:s11] =	ssyncadd.s32 $0xFFFFC180  }
0x9e: {  	[tilespmem:s31], [sflag:$0x2] =	stream.indirect.gather [hbm4b:s1+s28], $0x80, s17, s28, $0xb8;
	[tilespmem:$0x1F400] =	vst v63  }
0x9f: {  	_ =	swait.ge [sflag:s0], $0x3E80  }
0xa0: {  	[sflag:s0] =	ssyncset.done $0x0  }
0xa1: {  	[sflag:s0] =	ssyncadd.s32 $0xFFFFC180  }
0xa2: {  	[spmem:s3] =	stream.indirect.scatter.add.f32 [tilespmem:s29], [sflag:$0x3], $0x80, s18, s28, $0xb8;
	[tilespmem:$0x1F400] =	vst v63  }
0xa3: {  	_ =	swait.ge [sflag:s6], $0x3E80  }
0xa4: {  	[sflag:s6] =	ssyncset.done $0x0  }
0xa5: {  	[sflag:s6] =	ssyncadd.s32 $0xFFFFC180  }
0xa6: {  	[tilespmem:s29], [sflag:$0x1] =	stream.indirect.gather [hbm4b:s1+s28], $0x80, s20, s28, $0xb8;
	[tilespmem:$0x1F400] =	vst v63  }
0xa7: {  	_ =	swait.ge [sflag:s9], $0x3E80  }
0xa8: {  	[sflag:s9] =	ssyncset.done $0x0  }
0xa9: {  	[sflag:s9] =	ssyncadd.s32 $0xFFFFC180  }
0xaa: {  	[spmem:s3] =	stream.indirect.scatter.add.f32 [tilespmem:s31], [sflag:$0x4], $0x80, s23, s28, $0xb8;
	[tilespmem:$0x1F400] =	vst v63  }
0xab: {  	_ =	swait.ge [sflag:s11], $0x3E80  }
0xac: {  	[sflag:s11] =	ssyncset.done $0x0  }
0xad: {  	[sflag:s11] =	ssyncadd.s32 $0xFFFFC180  }
0xae: {  	[tilespmem:s31], [sflag:$0x2] =	stream.indirect.gather [hbm4b:s1+s28], $0x80, s24, s28, $0xb8;
	[tilespmem:$0x1F400] =	vst v63  }
0xaf: {  	_ =	swait.ge [sflag:s0], $0x3E80  }
0xb0: {  	s30 =	sadd.s32 $0x100, s30;
	[sflag:s0] =	ssyncset.done $0x0  }
0xb1: {  	p2 =	sne.s32 s30, $0x500;
	[sflag:s0] =	ssyncadd.s32 $0xFFFFC180  }
0xb2: {  	[spmem:s3] =	stream.indirect.scatter.add.f32 [tilespmem:s29], [sflag:$0x3], $0x80, s5, s28, $0xb8;
	[tilespmem:$0x1F400] =	vst v63  }
.Ltmp4:
0xb3: {  	_ = 	snop;
	(pc) =	sbr.rel @!p2 .LBB2_7-.Ltmp4, $4  }
0xb4: {  	_ =	swait.ge [sflag:s9], $0x3E80  }
0xb5: {  	[sflag:s9] =	ssyncset.done $0x0  }
0xb6: {  	s10 =	sadd.s32 $0x2000, s10;
	s7 =	sadd.s32 $0x40, s7;
	[sflag:s9] =	ssyncadd.s32 $0xFFFFC180  }
0xb7: {  	[spmem:s3] =	stream.indirect.scatter.add.f32 [tilespmem:s31], [sflag:$0x4], $0x80, s19, s28, $0xb8;
	[tilespmem:$0x1F400] =	vst v63  }
.LBB2_4:
0xb8: {  	p2 =	seq.s32 s30, $0x0  }
0xb9: {  	s12 =	simm.s32 @!p2 $0x3  }
0xba: {  	_ =	swait.ge @!p2 [sflag:s12], $0x3E80  }
0xbb: {  	[sflag:s12] =	ssyncset.done @!p2 $0x0  }
0xbc: {  	[sflag:s12] =	ssyncadd.s32 @!p2 $0xFFFFC180;
	s12 =	simm.s32 @!p2 $0x4  }
0xbd: {  	_ =	swait.ge @!p2 [sflag:s12], $0x3E80  }
0xbe: {  	[sflag:s12] =	ssyncset.done @!p2 $0x0  }
0xbf: {  	[sflag:s12] =	ssyncadd.s32 @!p2 $0xFFFFC180;
	s12 =	sadd.s32 s30, s22  }
0xc0: {  	[tilespmem:s4], [sflag:$0x5] =	stream.linear.gather [hbm4b:s12+s4], $0x800, $0x38;
	[tilespmem:$0x1F400] =	vst v63  }
0xc1: {  	_ =	swait.ge [sflag:s25], $0x800  }
0xc2: {  	[sflag:s25] =	ssyncset.done $0x0  }
0xc3: {  	s12 =	sadd.s32 s30, s21;
	[sflag:s25] =	ssyncadd.s32 $0xFFFFF800  }
0xc4: {  	[tilespmem:s26], [sflag:$0x5] =	stream.linear.gather [hbm4b:s12+s4], $0x800, $0x38;
	[tilespmem:$0x1F400] =	vst v63  }
0xc5: {  	_ =	swait.ge [sflag:s25], $0x800  }
0xc6: {  	[sflag:s25] =	ssyncset.done $0x0  }
0xc7: {  	[sflag:s25] =	ssyncadd.s32 $0xFFFFF800  }
0xc8: {  	[tilespmem:s29], [sflag:$0x1] =	stream.indirect.gather [hbm4b:s1+s28], $0x80, s4, s28, $0xb8;
	[tilespmem:$0x1F400] =	vst v63  }
0xc9: {  	s12 =	simm.s32 $0x80  }
0xca: {  	[tilespmem:s31], [sflag:$0x2] =	stream.indirect.gather [hbm4b:s1+s28], $0x80, s12, s28, $0xb8;
	[tilespmem:$0x1F400] =	vst v63  }
0xcb: {  	s12 =	sadd.s32 $0xFFFFF000, s10  }
0xcc: {  	[tilespmem:s2], [sflag:$0x5] =	stream.linear.gather [hbm4b:s12+s4], $0x400, $0x38;
	[tilespmem:$0x1F400] =	vst v63  }
0xcd: {  	_ =	swait.ge [sflag:s25], $0x400  }
0xce: {  	[sflag:s25] =	ssyncset.done $0x0  }
0xcf: {  	[sflag:s25] =	ssyncadd.s32 $0xFFFFFC00  }
0xd0: {  	v2 =	vld [tilespmem:$0x9000];
	_ =	sdelay $0x7  }
0xd1: {  	[tilespmem:v2+s8+$0x0] =	vst.idx.add.f32.msk $0xffff, v1  }
0xd2: {  	v2 =	vld [tilespmem:$0x9010];
	_ =	sdelay $0x7  }
0xd3: {  	[tilespmem:v2+s8+$0x0] =	vst.idx.add.f32.msk $0xffff, v1  }
0xd4: {  	v2 =	vld [tilespmem:$0x9020];
	_ =	sdelay $0x7  }
0xd5: {  	[tilespmem:v2+s8+$0x0] =	vst.idx.add.f32.msk $0xffff, v1  }
0xd6: {  	v2 =	vld [tilespmem:$0x9030];
	_ =	sdelay $0x7  }
0xd7: {  	[tilespmem:v2+s8+$0x0] =	vst.idx.add.f32.msk $0xffff, v1  }
0xd8: {  	v2 =	vld [tilespmem:$0x9040];
	_ =	sdelay $0x7  }
0xd9: {  	[tilespmem:v2+s8+$0x0] =	vst.idx.add.f32.msk $0xffff, v1  }
0xda: {  	v2 =	vld [tilespmem:$0x9050];
	_ =	sdelay $0x7  }
0xdb: {  	[tilespmem:v2+s8+$0x0] =	vst.idx.add.f32.msk $0xffff, v1  }
0xdc: {  	v2 =	vld [tilespmem:$0x9060];
	_ =	sdelay $0x7  }
0xdd: {  	[tilespmem:v2+s8+$0x0] =	vst.idx.add.f32.msk $0xffff, v1  }
0xde: {  	v2 =	vld [tilespmem:$0x9070];
	_ =	sdelay $0x7  }
0xdf: {  	[tilespmem:v2+s8+$0x0] =	vst.idx.add.f32.msk $0xffff, v1  }
0xe0: {  	v2 =	vld [tilespmem:$0x9080];
	_ =	sdelay $0x7  }
0xe1: {  	[tilespmem:v2+s8+$0x0] =	vst.idx.add.f32.msk $0xffff, v1  }
0xe2: {  	v2 =	vld [tilespmem:$0x9090];
	_ =	sdelay $0x7  }
0xe3: {  	[tilespmem:v2+s8+$0x0] =	vst.idx.add.f32.msk $0xffff, v1  }
0xe4: {  	v2 =	vld [tilespmem:$0x90A0];
	_ =	sdelay $0x7  }
0xe5: {  	[tilespmem:v2+s8+$0x0] =	vst.idx.add.f32.msk $0xffff, v1  }
0xe6: {  	v2 =	vld [tilespmem:$0x90B0];
	_ =	sdelay $0x7  }
0xe7: {  	[tilespmem:v2+s8+$0x0] =	vst.idx.add.f32.msk $0xffff, v1  }
0xe8: {  	v2 =	vld [tilespmem:$0x90C0];
	_ =	sdelay $0x7  }
0xe9: {  	[tilespmem:v2+s8+$0x0] =	vst.idx.add.f32.msk $0xffff, v1  }
0xea: {  	v2 =	vld [tilespmem:$0x90D0];
	_ =	sdelay $0x7  }
0xeb: {  	[tilespmem:v2+s8+$0x0] =	vst.idx.add.f32.msk $0xffff, v1  }
0xec: {  	v2 =	vld [tilespmem:$0x90E0];
	_ =	sdelay $0x7  }
0xed: {  	[tilespmem:v2+s8+$0x0] =	vst.idx.add.f32.msk $0xffff, v1  }
0xee: {  	v2 =	vld [tilespmem:$0x90F0];
	_ =	sdelay $0x7  }
0xef: {  	[tilespmem:v2+s8+$0x0] =	vst.idx.add.f32.msk $0xffff, v1  }
0xf0: {  	v2 =	vld [tilespmem:$0x9100];
	_ =	sdelay $0x7  }
0xf1: {  	[tilespmem:v2+s8+$0x0] =	vst.idx.add.f32.msk $0xffff, v1  }
0xf2: {  	v2 =	vld [tilespmem:$0x9110];
	_ =	sdelay $0x7  }
0xf3: {  	[tilespmem:v2+s8+$0x0] =	vst.idx.add.f32.msk $0xffff, v1  }
0xf4: {  	v2 =	vld [tilespmem:$0x9120];
	_ =	sdelay $0x7  }
0xf5: {  	[tilespmem:v2+s8+$0x0] =	vst.idx.add.f32.msk $0xffff, v1  }
0xf6: {  	v2 =	vld [tilespmem:$0x9130];
	_ =	sdelay $0x7  }
0xf7: {  	[tilespmem:v2+s8+$0x0] =	vst.idx.add.f32.msk $0xffff, v1  }
0xf8: {  	v2 =	vld [tilespmem:$0x9140];
	_ =	sdelay $0x7  }
0xf9: {  	[tilespmem:v2+s8+$0x0] =	vst.idx.add.f32.msk $0xffff, v1  }
0xfa: {  	v2 =	vld [tilespmem:$0x9150];
	_ =	sdelay $0x7  }
0xfb: {  	[tilespmem:v2+s8+$0x0] =	vst.idx.add.f32.msk $0xffff, v1  }
0xfc: {  	v2 =	vld [tilespmem:$0x9160];
	_ =	sdelay $0x7  }
0xfd: {  	[tilespmem:v2+s8+$0x0] =	vst.idx.add.f32.msk $0xffff, v1  }
0xfe: {  	v2 =	vld [tilespmem:$0x9170];
	_ =	sdelay $0x7  }
0xff: {  	[tilespmem:v2+s8+$0x0] =	vst.idx.add.f32.msk $0xffff, v1  }
0x100: {  	v2 =	vld [tilespmem:$0x9180];
	_ =	sdelay $0x7  }
0x101: {  	[tilespmem:v2+s8+$0x0] =	vst.idx.add.f32.msk $0xffff, v1  }
0x102: {  	v2 =	vld [tilespmem:$0x9190];
	_ =	sdelay $0x7  }
0x103: {  	[tilespmem:v2+s8+$0x0] =	vst.idx.add.f32.msk $0xffff, v1  }
0x104: {  	v2 =	vld [tilespmem:$0x91A0];
	_ =	sdelay $0x7  }
0x105: {  	[tilespmem:v2+s8+$0x0] =	vst.idx.add.f32.msk $0xffff, v1  }
0x106: {  	v2 =	vld [tilespmem:$0x91B0];
	_ =	sdelay $0x7  }
0x107: {  	[tilespmem:v2+s8+$0x0] =	vst.idx.add.f32.msk $0xffff, v1  }
0x108: {  	v2 =	vld [tilespmem:$0x91C0];
	_ =	sdelay $0x7  }
0x109: {  	[tilespmem:v2+s8+$0x0] =	vst.idx.add.f32.msk $0xffff, v1  }
0x10a: {  	v2 =	vld [tilespmem:$0x91D0];
	_ =	sdelay $0x7  }
0x10b: {  	[tilespmem:v2+s8+$0x0] =	vst.idx.add.f32.msk $0xffff, v1  }
0x10c: {  	v2 =	vld [tilespmem:$0x91E0];
	_ =	sdelay $0x7  }
0x10d: {  	[tilespmem:v2+s8+$0x0] =	vst.idx.add.f32.msk $0xffff, v1  }
0x10e: {  	v2 =	vld [tilespmem:$0x91F0];
	_ =	sdelay $0x7  }
0x10f: {  	[tilespmem:v2+s8+$0x0] =	vst.idx.add.f32.msk $0xffff, v1  }
0x110: {  	v2 =	vld [tilespmem:$0x9200];
	_ =	sdelay $0x7  }
0x111: {  	[tilespmem:v2+s8+$0x0] =	vst.idx.add.f32.msk $0xffff, v1  }
0x112: {  	v2 =	vld [tilespmem:$0x9210];
	_ =	sdelay $0x7  }
0x113: {  	[tilespmem:v2+s8+$0x0] =	vst.idx.add.f32.msk $0xffff, v1  }
0x114: {  	v2 =	vld [tilespmem:$0x9220];
	_ =	sdelay $0x7  }
0x115: {  	[tilespmem:v2+s8+$0x0] =	vst.idx.add.f32.msk $0xffff, v1  }
0x116: {  	v2 =	vld [tilespmem:$0x9230];
	_ =	sdelay $0x7  }
0x117: {  	[tilespmem:v2+s8+$0x0] =	vst.idx.add.f32.msk $0xffff, v1  }
0x118: {  	v2 =	vld [tilespmem:$0x9240];
	_ =	sdelay $0x7  }
0x119: {  	[tilespmem:v2+s8+$0x0] =	vst.idx.add.f32.msk $0xffff, v1  }
0x11a: {  	v2 =	vld [tilespmem:$0x9250];
	_ =	sdelay $0x7  }
0x11b: {  	[tilespmem:v2+s8+$0x0] =	vst.idx.add.f32.msk $0xffff, v1  }
0x11c: {  	v2 =	vld [tilespmem:$0x9260];
	_ =	sdelay $0x7  }
0x11d: {  	[tilespmem:v2+s8+$0x0] =	vst.idx.add.f32.msk $0xffff, v1  }
0x11e: {  	v2 =	vld [tilespmem:$0x9270];
	_ =	sdelay $0x7  }
0x11f: {  	[tilespmem:v2+s8+$0x0] =	vst.idx.add.f32.msk $0xffff, v1  }
0x120: {  	v2 =	vld [tilespmem:$0x9280];
	_ =	sdelay $0x7  }
0x121: {  	[tilespmem:v2+s8+$0x0] =	vst.idx.add.f32.msk $0xffff, v1  }
0x122: {  	v2 =	vld [tilespmem:$0x9290];
	_ =	sdelay $0x7  }
0x123: {  	[tilespmem:v2+s8+$0x0] =	vst.idx.add.f32.msk $0xffff, v1  }
0x124: {  	v2 =	vld [tilespmem:$0x92A0];
	_ =	sdelay $0x7  }
0x125: {  	[tilespmem:v2+s8+$0x0] =	vst.idx.add.f32.msk $0xffff, v1  }
0x126: {  	v2 =	vld [tilespmem:$0x92B0];
	_ =	sdelay $0x7  }
0x127: {  	[tilespmem:v2+s8+$0x0] =	vst.idx.add.f32.msk $0xffff, v1  }
0x128: {  	v2 =	vld [tilespmem:$0x92C0];
	_ =	sdelay $0x7  }
0x129: {  	[tilespmem:v2+s8+$0x0] =	vst.idx.add.f32.msk $0xffff, v1  }
0x12a: {  	v2 =	vld [tilespmem:$0x92D0];
	_ =	sdelay $0x7  }
0x12b: {  	[tilespmem:v2+s8+$0x0] =	vst.idx.add.f32.msk $0xffff, v1  }
0x12c: {  	v2 =	vld [tilespmem:$0x92E0];
	_ =	sdelay $0x7  }
0x12d: {  	[tilespmem:v2+s8+$0x0] =	vst.idx.add.f32.msk $0xffff, v1  }
0x12e: {  	v2 =	vld [tilespmem:$0x92F0];
	_ =	sdelay $0x7  }
0x12f: {  	[tilespmem:v2+s8+$0x0] =	vst.idx.add.f32.msk $0xffff, v1  }
0x130: {  	v2 =	vld [tilespmem:$0x9300];
	_ =	sdelay $0x7  }
0x131: {  	[tilespmem:v2+s8+$0x0] =	vst.idx.add.f32.msk $0xffff, v1  }
0x132: {  	v2 =	vld [tilespmem:$0x9310];
	_ =	sdelay $0x7  }
0x133: {  	[tilespmem:v2+s8+$0x0] =	vst.idx.add.f32.msk $0xffff, v1  }
0x134: {  	v2 =	vld [tilespmem:$0x9320];
	_ =	sdelay $0x7  }
0x135: {  	[tilespmem:v2+s8+$0x0] =	vst.idx.add.f32.msk $0xffff, v1  }
0x136: {  	v2 =	vld [tilespmem:$0x9330];
	_ =	sdelay $0x7  }
0x137: {  	[tilespmem:v2+s8+$0x0] =	vst.idx.add.f32.msk $0xffff, v1  }
0x138: {  	v2 =	vld [tilespmem:$0x9340];
	_ =	sdelay $0x7  }
0x139: {  	[tilespmem:v2+s8+$0x0] =	vst.idx.add.f32.msk $0xffff, v1  }
0x13a: {  	v2 =	vld [tilespmem:$0x9350];
	_ =	sdelay $0x7  }
0x13b: {  	[tilespmem:v2+s8+$0x0] =	vst.idx.add.f32.msk $0xffff, v1  }
0x13c: {  	v2 =	vld [tilespmem:$0x9360];
	_ =	sdelay $0x7  }
0x13d: {  	[tilespmem:v2+s8+$0x0] =	vst.idx.add.f32.msk $0xffff, v1  }
0x13e: {  	v2 =	vld [tilespmem:$0x9370];
	_ =	sdelay $0x7  }
0x13f: {  	[tilespmem:v2+s8+$0x0] =	vst.idx.add.f32.msk $0xffff, v1  }
0x140: {  	v2 =	vld [tilespmem:$0x9380];
	_ =	sdelay $0x7  }
0x141: {  	[tilespmem:v2+s8+$0x0] =	vst.idx.add.f32.msk $0xffff, v1  }
0x142: {  	v2 =	vld [tilespmem:$0x9390];
	_ =	sdelay $0x7  }
0x143: {  	[tilespmem:v2+s8+$0x0] =	vst.idx.add.f32.msk $0xffff, v1  }
0x144: {  	v2 =	vld [tilespmem:$0x93A0];
	_ =	sdelay $0x7  }
0x145: {  	[tilespmem:v2+s8+$0x0] =	vst.idx.add.f32.msk $0xffff, v1  }
0x146: {  	v2 =	vld [tilespmem:$0x93B0];
	_ =	sdelay $0x7  }
0x147: {  	[tilespmem:v2+s8+$0x0] =	vst.idx.add.f32.msk $0xffff, v1  }
0x148: {  	v2 =	vld [tilespmem:$0x93C0];
	_ =	sdelay $0x7  }
0x149: {  	[tilespmem:v2+s8+$0x0] =	vst.idx.add.f32.msk $0xffff, v1  }
0x14a: {  	v2 =	vld [tilespmem:$0x93D0];
	_ =	sdelay $0x7  }
0x14b: {  	[tilespmem:v2+s8+$0x0] =	vst.idx.add.f32.msk $0xffff, v1  }
0x14c: {  	v2 =	vld [tilespmem:$0x93E0];
	_ =	sdelay $0x7  }
0x14d: {  	[tilespmem:v2+s8+$0x0] =	vst.idx.add.f32.msk $0xffff, v1  }
0x14e: {  	v2 =	vld [tilespmem:$0x93F0];
	_ =	sdelay $0x7  }
0x14f: {  	[tilespmem:v2+s8+$0x0] =	vst.idx.add.f32.msk $0xffff, v1  }
0x150: {  	_ =	swait.ge [sflag:s0], $0x3E80  }
0x151: {  	[sflag:s0] =	ssyncset.done $0x0  }
0x152: {  	[sflag:s0] =	ssyncadd.s32 $0xFFFFC180  }
0x153: {  	[spmem:s3] =	stream.indirect.scatter.add.f32 [tilespmem:s29], [sflag:$0x3], $0x80, s26, s28, $0xb8;
	[tilespmem:$0x1F400] =	vst v63  }
0x154: {  	_ =	swait.ge [sflag:s6], $0x3E80  }
0x155: {  	[sflag:s6] =	ssyncset.done $0x0  }
0x156: {  	s12 =	simm.s32 $0x100;
	[sflag:s6] =	ssyncadd.s32 $0xFFFFC180  }
0x157: {  	[tilespmem:s29], [sflag:$0x1] =	stream.indirect.gather [hbm4b:s1+s28], $0x80, s12, s28, $0xb8;
	[tilespmem:$0x1F400] =	vst v63  }
0x158: {  	_ =	swait.ge [sflag:s9], $0x3E80  }
0x159: {  	[sflag:s9] =	ssyncset.done $0x0  }
0x15a: {  	s12 =	simm.s32 $0x880;
	[sflag:s9] =	ssyncadd.s32 $0xFFFFC180  }
0x15b: {  	[spmem:s3] =	stream.indirect.scatter.add.f32 [tilespmem:s31], [sflag:$0x4], $0x80, s12, s28, $0xb8;
	[tilespmem:$0x1F400] =	vst v63  }
0x15c: {  	_ =	swait.ge [sflag:s11], $0x3E80  }
0x15d: {  	[sflag:s11] =	ssyncset.done $0x0  }
0x15e: {  	s12 =	simm.s32 $0x180;
	[sflag:s11] =	ssyncadd.s32 $0xFFFFC180  }
0x15f: {  	[tilespmem:s31], [sflag:$0x2] =	stream.indirect.gather [hbm4b:s1+s28], $0x80, s12, s28, $0xb8;
	[tilespmem:$0x1F400] =	vst v63  }
0x160: {  	_ =	swait.ge [sflag:s0], $0x3E80  }
0x161: {  	[sflag:s0] =	ssyncset.done $0x0  }
0x162: {  	s12 =	simm.s32 $0x900;
	[sflag:s0] =	ssyncadd.s32 $0xFFFFC180  }
0x163: {  	[spmem:s3] =	stream.indirect.scatter.add.f32 [tilespmem:s29], [sflag:$0x3], $0x80, s12, s28, $0xb8;
	[tilespmem:$0x1F400] =	vst v63  }
0x164: {  	_ =	swait.ge [sflag:s6], $0x3E80  }
0x165: {  	[sflag:s6] =	ssyncset.done $0x0  }
0x166: {  	s12 =	simm.s32 $0x200;
	[sflag:s6] =	ssyncadd.s32 $0xFFFFC180  }
0x167: {  	[tilespmem:s29], [sflag:$0x1] =	stream.indirect.gather [hbm4b:s1+s28], $0x80, s12, s28, $0xb8;
	[tilespmem:$0x1F400] =	vst v63  }
0x168: {  	_ =	swait.ge [sflag:s9], $0x3E80  }
0x169: {  	[sflag:s9] =	ssyncset.done $0x0  }
0x16a: {  	s12 =	simm.s32 $0x980;
	[sflag:s9] =	ssyncadd.s32 $0xFFFFC180  }
0x16b: {  	[spmem:s3] =	stream.indirect.scatter.add.f32 [tilespmem:s31], [sflag:$0x4], $0x80, s12, s28, $0xb8;
	[tilespmem:$0x1F400] =	vst v63  }
0x16c: {  	_ =	swait.ge [sflag:s11], $0x3E80  }
0x16d: {  	[sflag:s11] =	ssyncset.done $0x0  }
0x16e: {  	s12 =	simm.s32 $0x280;
	[sflag:s11] =	ssyncadd.s32 $0xFFFFC180  }
0x16f: {  	[tilespmem:s31], [sflag:$0x2] =	stream.indirect.gather [hbm4b:s1+s28], $0x80, s12, s28, $0xb8;
	[tilespmem:$0x1F400] =	vst v63  }
0x170: {  	_ =	swait.ge [sflag:s0], $0x3E80  }
0x171: {  	[sflag:s0] =	ssyncset.done $0x0  }
0x172: {  	s12 =	simm.s32 $0xA00;
	[sflag:s0] =	ssyncadd.s32 $0xFFFFC180  }
0x173: {  	[spmem:s3] =	stream.indirect.scatter.add.f32 [tilespmem:s29], [sflag:$0x3], $0x80, s12, s28, $0xb8;
	[tilespmem:$0x1F400] =	vst v63  }
0x174: {  	_ =	swait.ge [sflag:s6], $0x3E80  }
0x175: {  	[sflag:s6] =	ssyncset.done $0x0  }
0x176: {  	s12 =	simm.s32 $0x300;
	[sflag:s6] =	ssyncadd.s32 $0xFFFFC180  }
0x177: {  	[tilespmem:s29], [sflag:$0x1] =	stream.indirect.gather [hbm4b:s1+s28], $0x80, s12, s28, $0xb8;
	[tilespmem:$0x1F400] =	vst v63  }
0x178: {  	_ =	swait.ge [sflag:s9], $0x3E80  }
0x179: {  	[sflag:s9] =	ssyncset.done $0x0  }
0x17a: {  	s12 =	simm.s32 $0xA80;
	[sflag:s9] =	ssyncadd.s32 $0xFFFFC180  }
0x17b: {  	[spmem:s3] =	stream.indirect.scatter.add.f32 [tilespmem:s31], [sflag:$0x4], $0x80, s12, s28, $0xb8;
	[tilespmem:$0x1F400] =	vst v63  }
0x17c: {  	_ =	swait.ge [sflag:s11], $0x3E80  }
0x17d: {  	[sflag:s11] =	ssyncset.done $0x0  }
0x17e: {  	s12 =	simm.s32 $0x380;
	[sflag:s11] =	ssyncadd.s32 $0xFFFFC180  }
0x17f: {  	[tilespmem:s31], [sflag:$0x2] =	stream.indirect.gather [hbm4b:s1+s28], $0x80, s12, s28, $0xb8;
	[tilespmem:$0x1F400] =	vst v63  }
0x180: {  	_ =	swait.ge [sflag:s0], $0x3E80  }
0x181: {  	[sflag:s0] =	ssyncset.done $0x0  }
0x182: {  	p2 =	sgt.u32 s7, $0x137;
	s12 =	simm.s32 $0xB00;
	[sflag:s0] =	ssyncadd.s32 $0xFFFFC180  }
0x183: {  	[spmem:s3] =	stream.indirect.scatter.add.f32 [tilespmem:s29], [sflag:$0x3], $0x80, s12, s28, $0xb8;
	[tilespmem:$0x1F400] =	vst v63  }
.Ltmp5:
0x184: {  	_ = 	snop;
	(pc) =	sbr.rel @p2 .LBB2_6-.Ltmp5, $4  }
0x185: {  	_ =	swait.ge [sflag:s6], $0x3E80  }
0x186: {  	[sflag:s6] =	ssyncset.done $0x0  }
0x187: {  	s12 =	simm.s32 $0x400;
	[sflag:s6] =	ssyncadd.s32 $0xFFFFC180  }
0x188: {  	[tilespmem:s29], [sflag:$0x1] =	stream.indirect.gather [hbm4b:s1+s28], $0x80, s12, s28, $0xb8;
	[tilespmem:$0x1F400] =	vst v63  }
0x189: {  	[tilespmem:s2], [sflag:$0x5] =	stream.linear.gather [hbm4b:s10+s4], $0x400, $0x38;
	[tilespmem:$0x1F400] =	vst v63  }
0x18a: {  	_ =	swait.ge [sflag:s25], $0x400  }
0x18b: {  	[sflag:s25] =	ssyncset.done $0x0  }
0x18c: {  	[sflag:s25] =	ssyncadd.s32 $0xFFFFFC00  }
0x18d: {  	v2 =	vld [tilespmem:$0x9000];
	_ =	sdelay $0x7  }
0x18e: {  	[tilespmem:v2+s8+$0x0] =	vst.idx.add.f32.msk $0xffff, v1  }
0x18f: {  	v2 =	vld [tilespmem:$0x9010];
	_ =	sdelay $0x7  }
0x190: {  	[tilespmem:v2+s8+$0x0] =	vst.idx.add.f32.msk $0xffff, v1  }
0x191: {  	v2 =	vld [tilespmem:$0x9020];
	_ =	sdelay $0x7  }
0x192: {  	[tilespmem:v2+s8+$0x0] =	vst.idx.add.f32.msk $0xffff, v1  }
0x193: {  	v2 =	vld [tilespmem:$0x9030];
	_ =	sdelay $0x7  }
0x194: {  	[tilespmem:v2+s8+$0x0] =	vst.idx.add.f32.msk $0xffff, v1  }
0x195: {  	v2 =	vld [tilespmem:$0x9040];
	_ =	sdelay $0x7  }
0x196: {  	[tilespmem:v2+s8+$0x0] =	vst.idx.add.f32.msk $0xffff, v1  }
0x197: {  	v2 =	vld [tilespmem:$0x9050];
	_ =	sdelay $0x7  }
0x198: {  	[tilespmem:v2+s8+$0x0] =	vst.idx.add.f32.msk $0xffff, v1  }
0x199: {  	v2 =	vld [tilespmem:$0x9060];
	_ =	sdelay $0x7  }
0x19a: {  	[tilespmem:v2+s8+$0x0] =	vst.idx.add.f32.msk $0xffff, v1  }
0x19b: {  	v2 =	vld [tilespmem:$0x9070];
	_ =	sdelay $0x7  }
0x19c: {  	[tilespmem:v2+s8+$0x0] =	vst.idx.add.f32.msk $0xffff, v1  }
0x19d: {  	v2 =	vld [tilespmem:$0x9080];
	_ =	sdelay $0x7  }
0x19e: {  	[tilespmem:v2+s8+$0x0] =	vst.idx.add.f32.msk $0xffff, v1  }
0x19f: {  	v2 =	vld [tilespmem:$0x9090];
	_ =	sdelay $0x7  }
0x1a0: {  	[tilespmem:v2+s8+$0x0] =	vst.idx.add.f32.msk $0xffff, v1  }
0x1a1: {  	v2 =	vld [tilespmem:$0x90A0];
	_ =	sdelay $0x7  }
0x1a2: {  	[tilespmem:v2+s8+$0x0] =	vst.idx.add.f32.msk $0xffff, v1  }
0x1a3: {  	v2 =	vld [tilespmem:$0x90B0];
	_ =	sdelay $0x7  }
0x1a4: {  	[tilespmem:v2+s8+$0x0] =	vst.idx.add.f32.msk $0xffff, v1  }
0x1a5: {  	v2 =	vld [tilespmem:$0x90C0];
	_ =	sdelay $0x7  }
0x1a6: {  	[tilespmem:v2+s8+$0x0] =	vst.idx.add.f32.msk $0xffff, v1  }
0x1a7: {  	v2 =	vld [tilespmem:$0x90D0];
	_ =	sdelay $0x7  }
0x1a8: {  	[tilespmem:v2+s8+$0x0] =	vst.idx.add.f32.msk $0xffff, v1  }
0x1a9: {  	v2 =	vld [tilespmem:$0x90E0];
	_ =	sdelay $0x7  }
0x1aa: {  	[tilespmem:v2+s8+$0x0] =	vst.idx.add.f32.msk $0xffff, v1  }
0x1ab: {  	v2 =	vld [tilespmem:$0x90F0];
	_ =	sdelay $0x7  }
0x1ac: {  	[tilespmem:v2+s8+$0x0] =	vst.idx.add.f32.msk $0xffff, v1  }
0x1ad: {  	v2 =	vld [tilespmem:$0x9100];
	_ =	sdelay $0x7  }
0x1ae: {  	[tilespmem:v2+s8+$0x0] =	vst.idx.add.f32.msk $0xffff, v1  }
0x1af: {  	v2 =	vld [tilespmem:$0x9110];
	_ =	sdelay $0x7  }
0x1b0: {  	[tilespmem:v2+s8+$0x0] =	vst.idx.add.f32.msk $0xffff, v1  }
0x1b1: {  	v2 =	vld [tilespmem:$0x9120];
	_ =	sdelay $0x7  }
0x1b2: {  	[tilespmem:v2+s8+$0x0] =	vst.idx.add.f32.msk $0xffff, v1  }
0x1b3: {  	v2 =	vld [tilespmem:$0x9130];
	_ =	sdelay $0x7  }
0x1b4: {  	[tilespmem:v2+s8+$0x0] =	vst.idx.add.f32.msk $0xffff, v1  }
0x1b5: {  	v2 =	vld [tilespmem:$0x9140];
	_ =	sdelay $0x7  }
0x1b6: {  	[tilespmem:v2+s8+$0x0] =	vst.idx.add.f32.msk $0xffff, v1  }
0x1b7: {  	v2 =	vld [tilespmem:$0x9150];
	_ =	sdelay $0x7  }
0x1b8: {  	[tilespmem:v2+s8+$0x0] =	vst.idx.add.f32.msk $0xffff, v1  }
0x1b9: {  	v2 =	vld [tilespmem:$0x9160];
	_ =	sdelay $0x7  }
0x1ba: {  	[tilespmem:v2+s8+$0x0] =	vst.idx.add.f32.msk $0xffff, v1  }
0x1bb: {  	v2 =	vld [tilespmem:$0x9170];
	_ =	sdelay $0x7  }
0x1bc: {  	[tilespmem:v2+s8+$0x0] =	vst.idx.add.f32.msk $0xffff, v1  }
0x1bd: {  	v2 =	vld [tilespmem:$0x9180];
	_ =	sdelay $0x7  }
0x1be: {  	[tilespmem:v2+s8+$0x0] =	vst.idx.add.f32.msk $0xffff, v1  }
0x1bf: {  	v2 =	vld [tilespmem:$0x9190];
	_ =	sdelay $0x7  }
0x1c0: {  	[tilespmem:v2+s8+$0x0] =	vst.idx.add.f32.msk $0xffff, v1  }
0x1c1: {  	v2 =	vld [tilespmem:$0x91A0];
	_ =	sdelay $0x7  }
0x1c2: {  	[tilespmem:v2+s8+$0x0] =	vst.idx.add.f32.msk $0xffff, v1  }
0x1c3: {  	v2 =	vld [tilespmem:$0x91B0];
	_ =	sdelay $0x7  }
0x1c4: {  	[tilespmem:v2+s8+$0x0] =	vst.idx.add.f32.msk $0xffff, v1  }
0x1c5: {  	v2 =	vld [tilespmem:$0x91C0];
	_ =	sdelay $0x7  }
0x1c6: {  	[tilespmem:v2+s8+$0x0] =	vst.idx.add.f32.msk $0xffff, v1  }
0x1c7: {  	v2 =	vld [tilespmem:$0x91D0];
	_ =	sdelay $0x7  }
0x1c8: {  	[tilespmem:v2+s8+$0x0] =	vst.idx.add.f32.msk $0xffff, v1  }
0x1c9: {  	v2 =	vld [tilespmem:$0x91E0];
	_ =	sdelay $0x7  }
0x1ca: {  	[tilespmem:v2+s8+$0x0] =	vst.idx.add.f32.msk $0xffff, v1  }
0x1cb: {  	v2 =	vld [tilespmem:$0x91F0];
	_ =	sdelay $0x7  }
0x1cc: {  	[tilespmem:v2+s8+$0x0] =	vst.idx.add.f32.msk $0xffff, v1  }
0x1cd: {  	v2 =	vld [tilespmem:$0x9200];
	_ =	sdelay $0x7  }
0x1ce: {  	[tilespmem:v2+s8+$0x0] =	vst.idx.add.f32.msk $0xffff, v1  }
0x1cf: {  	v2 =	vld [tilespmem:$0x9210];
	_ =	sdelay $0x7  }
0x1d0: {  	[tilespmem:v2+s8+$0x0] =	vst.idx.add.f32.msk $0xffff, v1  }
0x1d1: {  	v2 =	vld [tilespmem:$0x9220];
	_ =	sdelay $0x7  }
0x1d2: {  	[tilespmem:v2+s8+$0x0] =	vst.idx.add.f32.msk $0xffff, v1  }
0x1d3: {  	v2 =	vld [tilespmem:$0x9230];
	_ =	sdelay $0x7  }
0x1d4: {  	[tilespmem:v2+s8+$0x0] =	vst.idx.add.f32.msk $0xffff, v1  }
0x1d5: {  	v2 =	vld [tilespmem:$0x9240];
	_ =	sdelay $0x7  }
0x1d6: {  	[tilespmem:v2+s8+$0x0] =	vst.idx.add.f32.msk $0xffff, v1  }
0x1d7: {  	v2 =	vld [tilespmem:$0x9250];
	_ =	sdelay $0x7  }
0x1d8: {  	[tilespmem:v2+s8+$0x0] =	vst.idx.add.f32.msk $0xffff, v1  }
0x1d9: {  	v2 =	vld [tilespmem:$0x9260];
	_ =	sdelay $0x7  }
0x1da: {  	[tilespmem:v2+s8+$0x0] =	vst.idx.add.f32.msk $0xffff, v1  }
0x1db: {  	v2 =	vld [tilespmem:$0x9270];
	_ =	sdelay $0x7  }
0x1dc: {  	[tilespmem:v2+s8+$0x0] =	vst.idx.add.f32.msk $0xffff, v1  }
0x1dd: {  	v2 =	vld [tilespmem:$0x9280];
	_ =	sdelay $0x7  }
0x1de: {  	[tilespmem:v2+s8+$0x0] =	vst.idx.add.f32.msk $0xffff, v1  }
0x1df: {  	v2 =	vld [tilespmem:$0x9290];
	_ =	sdelay $0x7  }
0x1e0: {  	[tilespmem:v2+s8+$0x0] =	vst.idx.add.f32.msk $0xffff, v1  }
0x1e1: {  	v2 =	vld [tilespmem:$0x92A0];
	_ =	sdelay $0x7  }
0x1e2: {  	[tilespmem:v2+s8+$0x0] =	vst.idx.add.f32.msk $0xffff, v1  }
0x1e3: {  	v2 =	vld [tilespmem:$0x92B0];
	_ =	sdelay $0x7  }
0x1e4: {  	[tilespmem:v2+s8+$0x0] =	vst.idx.add.f32.msk $0xffff, v1  }
0x1e5: {  	v2 =	vld [tilespmem:$0x92C0];
	_ =	sdelay $0x7  }
0x1e6: {  	[tilespmem:v2+s8+$0x0] =	vst.idx.add.f32.msk $0xffff, v1  }
0x1e7: {  	v2 =	vld [tilespmem:$0x92D0];
	_ =	sdelay $0x7  }
0x1e8: {  	[tilespmem:v2+s8+$0x0] =	vst.idx.add.f32.msk $0xffff, v1  }
0x1e9: {  	v2 =	vld [tilespmem:$0x92E0];
	_ =	sdelay $0x7  }
0x1ea: {  	[tilespmem:v2+s8+$0x0] =	vst.idx.add.f32.msk $0xffff, v1  }
0x1eb: {  	v2 =	vld [tilespmem:$0x92F0];
	_ =	sdelay $0x7  }
0x1ec: {  	[tilespmem:v2+s8+$0x0] =	vst.idx.add.f32.msk $0xffff, v1  }
0x1ed: {  	v2 =	vld [tilespmem:$0x9300];
	_ =	sdelay $0x7  }
0x1ee: {  	[tilespmem:v2+s8+$0x0] =	vst.idx.add.f32.msk $0xffff, v1  }
0x1ef: {  	v2 =	vld [tilespmem:$0x9310];
	_ =	sdelay $0x7  }
0x1f0: {  	[tilespmem:v2+s8+$0x0] =	vst.idx.add.f32.msk $0xffff, v1  }
0x1f1: {  	v2 =	vld [tilespmem:$0x9320];
	_ =	sdelay $0x7  }
0x1f2: {  	[tilespmem:v2+s8+$0x0] =	vst.idx.add.f32.msk $0xffff, v1  }
0x1f3: {  	v2 =	vld [tilespmem:$0x9330];
	_ =	sdelay $0x7  }
0x1f4: {  	[tilespmem:v2+s8+$0x0] =	vst.idx.add.f32.msk $0xffff, v1  }
0x1f5: {  	v2 =	vld [tilespmem:$0x9340];
	_ =	sdelay $0x7  }
0x1f6: {  	[tilespmem:v2+s8+$0x0] =	vst.idx.add.f32.msk $0xffff, v1  }
0x1f7: {  	v2 =	vld [tilespmem:$0x9350];
	_ =	sdelay $0x7  }
0x1f8: {  	[tilespmem:v2+s8+$0x0] =	vst.idx.add.f32.msk $0xffff, v1  }
0x1f9: {  	v2 =	vld [tilespmem:$0x9360];
	_ =	sdelay $0x7  }
0x1fa: {  	[tilespmem:v2+s8+$0x0] =	vst.idx.add.f32.msk $0xffff, v1  }
0x1fb: {  	v2 =	vld [tilespmem:$0x9370];
	_ =	sdelay $0x7  }
0x1fc: {  	[tilespmem:v2+s8+$0x0] =	vst.idx.add.f32.msk $0xffff, v1  }
0x1fd: {  	v2 =	vld [tilespmem:$0x9380];
	_ =	sdelay $0x7  }
0x1fe: {  	[tilespmem:v2+s8+$0x0] =	vst.idx.add.f32.msk $0xffff, v1  }
0x1ff: {  	v2 =	vld [tilespmem:$0x9390];
	_ =	sdelay $0x7  }
0x200: {  	[tilespmem:v2+s8+$0x0] =	vst.idx.add.f32.msk $0xffff, v1  }
0x201: {  	v2 =	vld [tilespmem:$0x93A0];
	_ =	sdelay $0x7  }
0x202: {  	[tilespmem:v2+s8+$0x0] =	vst.idx.add.f32.msk $0xffff, v1  }
0x203: {  	v2 =	vld [tilespmem:$0x93B0];
	_ =	sdelay $0x7  }
0x204: {  	[tilespmem:v2+s8+$0x0] =	vst.idx.add.f32.msk $0xffff, v1  }
0x205: {  	v2 =	vld [tilespmem:$0x93C0];
	_ =	sdelay $0x7  }
0x206: {  	[tilespmem:v2+s8+$0x0] =	vst.idx.add.f32.msk $0xffff, v1  }
0x207: {  	v2 =	vld [tilespmem:$0x93D0];
	_ =	sdelay $0x7  }
0x208: {  	[tilespmem:v2+s8+$0x0] =	vst.idx.add.f32.msk $0xffff, v1  }
0x209: {  	v2 =	vld [tilespmem:$0x93E0];
	_ =	sdelay $0x7  }
0x20a: {  	[tilespmem:v2+s8+$0x0] =	vst.idx.add.f32.msk $0xffff, v1  }
0x20b: {  	v2 =	vld [tilespmem:$0x93F0];
	_ =	sdelay $0x3  }
.Ltmp6:
0x20c: {  	_ = 	snop;
	(pc) =	sbr.rel .LBB2_6-.Ltmp6, $2  }
0x20d: {  	_ =	sdelay $0x2  }
0x20e: {  	[tilespmem:v2+s8+$0x0] =	vst.idx.add.f32.msk $0xffff, v1  }
.LBB2_7:
0x20f: {  	_ =	swait.ge [sflag:s6], $0x3E80  }
.Ltmp7:
0x210: {  	[sflag:s6] =	ssyncset.done $0x0;
	(pc) =	sbr.rel @p1 .LBB2_9-.Ltmp7, $4  }
0x211: {  	[sflag:s6] =	ssyncadd.s32 $0xFFFFC180  }
0x212: {  	_ =	swait.ge [sflag:s11], $0x3E80  }
0x213: {  	[sflag:s11] =	ssyncset.done $0x0  }
0x214: {  	s12 =	rddreg [dreg:$0x17];
	[sflag:s11] =	ssyncadd.s32 $0xFFFFC180  }
0x215: {  	s7 =	rddreg [dreg:$0x8]  }
0x216: {  	[tilespmem:s2], [sflag:$0x5] =	stream.linear.gather [hbm4b:s7+s4], $0x200, $0x38;
	[tilespmem:$0x1F400] =	vst v63  }
0x217: {  	_ =	swait.ge [sflag:s25], $0x200  }
0x218: {  	[sflag:s25] =	ssyncset.done $0x0  }
0x219: {  	[sflag:s25] =	ssyncadd.s32 $0xFFFFFE00  }
0x21a: {  	v2 =	vld [tilespmem:$0x9000];
	_ =	sdelay $0x7  }
0x21b: {  	[tilespmem:v2+s8+$0x0] =	vst.idx.add.f32.msk $0xffff, v1  }
0x21c: {  	v2 =	vld [tilespmem:$0x9010];
	_ =	sdelay $0x7  }
0x21d: {  	[tilespmem:v2+s8+$0x0] =	vst.idx.add.f32.msk $0xffff, v1  }
0x21e: {  	v2 =	vld [tilespmem:$0x9020];
	_ =	sdelay $0x7  }
0x21f: {  	[tilespmem:v2+s8+$0x0] =	vst.idx.add.f32.msk $0xffff, v1  }
0x220: {  	v2 =	vld [tilespmem:$0x9030];
	_ =	sdelay $0x7  }
0x221: {  	[tilespmem:v2+s8+$0x0] =	vst.idx.add.f32.msk $0xffff, v1  }
0x222: {  	v2 =	vld [tilespmem:$0x9040];
	_ =	sdelay $0x7  }
0x223: {  	[tilespmem:v2+s8+$0x0] =	vst.idx.add.f32.msk $0xffff, v1  }
0x224: {  	v2 =	vld [tilespmem:$0x9050];
	_ =	sdelay $0x7  }
0x225: {  	[tilespmem:v2+s8+$0x0] =	vst.idx.add.f32.msk $0xffff, v1  }
0x226: {  	v2 =	vld [tilespmem:$0x9060];
	_ =	sdelay $0x7  }
0x227: {  	[tilespmem:v2+s8+$0x0] =	vst.idx.add.f32.msk $0xffff, v1  }
0x228: {  	v2 =	vld [tilespmem:$0x9070];
	_ =	sdelay $0x7  }
0x229: {  	[tilespmem:v2+s8+$0x0] =	vst.idx.add.f32.msk $0xffff, v1  }
0x22a: {  	v2 =	vld [tilespmem:$0x9080];
	_ =	sdelay $0x7  }
0x22b: {  	[tilespmem:v2+s8+$0x0] =	vst.idx.add.f32.msk $0xffff, v1  }
0x22c: {  	v2 =	vld [tilespmem:$0x9090];
	_ =	sdelay $0x7  }
0x22d: {  	[tilespmem:v2+s8+$0x0] =	vst.idx.add.f32.msk $0xffff, v1  }
0x22e: {  	v2 =	vld [tilespmem:$0x90A0];
	_ =	sdelay $0x7  }
0x22f: {  	[tilespmem:v2+s8+$0x0] =	vst.idx.add.f32.msk $0xffff, v1  }
0x230: {  	v2 =	vld [tilespmem:$0x90B0];
	_ =	sdelay $0x7  }
0x231: {  	[tilespmem:v2+s8+$0x0] =	vst.idx.add.f32.msk $0xffff, v1  }
0x232: {  	v2 =	vld [tilespmem:$0x90C0];
	_ =	sdelay $0x7  }
0x233: {  	[tilespmem:v2+s8+$0x0] =	vst.idx.add.f32.msk $0xffff, v1  }
0x234: {  	v2 =	vld [tilespmem:$0x90D0];
	_ =	sdelay $0x7  }
0x235: {  	[tilespmem:v2+s8+$0x0] =	vst.idx.add.f32.msk $0xffff, v1  }
0x236: {  	v2 =	vld [tilespmem:$0x90E0];
	_ =	sdelay $0x7  }
0x237: {  	[tilespmem:v2+s8+$0x0] =	vst.idx.add.f32.msk $0xffff, v1  }
0x238: {  	v2 =	vld [tilespmem:$0x90F0];
	_ =	sdelay $0x7  }
0x239: {  	[tilespmem:v2+s8+$0x0] =	vst.idx.add.f32.msk $0xffff, v1  }
0x23a: {  	v2 =	vld [tilespmem:$0x9100];
	_ =	sdelay $0x7  }
0x23b: {  	[tilespmem:v2+s8+$0x0] =	vst.idx.add.f32.msk $0xffff, v1  }
0x23c: {  	v2 =	vld [tilespmem:$0x9110];
	_ =	sdelay $0x7  }
0x23d: {  	[tilespmem:v2+s8+$0x0] =	vst.idx.add.f32.msk $0xffff, v1  }
0x23e: {  	v2 =	vld [tilespmem:$0x9120];
	_ =	sdelay $0x7  }
0x23f: {  	[tilespmem:v2+s8+$0x0] =	vst.idx.add.f32.msk $0xffff, v1  }
0x240: {  	v2 =	vld [tilespmem:$0x9130];
	_ =	sdelay $0x7  }
0x241: {  	[tilespmem:v2+s8+$0x0] =	vst.idx.add.f32.msk $0xffff, v1  }
0x242: {  	v2 =	vld [tilespmem:$0x9140];
	_ =	sdelay $0x7  }
0x243: {  	[tilespmem:v2+s8+$0x0] =	vst.idx.add.f32.msk $0xffff, v1  }
0x244: {  	v2 =	vld [tilespmem:$0x9150];
	_ =	sdelay $0x7  }
0x245: {  	[tilespmem:v2+s8+$0x0] =	vst.idx.add.f32.msk $0xffff, v1  }
0x246: {  	v2 =	vld [tilespmem:$0x9160];
	_ =	sdelay $0x7  }
0x247: {  	[tilespmem:v2+s8+$0x0] =	vst.idx.add.f32.msk $0xffff, v1  }
0x248: {  	v2 =	vld [tilespmem:$0x9170];
	_ =	sdelay $0x7  }
0x249: {  	[tilespmem:v2+s8+$0x0] =	vst.idx.add.f32.msk $0xffff, v1  }
0x24a: {  	v2 =	vld [tilespmem:$0x9180];
	_ =	sdelay $0x7  }
0x24b: {  	[tilespmem:v2+s8+$0x0] =	vst.idx.add.f32.msk $0xffff, v1  }
0x24c: {  	v2 =	vld [tilespmem:$0x9190];
	_ =	sdelay $0x7  }
0x24d: {  	[tilespmem:v2+s8+$0x0] =	vst.idx.add.f32.msk $0xffff, v1  }
0x24e: {  	v2 =	vld [tilespmem:$0x91A0];
	_ =	sdelay $0x7  }
0x24f: {  	[tilespmem:v2+s8+$0x0] =	vst.idx.add.f32.msk $0xffff, v1  }
0x250: {  	v2 =	vld [tilespmem:$0x91B0];
	_ =	sdelay $0x7  }
0x251: {  	[tilespmem:v2+s8+$0x0] =	vst.idx.add.f32.msk $0xffff, v1  }
0x252: {  	v2 =	vld [tilespmem:$0x91C0];
	_ =	sdelay $0x7  }
0x253: {  	[tilespmem:v2+s8+$0x0] =	vst.idx.add.f32.msk $0xffff, v1  }
0x254: {  	v2 =	vld [tilespmem:$0x91D0];
	_ =	sdelay $0x7  }
0x255: {  	[tilespmem:v2+s8+$0x0] =	vst.idx.add.f32.msk $0xffff, v1  }
0x256: {  	v2 =	vld [tilespmem:$0x91E0];
	_ =	sdelay $0x7  }
0x257: {  	[tilespmem:v2+s8+$0x0] =	vst.idx.add.f32.msk $0xffff, v1  }
0x258: {  	v2 =	vld [tilespmem:$0x91F0];
	_ =	sdelay $0x3  }
.Ltmp8:
0x259: {  	_ = 	snop;
	(pc) =	sbr.rel .LBB2_9-.Ltmp8, $2  }
0x25a: {  	_ =	sdelay $0x2  }
0x25b: {  	[tilespmem:v2+s8+$0x0] =	vst.idx.add.f32.msk $0xffff, v1  }
.LBB2_10:
0x25c: {  	_ =	sfence.sel $0x180000  }
0x25d: {  	[bflag:$0x0] =	sbarrier.arrive $0xFFFF  }
0x25e: {  	_ =	strace $0x90000047  }
0x25f: {  	s0 =	stileid.u32;
	[bflag:$0x2] =	sbarrier.arrive $0xFFFF  }
0x260: {  	p0 =	sne.s32 s0, $0x0;
	s0 =	rddreg [dreg:$0x4]  }
0x261: {  	s0 =	sadd.s32 @!p0 $0x100000, s0  }
0x262: {  	[sflag:s0] =	ssyncadd.tile.s32 @!p0 $0x1;
	_ =	shalt  }
.Lfunc_end2:
_tile_overlayer_lowered:
.L_overlay_start_2:
0x263: {  	(tag) =	ssettag $0x2  }
0x264: {  	s0 =	rddreg [dreg:$0x0];
	s2 =	stileid.u32  }
0x265: {  	s1 =	rddreg [dreg:$0x1];
	p0 =	sne.s32 s2, $0x0  }
0x266: {  	s3 =	rddreg [dreg:$0x2];
	[bflag:$0x3] =	sbarrier.arrive $0xFFFF;
	s2 =	simm.s32 @!p0 $0x1C05  }
0x267: {  	[timem:s3], [sflag:s2] =	dma.local @!p0 [hbm:s0], s1  }
0x268: {  	s0 =	simm.s32 @!p0 $0x5  }
0x269: {  	_ =	swait.ge @!p0 [sflag:s0], s1  }
0x26a: {  	s1 =	ssub.s32 @!p0 $0x0, s1;
	[sflag:s0] =	ssyncset.done @!p0 $0x0  }
0x26b: {  	[sflag:s0] =	ssyncadd.s32 @!p0 s1  }
0x26c: {  	[bflag:$0x3] =	sbarrier.arrive $0xFFFF  }
0x26d: {  	_ =	shalt  }

// kernel: kernel.9.cloned.1.call-start
scs
__scs_entry_jumppad:
0x0: {  	(pc) =	sbr.rel $0x88, $3  }
0x1: {  	(tag) =	ssettag $0x0;
	lr =	simm.s32 $0x1  }
0x2: {  	[smem:$0x3F99] =	sst lr;
	_ =	strace $0xD0000000  }
0x3: {  	_ = 	snop  }
0x4: {  	_ = 	snop  }
0x5: {  	_ = 	snop  }
0x6: {  	_ = 	snop  }
0x7: {  	_ = 	snop  }
__scs_overlays_trampoline_lowered:
0x8: {  	[smem:$0x3FA8] =	sst s0  }
0x9: {  	[smem:$0x3FA9] =	sst s1  }
0xa: {  	[smem:$0x3FAA] =	sst s2  }
0xb: {  	[smem:$0x3FAB] =	sst s3  }
0xc: {  	[smem:$0x3FAC] =	sst s4  }
0xd: {  	[smem:$0x3FAD] =	sst s5  }
0xe: {  	[smem:$0x3FAE] =	sst s6  }
0xf: {  	[smem:$0x3FAF] =	sst s7  }
0x10: {  	[smem:$0x3FB0] =	sst s8  }
0x11: {  	[smem:$0x3FB1] =	sst s9;
	s0 =	simm.s32 @!p0 $0x0  }
0x12: {  	s1 =	sld [smem:$0x3F97];
	s0 =	simm.s32 @p0 $0x1  }
0x13: {  	[smem:$0x3FB2] =	sst s0;
	s0 =	simm.s32 @!p1 $0x0  }
0x14: {  	s2 =	sld [smem:$0x3F96];
	s0 =	simm.s32 @p1 $0x1  }
0x15: {  	[smem:$0x3FB3] =	sst s0;
	s0 =	simm.s32 @!p2 $0x0  }
0x16: {  	s3 =	sld [smem:$0x3FDB];
	s0 =	simm.s32 @p2 $0x1  }
0x17: {  	s4 =	simm.s32 $0x1BF5;
	[smem:$0x3FB5] =	sst s0  }
0x18: {  	s0 =	sld [smem:$0x3F98];
	_ =	swait.ge [sflag:s4], $0x0  }
0x19: {  	s7 =	sld [smem:$0x3F99]  }
0x1a: {  	s8 =	sadd.s32 $0xFFFFE003, lr  }
0x1b: {  	s9 =	sadd.s32 $0xFFFFFEF7, lr;
	s5 =	simm.s32 $0xFFFFFFFF;
	p2 =	slt.u32 s8, $0xFFFFF086  }
0x1c: {  	p1 =	slt.u32 s9, $0xF7A;
	s5 =	simm.s32 @!p2 $0x0  }
0x1d: {  	s5 =	simm.s32 @p1 $0x1;
	p0 =	seq.s32 s7, s2  }
0x1e: {  	s7 =	smul.u32 @!p0 $0xF7A, s2;
	p2 =	seq.s32 @!p0 s5, $0x0  }
0x1f: {  	s9 =	smul.u32 $0xF7A, s1;
	s8 =	simm.s32 @!p0 $0x1BF5;
	p2 =	por !p2, p0  }
0x20: {  	[sflag:s8] =	ssyncset.s32 @!p0 $0xFFFFF086;
	s6 =	sadd.s32 @!p0 s3, s7;
	s7 =	simm.s32 @!p0 $0x108  }
0x21: {  	s3 =	sadd.s32 s3, s9;
	s6 =	sadd.s32 @!p0 $0x88, s6;
	s7 =	simm.s32 @p2 $0x1082  }
0x22: {  	[simem:s7], [sflag:s8] =	dma.local @!p0 [hbm:s6], $0xF7A  }
0x23: {  	s9 =	sor.u32 $0xD0000000, s2;
	s6 =	simm.s32 $0x108;
	_ =	swait.ge @!p0 [sflag:s8], $0x0  }
0x24: {  	s3 =	sadd.s32 $0x88, s3;
	s6 =	simm.s32 @!p1 $0x1082;
	[sflag:s4] =	ssyncset.s32 $0xFFFFF086  }
0x25: {  	[simem:s6], [sflag:s4] =	dma.local [hbm:s3], $0xF7A  }
0x26: {  	[smem:$0x3F99] =	sst s1;
	(tag) =	ssettag s2;
	_ =	strace s9  }
0x27: {  	s1 =	sld [smem:$0x3FA9]  }
0x28: {  	s2 =	sld [smem:$0x3FAA]  }
0x29: {  	s4 =	sld [smem:$0x3FAC]  }
0x2a: {  	p0 =	seq.s32 s5, $0x0;
	s5 =	sld [smem:$0x3FAD]  }
0x2b: {  	s6 =	sld [smem:$0x3FAE]  }
0x2c: {  	s7 =	sld [smem:$0x3FAF]  }
0x2d: {  	s3 =	simm.s32 $0x108;
	s8 =	sld [smem:$0x3FB0]  }
0x2e: {  	s3 =	simm.s32 @!p0 $0x1082;
	s9 =	sld [smem:$0x3FB1]  }
0x2f: {  	lr =	sadd.s32 s0, s3;
	s0 =	sld [smem:$0x3FA8]  }
0x30: {  	s3 =	sld [smem:$0x3FAB]  }
0x31: {  	[smem:$0x3FB4] =	sst s10  }
0x32: {  	s10 =	sld [smem:$0x3FB2];
	_ =	sdelay $0x3  }
0x33: {  	p0 =	seq.s32 s10, $0x1;
	s10 =	sld [smem:$0x3FB4];
	_ =	sdelay $0x3  }
0x34: {  	[smem:$0x3FB4] =	sst s10  }
0x35: {  	s10 =	sld [smem:$0x3FB3];
	_ =	sdelay $0x3  }
0x36: {  	p1 =	seq.s32 s10, $0x1;
	s10 =	sld [smem:$0x3FB4];
	_ =	sdelay $0x3  }
0x37: {  	[smem:$0x3FB4] =	sst s10  }
0x38: {  	s10 =	sld [smem:$0x3FB5]  }
0x39: {  	_ = 	snop;
	(pc) =	sbr.ind lr, $3  }
0x3a: {  	_ = 	snop  }
0x3b: {  	_ = 	snop  }
0x3c: {  	p2 =	seq.s32 s10, $0x1;
	s10 =	sld [smem:$0x3FB4]  }
0x3d: {  	_ =	shalt  }
0x3e: {  	_ =	shalt  }
0x3f: {  	_ =	shalt  }
0x40: {  	_ =	shalt  }
0x41: {  	_ =	shalt  }
0x42: {  	_ =	shalt  }
0x43: {  	_ =	shalt  }
0x44: {  	_ =	shalt  }
0x45: {  	_ =	shalt  }
0x46: {  	_ =	shalt  }
0x47: {  	_ =	shalt  }
0x48: {  	_ =	shalt  }
0x49: {  	_ =	shalt  }
0x4a: {  	_ =	shalt  }
0x4b: {  	_ =	shalt  }
0x4c: {  	_ =	shalt  }
0x4d: {  	_ =	shalt  }
0x4e: {  	_ =	shalt  }
0x4f: {  	_ =	shalt  }
0x50: {  	_ =	shalt  }
0x51: {  	_ =	shalt  }
0x52: {  	_ =	shalt  }
0x53: {  	_ =	shalt  }
0x54: {  	_ =	shalt  }
0x55: {  	_ =	shalt  }
0x56: {  	_ =	shalt  }
0x57: {  	_ =	shalt  }
0x58: {  	_ =	shalt  }
0x59: {  	_ =	shalt  }
0x5a: {  	_ =	shalt  }
0x5b: {  	_ =	shalt  }
0x5c: {  	_ =	shalt  }
0x5d: {  	_ =	shalt  }
0x5e: {  	_ =	shalt  }
0x5f: {  	_ =	shalt  }
0x60: {  	_ =	shalt  }
0x61: {  	_ =	shalt  }
0x62: {  	_ =	shalt  }
0x63: {  	_ =	shalt  }
0x64: {  	_ =	shalt  }
0x65: {  	_ =	shalt  }
0x66: {  	_ =	shalt  }
0x67: {  	_ =	shalt  }
0x68: {  	_ =	shalt  }
0x69: {  	_ =	shalt  }
0x6a: {  	_ =	shalt  }
0x6b: {  	_ =	shalt  }
0x6c: {  	_ =	shalt  }
0x6d: {  	_ =	shalt  }
0x6e: {  	_ =	shalt  }
0x6f: {  	_ =	shalt  }
0x70: {  	_ =	shalt  }
0x71: {  	_ =	shalt  }
0x72: {  	_ =	shalt  }
0x73: {  	_ =	shalt  }
0x74: {  	_ =	shalt  }
0x75: {  	_ =	shalt  }
0x76: {  	_ =	shalt  }
0x77: {  	_ =	shalt  }
0x78: {  	_ =	shalt  }
0x79: {  	_ =	shalt  }
0x7a: {  	_ =	shalt  }
0x7b: {  	_ =	shalt  }
0x7c: {  	_ =	shalt  }
0x7d: {  	_ =	shalt  }
0x7e: {  	_ =	shalt  }
0x7f: {  	_ =	shalt  }
0x80: {  	_ =	shalt  }
0x81: {  	_ =	shalt  }
0x82: {  	_ =	shalt  }
0x83: {  	_ =	shalt  }
0x84: {  	_ =	shalt  }
0x85: {  	_ =	shalt  }
0x86: {  	_ =	shalt  }
0x87: {  	_ =	shalt  }
.Lfunc_end0:
.L_simem_size_0:
called_computation.1_lowered:
.L_overlay_start_0:
0x88: {  	s2 =	sld [smem:$0x3FD9]  }
0x89: {  	s3 =	sld [smem:$0x3FFE];
	_ =	sdelay $0x1  }
0x8a: {  	s1 =	srdreg.scid  }
0x8b: {  	s0 =	sand.u32 $0x1, s1  }
0x8c: {  	s17 =	sshll.u32 s0, $0xA;
	s2 =	sadd.s32 s3, s2  }
0x8d: {  	s2 =	sadd.s32 s2, s17  }
0x8e: {  	[smem:$0x3FC0] =	sst s2  }
0x8f: {  	_ = 	snop  }
0x90: {  	s2 =	sld [smem:$0x3FD0];
	(tm) =	ssettm $0x1  }
0x91: {  	s18 =	sld [smem:$0x3FFB];
	_ =	sdelay $0x3  }
0x92: {  	_ =	strace s18  }
0x93: {  	s3 =	sld [smem:$0x3FFC];
	_ =	sdelay $0x3  }
0x94: {  	_ =	strace s3  }
0x95: {  	s3 =	sld [smem:$0x3FFD];
	_ =	sdelay $0x3  }
0x96: {  	_ =	strace s3  }
0x97: {  	_ =	strace $0x8FFFFFFF  }
0x98: {  	s19 =	sld [smem:$0x3FDB];
	_ =	sdelay $0x1  }
0x99: {  	s4 =	simm.s32 $_scs_section_size  }
0x9a: {  	s5 =	simm.s32 $_size__tile_overlayer_lowered;
	s6 =	simm.s32 $_tile_overlayer_lowered  }
0x9b: {  	s22 =	simm.s32 $0x1BFF;
	s21 =	sshll.u32 s6, $0x1;
	s3 =	sadd.s32 s4, s19  }
0x9c: {  	s7 =	simm.s32 $0x0;
	s20 =	sshll.u32 s5, $0x1;
	s5 =	sadd.s32 s21, s3  }
0x9d: {  	[timem:s7], [sflag:s22] =	dma.local [hbm:s5], s20  }
0x9e: {  	_ =	swait.ge [sflag:s22], s20  }
0x9f: {  	s4 =	ssub.s32 $0x0, s20;
	[sflag:s22] =	ssyncset.done $0x0  }
0xa0: {  	[sflag:s22] =	ssyncadd.s32 s4;
	_ =	sdelay $0x1  }
0xa1: {  	s23 =	simm.s32 $0x1B8B  }
0xa2: {  	_ =	swait.ge [sflag:s23], $0x1  }
0xa3: {  	[sflag:s23] =	ssyncset.done $0x0  }
0xa4: {  	s25 =	simm.s32 $0x1B8E;
	s24 =	sld [smem:$0x3FFE];
	[sflag:s23] =	ssyncadd.s32 $0xFFFFFFFF  }
0xa5: {  	s26 =	simm.s32 $execute0_lowered;
	[smem:$0x3FD2] =	sst s25  }
0xa6: {  	s5 =	sshll.u32 s26, $0x1;
	_ =	strace $0x80000049;
	[dreg:$0x1] =	wrdreg $0xFFFFFFFF  }
0xa7: {  	s28 =	simm.s32 $_size_execute0_lowered;
	s3 =	sadd.s32 s3, s5;
	[dreg:$0x0] =	wrdreg $0x0  }
0xa8: {  	s5 =	sshll.u32 s28, $0x1;
	[dreg:$0x2] =	wrdreg s3  }
0xa9: {  	[dreg:$0x3] =	wrdreg s5  }
0xaa: {  	[dreg:$0x4] =	wrdreg $0xC0  }
0xab: {  	_ =	task [dreg:s7], $0x5FFFF  }
0xac: {  	[dreg:$0x1] =	wrdreg $0xFFFFFFFF  }
0xad: {  	[dreg:$0x0] =	wrdreg $0x60  }
0xae: {  	[dreg:$0x2] =	wrdreg s2  }
0xaf: {  	[dreg:$0x3] =	wrdreg s24  }
0xb0: {  	[dreg:$0x4] =	wrdreg $0x90000  }
0xb1: {  	[dreg:$0x5] =	wrdreg $0x9  }
0xb2: {  	_ =	task.clear_ibuf [dreg:s7], $0x6FFFF;
	_ =	strace $0x90000049  }
0xb3: {  	s29 =	simm.s32 $0x9;
	_ =	strace $0x8000004B  }
0xb4: {  	_ =	swait.ge [sflag:s29], $0x1  }
0xb5: {  	[sflag:s29] =	ssyncadd.s32 $0xFFFFFFFF  }
0xb6: {  	_ =	strace $0x9000004B  }
0xb7: {  	_ =	sfence  }
0xb8: {  	s30 =	sld [smem:$0x0];
	_ =	sdelay $0x2  }
0xb9: {  	s31 =	sshll.u32 s1, $0xD;
	s1 =	sshrl.u32 s1, $0x2  }
0xba: {  	s3 =	sand.u32 $0x4000, s31;
	s1 =	sadd.s32 s1, s30  }
0xbb: {  	s0 =	sor.u32 s3, s0;
	s1 =	sshll.u32 s1, $0x11  }
0xbc: {  	s0 =	sor.u32 s1, s0  }
0xbd: {  	s0 =	sadd.s32 $0x8F2B, s0  }
0xbe: {  	[sflag:s0] =	ssyncadd.remote.s32 $0x1  }
0xbf: {  	_ =	sfence.sel $0xFFFF  }
0xc0: {  	[dreg:$0x0] =	wrdreg $0xFFFFFFFF;
	(pc) =	sbr.abs _section_cstart, $3  }
0xc1: {  	[dreg:$0x1] =	wrdreg $0xFFFFFFFF  }
0xc2: {  	_ =	task.clear_ibuf [dreg:s7], $0x2FFFF;
	_ =	strace $0x9FFFFFFF  }
0xc3: {  	(tm) =	ssettm $0x7FFFFFFF  }
tec
execute0_lowered:
.L_overlay_start_1:
0x0: {  	(tag) =	ssettag $0x1  }
0x1: {  	s1 =	rddreg [dreg:$0x0]  }
0x2: {  	s0 =	srdreg.scid;
	s2 =	rddreg [dreg:$0x1]  }
0x3: {  	s8 =	stileid.u32;
	s3 =	rddreg [dreg:$0x2]  }
0x4: {  	s4 =	simm.s32 $0x0;
	s10 =	simm.s32 $0x80;
	s11 =	simm.s32 $0x100  }
0x5: {  	s12 =	simm.s32 $0x880;
	s13 =	simm.s32 $0x180;
	s14 =	simm.s32 $0x900  }
0x6: {  	s15 =	simm.s32 $0x200;
	[smem:$0x7FF] =	sst s4;
	s9 =	sadd.s32 $0x16200, s2  }
0x7: {  	s16 =	simm.s32 $0x980;
	_ =	strace $0x8000004A;
	[dreg:$0x17] =	wrdreg s9  }
0x8: {  	s17 =	simm.s32 $0x280;
	s18 =	simm.s32 $0xA00;
	[dreg:$0x6] =	wrdreg s10  }
0x9: {  	s19 =	simm.s32 $0x300;
	s20 =	simm.s32 $0xA80;
	[dreg:$0x7] =	wrdreg s11  }
0xa: {  	s21 =	simm.s32 $0x380;
	s22 =	simm.s32 $0xB00;
	[dreg:$0x8] =	wrdreg s12  }
0xb: {  	s23 =	simm.s32 $0x400;
	s28 =	simm.s32 $0xE00;
	[dreg:$0x9] =	wrdreg s13  }
0xc: {  	s29 =	simm.s32 $0x700;
	s6 =	smul.u32 $0x2800, s8;
	[dreg:$0xa] =	wrdreg s14  }
0xd: {  	s30 =	simm.s32 $0xE80;
	s24 =	smul.u32 $0x270, s8;
	[dreg:$0xb] =	wrdreg s15  }
0xe: {  	s0 =	sand.u32 $0x1, s0;
	s25 =	smul.u32 $0x4E000, s8;
	[dreg:$0xc] =	wrdreg s16  }
0xf: {  	s31 =	simm.s32 $0x780;
	s5 =	smul.u32 $0x28000, s0;
	[dreg:$0xd] =	wrdreg s17  }
0x10: {  	p0 =	seq.s32 s8, $0xF;
	s7 =	smul.u32 $0x2710, s0;
	[dreg:$0xe] =	wrdreg s18  }
0x11: {  	s0 =	ssub.s32 $0x2, s0;
	s11 =	simm.s32 $0x5;
	[dreg:$0xf] =	wrdreg s19  }
0x12: {  	s12 =	simm.s32 $0x800;
	s13 =	simm.s32 $0x7D;
	[dreg:$0x10] =	wrdreg s20  }
0x13: {  	s14 =	simm.s32 $0x1000;
	s15 =	simm.s32 $0x5000;
	[dreg:$0x11] =	wrdreg s21  }
0x14: {  	s16 =	simm.s32 $0x1;
	[dreg:$0x12] =	wrdreg s22;
	s17 =	simm.s32 $0x3  }
0x15: {  	[dreg:$0x13] =	wrdreg s23;
	s18 =	simm.s32 $0x2;
	s19 =	simm.s32 $0x4  }
0x16: {  	s20 =	simm.s32 $0x500;
	s21 =	simm.s32 $0xC80;
	s22 =	simm.s32 $0x580  }
0x17: {  	s23 =	simm.s32 $0xD00;
	s26 =	sshrl.u32 s0, $0x1;
	s5 =	sadd.s32 s6, s5  }
0x18: {  	s6 =	sadd.s32 s24, s7;
	s0 =	ssub.s32 s0, s26;
	s24 =	simm.s32 $0xB80  }
0x19: {  	s7 =	sshrl.u32 s25, $0x2;
	s25 =	simm.s32 $0x480;
	[dreg:$0x14] =	wrdreg s24  }
0x1a: {  	s26 =	simm.s32 $0xC00;
	s5 =	sshrl.u32 s5, $0x3;
	[dreg:$0x15] =	wrdreg s25  }
0x1b: {  	s6 =	sshll.u32 s6, $0x4;
	s0 =	smax.u32 s0, $0x1;
	[dreg:$0x16] =	wrdreg s26  }
0x1c: {  	s24 =	simm.s32 $0x600;
	s25 =	simm.s32 $0xD80;
	s5 =	sadd.s32 s5, s2  }
0x1d: {  	s26 =	simm.s32 $0x680;
	[dreg:$0x19] =	wrdreg s0;
	s9 =	sadd.s32 $0xC200, s5  }
0x1e: {  	s2 =	sadd.s32 s6, s2;
	s5 =	sadd.s32 $0x2200, s5;
	[dreg:$0x4] =	wrdreg s9  }
0x1f: {  	s6 =	sadd.s32 s7, s3;
	s2 =	sadd.s32 $0x18A00, s2;
	[dreg:$0x5] =	wrdreg s5  }
0x20: {  	s7 =	sadd.s32 $0x124800, s3;
	s10 =	sshrl.u32 @!p0 s6, $0x3;
	[dreg:$0x18] =	wrdreg s2  }
0x21: {  	s9 =	sshrl.u32 @p0 s7, $0x3;
	s2 =	sshll.u32 @!p0 s8, $0x6;
	[dreg:$0x1c] =	wrdreg s10  }
0x22: {  	s0 =	simm.s32 $0xF80;
	s8 =	sor.u32 @!p0 $0x1C05, s2;
	[dreg:$0x1a] =	wrdreg s9  }
0x23: {  	s7 =	simm.s32 $0x0;
	s2 =	simm.s32 $0xF00;
	[dreg:$0x1b] =	wrdreg s8  }
.LBB2_1:
0x24: {  	s5 =	simm.s32 @p0 $0x1FC5;
	s6 =	rddreg [dreg:$0x17]  }
0x25: {  	[spmem:s9], [sflag:s5] =	dma.local @p0 [hbm:s6], $0x2800  }
0x26: {  	s5 =	simm.s32 @p0 $0x5  }
0x27: {  	_ =	swait.ge @p0 [sflag:s5], $0x2800  }
0x28: {  	[sflag:s5] =	ssyncset.done @p0 $0x0  }
0x29: {  	[sflag:s5] =	ssyncadd.s32 @p0 $0xFFFFD800;
	s5 =	simm.s32 @!p0 $0x5  }
0x2a: {  	[spmem:s10], [sflag:s8] =	dma.local @!p0 [hbm:s6], $0x2700  }
0x2b: {  	_ =	swait.ge @!p0 [sflag:s5], $0x2700  }
0x2c: {  	[sflag:s5] =	ssyncset.done @!p0 $0x0  }
0x2d: {  	p1 =	por $0x1, $0x1;
	[sflag:s5] =	ssyncadd.s32 @!p0 $0xFFFFD900  }
0x2e: {  	s5 =	simm.s32 @!p1 $0x3;
	[bflag:$0x0] =	sbarrier.arrive $0xFFFF  }
0x2f: {  	_ =	swait.ge @!p1 [sflag:s5], $0x3E80  }
0x30: {  	[sflag:s5] =	ssyncset.done @!p1 $0x0  }
0x31: {  	[sflag:s5] =	ssyncadd.s32 @!p1 $0xFFFFC180;
	s5 =	simm.s32 @!p1 $0x4  }
0x32: {  	_ =	swait.ge @!p1 [sflag:s5], $0x3E80  }
0x33: {  	s10 =	rddreg [dreg:$0x5];
	[sflag:s5] =	ssyncset.done @!p1 $0x0  }
0x34: {  	[sflag:s5] =	ssyncadd.s32 @!p1 $0xFFFFC180;
	s8 =	sadd.s32 $0x0, s10  }
0x35: {  	[tilespmem:s4], [sflag:$0x5] =	stream.linear.gather [hbm4b:s8+s4], $0x800, $0x38;
	[tilespmem:$0x1C880] =	vst v63  }
0x36: {  	_ =	swait.ge [sflag:s11], $0x800  }
0x37: {  	s9 =	rddreg [dreg:$0x4];
	[sflag:s11] =	ssyncset.done $0x0  }
0x38: {  	[sflag:s11] =	ssyncadd.s32 $0xFFFFF800;
	s5 =	sadd.s32 $0x0, s9  }
0x39: {  	[tilespmem:s12], [sflag:$0x5] =	stream.linear.gather [hbm4b:s5+s4], $0x800, $0x38;
	[tilespmem:$0x1C880] =	vst v63  }
0x3a: {  	_ =	swait.ge [sflag:s11], $0x800  }
0x3b: {  	[sflag:s11] =	ssyncset.done $0x0  }
0x3c: {  	[sflag:s11] =	ssyncadd.s32 $0xFFFFF800  }
0x3d: {  	[tilespmem:s14], [sflag:$0x1] =	stream.indirect.gather [hbm4b:s1+s13], $0x80, s4, s13, $0xb8;
	[tilespmem:$0x1C880] =	vst v63  }
0x3e: {  	s10 =	rddreg [dreg:$0x6]  }
0x3f: {  	[tilespmem:s15], [sflag:$0x2] =	stream.indirect.gather [hbm4b:s1+s13], $0x80, s10, s13, $0xb8;
	[tilespmem:$0x1C880] =	vst v63  }
0x40: {  	_ =	swait.ge [sflag:s16], $0x3E80  }
0x41: {  	[sflag:s16] =	ssyncset.done $0x0  }
0x42: {  	[sflag:s16] =	ssyncadd.s32 $0xFFFFC180  }
0x43: {  	[spmem:s3] =	stream.indirect.scatter.add.f32 [tilespmem:s14], [sflag:$0x3], $0x80, s12, s13, $0xb8;
	[tilespmem:$0x1C880] =	vst v63  }
0x44: {  	_ =	swait.ge [sflag:s17], $0x3E80  }
0x45: {  	[sflag:s17] =	ssyncset.done $0x0  }
0x46: {  	s6 =	rddreg [dreg:$0x7];
	[sflag:s17] =	ssyncadd.s32 $0xFFFFC180  }
0x47: {  	[tilespmem:s14], [sflag:$0x1] =	stream.indirect.gather [hbm4b:s1+s13], $0x80, s6, s13, $0xb8;
	[tilespmem:$0x1C880] =	vst v63  }
0x48: {  	_ =	swait.ge [sflag:s18], $0x3E80  }
0x49: {  	[sflag:s18] =	ssyncset.done $0x0  }
0x4a: {  	s8 =	rddreg [dreg:$0x8];
	[sflag:s18] =	ssyncadd.s32 $0xFFFFC180  }
0x4b: {  	[spmem:s3] =	stream.indirect.scatter.add.f32 [tilespmem:s15], [sflag:$0x4], $0x80, s8, s13, $0xb8;
	[tilespmem:$0x1C880] =	vst v63  }
0x4c: {  	_ =	swait.ge [sflag:s19], $0x3E80  }
0x4d: {  	[sflag:s19] =	ssyncset.done $0x0  }
0x4e: {  	s9 =	rddreg [dreg:$0x9];
	[sflag:s19] =	ssyncadd.s32 $0xFFFFC180  }
0x4f: {  	[tilespmem:s15], [sflag:$0x2] =	stream.indirect.gather [hbm4b:s1+s13], $0x80, s9, s13, $0xb8;
	[tilespmem:$0x1C880] =	vst v63  }
0x50: {  	_ =	swait.ge [sflag:s16], $0x3E80  }
0x51: {  	[sflag:s16] =	ssyncset.done $0x0  }
0x52: {  	s10 =	rddreg [dreg:$0xa];
	[sflag:s16] =	ssyncadd.s32 $0xFFFFC180  }
0x53: {  	[spmem:s3] =	stream.indirect.scatter.add.f32 [tilespmem:s14], [sflag:$0x3], $0x80, s10, s13, $0xb8;
	[tilespmem:$0x1C880] =	vst v63  }
0x54: {  	_ =	swait.ge [sflag:s17], $0x3E80  }
0x55: {  	[sflag:s17] =	ssyncset.done $0x0  }
0x56: {  	s6 =	rddreg [dreg:$0xb];
	[sflag:s17] =	ssyncadd.s32 $0xFFFFC180  }
0x57: {  	[tilespmem:s14], [sflag:$0x1] =	stream.indirect.gather [hbm4b:s1+s13], $0x80, s6, s13, $0xb8;
	[tilespmem:$0x1C880] =	vst v63  }
0x58: {  	_ =	swait.ge [sflag:s18], $0x3E80  }
0x59: {  	[sflag:s18] =	ssyncset.done $0x0  }
0x5a: {  	s8 =	rddreg [dreg:$0xc];
	[sflag:s18] =	ssyncadd.s32 $0xFFFFC180  }
0x5b: {  	[spmem:s3] =	stream.indirect.scatter.add.f32 [tilespmem:s15], [sflag:$0x4], $0x80, s8, s13, $0xb8;
	[tilespmem:$0x1C880] =	vst v63  }
0x5c: {  	_ =	swait.ge [sflag:s19], $0x3E80  }
0x5d: {  	[sflag:s19] =	ssyncset.done $0x0  }
0x5e: {  	s9 =	rddreg [dreg:$0xd];
	[sflag:s19] =	ssyncadd.s32 $0xFFFFC180  }
0x5f: {  	[tilespmem:s15], [sflag:$0x2] =	stream.indirect.gather [hbm4b:s1+s13], $0x80, s9, s13, $0xb8;
	[tilespmem:$0x1C880] =	vst v63  }
0x60: {  	_ =	swait.ge [sflag:s16], $0x3E80  }
0x61: {  	[sflag:s16] =	ssyncset.done $0x0  }
0x62: {  	s10 =	rddreg [dreg:$0xe];
	[sflag:s16] =	ssyncadd.s32 $0xFFFFC180  }
0x63: {  	[spmem:s3] =	stream.indirect.scatter.add.f32 [tilespmem:s14], [sflag:$0x3], $0x80, s10, s13, $0xb8;
	[tilespmem:$0x1C880] =	vst v63  }
0x64: {  	_ =	swait.ge [sflag:s17], $0x3E80  }
0x65: {  	[sflag:s17] =	ssyncset.done $0x0  }
0x66: {  	s6 =	rddreg [dreg:$0xf];
	[sflag:s17] =	ssyncadd.s32 $0xFFFFC180  }
0x67: {  	[tilespmem:s14], [sflag:$0x1] =	stream.indirect.gather [hbm4b:s1+s13], $0x80, s6, s13, $0xb8;
	[tilespmem:$0x1C880] =	vst v63  }
0x68: {  	_ =	swait.ge [sflag:s18], $0x3E80  }
0x69: {  	[sflag:s18] =	ssyncset.done $0x0  }
0x6a: {  	s8 =	rddreg [dreg:$0x10];
	[sflag:s18] =	ssyncadd.s32 $0xFFFFC180  }
0x6b: {  	[spmem:s3] =	stream.indirect.scatter.add.f32 [tilespmem:s15], [sflag:$0x4], $0x80, s8, s13, $0xb8;
	[tilespmem:$0x1C880] =	vst v63  }
0x6c: {  	_ =	swait.ge [sflag:s19], $0x3E80  }
0x6d: {  	[sflag:s19] =	ssyncset.done $0x0  }
0x6e: {  	s9 =	rddreg [dreg:$0x11];
	[sflag:s19] =	ssyncadd.s32 $0xFFFFC180  }
0x6f: {  	[tilespmem:s15], [sflag:$0x2] =	stream.indirect.gather [hbm4b:s1+s13], $0x80, s9, s13, $0xb8;
	[tilespmem:$0x1C880] =	vst v63  }
0x70: {  	_ =	swait.ge [sflag:s16], $0x3E80  }
0x71: {  	[sflag:s16] =	ssyncset.done $0x0  }
0x72: {  	s10 =	rddreg [dreg:$0x12];
	[sflag:s16] =	ssyncadd.s32 $0xFFFFC180  }
0x73: {  	[spmem:s3] =	stream.indirect.scatter.add.f32 [tilespmem:s14], [sflag:$0x3], $0x80, s10, s13, $0xb8;
	[tilespmem:$0x1C880] =	vst v63  }
0x74: {  	_ =	swait.ge [sflag:s17], $0x3E80  }
0x75: {  	[sflag:s17] =	ssyncset.done $0x0  }
0x76: {  	s6 =	rddreg [dreg:$0x13];
	[sflag:s17] =	ssyncadd.s32 $0xFFFFC180  }
0x77: {  	[tilespmem:s14], [sflag:$0x1] =	stream.indirect.gather [hbm4b:s1+s13], $0x80, s6, s13, $0xb8;
	[tilespmem:$0x1C880] =	vst v63  }
0x78: {  	_ =	swait.ge [sflag:s18], $0x3E80  }
0x79: {  	[sflag:s18] =	ssyncset.done $0x0  }
0x7a: {  	s8 =	rddreg [dreg:$0x14];
	[sflag:s18] =	ssyncadd.s32 $0xFFFFC180  }
0x7b: {  	[spmem:s3] =	stream.indirect.scatter.add.f32 [tilespmem:s15], [sflag:$0x4], $0x80, s8, s13, $0xb8;
	[tilespmem:$0x1C880] =	vst v63  }
0x7c: {  	_ =	swait.ge [sflag:s19], $0x3E80  }
0x7d: {  	[sflag:s19] =	ssyncset.done $0x0  }
0x7e: {  	s9 =	rddreg [dreg:$0x15];
	[sflag:s19] =	ssyncadd.s32 $0xFFFFC180  }
0x7f: {  	[tilespmem:s15], [sflag:$0x2] =	stream.indirect.gather [hbm4b:s1+s13], $0x80, s9, s13, $0xb8;
	[tilespmem:$0x1C880] =	vst v63  }
0x80: {  	_ =	swait.ge [sflag:s16], $0x3E80  }
0x81: {  	[sflag:s16] =	ssyncset.done $0x0  }
0x82: {  	s10 =	rddreg [dreg:$0x16];
	[sflag:s16] =	ssyncadd.s32 $0xFFFFC180  }
0x83: {  	[spmem:s3] =	stream.indirect.scatter.add.f32 [tilespmem:s14], [sflag:$0x3], $0x80, s10, s13, $0xb8;
	[tilespmem:$0x1C880] =	vst v63  }
0x84: {  	_ =	swait.ge [sflag:s17], $0x3E80  }
0x85: {  	[sflag:s17] =	ssyncset.done $0x0  }
0x86: {  	[sflag:s17] =	ssyncadd.s32 $0xFFFFC180  }
0x87: {  	[tilespmem:s14], [sflag:$0x1] =	stream.indirect.gather [hbm4b:s1+s13], $0x80, s20, s13, $0xb8;
	[tilespmem:$0x1C880] =	vst v63  }
0x88: {  	_ =	swait.ge [sflag:s18], $0x3E80  }
0x89: {  	[sflag:s18] =	ssyncset.done $0x0  }
0x8a: {  	[sflag:s18] =	ssyncadd.s32 $0xFFFFC180  }
0x8b: {  	[spmem:s3] =	stream.indirect.scatter.add.f32 [tilespmem:s15], [sflag:$0x4], $0x80, s21, s13, $0xb8;
	[tilespmem:$0x1C880] =	vst v63  }
0x8c: {  	_ =	swait.ge [sflag:s19], $0x3E80  }
0x8d: {  	[sflag:s19] =	ssyncset.done $0x0  }
0x8e: {  	[sflag:s19] =	ssyncadd.s32 $0xFFFFC180  }
0x8f: {  	[tilespmem:s15], [sflag:$0x2] =	stream.indirect.gather [hbm4b:s1+s13], $0x80, s22, s13, $0xb8;
	[tilespmem:$0x1C880] =	vst v63  }
0x90: {  	_ =	swait.ge [sflag:s16], $0x3E80  }
0x91: {  	[sflag:s16] =	ssyncset.done $0x0  }
0x92: {  	[sflag:s16] =	ssyncadd.s32 $0xFFFFC180  }
0x93: {  	[spmem:s3] =	stream.indirect.scatter.add.f32 [tilespmem:s14], [sflag:$0x3], $0x80, s23, s13, $0xb8;
	[tilespmem:$0x1C880] =	vst v63  }
0x94: {  	_ =	swait.ge [sflag:s17], $0x3E80  }
0x95: {  	[sflag:s17] =	ssyncset.done $0x0  }
0x96: {  	[sflag:s17] =	ssyncadd.s32 $0xFFFFC180  }
0x97: {  	[tilespmem:s14], [sflag:$0x1] =	stream.indirect.gather [hbm4b:s1+s13], $0x80, s24, s13, $0xb8;
	[tilespmem:$0x1C880] =	vst v63  }
0x98: {  	_ =	swait.ge [sflag:s18], $0x3E80  }
0x99: {  	[sflag:s18] =	ssyncset.done $0x0  }
0x9a: {  	[sflag:s18] =	ssyncadd.s32 $0xFFFFC180  }
0x9b: {  	[spmem:s3] =	stream.indirect.scatter.add.f32 [tilespmem:s15], [sflag:$0x4], $0x80, s25, s13, $0xb8;
	[tilespmem:$0x1C880] =	vst v63  }
0x9c: {  	_ =	swait.ge [sflag:s19], $0x3E80  }
0x9d: {  	[sflag:s19] =	ssyncset.done $0x0  }
0x9e: {  	[sflag:s19] =	ssyncadd.s32 $0xFFFFC180  }
0x9f: {  	[tilespmem:s15], [sflag:$0x2] =	stream.indirect.gather [hbm4b:s1+s13], $0x80, s26, s13, $0xb8;
	[tilespmem:$0x1C880] =	vst v63  }
0xa0: {  	_ =	swait.ge [sflag:s16], $0x3E80  }
0xa1: {  	[sflag:s16] =	ssyncset.done $0x0  }
0xa2: {  	[sflag:s16] =	ssyncadd.s32 $0xFFFFC180  }
0xa3: {  	[spmem:s3] =	stream.indirect.scatter.add.f32 [tilespmem:s14], [sflag:$0x3], $0x80, s28, s13, $0xb8;
	[tilespmem:$0x1C880] =	vst v63  }
0xa4: {  	_ =	swait.ge [sflag:s17], $0x3E80  }
0xa5: {  	[sflag:s17] =	ssyncset.done $0x0  }
0xa6: {  	[sflag:s17] =	ssyncadd.s32 $0xFFFFC180  }
0xa7: {  	[tilespmem:s14], [sflag:$0x1] =	stream.indirect.gather [hbm4b:s1+s13], $0x80, s29, s13, $0xb8;
	[tilespmem:$0x1C880] =	vst v63  }
0xa8: {  	_ =	swait.ge [sflag:s18], $0x3E80  }
0xa9: {  	[sflag:s18] =	ssyncset.done $0x0  }
0xaa: {  	[sflag:s18] =	ssyncadd.s32 $0xFFFFC180  }
0xab: {  	[spmem:s3] =	stream.indirect.scatter.add.f32 [tilespmem:s15], [sflag:$0x4], $0x80, s30, s13, $0xb8;
	[tilespmem:$0x1C880] =	vst v63  }
0xac: {  	_ =	swait.ge [sflag:s19], $0x3E80  }
0xad: {  	[sflag:s19] =	ssyncset.done $0x0  }
0xae: {  	[sflag:s19] =	ssyncadd.s32 $0xFFFFC180  }
0xaf: {  	[tilespmem:s15], [sflag:$0x2] =	stream.indirect.gather [hbm4b:s1+s13], $0x80, s31, s13, $0xb8;
	[tilespmem:$0x1C880] =	vst v63  }
0xb0: {  	_ =	swait.ge [sflag:s16], $0x3E80  }
0xb1: {  	[sflag:s16] =	ssyncset.done $0x0  }
0xb2: {  	[sflag:s16] =	ssyncadd.s32 $0xFFFFC180  }
0xb3: {  	[spmem:s3] =	stream.indirect.scatter.add.f32 [tilespmem:s14], [sflag:$0x3], $0x80, s2, s13, $0xb8;
	[tilespmem:$0x1C880] =	vst v63  }
0xb4: {  	p2 =	por $0x0, $0x0;
	_ =	swait.ge [sflag:s18], $0x3E80  }
0xb5: {  	s5 =	simm.s32 $0x100;
	s6 =	simm.s32 $0x200;
	[sflag:s18] =	ssyncset.done $0x0  }
.LBB2_2:
0xb6: {  	s8 =	simm.s32 @!p2 $0x3;
	[sflag:s18] =	ssyncadd.s32 $0xFFFFC180  }
0xb7: {  	[spmem:s3] =	stream.indirect.scatter.add.f32 [tilespmem:s15], [sflag:$0x4], $0x80, s0, s13, $0xb8;
	[tilespmem:$0x1C880] =	vst v63  }
0xb8: {  	_ =	swait.ge @!p2 [sflag:s8], $0x3E80  }
0xb9: {  	[sflag:s8] =	ssyncset.done @!p2 $0x0  }
0xba: {  	[sflag:s8] =	ssyncadd.s32 @!p2 $0xFFFFC180;
	s8 =	simm.s32 @!p2 $0x4  }
0xbb: {  	_ =	swait.ge @!p2 [sflag:s8], $0x3E80  }
0xbc: {  	[sflag:s8] =	ssyncset.done @!p2 $0x0;
	s10 =	rddreg [dreg:$0x5]  }
0xbd: {  	[sflag:s8] =	ssyncadd.s32 @!p2 $0xFFFFC180;
	s10 =	sadd.s32 s5, s10  }
0xbe: {  	[tilespmem:s4], [sflag:$0x5] =	stream.linear.gather [hbm4b:s10+s4], $0x800, $0x38;
	[tilespmem:$0x1C880] =	vst v63  }
0xbf: {  	_ =	swait.ge [sflag:s11], $0x800  }
0xc0: {  	s10 =	rddreg [dreg:$0x4];
	[sflag:s11] =	ssyncset.done $0x0  }
0xc1: {  	[sflag:s11] =	ssyncadd.s32 $0xFFFFF800;
	s8 =	sadd.s32 s5, s10  }
0xc2: {  	[tilespmem:s12], [sflag:$0x5] =	stream.linear.gather [hbm4b:s8+s4], $0x800, $0x38;
	[tilespmem:$0x1C880] =	vst v63  }
0xc3: {  	_ =	swait.ge [sflag:s11], $0x800  }
0xc4: {  	[sflag:s11] =	ssyncset.done $0x0  }
0xc5: {  	[sflag:s11] =	ssyncadd.s32 $0xFFFFF800  }
0xc6: {  	[tilespmem:s14], [sflag:$0x1] =	stream.indirect.gather [hbm4b:s1+s13], $0x80, s4, s13, $0xb8;
	[tilespmem:$0x1C880] =	vst v63  }
0xc7: {  	s10 =	rddreg [dreg:$0x6]  }
0xc8: {  	[tilespmem:s15], [sflag:$0x2] =	stream.indirect.gather [hbm4b:s1+s13], $0x80, s10, s13, $0xb8;
	[tilespmem:$0x1C880] =	vst v63  }
0xc9: {  	_ =	swait.ge [sflag:s16], $0x3E80  }
0xca: {  	[sflag:s16] =	ssyncset.done $0x0  }
0xcb: {  	[sflag:s16] =	ssyncadd.s32 $0xFFFFC180  }
0xcc: {  	[spmem:s3] =	stream.indirect.scatter.add.f32 [tilespmem:s14], [sflag:$0x3], $0x80, s12, s13, $0xb8;
	[tilespmem:$0x1C880] =	vst v63  }
0xcd: {  	_ =	swait.ge [sflag:s17], $0x3E80  }
0xce: {  	s9 =	smov.u32 s6;
	[sflag:s17] =	ssyncset.done $0x0  }
0xcf: {  	s5 =	smov.u32 s9;
	s9 =	rddreg [dreg:$0x7];
	[sflag:s17] =	ssyncadd.s32 $0xFFFFC180  }
0xd0: {  	[tilespmem:s14], [sflag:$0x1] =	stream.indirect.gather [hbm4b:s1+s13], $0x80, s9, s13, $0xb8;
	[tilespmem:$0x1C880] =	vst v63  }
0xd1: {  	_ =	swait.ge [sflag:s18], $0x3E80  }
0xd2: {  	[sflag:s18] =	ssyncset.done $0x0  }
0xd3: {  	s10 =	rddreg [dreg:$0x8];
	[sflag:s18] =	ssyncadd.s32 $0xFFFFC180  }
0xd4: {  	[spmem:s3] =	stream.indirect.scatter.add.f32 [tilespmem:s15], [sflag:$0x4], $0x80, s10, s13, $0xb8;
	[tilespmem:$0x1C880] =	vst v63  }
0xd5: {  	_ =	swait.ge [sflag:s19], $0x3E80  }
0xd6: {  	[sflag:s19] =	ssyncset.done $0x0  }
0xd7: {  	s9 =	rddreg [dreg:$0x9];
	[sflag:s19] =	ssyncadd.s32 $0xFFFFC180  }
0xd8: {  	[tilespmem:s15], [sflag:$0x2] =	stream.indirect.gather [hbm4b:s1+s13], $0x80, s9, s13, $0xb8;
	[tilespmem:$0x1C880] =	vst v63  }
0xd9: {  	_ =	swait.ge [sflag:s16], $0x3E80  }
0xda: {  	[sflag:s16] =	ssyncset.done $0x0  }
0xdb: {  	s10 =	rddreg [dreg:$0xa];
	[sflag:s16] =	ssyncadd.s32 $0xFFFFC180  }
0xdc: {  	[spmem:s3] =	stream.indirect.scatter.add.f32 [tilespmem:s14], [sflag:$0x3], $0x80, s10, s13, $0xb8;
	[tilespmem:$0x1C880] =	vst v63  }
0xdd: {  	_ =	swait.ge [sflag:s17], $0x3E80  }
0xde: {  	[sflag:s17] =	ssyncset.done $0x0  }
0xdf: {  	s9 =	rddreg [dreg:$0xb];
	[sflag:s17] =	ssyncadd.s32 $0xFFFFC180  }
0xe0: {  	[tilespmem:s14], [sflag:$0x1] =	stream.indirect.gather [hbm4b:s1+s13], $0x80, s9, s13, $0xb8;
	[tilespmem:$0x1C880] =	vst v63  }
0xe1: {  	_ =	swait.ge [sflag:s18], $0x3E80  }
0xe2: {  	[sflag:s18] =	ssyncset.done $0x0  }
0xe3: {  	s10 =	rddreg [dreg:$0xc];
	[sflag:s18] =	ssyncadd.s32 $0xFFFFC180  }
0xe4: {  	[spmem:s3] =	stream.indirect.scatter.add.f32 [tilespmem:s15], [sflag:$0x4], $0x80, s10, s13, $0xb8;
	[tilespmem:$0x1C880] =	vst v63  }
0xe5: {  	_ =	swait.ge [sflag:s19], $0x3E80  }
0xe6: {  	[sflag:s19] =	ssyncset.done $0x0  }
0xe7: {  	s9 =	rddreg [dreg:$0xd];
	[sflag:s19] =	ssyncadd.s32 $0xFFFFC180  }
0xe8: {  	[tilespmem:s15], [sflag:$0x2] =	stream.indirect.gather [hbm4b:s1+s13], $0x80, s9, s13, $0xb8;
	[tilespmem:$0x1C880] =	vst v63  }
0xe9: {  	_ =	swait.ge [sflag:s16], $0x3E80  }
0xea: {  	[sflag:s16] =	ssyncset.done $0x0  }
0xeb: {  	s10 =	rddreg [dreg:$0xe];
	[sflag:s16] =	ssyncadd.s32 $0xFFFFC180  }
0xec: {  	[spmem:s3] =	stream.indirect.scatter.add.f32 [tilespmem:s14], [sflag:$0x3], $0x80, s10, s13, $0xb8;
	[tilespmem:$0x1C880] =	vst v63  }
0xed: {  	_ =	swait.ge [sflag:s17], $0x3E80  }
0xee: {  	[sflag:s17] =	ssyncset.done $0x0  }
0xef: {  	s9 =	rddreg [dreg:$0xf];
	[sflag:s17] =	ssyncadd.s32 $0xFFFFC180  }
0xf0: {  	[tilespmem:s14], [sflag:$0x1] =	stream.indirect.gather [hbm4b:s1+s13], $0x80, s9, s13, $0xb8;
	[tilespmem:$0x1C880] =	vst v63  }
0xf1: {  	_ =	swait.ge [sflag:s18], $0x3E80  }
0xf2: {  	[sflag:s18] =	ssyncset.done $0x0  }
0xf3: {  	s10 =	rddreg [dreg:$0x10];
	[sflag:s18] =	ssyncadd.s32 $0xFFFFC180  }
0xf4: {  	[spmem:s3] =	stream.indirect.scatter.add.f32 [tilespmem:s15], [sflag:$0x4], $0x80, s10, s13, $0xb8;
	[tilespmem:$0x1C880] =	vst v63  }
0xf5: {  	_ =	swait.ge [sflag:s19], $0x3E80  }
0xf6: {  	[sflag:s19] =	ssyncset.done $0x0  }
0xf7: {  	s9 =	rddreg [dreg:$0x11];
	[sflag:s19] =	ssyncadd.s32 $0xFFFFC180  }
0xf8: {  	[tilespmem:s15], [sflag:$0x2] =	stream.indirect.gather [hbm4b:s1+s13], $0x80, s9, s13, $0xb8;
	[tilespmem:$0x1C880] =	vst v63  }
0xf9: {  	_ =	swait.ge [sflag:s16], $0x3E80  }
0xfa: {  	[sflag:s16] =	ssyncset.done $0x0  }
0xfb: {  	s10 =	rddreg [dreg:$0x12];
	[sflag:s16] =	ssyncadd.s32 $0xFFFFC180  }
0xfc: {  	[spmem:s3] =	stream.indirect.scatter.add.f32 [tilespmem:s14], [sflag:$0x3], $0x80, s10, s13, $0xb8;
	[tilespmem:$0x1C880] =	vst v63  }
0xfd: {  	_ =	swait.ge [sflag:s17], $0x3E80  }
0xfe: {  	[sflag:s17] =	ssyncset.done $0x0  }
0xff: {  	s9 =	rddreg [dreg:$0x13];
	[sflag:s17] =	ssyncadd.s32 $0xFFFFC180  }
0x100: {  	[tilespmem:s14], [sflag:$0x1] =	stream.indirect.gather [hbm4b:s1+s13], $0x80, s9, s13, $0xb8;
	[tilespmem:$0x1C880] =	vst v63  }
0x101: {  	_ =	swait.ge [sflag:s18], $0x3E80  }
0x102: {  	[sflag:s18] =	ssyncset.done $0x0  }
0x103: {  	s10 =	rddreg [dreg:$0x14];
	[sflag:s18] =	ssyncadd.s32 $0xFFFFC180  }
0x104: {  	[spmem:s3] =	stream.indirect.scatter.add.f32 [tilespmem:s15], [sflag:$0x4], $0x80, s10, s13, $0xb8;
	[tilespmem:$0x1C880] =	vst v63  }
0x105: {  	_ =	swait.ge [sflag:s19], $0x3E80  }
0x106: {  	[sflag:s19] =	ssyncset.done $0x0  }
0x107: {  	s9 =	rddreg [dreg:$0x15];
	[sflag:s19] =	ssyncadd.s32 $0xFFFFC180  }
0x108: {  	[tilespmem:s15], [sflag:$0x2] =	stream.indirect.gather [hbm4b:s1+s13], $0x80, s9, s13, $0xb8;
	[tilespmem:$0x1C880] =	vst v63  }
0x109: {  	_ =	swait.ge [sflag:s16], $0x3E80  }
0x10a: {  	[sflag:s16] =	ssyncset.done $0x0  }
0x10b: {  	s10 =	rddreg [dreg:$0x16];
	[sflag:s16] =	ssyncadd.s32 $0xFFFFC180  }
0x10c: {  	[spmem:s3] =	stream.indirect.scatter.add.f32 [tilespmem:s14], [sflag:$0x3], $0x80, s10, s13, $0xb8;
	[tilespmem:$0x1C880] =	vst v63  }
0x10d: {  	_ =	swait.ge [sflag:s17], $0x3E80  }
0x10e: {  	[sflag:s17] =	ssyncset.done $0x0  }
0x10f: {  	[sflag:s17] =	ssyncadd.s32 $0xFFFFC180  }
0x110: {  	[tilespmem:s14], [sflag:$0x1] =	stream.indirect.gather [hbm4b:s1+s13], $0x80, s20, s13, $0xb8;
	[tilespmem:$0x1C880] =	vst v63  }
0x111: {  	_ =	swait.ge [sflag:s18], $0x3E80  }
0x112: {  	[sflag:s18] =	ssyncset.done $0x0  }
0x113: {  	[sflag:s18] =	ssyncadd.s32 $0xFFFFC180  }
0x114: {  	[spmem:s3] =	stream.indirect.scatter.add.f32 [tilespmem:s15], [sflag:$0x4], $0x80, s21, s13, $0xb8;
	[tilespmem:$0x1C880] =	vst v63  }
0x115: {  	_ =	swait.ge [sflag:s19], $0x3E80  }
0x116: {  	[sflag:s19] =	ssyncset.done $0x0  }
0x117: {  	[sflag:s19] =	ssyncadd.s32 $0xFFFFC180  }
0x118: {  	[tilespmem:s15], [sflag:$0x2] =	stream.indirect.gather [hbm4b:s1+s13], $0x80, s22, s13, $0xb8;
	[tilespmem:$0x1C880] =	vst v63  }
0x119: {  	_ =	swait.ge [sflag:s16], $0x3E80  }
0x11a: {  	[sflag:s16] =	ssyncset.done $0x0  }
0x11b: {  	[sflag:s16] =	ssyncadd.s32 $0xFFFFC180  }
0x11c: {  	[spmem:s3] =	stream.indirect.scatter.add.f32 [tilespmem:s14], [sflag:$0x3], $0x80, s23, s13, $0xb8;
	[tilespmem:$0x1C880] =	vst v63  }
0x11d: {  	_ =	swait.ge [sflag:s17], $0x3E80  }
0x11e: {  	[sflag:s17] =	ssyncset.done $0x0  }
0x11f: {  	[sflag:s17] =	ssyncadd.s32 $0xFFFFC180  }
0x120: {  	[tilespmem:s14], [sflag:$0x1] =	stream.indirect.gather [hbm4b:s1+s13], $0x80, s24, s13, $0xb8;
	[tilespmem:$0x1C880] =	vst v63  }
0x121: {  	_ =	swait.ge [sflag:s18], $0x3E80  }
0x122: {  	[sflag:s18] =	ssyncset.done $0x0  }
0x123: {  	[sflag:s18] =	ssyncadd.s32 $0xFFFFC180  }
0x124: {  	[spmem:s3] =	stream.indirect.scatter.add.f32 [tilespmem:s15], [sflag:$0x4], $0x80, s25, s13, $0xb8;
	[tilespmem:$0x1C880] =	vst v63  }
0x125: {  	_ =	swait.ge [sflag:s19], $0x3E80  }
0x126: {  	[sflag:s19] =	ssyncset.done $0x0  }
0x127: {  	[sflag:s19] =	ssyncadd.s32 $0xFFFFC180  }
0x128: {  	[tilespmem:s15], [sflag:$0x2] =	stream.indirect.gather [hbm4b:s1+s13], $0x80, s26, s13, $0xb8;
	[tilespmem:$0x1C880] =	vst v63  }
0x129: {  	_ =	swait.ge [sflag:s16], $0x3E80  }
0x12a: {  	[sflag:s16] =	ssyncset.done $0x0  }
0x12b: {  	[sflag:s16] =	ssyncadd.s32 $0xFFFFC180  }
0x12c: {  	[spmem:s3] =	stream.indirect.scatter.add.f32 [tilespmem:s14], [sflag:$0x3], $0x80, s28, s13, $0xb8;
	[tilespmem:$0x1C880] =	vst v63  }
0x12d: {  	_ =	swait.ge [sflag:s17], $0x3E80  }
0x12e: {  	[sflag:s17] =	ssyncset.done $0x0  }
0x12f: {  	[sflag:s17] =	ssyncadd.s32 $0xFFFFC180  }
0x130: {  	[tilespmem:s14], [sflag:$0x1] =	stream.indirect.gather [hbm4b:s1+s13], $0x80, s29, s13, $0xb8;
	[tilespmem:$0x1C880] =	vst v63  }
0x131: {  	_ =	swait.ge [sflag:s18], $0x3E80  }
0x132: {  	[sflag:s18] =	ssyncset.done $0x0  }
0x133: {  	[sflag:s18] =	ssyncadd.s32 $0xFFFFC180  }
0x134: {  	[spmem:s3] =	stream.indirect.scatter.add.f32 [tilespmem:s15], [sflag:$0x4], $0x80, s30, s13, $0xb8;
	[tilespmem:$0x1C880] =	vst v63  }
0x135: {  	_ =	swait.ge [sflag:s19], $0x3E80  }
0x136: {  	[sflag:s19] =	ssyncset.done $0x0  }
0x137: {  	s6 =	sadd.s32 $0x100, s6;
	[sflag:s19] =	ssyncadd.s32 $0xFFFFC180  }
0x138: {  	[tilespmem:s15], [sflag:$0x2] =	stream.indirect.gather [hbm4b:s1+s13], $0x80, s31, s13, $0xb8;
	[tilespmem:$0x1C880] =	vst v63  }
0x139: {  	p1 =	sne.s32 s6, $0x500;
	_ =	swait.ge [sflag:s16], $0x3E80  }
.Ltmp0:
0x13a: {  	[sflag:s16] =	ssyncset.done $0x0;
	(pc) =	sbr.rel @p1 .LBB2_2-.Ltmp0, $4  }
0x13b: {  	[sflag:s16] =	ssyncadd.s32 $0xFFFFC180  }
0x13c: {  	[spmem:s3] =	stream.indirect.scatter.add.f32 [tilespmem:s14], [sflag:$0x3], $0x80, s2, s13, $0xb8;
	[tilespmem:$0x1C880] =	vst v63  }
0x13d: {  	_ =	swait.ge [sflag:s18], $0x3E80  }
0x13e: {  	p2 =	seq.s32 s5, $0x0;
	[sflag:s18] =	ssyncset.done $0x0  }
0x13f: {  	s6 =	simm.s32 @!p2 $0x3;
	[sflag:s18] =	ssyncadd.s32 $0xFFFFC180  }
0x140: {  	[spmem:s3] =	stream.indirect.scatter.add.f32 [tilespmem:s15], [sflag:$0x4], $0x80, s0, s13, $0xb8;
	[tilespmem:$0x1C880] =	vst v63  }
0x141: {  	_ =	swait.ge @!p2 [sflag:s6], $0x3E80  }
0x142: {  	[sflag:s6] =	ssyncset.done @!p2 $0x0  }
0x143: {  	[sflag:s6] =	ssyncadd.s32 @!p2 $0xFFFFC180;
	s6 =	simm.s32 @!p2 $0x4  }
0x144: {  	_ =	swait.ge @!p2 [sflag:s6], $0x3E80  }
0x145: {  	s8 =	rddreg [dreg:$0x5];
	[sflag:s6] =	ssyncset.done @!p2 $0x0  }
0x146: {  	[sflag:s6] =	ssyncadd.s32 @!p2 $0xFFFFC180;
	s10 =	sadd.s32 s5, s8  }
0x147: {  	[tilespmem:s4], [sflag:$0x5] =	stream.linear.gather [hbm4b:s10+s4], $0x800, $0x38;
	[tilespmem:$0x1C880] =	vst v63  }
0x148: {  	_ =	swait.ge [sflag:s11], $0x800  }
0x149: {  	s8 =	rddreg [dreg:$0x4];
	[sflag:s11] =	ssyncset.done $0x0  }
0x14a: {  	s9 =	sadd.s32 s5, s8;
	[sflag:s11] =	ssyncadd.s32 $0xFFFFF800  }
0x14b: {  	[tilespmem:s12], [sflag:$0x5] =	stream.linear.gather [hbm4b:s9+s4], $0x800, $0x38;
	[tilespmem:$0x1C880] =	vst v63  }
0x14c: {  	_ =	swait.ge [sflag:s11], $0x800  }
0x14d: {  	[sflag:s11] =	ssyncset.done $0x0  }
0x14e: {  	[sflag:s11] =	ssyncadd.s32 $0xFFFFF800  }
0x14f: {  	[tilespmem:s14], [sflag:$0x1] =	stream.indirect.gather [hbm4b:s1+s13], $0x80, s4, s13, $0xb8;
	[tilespmem:$0x1C880] =	vst v63  }
0x150: {  	s10 =	rddreg [dreg:$0x6]  }
0x151: {  	[tilespmem:s15], [sflag:$0x2] =	stream.indirect.gather [hbm4b:s1+s13], $0x80, s10, s13, $0xb8;
	[tilespmem:$0x1C880] =	vst v63  }
0x152: {  	_ =	swait.ge [sflag:s16], $0x3E80  }
0x153: {  	[sflag:s16] =	ssyncset.done $0x0  }
0x154: {  	[sflag:s16] =	ssyncadd.s32 $0xFFFFC180  }
0x155: {  	[spmem:s3] =	stream.indirect.scatter.add.f32 [tilespmem:s14], [sflag:$0x3], $0x80, s12, s13, $0xb8;
	[tilespmem:$0x1C880] =	vst v63  }
0x156: {  	_ =	swait.ge [sflag:s17], $0x3E80  }
0x157: {  	[sflag:s17] =	ssyncset.done $0x0  }
0x158: {  	s6 =	rddreg [dreg:$0x7];
	[sflag:s17] =	ssyncadd.s32 $0xFFFFC180  }
0x159: {  	[tilespmem:s14], [sflag:$0x1] =	stream.indirect.gather [hbm4b:s1+s13], $0x80, s6, s13, $0xb8;
	[tilespmem:$0x1C880] =	vst v63  }
0x15a: {  	_ =	swait.ge [sflag:s18], $0x3E80  }
0x15b: {  	[sflag:s18] =	ssyncset.done $0x0  }
0x15c: {  	s8 =	rddreg [dreg:$0x8];
	[sflag:s18] =	ssyncadd.s32 $0xFFFFC180  }
0x15d: {  	[spmem:s3] =	stream.indirect.scatter.add.f32 [tilespmem:s15], [sflag:$0x4], $0x80, s8, s13, $0xb8;
	[tilespmem:$0x1C880] =	vst v63  }
0x15e: {  	_ =	swait.ge [sflag:s19], $0x3E80  }
0x15f: {  	[sflag:s19] =	ssyncset.done $0x0  }
0x160: {  	s9 =	rddreg [dreg:$0x9];
	[sflag:s19] =	ssyncadd.s32 $0xFFFFC180  }
0x161: {  	[tilespmem:s15], [sflag:$0x2] =	stream.indirect.gather [hbm4b:s1+s13], $0x80, s9, s13, $0xb8;
	[tilespmem:$0x1C880] =	vst v63  }
0x162: {  	_ =	swait.ge [sflag:s16], $0x3E80  }
0x163: {  	[sflag:s16] =	ssyncset.done $0x0  }
0x164: {  	s10 =	rddreg [dreg:$0xa];
	[sflag:s16] =	ssyncadd.s32 $0xFFFFC180  }
0x165: {  	[spmem:s3] =	stream.indirect.scatter.add.f32 [tilespmem:s14], [sflag:$0x3], $0x80, s10, s13, $0xb8;
	[tilespmem:$0x1C880] =	vst v63  }
0x166: {  	_ =	swait.ge [sflag:s17], $0x3E80  }
0x167: {  	[sflag:s17] =	ssyncset.done $0x0  }
0x168: {  	s6 =	rddreg [dreg:$0xb];
	[sflag:s17] =	ssyncadd.s32 $0xFFFFC180  }
0x169: {  	[tilespmem:s14], [sflag:$0x1] =	stream.indirect.gather [hbm4b:s1+s13], $0x80, s6, s13, $0xb8;
	[tilespmem:$0x1C880] =	vst v63  }
0x16a: {  	_ =	swait.ge [sflag:s18], $0x3E80  }
0x16b: {  	[sflag:s18] =	ssyncset.done $0x0  }
0x16c: {  	s8 =	rddreg [dreg:$0xc];
	[sflag:s18] =	ssyncadd.s32 $0xFFFFC180  }
0x16d: {  	[spmem:s3] =	stream.indirect.scatter.add.f32 [tilespmem:s15], [sflag:$0x4], $0x80, s8, s13, $0xb8;
	[tilespmem:$0x1C880] =	vst v63  }
0x16e: {  	_ =	swait.ge [sflag:s19], $0x3E80  }
0x16f: {  	[sflag:s19] =	ssyncset.done $0x0  }
0x170: {  	s9 =	rddreg [dreg:$0xd];
	[sflag:s19] =	ssyncadd.s32 $0xFFFFC180  }
0x171: {  	[tilespmem:s15], [sflag:$0x2] =	stream.indirect.gather [hbm4b:s1+s13], $0x80, s9, s13, $0xb8;
	[tilespmem:$0x1C880] =	vst v63  }
0x172: {  	_ =	swait.ge [sflag:s16], $0x3E80  }
0x173: {  	[sflag:s16] =	ssyncset.done $0x0  }
0x174: {  	s10 =	rddreg [dreg:$0xe];
	[sflag:s16] =	ssyncadd.s32 $0xFFFFC180  }
0x175: {  	[spmem:s3] =	stream.indirect.scatter.add.f32 [tilespmem:s14], [sflag:$0x3], $0x80, s10, s13, $0xb8;
	[tilespmem:$0x1C880] =	vst v63  }
0x176: {  	_ =	swait.ge [sflag:s17], $0x3E80  }
0x177: {  	[sflag:s17] =	ssyncset.done $0x0  }
0x178: {  	s6 =	rddreg [dreg:$0xf];
	[sflag:s17] =	ssyncadd.s32 $0xFFFFC180  }
0x179: {  	[tilespmem:s14], [sflag:$0x1] =	stream.indirect.gather [hbm4b:s1+s13], $0x80, s6, s13, $0xb8;
	[tilespmem:$0x1C880] =	vst v63  }
0x17a: {  	_ =	swait.ge [sflag:s18], $0x3E80  }
0x17b: {  	[sflag:s18] =	ssyncset.done $0x0  }
0x17c: {  	s8 =	rddreg [dreg:$0x10];
	[sflag:s18] =	ssyncadd.s32 $0xFFFFC180  }
0x17d: {  	[spmem:s3] =	stream.indirect.scatter.add.f32 [tilespmem:s15], [sflag:$0x4], $0x80, s8, s13, $0xb8;
	[tilespmem:$0x1C880] =	vst v63  }
0x17e: {  	_ =	swait.ge [sflag:s19], $0x3E80  }
0x17f: {  	[sflag:s19] =	ssyncset.done $0x0  }
0x180: {  	s9 =	rddreg [dreg:$0x11];
	[sflag:s19] =	ssyncadd.s32 $0xFFFFC180  }
0x181: {  	[tilespmem:s15], [sflag:$0x2] =	stream.indirect.gather [hbm4b:s1+s13], $0x80, s9, s13, $0xb8;
	[tilespmem:$0x1C880] =	vst v63  }
0x182: {  	_ =	swait.ge [sflag:s16], $0x3E80  }
0x183: {  	[sflag:s16] =	ssyncset.done $0x0  }
0x184: {  	s10 =	rddreg [dreg:$0x12];
	[sflag:s16] =	ssyncadd.s32 $0xFFFFC180  }
0x185: {  	[spmem:s3] =	stream.indirect.scatter.add.f32 [tilespmem:s14], [sflag:$0x3], $0x80, s10, s13, $0xb8;
	[tilespmem:$0x1C880] =	vst v63  }
0x186: {  	_ =	swait.ge [sflag:s17], $0x3E80  }
0x187: {  	[sflag:s17] =	ssyncset.done $0x0  }
0x188: {  	s6 =	rddreg [dreg:$0x13];
	[sflag:s17] =	ssyncadd.s32 $0xFFFFC180  }
0x189: {  	[tilespmem:s14], [sflag:$0x1] =	stream.indirect.gather [hbm4b:s1+s13], $0x80, s6, s13, $0xb8;
	[tilespmem:$0x1C880] =	vst v63  }
0x18a: {  	_ =	swait.ge [sflag:s18], $0x3E80  }
0x18b: {  	[sflag:s18] =	ssyncset.done $0x0  }
0x18c: {  	s8 =	rddreg [dreg:$0x14];
	[sflag:s18] =	ssyncadd.s32 $0xFFFFC180  }
0x18d: {  	[spmem:s3] =	stream.indirect.scatter.add.f32 [tilespmem:s15], [sflag:$0x4], $0x80, s8, s13, $0xb8;
	[tilespmem:$0x1C880] =	vst v63  }
0x18e: {  	_ =	swait.ge [sflag:s19], $0x3E80  }
0x18f: {  	[sflag:s19] =	ssyncset.done $0x0  }
0x190: {  	s9 =	rddreg [dreg:$0x15];
	[sflag:s19] =	ssyncadd.s32 $0xFFFFC180  }
0x191: {  	[tilespmem:s15], [sflag:$0x2] =	stream.indirect.gather [hbm4b:s1+s13], $0x80, s9, s13, $0xb8;
	[tilespmem:$0x1C880] =	vst v63  }
0x192: {  	_ =	swait.ge [sflag:s16], $0x3E80  }
0x193: {  	[sflag:s16] =	ssyncset.done $0x0  }
0x194: {  	s10 =	rddreg [dreg:$0x16];
	[sflag:s16] =	ssyncadd.s32 $0xFFFFC180  }
0x195: {  	[spmem:s3] =	stream.indirect.scatter.add.f32 [tilespmem:s14], [sflag:$0x3], $0x80, s10, s13, $0xb8;
	[tilespmem:$0x1C880] =	vst v63  }
0x196: {  	_ =	swait.ge [sflag:s17], $0x3E80  }
0x197: {  	[sflag:s17] =	ssyncset.done $0x0  }
0x198: {  	[sflag:s17] =	ssyncadd.s32 $0xFFFFC180  }
0x199: {  	[tilespmem:s14], [sflag:$0x1] =	stream.indirect.gather [hbm4b:s1+s13], $0x80, s20, s13, $0xb8;
	[tilespmem:$0x1C880] =	vst v63  }
0x19a: {  	_ =	swait.ge [sflag:s18], $0x3E80  }
0x19b: {  	[sflag:s18] =	ssyncset.done $0x0  }
0x19c: {  	[sflag:s18] =	ssyncadd.s32 $0xFFFFC180  }
0x19d: {  	[spmem:s3] =	stream.indirect.scatter.add.f32 [tilespmem:s15], [sflag:$0x4], $0x80, s21, s13, $0xb8;
	[tilespmem:$0x1C880] =	vst v63  }
0x19e: {  	_ =	swait.ge [sflag:s19], $0x3E80  }
0x19f: {  	[sflag:s19] =	ssyncset.done $0x0  }
0x1a0: {  	[sflag:s19] =	ssyncadd.s32 $0xFFFFC180  }
0x1a1: {  	[tilespmem:s15], [sflag:$0x2] =	stream.indirect.gather [hbm4b:s1+s13], $0x80, s22, s13, $0xb8;
	[tilespmem:$0x1C880] =	vst v63  }
0x1a2: {  	_ =	swait.ge [sflag:s16], $0x3E80  }
0x1a3: {  	[sflag:s16] =	ssyncset.done $0x0  }
0x1a4: {  	[sflag:s16] =	ssyncadd.s32 $0xFFFFC180  }
0x1a5: {  	[spmem:s3] =	stream.indirect.scatter.add.f32 [tilespmem:s14], [sflag:$0x3], $0x80, s23, s13, $0xb8;
	[tilespmem:$0x1C880] =	vst v63  }
0x1a6: {  	_ =	swait.ge [sflag:s17], $0x3E80  }
0x1a7: {  	[sflag:s17] =	ssyncset.done $0x0  }
0x1a8: {  	[sflag:s17] =	ssyncadd.s32 $0xFFFFC180  }
0x1a9: {  	[tilespmem:s14], [sflag:$0x1] =	stream.indirect.gather [hbm4b:s1+s13], $0x80, s24, s13, $0xb8;
	[tilespmem:$0x1C880] =	vst v63  }
0x1aa: {  	_ =	swait.ge [sflag:s18], $0x3E80  }
0x1ab: {  	[sflag:s18] =	ssyncset.done $0x0  }
0x1ac: {  	[sflag:s18] =	ssyncadd.s32 $0xFFFFC180  }
0x1ad: {  	[spmem:s3] =	stream.indirect.scatter.add.f32 [tilespmem:s15], [sflag:$0x4], $0x80, s25, s13, $0xb8;
	[tilespmem:$0x1C880] =	vst v63  }
0x1ae: {  	_ =	swait.ge [sflag:s19], $0x3E80  }
0x1af: {  	[sflag:s19] =	ssyncset.done $0x0  }
0x1b0: {  	[sflag:s19] =	ssyncadd.s32 $0xFFFFC180  }
0x1b1: {  	[tilespmem:s15], [sflag:$0x2] =	stream.indirect.gather [hbm4b:s1+s13], $0x80, s26, s13, $0xb8;
	[tilespmem:$0x1C880] =	vst v63  }
0x1b2: {  	_ =	swait.ge [sflag:s16], $0x3E80  }
0x1b3: {  	[sflag:s16] =	ssyncset.done $0x0  }
0x1b4: {  	[sflag:s16] =	ssyncadd.s32 $0xFFFFC180  }
0x1b5: {  	[spmem:s3] =	stream.indirect.scatter.add.f32 [tilespmem:s14], [sflag:$0x3], $0x80, s28, s13, $0xb8;
	[tilespmem:$0x1C880] =	vst v63  }
0x1b6: {  	_ =	swait.ge [sflag:s17], $0x3E80  }
0x1b7: {  	[sflag:s17] =	ssyncset.done $0x0  }
0x1b8: {  	[sflag:s17] =	ssyncadd.s32 $0xFFFFC180  }
0x1b9: {  	[tilespmem:s14], [sflag:$0x1] =	stream.indirect.gather [hbm4b:s1+s13], $0x80, s29, s13, $0xb8;
	[tilespmem:$0x1C880] =	vst v63  }
0x1ba: {  	_ =	swait.ge [sflag:s18], $0x3E80  }
0x1bb: {  	[sflag:s18] =	ssyncset.done $0x0  }
0x1bc: {  	[sflag:s18] =	ssyncadd.s32 $0xFFFFC180  }
0x1bd: {  	[spmem:s3] =	stream.indirect.scatter.add.f32 [tilespmem:s15], [sflag:$0x4], $0x80, s30, s13, $0xb8;
	[tilespmem:$0x1C880] =	vst v63  }
0x1be: {  	_ =	swait.ge [sflag:s19], $0x3E80  }
0x1bf: {  	[sflag:s19] =	ssyncset.done $0x0  }
0x1c0: {  	[sflag:s19] =	ssyncadd.s32 $0xFFFFC180  }
0x1c1: {  	[tilespmem:s15], [sflag:$0x2] =	stream.indirect.gather [hbm4b:s1+s13], $0x80, s31, s13, $0xb8;
	[tilespmem:$0x1C880] =	vst v63  }
0x1c2: {  	_ =	swait.ge [sflag:s16], $0x3E80  }
0x1c3: {  	[sflag:s16] =	ssyncset.done $0x0  }
0x1c4: {  	[sflag:s16] =	ssyncadd.s32 $0xFFFFC180  }
0x1c5: {  	[spmem:s3] =	stream.indirect.scatter.add.f32 [tilespmem:s14], [sflag:$0x3], $0x80, s2, s13, $0xb8;
	[tilespmem:$0x1C880] =	vst v63  }
0x1c6: {  	_ =	swait.ge [sflag:s18], $0x3E80  }
0x1c7: {  	[sflag:s18] =	ssyncset.done $0x0  }
0x1c8: {  	[sflag:s18] =	ssyncadd.s32 $0xFFFFC180  }
0x1c9: {  	[spmem:s3] =	stream.indirect.scatter.add.f32 [tilespmem:s15], [sflag:$0x4], $0x80, s0, s13, $0xb8;
	[tilespmem:$0x1C880] =	vst v63  }
0x1ca: {  	_ =	swait.ge [sflag:s17], $0x3E80  }
0x1cb: {  	[sflag:s17] =	ssyncset.done $0x0  }
0x1cc: {  	[sflag:s17] =	ssyncadd.s32 $0xFFFFC180  }
0x1cd: {  	_ =	swait.ge [sflag:s19], $0x3E80  }
0x1ce: {  	[sflag:s19] =	ssyncset.done $0x0  }
0x1cf: {  	[sflag:s19] =	ssyncadd.s32 $0xFFFFC180  }
0x1d0: {  	[bflag:$0x0] =	sbarrier.arrive $0xFFFF  }
0x1d1: {  	s6 =	rddreg [dreg:$0x18]  }
0x1d2: {  	s5 =	simm.s32 @p0 $0x1FC5;
	s9 =	rddreg [dreg:$0x1a]  }
0x1d3: {  	[hbm:s6], [sflag:s5] =	dma.local @p0 [spmem:s9], $0x2800  }
0x1d4: {  	s5 =	simm.s32 @p0 $0x5  }
0x1d5: {  	_ =	swait.ge @p0 [sflag:s5], $0x2800  }
0x1d6: {  	[sflag:s5] =	ssyncset.done @p0 $0x0;
	s8 =	rddreg [dreg:$0x1b]  }
0x1d7: {  	s10 =	rddreg [dreg:$0x1c];
	[sflag:s5] =	ssyncadd.s32 @p0 $0xFFFFD800;
	s5 =	simm.s32 @!p0 $0x5  }
0x1d8: {  	[hbm:s6], [sflag:s8] =	dma.local @!p0 [spmem:s10], $0x2700  }
0x1d9: {  	_ =	swait.ge @!p0 [sflag:s5], $0x2700  }
0x1da: {  	s7 =	sadd.s32 $0x1, s7;
	s6 =	rddreg [dreg:$0x19]  }
0x1db: {  	p1 =	sne.s32 s7, s6  }
.Ltmp1:
0x1dc: {  	_ = 	snop;
	(pc) =	sbr.rel @p1 .LBB2_1-.Ltmp1, $3  }
0x1dd: {  	_ =	sdelay $0x1  }
0x1de: {  	[sflag:s5] =	ssyncset.done @!p0 $0x0  }
0x1df: {  	[sflag:s5] =	ssyncadd.s32 @!p0 $0xFFFFD900  }
0x1e0: {  	_ =	sfence.sel $0x180000  }
0x1e1: {  	[bflag:$0x0] =	sbarrier.arrive $0xFFFF  }
0x1e2: {  	_ =	strace $0x9000004A  }
0x1e3: {  	s0 =	stileid.u32;
	[bflag:$0x2] =	sbarrier.arrive $0xFFFF  }
0x1e4: {  	p0 =	sne.s32 s0, $0x0;
	s0 =	rddreg [dreg:$0x3]  }
0x1e5: {  	s0 =	sadd.s32 @!p0 $0x100000, s0  }
0x1e6: {  	[sflag:s0] =	ssyncadd.tile.s32 @!p0 $0x1;
	_ =	shalt  }
.Lfunc_end2:
_tile_overlayer_lowered:
.L_overlay_start_2:
0x1e7: {  	(tag) =	ssettag $0x2  }
0x1e8: {  	s0 =	rddreg [dreg:$0x0];
	s2 =	stileid.u32  }
0x1e9: {  	s1 =	rddreg [dreg:$0x1];
	p0 =	sne.s32 s2, $0x0  }
0x1ea: {  	s3 =	rddreg [dreg:$0x2];
	[bflag:$0x3] =	sbarrier.arrive $0xFFFF;
	s2 =	simm.s32 @!p0 $0x1C05  }
0x1eb: {  	[timem:s3], [sflag:s2] =	dma.local @!p0 [hbm:s0], s1  }
0x1ec: {  	s0 =	simm.s32 @!p0 $0x5  }
0x1ed: {  	_ =	swait.ge @!p0 [sflag:s0], s1  }
0x1ee: {  	s1 =	ssub.s32 @!p0 $0x0, s1;
	[sflag:s0] =	ssyncset.done @!p0 $0x0  }
0x1ef: {  	[sflag:s0] =	ssyncadd.s32 @!p0 s1  }
0x1f0: {  	[bflag:$0x3] =	sbarrier.arrive $0xFFFF  }
0x1f1: {  	_ =	shalt  }

</sc_bundles>
